<compile_context>
chip_gen: v7x
topology: tpu7x:2x2x1
jax: 0.10.2.dev20260603
libtpu: 0.0.44.dev20260713+nightly
codegen_flags: <defaults>
</compile_context>

<pallas_src>
import functools

import jax
import jax.numpy as jnp
from jax import lax
from jax.experimental import pallas as pl
from jax.experimental.pallas import tpu as pltpu
from jax.experimental.pallas import tpu_sc as plsc

_N = 10000
_E = 320000
_D = 128
_C = 47

_NC = 2
_NS = 16
_NW = _NC * _NS
_CH = 128
_ITERS = 80
_EPAD = _NW * _ITERS * _CH
_NP = 10112
_RPT = _NP // _NS
_DEGW = 16

_mesh = plsc.VectorSubcoreMesh(
    core_axis_name="c", subcore_axis_name="s", num_cores=_NC, num_subcores=_NS
)


def _wid(cid, sid):
    return sid * _NC + cid


@functools.partial(
    pl.kernel,
    out_type=jax.ShapeDtypeStruct((_NC, _NP, _D), jnp.float32),
    mesh=_mesh,
    scratch_types=[
        pltpu.VMEM((_ITERS, _CH), jnp.int32),
        pltpu.VMEM((_CH,), jnp.int32),
        pltpu.VMEM((_CH,), jnp.int32),
        pltpu.VMEM((_CH,), jnp.int32),
        pltpu.VMEM((_CH,), jnp.int32),
        pltpu.VMEM((_CH, _D), jnp.float32),
        pltpu.VMEM((_CH, _D), jnp.float32),
        pltpu.VMEM_SHARED((_NP, _D), jnp.float32),
        pltpu.SemaphoreType.DMA,
        pltpu.SemaphoreType.DMA,
        pltpu.SemaphoreType.DMA,
        pltpu.SemaphoreType.DMA,
        pltpu.SemaphoreType.DMA,
        pltpu.SemaphoreType.DMA,
        pltpu.SemaphoreType.DMA,
        pltpu.SemaphoreType.DMA,
    ],
)
def _sc_agg(h_hbm, src2_hbm, dst2_hbm, zeros_hbm, out_hbm,
            dst_v, sb0, sb1, sb2, sb3, rows_a, rows_b, acc_sh,
            si0, si1, si2, si3, semg_a, semg_b, sems_a, sems_b):
    cid = lax.axis_index("c")
    sid = lax.axis_index("s")
    r0 = sid * _RPT
    pltpu.sync_copy(zeros_hbm.at[pl.ds(r0, _RPT)], acc_sh.at[pl.ds(r0, _RPT)])
    wid = _wid(cid, sid)
    pltpu.sync_copy(dst2_hbm.at[wid], dst_v)
    plsc.subcore_barrier()

    sbs = (sb0, sb1, sb2, sb3)
    sis = (si0, si1, si2, si3)
    rows = (rows_a, rows_b)
    semg = (semg_a, semg_b)
    sems = (sems_a, sems_b)

    def il(j, t):
        pltpu.async_copy(src2_hbm.at[wid, j], sbs[t], sis[t])

    def wait_il(t):
        pltpu.make_async_copy(src2_hbm.at[0, 0], sbs[t], sis[t]).wait()

    def sg(t):
        pltpu.async_copy(h_hbm.at[sbs[t]], rows[t % 2], semg[t % 2])

    def wait_g(t):
        pltpu.make_async_copy(
            h_hbm.at[pl.ds(0, _CH)], rows[t % 2], semg[t % 2]
        ).wait()

    def scat(j, t):
        pltpu.async_copy(
            rows[t % 2], acc_sh.at[dst_v.at[j]], sems[t % 2], add=True
        )

    def wait_sc(t):
        pltpu.make_async_copy(
            rows[t % 2], acc_sh.at[pl.ds(0, _CH)], sems[t % 2]
        ).wait()

    def start(j, t, first=False):
        if not first:
            wait_sc(t)
        wait_il(t)
        sg(t)

    def fin(j, t, prefetch=True):
        wait_g(t)
        scat(j, t)
        if prefetch:
            il(j + 4, t)

    il(0, 0)
    il(1, 1)
    il(2, 2)
    il(3, 3)

    start(0, 0, first=True)
    start(1, 1, first=True)
    fin(0, 0)
    start(2, 2)
    fin(1, 1)
    start(3, 3)

    def grp(g, carry):
        j0 = 4 * g
        for t in range(4):
            j = j0 + t
            fin(j - 2, (t - 2) % 4)
            start(j, t)
        return carry

    lax.fori_loop(1, _ITERS // 4 - 1, grp, 0)

    j0 = _ITERS - 4
    fin(j0 - 2, 2)
    start(j0, 0)
    fin(j0 - 1, 3)
    start(j0 + 1, 1)
    fin(j0, 0, prefetch=False)
    start(j0 + 2, 2)
    fin(j0 + 1, 1, prefetch=False)
    start(j0 + 3, 3)
    fin(j0 + 2, 2, prefetch=False)
    fin(j0 + 3, 3, prefetch=False)
    wait_sc(0)
    wait_sc(1)

    plsc.subcore_barrier()
    pltpu.sync_copy(acc_sh.at[pl.ds(r0, _RPT)], out_hbm.at[cid, pl.ds(r0, _RPT)])


_BN = 1000


def _tc_body(relu, h_b, a0_b, a1_b, d0_b, d1_b, ws_b, wn_b, b_b, o_b):
    deg = jnp.maximum(d0_b[:, 0:1] + d1_b[:, 0:1], 1.0)
    hn = (a0_b[...] + a1_b[...]) / deg
    o = (
        jnp.dot(h_b[...], ws_b[...], preferred_element_type=jnp.float32)
        + jnp.dot(hn, wn_b[...], preferred_element_type=jnp.float32)
        + b_b[...]
    )
    if relu:
        o = jnp.maximum(o, 0.0)
    o_b[...] = o


def _tc_layer(h, a0, a1, d0, d1, ws, wn, b, relu):
    body = functools.partial(_tc_body, relu)
    return pl.pallas_call(
        body,
        grid=(_N // _BN,),
        in_specs=[
            pl.BlockSpec((_BN, _D), lambda i: (i, 0)),
            pl.BlockSpec((_BN, _D), lambda i: (i, 0)),
            pl.BlockSpec((_BN, _D), lambda i: (i, 0)),
            pl.BlockSpec((_BN, _DEGW), lambda i: (i, 0)),
            pl.BlockSpec((_BN, _DEGW), lambda i: (i, 0)),
            pl.BlockSpec((_D, _D), lambda i: (0, 0)),
            pl.BlockSpec((_D, _D), lambda i: (0, 0)),
            pl.BlockSpec((1, _D), lambda i: (0, 0)),
        ],
        out_specs=pl.BlockSpec((_BN, _D), lambda i: (i, 0)),
        out_shape=jax.ShapeDtypeStruct((_N, _D), jnp.float32),
    )(h, a0, a1, d0, d1, ws, wn, b.reshape(1, _D))


def _pad_cols(w):
    return jnp.pad(w, ((0, 0), (0, _D - w.shape[1])))


def kernel(x, edge_index, W_self0, W_neigh0, b0, W_self1, W_neigh1, b1,
           W_self2, W_neigh2, b2):
    npad = _EPAD - _E
    pad_ids = jnp.arange(npad, dtype=jnp.int32)
    src = jnp.concatenate(
        [edge_index[0], pad_ids % _N]
    ).reshape(_NW, _ITERS, _CH)
    dst = jnp.concatenate(
        [edge_index[1], _N + pad_ids % (_NP - _N)]
    ).reshape(_NW, _ITERS, _CH)
    z_nd = jnp.zeros((_NP, _D), jnp.float32)

    degp = _sc_agg(jnp.ones((_N, _D), jnp.float32), src, dst, z_nd)
    d0, d1 = degp[0, :_N, :_DEGW], degp[1, :_N, :_DEGW]
    z_nd, _ = lax.optimization_barrier((z_nd, degp))

    a = _sc_agg(x, src, dst, z_nd)
    h1 = _tc_layer(x, a[0, :_N], a[1, :_N], d0, d1, W_self0, W_neigh0, b0, relu=True)

    a = _sc_agg(h1, src, dst, z_nd)
    h2 = _tc_layer(h1, a[0, :_N], a[1, :_N], d0, d1, W_self1, W_neigh1, b1, relu=True)

    a = _sc_agg(h2, src, dst, z_nd)
    out = _tc_layer(
        h2, a[0, :_N], a[1, :_N], d0, d1,
        _pad_cols(W_self2), _pad_cols(W_neigh2),
        jnp.pad(b2, (0, _D - _C)), relu=False,
    )
    return out[:, :_C]

# --- scband reference (transcript-rebuilt; emitter-appended) ---
"""Pipeline reference for scband-sage-25005299597884 (READ-ONLY COPY).

The authoritative reference and input builder live on the scoring server;
editing this copy changes nothing except your own understanding.
"""

import jax, jax.numpy as jnp
import numpy as np

N = 10000
E = 320000
D = 128
H = 128
C = 47


def setup_inputs(seed: int = 0) -> dict:
    key = jax.random.key(seed)
    ks = jax.random.split(key, 12)
    x = jax.random.normal(ks[0], (N, D), dtype=jnp.float32)
    edge_index = jax.random.randint(ks[1], (2, E), 0, N, dtype=jnp.int32)
    def glorot(k, shape):
        fan_in, fan_out = shape[0], shape[1]
        lim = np.sqrt(6.0 / (fan_in + fan_out))
        return jax.random.uniform(k, shape, dtype=jnp.float32, minval=-lim, maxval=lim)
    W_self0 = glorot(ks[2], (D, H))
    W_neigh0 = glorot(ks[3], (D, H))
    b0 = jnp.zeros((H,), dtype=jnp.float32)
    W_self1 = glorot(ks[4], (H, H))
    W_neigh1 = glorot(ks[5], (H, H))
    b1 = jnp.zeros((H,), dtype=jnp.float32)
    W_self2 = glorot(ks[6], (H, C))
    W_neigh2 = glorot(ks[7], (H, C))
    b2 = jnp.zeros((C,), dtype=jnp.float32)
    return {
        "x": x,
        "edge_index": edge_index,
        "W_self0": W_self0, "W_neigh0": W_neigh0, "b0": b0,
        "W_self1": W_self1, "W_neigh1": W_neigh1, "b1": b1,
        "W_self2": W_self2, "W_neigh2": W_neigh2, "b2": b2,
    }


def _sage_conv(h, src, dst, W_self, W_neigh, b):
    # DGL SAGEConv with 'mean' aggregator:
    #   h_neigh[v] = mean_{u in N(v)} h[u]
    #   out[v]     = h[v] @ W_self + h_neigh[v] @ W_neigh + b
    n = h.shape[0]
    msg = h[src]
    agg = jax.ops.segment_sum(msg, dst, num_segments=n)
    deg = jax.ops.segment_sum(jnp.ones((src.shape[0],), dtype=h.dtype), dst, num_segments=n)
    h_neigh = agg / jnp.maximum(deg, 1.0)[:, None]
    return h @ W_self + h_neigh @ W_neigh + b


def reference(x, edge_index, W_self0, W_neigh0, b0, W_self1, W_neigh1, b1, W_self2, W_neigh2, b2):
    src = edge_index[0]
    dst = edge_index[1]
    h = _sage_conv(x, src, dst, W_self0, W_neigh0, b0)
    h = jax.nn.relu(h)  # dropout is identity in eval mode
    h = _sage_conv(h, src, dst, W_self1, W_neigh1, b1)
    h = jax.nn.relu(h)
    h = _sage_conv(h, src, dst, W_self2, W_neigh2, b2)
    return h

if __name__ == "__main__":
    import jax
    _d = setup_inputs()
    print(jax.jit(kernel)(*tuple(_d.values())))

</pallas_src>

<mosaic_0001>
#map = affine_map<(d0, d1) -> (0, 0)>
#map1 = affine_map<(d0, d1) -> (0, 0, 0)>
module attributes {stable_mosaic.version = 14 : i64} {
  func.func @_sc_agg(%arg0: i32, %arg1: i32, %arg2: memref<10000x128xf32, #tpu.memory_space<hbm>>, %arg3: memref<32x80x128xi32, #tpu.memory_space<hbm>>, %arg4: memref<32x80x128xi32, #tpu.memory_space<hbm>>, %arg5: memref<10112x128xf32, #tpu.memory_space<hbm>>, %arg6: memref<2x10112x128xf32, #tpu.memory_space<hbm>>, %arg7: memref<80x128xi32, #tpu.memory_space<vmem>>, %arg8: memref<128xi32, #tpu.memory_space<vmem>>, %arg9: memref<128xi32, #tpu.memory_space<vmem>>, %arg10: memref<128xi32, #tpu.memory_space<vmem>>, %arg11: memref<128xi32, #tpu.memory_space<vmem>>, %arg12: memref<128x128xf32, #tpu.memory_space<vmem>>, %arg13: memref<128x128xf32, #tpu.memory_space<vmem>>, %arg14: memref<10112x128xf32, #tpu.memory_space<vmem_shared>>, %arg15: memref<!tpu.dma_semaphore, #tpu.memory_space<semaphore_mem>>, %arg16: memref<!tpu.dma_semaphore, #tpu.memory_space<semaphore_mem>>, %arg17: memref<!tpu.dma_semaphore, #tpu.memory_space<semaphore_mem>>, %arg18: memref<!tpu.dma_semaphore, #tpu.memory_space<semaphore_mem>>, %arg19: memref<!tpu.dma_semaphore, #tpu.memory_space<semaphore_mem>>, %arg20: memref<!tpu.dma_semaphore, #tpu.memory_space<semaphore_mem>>, %arg21: memref<!tpu.dma_semaphore, #tpu.memory_space<semaphore_mem>>, %arg22: memref<!tpu.dma_semaphore, #tpu.memory_space<semaphore_mem>>) attributes {dimension_semantics = [#tpu.dimension_semantics<core_parallel>, #tpu.dimension_semantics<subcore_parallel>], iteration_bounds = array<i64: 2, 16>, scalar_prefetch = 0 : i64, scratch_operands = 16 : i64, tpu.core_type = #tpu.core_type<sc_vector_subcore>, window_params = [{transform_indices = #map}, {transform_indices = #map1}, {transform_indices = #map1}, {transform_indices = #map}, {transform_indices = #map1}]} {
    %mul3A = arith.constant 632 : i32
    %mul3A_0 = arith.muli %arg1, %mul3A : i32
    "tpu.region"() ({
      %run_scoped3A = tpu.sem_alloc : memref<!tpu.dma_semaphore, #tpu.memory_space<semaphore_mem>>
      %dma_start3A_303 = arith.constant 0 : i32
      %dma_start3A_304 = tpu.memref_slice %arg14[%mul3A_0, %dma_start3A_303] : memref<10112x128xf32, #tpu.memory_space<vmem_shared>> -> memref<632x128xf32, #tpu.memory_space<vmem_shared>>
      %dma_start3A_305 = arith.constant 0 : i32
      %dma_start3A_306 = tpu.memref_slice %arg5[%mul3A_0, %dma_start3A_305] : memref<10112x128xf32, #tpu.memory_space<hbm>> -> memref<632x128xf32, #tpu.memory_space<hbm>>
      tpu.enqueue_dma source(%dma_start3A_306 : memref<632x128xf32, #tpu.memory_space<hbm>>) target(%dma_start3A_304 : memref<632x128xf32, #tpu.memory_space<vmem_shared>>) target_semaphore(%run_scoped3A : memref<!tpu.dma_semaphore, #tpu.memory_space<semaphore_mem>>)
      %dma_wait3A_307 = arith.constant 0 : i32
      %dma_wait3A_308 = tpu.memref_slice %arg14[%mul3A_0, %dma_wait3A_307] : memref<10112x128xf32, #tpu.memory_space<vmem_shared>> -> memref<632x128xf32, #tpu.memory_space<vmem_shared>>
      %dma_wait3A_309 = arith.constant 0 : i32
      %dma_wait3A_310 = tpu.memref_slice %arg5[%mul3A_0, %dma_wait3A_309] : memref<10112x128xf32, #tpu.memory_space<hbm>> -> memref<632x128xf32, #tpu.memory_space<hbm>>
      tpu.wait_dma2 semaphore(%run_scoped3A : memref<!tpu.dma_semaphore, #tpu.memory_space<semaphore_mem>>) src(%dma_wait3A_310 : memref<632x128xf32, #tpu.memory_space<hbm>>) dst(%dma_wait3A_308 : memref<632x128xf32, #tpu.memory_space<vmem_shared>>)
      tpu.yield
    }) : () -> ()
    %mul3A_1 = arith.constant 2 : i32
    %mul3A_2 = arith.muli %arg1, %mul3A_1 : i32
    %add3A = arith.addi %mul3A_2, %arg0 : i32
    "tpu.region"() ({
      %run_scoped3A = tpu.sem_alloc : memref<!tpu.dma_semaphore, #tpu.memory_space<semaphore_mem>>
      %dma_start3A_303 = arith.constant 0 : i32
      %dma_start3A_304 = arith.constant 0 : i32
      %dma_start3A_305 = tpu.memref_slice %arg4[%add3A, %dma_start3A_303, %dma_start3A_304] : memref<32x80x128xi32, #tpu.memory_space<hbm>> -> memref<1x80x128xi32, #tpu.memory_space<hbm>>
      %dma_start3A_306 = tpu.memref_squeeze %dma_start3A_305 : memref<1x80x128xi32, #tpu.memory_space<hbm>> -> memref<80x128xi32, #tpu.memory_space<hbm>>
      %dma_start3A_307 = arith.constant 0 : i32
      %dma_start3A_308 = arith.constant 0 : i32
      %dma_start3A_309 = tpu.memref_slice %arg4[%add3A, %dma_start3A_307, %dma_start3A_308] : memref<32x80x128xi32, #tpu.memory_space<hbm>> -> memref<1x80x128xi32, #tpu.memory_space<hbm>>
      %dma_start3A_310 = tpu.memref_squeeze %dma_start3A_309 : memref<1x80x128xi32, #tpu.memory_space<hbm>> -> memref<80x128xi32, #tpu.memory_space<hbm>>
      tpu.enqueue_dma source(%dma_start3A_310 : memref<80x128xi32, #tpu.memory_space<hbm>>) target(%arg7 : memref<80x128xi32, #tpu.memory_space<vmem>>) target_semaphore(%run_scoped3A : memref<!tpu.dma_semaphore, #tpu.memory_space<semaphore_mem>>)
      %dma_wait3A_311 = arith.constant 0 : i32
      %dma_wait3A_312 = arith.constant 0 : i32
      %dma_wait3A_313 = tpu.memref_slice %arg4[%add3A, %dma_wait3A_311, %dma_wait3A_312] : memref<32x80x128xi32, #tpu.memory_space<hbm>> -> memref<1x80x128xi32, #tpu.memory_space<hbm>>
      %dma_wait3A_314 = tpu.memref_squeeze %dma_wait3A_313 : memref<1x80x128xi32, #tpu.memory_space<hbm>> -> memref<80x128xi32, #tpu.memory_space<hbm>>
      %dma_wait3A_315 = arith.constant 0 : i32
      %dma_wait3A_316 = arith.constant 0 : i32
      %dma_wait3A_317 = tpu.memref_slice %arg4[%add3A, %dma_wait3A_315, %dma_wait3A_316] : memref<32x80x128xi32, #tpu.memory_space<hbm>> -> memref<1x80x128xi32, #tpu.memory_space<hbm>>
      %dma_wait3A_318 = tpu.memref_squeeze %dma_wait3A_317 : memref<1x80x128xi32, #tpu.memory_space<hbm>> -> memref<80x128xi32, #tpu.memory_space<hbm>>
      tpu.wait_dma2 semaphore(%run_scoped3A : memref<!tpu.dma_semaphore, #tpu.memory_space<semaphore_mem>>) src(%dma_wait3A_318 : memref<80x128xi32, #tpu.memory_space<hbm>>) dst(%arg7 : memref<80x128xi32, #tpu.memory_space<vmem>>)
      tpu.yield
    }) : () -> ()
    %barrier3A = arith.constant 0 : index
    tpu.barrier barrier_id(%barrier3A)
    %dma_start3A = arith.constant 0 : i32
    %dma_start3A_3 = arith.constant 0 : i32
    %dma_start3A_4 = tpu.memref_slice %arg3[%add3A, %dma_start3A, %dma_start3A_3] : memref<32x80x128xi32, #tpu.memory_space<hbm>> -> memref<1x1x128xi32, #tpu.memory_space<hbm>>
    %dma_start3A_5 = tpu.memref_squeeze %dma_start3A_4 : memref<1x1x128xi32, #tpu.memory_space<hbm>> -> memref<128xi32, #tpu.memory_space<hbm>>
    %dma_start3A_6 = arith.constant 0 : i32
    %dma_start3A_7 = tpu.memref_slice %arg3[%add3A, %dma_start3A, %dma_start3A_6] : memref<32x80x128xi32, #tpu.memory_space<hbm>> -> memref<1x1x128xi32, #tpu.memory_space<hbm>>
    %dma_start3A_8 = tpu.memref_squeeze %dma_start3A_7 : memref<1x1x128xi32, #tpu.memory_space<hbm>> -> memref<128xi32, #tpu.memory_space<hbm>>
    tpu.enqueue_dma source(%dma_start3A_8 : memref<128xi32, #tpu.memory_space<hbm>>) target(%arg8 : memref<128xi32, #tpu.memory_space<vmem>>) target_semaphore(%arg15 : memref<!tpu.dma_semaphore, #tpu.memory_space<semaphore_mem>>)
    %dma_start3A_9 = arith.constant 1 : i32
    %dma_start3A_10 = arith.constant 0 : i32
    %dma_start3A_11 = tpu.memref_slice %arg3[%add3A, %dma_start3A_9, %dma_start3A_10] : memref<32x80x128xi32, #tpu.memory_space<hbm>> -> memref<1x1x128xi32, #tpu.memory_space<hbm>>
    %dma_start3A_12 = tpu.memref_squeeze %dma_start3A_11 : memref<1x1x128xi32, #tpu.memory_space<hbm>> -> memref<128xi32, #tpu.memory_space<hbm>>
    %dma_start3A_13 = arith.constant 0 : i32
    %dma_start3A_14 = tpu.memref_slice %arg3[%add3A, %dma_start3A_9, %dma_start3A_13] : memref<32x80x128xi32, #tpu.memory_space<hbm>> -> memref<1x1x128xi32, #tpu.memory_space<hbm>>
    %dma_start3A_15 = tpu.memref_squeeze %dma_start3A_14 : memref<1x1x128xi32, #tpu.memory_space<hbm>> -> memref<128xi32, #tpu.memory_space<hbm>>
    tpu.enqueue_dma source(%dma_start3A_15 : memref<128xi32, #tpu.memory_space<hbm>>) target(%arg9 : memref<128xi32, #tpu.memory_space<vmem>>) target_semaphore(%arg16 : memref<!tpu.dma_semaphore, #tpu.memory_space<semaphore_mem>>)
    %dma_start3A_16 = arith.constant 2 : i32
    %dma_start3A_17 = arith.constant 0 : i32
    %dma_start3A_18 = tpu.memref_slice %arg3[%add3A, %dma_start3A_16, %dma_start3A_17] : memref<32x80x128xi32, #tpu.memory_space<hbm>> -> memref<1x1x128xi32, #tpu.memory_space<hbm>>
    %dma_start3A_19 = tpu.memref_squeeze %dma_start3A_18 : memref<1x1x128xi32, #tpu.memory_space<hbm>> -> memref<128xi32, #tpu.memory_space<hbm>>
    %dma_start3A_20 = arith.constant 0 : i32
    %dma_start3A_21 = tpu.memref_slice %arg3[%add3A, %dma_start3A_16, %dma_start3A_20] : memref<32x80x128xi32, #tpu.memory_space<hbm>> -> memref<1x1x128xi32, #tpu.memory_space<hbm>>
    %dma_start3A_22 = tpu.memref_squeeze %dma_start3A_21 : memref<1x1x128xi32, #tpu.memory_space<hbm>> -> memref<128xi32, #tpu.memory_space<hbm>>
    tpu.enqueue_dma source(%dma_start3A_22 : memref<128xi32, #tpu.memory_space<hbm>>) target(%arg10 : memref<128xi32, #tpu.memory_space<vmem>>) target_semaphore(%arg17 : memref<!tpu.dma_semaphore, #tpu.memory_space<semaphore_mem>>)
    %dma_start3A_23 = arith.constant 3 : i32
    %dma_start3A_24 = arith.constant 0 : i32
    %dma_start3A_25 = tpu.memref_slice %arg3[%add3A, %dma_start3A_23, %dma_start3A_24] : memref<32x80x128xi32, #tpu.memory_space<hbm>> -> memref<1x1x128xi32, #tpu.memory_space<hbm>>
    %dma_start3A_26 = tpu.memref_squeeze %dma_start3A_25 : memref<1x1x128xi32, #tpu.memory_space<hbm>> -> memref<128xi32, #tpu.memory_space<hbm>>
    %dma_start3A_27 = arith.constant 0 : i32
    %dma_start3A_28 = tpu.memref_slice %arg3[%add3A, %dma_start3A_23, %dma_start3A_27] : memref<32x80x128xi32, #tpu.memory_space<hbm>> -> memref<1x1x128xi32, #tpu.memory_space<hbm>>
    %dma_start3A_29 = tpu.memref_squeeze %dma_start3A_28 : memref<1x1x128xi32, #tpu.memory_space<hbm>> -> memref<128xi32, #tpu.memory_space<hbm>>
    tpu.enqueue_dma source(%dma_start3A_29 : memref<128xi32, #tpu.memory_space<hbm>>) target(%arg11 : memref<128xi32, #tpu.memory_space<vmem>>) target_semaphore(%arg18 : memref<!tpu.dma_semaphore, #tpu.memory_space<semaphore_mem>>)
    %dma_wait3A = arith.constant 0 : i32
    %dma_wait3A_30 = arith.constant 0 : i32
    %dma_wait3A_31 = arith.constant 0 : i32
    %dma_wait3A_32 = tpu.memref_slice %arg3[%dma_wait3A, %dma_wait3A_30, %dma_wait3A_31] : memref<32x80x128xi32, #tpu.memory_space<hbm>> -> memref<1x1x128xi32, #tpu.memory_space<hbm>>
    %dma_wait3A_33 = tpu.memref_squeeze %dma_wait3A_32 : memref<1x1x128xi32, #tpu.memory_space<hbm>> -> memref<128xi32, #tpu.memory_space<hbm>>
    %dma_wait3A_34 = arith.constant 0 : i32
    %dma_wait3A_35 = tpu.memref_slice %arg3[%dma_wait3A, %dma_wait3A_30, %dma_wait3A_34] : memref<32x80x128xi32, #tpu.memory_space<hbm>> -> memref<1x1x128xi32, #tpu.memory_space<hbm>>
    %dma_wait3A_36 = tpu.memref_squeeze %dma_wait3A_35 : memref<1x1x128xi32, #tpu.memory_space<hbm>> -> memref<128xi32, #tpu.memory_space<hbm>>
    tpu.wait_dma2 semaphore(%arg15 : memref<!tpu.dma_semaphore, #tpu.memory_space<semaphore_mem>>) src(%dma_wait3A_36 : memref<128xi32, #tpu.memory_space<hbm>>) dst(%arg8 : memref<128xi32, #tpu.memory_space<vmem>>)
    %dma_start3A_37 = arith.constant 0 : i32
    %dma_start3A_38 = arith.constant 0 : i32
    %dma_start3A_39 = tpu.memref_slice %arg2[%dma_start3A_37, %dma_start3A_38] : memref<10000x128xf32, #tpu.memory_space<hbm>> -> memref<10000x128xf32, #tpu.memory_space<hbm>>
    tpu.enqueue_indirect_dma source(%dma_start3A_39 : memref<10000x128xf32, #tpu.memory_space<hbm>>) target(%arg12 : memref<128x128xf32, #tpu.memory_space<vmem>>) offsets(%arg8 : memref<128xi32, #tpu.memory_space<vmem>>) semaphore(%arg19 : memref<!tpu.dma_semaphore, #tpu.memory_space<semaphore_mem>>)
    %dma_wait3A_40 = arith.constant 0 : i32
    %dma_wait3A_41 = arith.constant 0 : i32
    %dma_wait3A_42 = arith.constant 0 : i32
    %dma_wait3A_43 = tpu.memref_slice %arg3[%dma_wait3A_40, %dma_wait3A_41, %dma_wait3A_42] : memref<32x80x128xi32, #tpu.memory_space<hbm>> -> memref<1x1x128xi32, #tpu.memory_space<hbm>>
    %dma_wait3A_44 = tpu.memref_squeeze %dma_wait3A_43 : memref<1x1x128xi32, #tpu.memory_space<hbm>> -> memref<128xi32, #tpu.memory_space<hbm>>
    %dma_wait3A_45 = arith.constant 0 : i32
    %dma_wait3A_46 = tpu.memref_slice %arg3[%dma_wait3A_40, %dma_wait3A_41, %dma_wait3A_45] : memref<32x80x128xi32, #tpu.memory_space<hbm>> -> memref<1x1x128xi32, #tpu.memory_space<hbm>>
    %dma_wait3A_47 = tpu.memref_squeeze %dma_wait3A_46 : memref<1x1x128xi32, #tpu.memory_space<hbm>> -> memref<128xi32, #tpu.memory_space<hbm>>
    tpu.wait_dma2 semaphore(%arg16 : memref<!tpu.dma_semaphore, #tpu.memory_space<semaphore_mem>>) src(%dma_wait3A_47 : memref<128xi32, #tpu.memory_space<hbm>>) dst(%arg9 : memref<128xi32, #tpu.memory_space<vmem>>)
    %dma_start3A_48 = arith.constant 0 : i32
    %dma_start3A_49 = arith.constant 0 : i32
    %dma_start3A_50 = tpu.memref_slice %arg2[%dma_start3A_48, %dma_start3A_49] : memref<10000x128xf32, #tpu.memory_space<hbm>> -> memref<10000x128xf32, #tpu.memory_space<hbm>>
    tpu.enqueue_indirect_dma source(%dma_start3A_50 : memref<10000x128xf32, #tpu.memory_space<hbm>>) target(%arg13 : memref<128x128xf32, #tpu.memory_space<vmem>>) offsets(%arg9 : memref<128xi32, #tpu.memory_space<vmem>>) semaphore(%arg20 : memref<!tpu.dma_semaphore, #tpu.memory_space<semaphore_mem>>)
    %dma_wait3A_51 = arith.constant 0 : i32
    %dma_wait3A_52 = arith.constant 0 : i32
    %dma_wait3A_53 = tpu.memref_slice %arg2[%dma_wait3A_51, %dma_wait3A_52] : memref<10000x128xf32, #tpu.memory_space<hbm>> -> memref<128x128xf32, #tpu.memory_space<hbm>>
    %dma_wait3A_54 = arith.constant 0 : i32
    %dma_wait3A_55 = arith.constant 0 : i32
    %dma_wait3A_56 = tpu.memref_slice %arg2[%dma_wait3A_54, %dma_wait3A_55] : memref<10000x128xf32, #tpu.memory_space<hbm>> -> memref<128x128xf32, #tpu.memory_space<hbm>>
    tpu.wait_dma2 semaphore(%arg19 : memref<!tpu.dma_semaphore, #tpu.memory_space<semaphore_mem>>) src(%dma_wait3A_56 : memref<128x128xf32, #tpu.memory_space<hbm>>) dst(%arg12 : memref<128x128xf32, #tpu.memory_space<vmem>>)
    %dma_start3A_57 = arith.constant 0 : i32
    %dma_start3A_58 = arith.constant 0 : i32
    %dma_start3A_59 = tpu.memref_slice %arg7[%dma_start3A_57, %dma_start3A_58] : memref<80x128xi32, #tpu.memory_space<vmem>> -> memref<1x128xi32, #tpu.memory_space<vmem>>
    %dma_start3A_60 = tpu.memref_squeeze %dma_start3A_59 : memref<1x128xi32, #tpu.memory_space<vmem>> -> memref<128xi32, #tpu.memory_space<vmem>>
    %dma_start3A_61 = arith.constant 0 : i32
    %dma_start3A_62 = arith.constant 0 : i32
    %dma_start3A_63 = tpu.memref_slice %arg14[%dma_start3A_61, %dma_start3A_62] : memref<10112x128xf32, #tpu.memory_space<vmem_shared>> -> memref<10112x128xf32, #tpu.memory_space<vmem_shared>>
    tpu.enqueue_indirect_dma source(%arg12 : memref<128x128xf32, #tpu.memory_space<vmem>>) target(%dma_start3A_63 : memref<10112x128xf32, #tpu.memory_space<vmem_shared>>) offsets(%dma_start3A_60 : memref<128xi32, #tpu.memory_space<vmem>>) semaphore(%arg21 : memref<!tpu.dma_semaphore, #tpu.memory_space<semaphore_mem>>) {add = true}
    %dma_start3A_64 = arith.constant 4 : i32
    %dma_start3A_65 = arith.constant 0 : i32
    %dma_start3A_66 = tpu.memref_slice %arg3[%add3A, %dma_start3A_64, %dma_start3A_65] : memref<32x80x128xi32, #tpu.memory_space<hbm>> -> memref<1x1x128xi32, #tpu.memory_space<hbm>>
    %dma_start3A_67 = tpu.memref_squeeze %dma_start3A_66 : memref<1x1x128xi32, #tpu.memory_space<hbm>> -> memref<128xi32, #tpu.memory_space<hbm>>
    %dma_start3A_68 = arith.constant 0 : i32
    %dma_start3A_69 = tpu.memref_slice %arg3[%add3A, %dma_start3A_64, %dma_start3A_68] : memref<32x80x128xi32, #tpu.memory_space<hbm>> -> memref<1x1x128xi32, #tpu.memory_space<hbm>>
    %dma_start3A_70 = tpu.memref_squeeze %dma_start3A_69 : memref<1x1x128xi32, #tpu.memory_space<hbm>> -> memref<128xi32, #tpu.memory_space<hbm>>
    tpu.enqueue_dma source(%dma_start3A_70 : memref<128xi32, #tpu.memory_space<hbm>>) target(%arg8 : memref<128xi32, #tpu.memory_space<vmem>>) target_semaphore(%arg15 : memref<!tpu.dma_semaphore, #tpu.memory_space<semaphore_mem>>)
    %dma_wait3A_71 = arith.constant 0 : i32
    %dma_wait3A_72 = arith.constant 0 : i32
    %dma_wait3A_73 = tpu.memref_slice %arg14[%dma_wait3A_71, %dma_wait3A_72] : memref<10112x128xf32, #tpu.memory_space<vmem_shared>> -> memref<128x128xf32, #tpu.memory_space<vmem_shared>>
    %dma_wait3A_74 = arith.constant 0 : i32
    %dma_wait3A_75 = arith.constant 0 : i32
    %dma_wait3A_76 = tpu.memref_slice %arg14[%dma_wait3A_74, %dma_wait3A_75] : memref<10112x128xf32, #tpu.memory_space<vmem_shared>> -> memref<128x128xf32, #tpu.memory_space<vmem_shared>>
    tpu.wait_dma2 semaphore(%arg21 : memref<!tpu.dma_semaphore, #tpu.memory_space<semaphore_mem>>) src(%arg12 : memref<128x128xf32, #tpu.memory_space<vmem>>) dst(%dma_wait3A_76 : memref<128x128xf32, #tpu.memory_space<vmem_shared>>)
    %dma_wait3A_77 = arith.constant 0 : i32
    %dma_wait3A_78 = arith.constant 0 : i32
    %dma_wait3A_79 = arith.constant 0 : i32
    %dma_wait3A_80 = tpu.memref_slice %arg3[%dma_wait3A_77, %dma_wait3A_78, %dma_wait3A_79] : memref<32x80x128xi32, #tpu.memory_space<hbm>> -> memref<1x1x128xi32, #tpu.memory_space<hbm>>
    %dma_wait3A_81 = tpu.memref_squeeze %dma_wait3A_80 : memref<1x1x128xi32, #tpu.memory_space<hbm>> -> memref<128xi32, #tpu.memory_space<hbm>>
    %dma_wait3A_82 = arith.constant 0 : i32
    %dma_wait3A_83 = tpu.memref_slice %arg3[%dma_wait3A_77, %dma_wait3A_78, %dma_wait3A_82] : memref<32x80x128xi32, #tpu.memory_space<hbm>> -> memref<1x1x128xi32, #tpu.memory_space<hbm>>
    %dma_wait3A_84 = tpu.memref_squeeze %dma_wait3A_83 : memref<1x1x128xi32, #tpu.memory_space<hbm>> -> memref<128xi32, #tpu.memory_space<hbm>>
    tpu.wait_dma2 semaphore(%arg17 : memref<!tpu.dma_semaphore, #tpu.memory_space<semaphore_mem>>) src(%dma_wait3A_84 : memref<128xi32, #tpu.memory_space<hbm>>) dst(%arg10 : memref<128xi32, #tpu.memory_space<vmem>>)
    %dma_start3A_85 = arith.constant 0 : i32
    %dma_start3A_86 = arith.constant 0 : i32
    %dma_start3A_87 = tpu.memref_slice %arg2[%dma_start3A_85, %dma_start3A_86] : memref<10000x128xf32, #tpu.memory_space<hbm>> -> memref<10000x128xf32, #tpu.memory_space<hbm>>
    tpu.enqueue_indirect_dma source(%dma_start3A_87 : memref<10000x128xf32, #tpu.memory_space<hbm>>) target(%arg12 : memref<128x128xf32, #tpu.memory_space<vmem>>) offsets(%arg10 : memref<128xi32, #tpu.memory_space<vmem>>) semaphore(%arg19 : memref<!tpu.dma_semaphore, #tpu.memory_space<semaphore_mem>>)
    %dma_wait3A_88 = arith.constant 0 : i32
    %dma_wait3A_89 = arith.constant 0 : i32
    %dma_wait3A_90 = tpu.memref_slice %arg2[%dma_wait3A_88, %dma_wait3A_89] : memref<10000x128xf32, #tpu.memory_space<hbm>> -> memref<128x128xf32, #tpu.memory_space<hbm>>
    %dma_wait3A_91 = arith.constant 0 : i32
    %dma_wait3A_92 = arith.constant 0 : i32
    %dma_wait3A_93 = tpu.memref_slice %arg2[%dma_wait3A_91, %dma_wait3A_92] : memref<10000x128xf32, #tpu.memory_space<hbm>> -> memref<128x128xf32, #tpu.memory_space<hbm>>
    tpu.wait_dma2 semaphore(%arg20 : memref<!tpu.dma_semaphore, #tpu.memory_space<semaphore_mem>>) src(%dma_wait3A_93 : memref<128x128xf32, #tpu.memory_space<hbm>>) dst(%arg13 : memref<128x128xf32, #tpu.memory_space<vmem>>)
    %dma_start3A_94 = arith.constant 1 : i32
    %dma_start3A_95 = arith.constant 0 : i32
    %dma_start3A_96 = tpu.memref_slice %arg7[%dma_start3A_94, %dma_start3A_95] : memref<80x128xi32, #tpu.memory_space<vmem>> -> memref<1x128xi32, #tpu.memory_space<vmem>>
    %dma_start3A_97 = tpu.memref_squeeze %dma_start3A_96 : memref<1x128xi32, #tpu.memory_space<vmem>> -> memref<128xi32, #tpu.memory_space<vmem>>
    %dma_start3A_98 = arith.constant 0 : i32
    %dma_start3A_99 = arith.constant 0 : i32
    %dma_start3A_100 = tpu.memref_slice %arg14[%dma_start3A_98, %dma_start3A_99] : memref<10112x128xf32, #tpu.memory_space<vmem_shared>> -> memref<10112x128xf32, #tpu.memory_space<vmem_shared>>
    tpu.enqueue_indirect_dma source(%arg13 : memref<128x128xf32, #tpu.memory_space<vmem>>) target(%dma_start3A_100 : memref<10112x128xf32, #tpu.memory_space<vmem_shared>>) offsets(%dma_start3A_97 : memref<128xi32, #tpu.memory_space<vmem>>) semaphore(%arg22 : memref<!tpu.dma_semaphore, #tpu.memory_space<semaphore_mem>>) {add = true}
    %dma_start3A_101 = arith.constant 5 : i32
    %dma_start3A_102 = arith.constant 0 : i32
    %dma_start3A_103 = tpu.memref_slice %arg3[%add3A, %dma_start3A_101, %dma_start3A_102] : memref<32x80x128xi32, #tpu.memory_space<hbm>> -> memref<1x1x128xi32, #tpu.memory_space<hbm>>
    %dma_start3A_104 = tpu.memref_squeeze %dma_start3A_103 : memref<1x1x128xi32, #tpu.memory_space<hbm>> -> memref<128xi32, #tpu.memory_space<hbm>>
    %dma_start3A_105 = arith.constant 0 : i32
    %dma_start3A_106 = tpu.memref_slice %arg3[%add3A, %dma_start3A_101, %dma_start3A_105] : memref<32x80x128xi32, #tpu.memory_space<hbm>> -> memref<1x1x128xi32, #tpu.memory_space<hbm>>
    %dma_start3A_107 = tpu.memref_squeeze %dma_start3A_106 : memref<1x1x128xi32, #tpu.memory_space<hbm>> -> memref<128xi32, #tpu.memory_space<hbm>>
    tpu.enqueue_dma source(%dma_start3A_107 : memref<128xi32, #tpu.memory_space<hbm>>) target(%arg9 : memref<128xi32, #tpu.memory_space<vmem>>) target_semaphore(%arg16 : memref<!tpu.dma_semaphore, #tpu.memory_space<semaphore_mem>>)
    %dma_wait3A_108 = arith.constant 0 : i32
    %dma_wait3A_109 = arith.constant 0 : i32
    %dma_wait3A_110 = tpu.memref_slice %arg14[%dma_wait3A_108, %dma_wait3A_109] : memref<10112x128xf32, #tpu.memory_space<vmem_shared>> -> memref<128x128xf32, #tpu.memory_space<vmem_shared>>
    %dma_wait3A_111 = arith.constant 0 : i32
    %dma_wait3A_112 = arith.constant 0 : i32
    %dma_wait3A_113 = tpu.memref_slice %arg14[%dma_wait3A_111, %dma_wait3A_112] : memref<10112x128xf32, #tpu.memory_space<vmem_shared>> -> memref<128x128xf32, #tpu.memory_space<vmem_shared>>
    tpu.wait_dma2 semaphore(%arg22 : memref<!tpu.dma_semaphore, #tpu.memory_space<semaphore_mem>>) src(%arg13 : memref<128x128xf32, #tpu.memory_space<vmem>>) dst(%dma_wait3A_113 : memref<128x128xf32, #tpu.memory_space<vmem_shared>>)
    %dma_wait3A_114 = arith.constant 0 : i32
    %dma_wait3A_115 = arith.constant 0 : i32
    %dma_wait3A_116 = arith.constant 0 : i32
    %dma_wait3A_117 = tpu.memref_slice %arg3[%dma_wait3A_114, %dma_wait3A_115, %dma_wait3A_116] : memref<32x80x128xi32, #tpu.memory_space<hbm>> -> memref<1x1x128xi32, #tpu.memory_space<hbm>>
    %dma_wait3A_118 = tpu.memref_squeeze %dma_wait3A_117 : memref<1x1x128xi32, #tpu.memory_space<hbm>> -> memref<128xi32, #tpu.memory_space<hbm>>
    %dma_wait3A_119 = arith.constant 0 : i32
    %dma_wait3A_120 = tpu.memref_slice %arg3[%dma_wait3A_114, %dma_wait3A_115, %dma_wait3A_119] : memref<32x80x128xi32, #tpu.memory_space<hbm>> -> memref<1x1x128xi32, #tpu.memory_space<hbm>>
    %dma_wait3A_121 = tpu.memref_squeeze %dma_wait3A_120 : memref<1x1x128xi32, #tpu.memory_space<hbm>> -> memref<128xi32, #tpu.memory_space<hbm>>
    tpu.wait_dma2 semaphore(%arg18 : memref<!tpu.dma_semaphore, #tpu.memory_space<semaphore_mem>>) src(%dma_wait3A_121 : memref<128xi32, #tpu.memory_space<hbm>>) dst(%arg11 : memref<128xi32, #tpu.memory_space<vmem>>)
    %dma_start3A_122 = arith.constant 0 : i32
    %dma_start3A_123 = arith.constant 0 : i32
    %dma_start3A_124 = tpu.memref_slice %arg2[%dma_start3A_122, %dma_start3A_123] : memref<10000x128xf32, #tpu.memory_space<hbm>> -> memref<10000x128xf32, #tpu.memory_space<hbm>>
    tpu.enqueue_indirect_dma source(%dma_start3A_124 : memref<10000x128xf32, #tpu.memory_space<hbm>>) target(%arg13 : memref<128x128xf32, #tpu.memory_space<vmem>>) offsets(%arg11 : memref<128xi32, #tpu.memory_space<vmem>>) semaphore(%arg20 : memref<!tpu.dma_semaphore, #tpu.memory_space<semaphore_mem>>)
    %scan3A = arith.constant 0 : i32
    %scan3A_125 = arith.constant 1 : i32
    %scan3A_126 = arith.constant 18 : i32
    %scan3A_127 = arith.addi %scan3A_125, %scan3A_126 : i32
    %scan3A_128 = arith.constant 1 : i32
    scf.for %scan3A_303 = %scan3A_125 to %scan3A_127 step %scan3A_128  : i32 {
      %mul3A_304 = arith.constant 4 : i32
      %mul3A_305 = arith.muli %mul3A_304, %scan3A_303 : i32
      %add3A_306 = arith.constant 0 : i32
      %add3A_307 = arith.addi %mul3A_305, %add3A_306 : i32
      %sub3A = arith.constant 2 : i32
      %sub3A_308 = arith.subi %add3A_307, %sub3A : i32
      %dma_wait3A_309 = arith.constant 0 : i32
      %dma_wait3A_310 = arith.constant 0 : i32
      %dma_wait3A_311 = tpu.memref_slice %arg2[%dma_wait3A_309, %dma_wait3A_310] : memref<10000x128xf32, #tpu.memory_space<hbm>> -> memref<128x128xf32, #tpu.memory_space<hbm>>
      %dma_wait3A_312 = arith.constant 0 : i32
      %dma_wait3A_313 = arith.constant 0 : i32
      %dma_wait3A_314 = tpu.memref_slice %arg2[%dma_wait3A_312, %dma_wait3A_313] : memref<10000x128xf32, #tpu.memory_space<hbm>> -> memref<128x128xf32, #tpu.memory_space<hbm>>
      tpu.wait_dma2 semaphore(%arg19 : memref<!tpu.dma_semaphore, #tpu.memory_space<semaphore_mem>>) src(%dma_wait3A_314 : memref<128x128xf32, #tpu.memory_space<hbm>>) dst(%arg12 : memref<128x128xf32, #tpu.memory_space<vmem>>)
      %dma_start3A_315 = arith.constant 0 : i32
      %dma_start3A_316 = tpu.memref_slice %arg7[%sub3A_308, %dma_start3A_315] : memref<80x128xi32, #tpu.memory_space<vmem>> -> memref<1x128xi32, #tpu.memory_space<vmem>>
      %dma_start3A_317 = tpu.memref_squeeze %dma_start3A_316 : memref<1x128xi32, #tpu.memory_space<vmem>> -> memref<128xi32, #tpu.memory_space<vmem>>
      %dma_start3A_318 = arith.constant 0 : i32
      %dma_start3A_319 = arith.constant 0 : i32
      %dma_start3A_320 = tpu.memref_slice %arg14[%dma_start3A_318, %dma_start3A_319] : memref<10112x128xf32, #tpu.memory_space<vmem_shared>> -> memref<10112x128xf32, #tpu.memory_space<vmem_shared>>
      tpu.enqueue_indirect_dma source(%arg12 : memref<128x128xf32, #tpu.memory_space<vmem>>) target(%dma_start3A_320 : memref<10112x128xf32, #tpu.memory_space<vmem_shared>>) offsets(%dma_start3A_317 : memref<128xi32, #tpu.memory_space<vmem>>) semaphore(%arg21 : memref<!tpu.dma_semaphore, #tpu.memory_space<semaphore_mem>>) {add = true}
      %add3A_321 = arith.constant 4 : i32
      %add3A_322 = arith.addi %sub3A_308, %add3A_321 : i32
      %dma_start3A_323 = arith.constant 0 : i32
      %dma_start3A_324 = tpu.memref_slice %arg3[%add3A, %add3A_322, %dma_start3A_323] : memref<32x80x128xi32, #tpu.memory_space<hbm>> -> memref<1x1x128xi32, #tpu.memory_space<hbm>>
      %dma_start3A_325 = tpu.memref_squeeze %dma_start3A_324 : memref<1x1x128xi32, #tpu.memory_space<hbm>> -> memref<128xi32, #tpu.memory_space<hbm>>
      %dma_start3A_326 = arith.constant 0 : i32
      %dma_start3A_327 = tpu.memref_slice %arg3[%add3A, %add3A_322, %dma_start3A_326] : memref<32x80x128xi32, #tpu.memory_space<hbm>> -> memref<1x1x128xi32, #tpu.memory_space<hbm>>
      %dma_start3A_328 = tpu.memref_squeeze %dma_start3A_327 : memref<1x1x128xi32, #tpu.memory_space<hbm>> -> memref<128xi32, #tpu.memory_space<hbm>>
      tpu.enqueue_dma source(%dma_start3A_328 : memref<128xi32, #tpu.memory_space<hbm>>) target(%arg10 : memref<128xi32, #tpu.memory_space<vmem>>) target_semaphore(%arg17 : memref<!tpu.dma_semaphore, #tpu.memory_space<semaphore_mem>>)
      %dma_wait3A_329 = arith.constant 0 : i32
      %dma_wait3A_330 = arith.constant 0 : i32
      %dma_wait3A_331 = tpu.memref_slice %arg14[%dma_wait3A_329, %dma_wait3A_330] : memref<10112x128xf32, #tpu.memory_space<vmem_shared>> -> memref<128x128xf32, #tpu.memory_space<vmem_shared>>
      %dma_wait3A_332 = arith.constant 0 : i32
      %dma_wait3A_333 = arith.constant 0 : i32
      %dma_wait3A_334 = tpu.memref_slice %arg14[%dma_wait3A_332, %dma_wait3A_333] : memref<10112x128xf32, #tpu.memory_space<vmem_shared>> -> memref<128x128xf32, #tpu.memory_space<vmem_shared>>
      tpu.wait_dma2 semaphore(%arg21 : memref<!tpu.dma_semaphore, #tpu.memory_space<semaphore_mem>>) src(%arg12 : memref<128x128xf32, #tpu.memory_space<vmem>>) dst(%dma_wait3A_334 : memref<128x128xf32, #tpu.memory_space<vmem_shared>>)
      %dma_wait3A_335 = arith.constant 0 : i32
      %dma_wait3A_336 = arith.constant 0 : i32
      %dma_wait3A_337 = arith.constant 0 : i32
      %dma_wait3A_338 = tpu.memref_slice %arg3[%dma_wait3A_335, %dma_wait3A_336, %dma_wait3A_337] : memref<32x80x128xi32, #tpu.memory_space<hbm>> -> memref<1x1x128xi32, #tpu.memory_space<hbm>>
      %dma_wait3A_339 = tpu.memref_squeeze %dma_wait3A_338 : memref<1x1x128xi32, #tpu.memory_space<hbm>> -> memref<128xi32, #tpu.memory_space<hbm>>
      %dma_wait3A_340 = arith.constant 0 : i32
      %dma_wait3A_341 = tpu.memref_slice %arg3[%dma_wait3A_335, %dma_wait3A_336, %dma_wait3A_340] : memref<32x80x128xi32, #tpu.memory_space<hbm>> -> memref<1x1x128xi32, #tpu.memory_space<hbm>>
      %dma_wait3A_342 = tpu.memref_squeeze %dma_wait3A_341 : memref<1x1x128xi32, #tpu.memory_space<hbm>> -> memref<128xi32, #tpu.memory_space<hbm>>
      tpu.wait_dma2 semaphore(%arg15 : memref<!tpu.dma_semaphore, #tpu.memory_space<semaphore_mem>>) src(%dma_wait3A_342 : memref<128xi32, #tpu.memory_space<hbm>>) dst(%arg8 : memref<128xi32, #tpu.memory_space<vmem>>)
      %dma_start3A_343 = arith.constant 0 : i32
      %dma_start3A_344 = arith.constant 0 : i32
      %dma_start3A_345 = tpu.memref_slice %arg2[%dma_start3A_343, %dma_start3A_344] : memref<10000x128xf32, #tpu.memory_space<hbm>> -> memref<10000x128xf32, #tpu.memory_space<hbm>>
      tpu.enqueue_indirect_dma source(%dma_start3A_345 : memref<10000x128xf32, #tpu.memory_space<hbm>>) target(%arg12 : memref<128x128xf32, #tpu.memory_space<vmem>>) offsets(%arg8 : memref<128xi32, #tpu.memory_space<vmem>>) semaphore(%arg19 : memref<!tpu.dma_semaphore, #tpu.memory_space<semaphore_mem>>)
      %add3A_346 = arith.constant 1 : i32
      %add3A_347 = arith.addi %mul3A_305, %add3A_346 : i32
      %sub3A_348 = arith.constant 2 : i32
      %sub3A_349 = arith.subi %add3A_347, %sub3A_348 : i32
      %dma_wait3A_350 = arith.constant 0 : i32
      %dma_wait3A_351 = arith.constant 0 : i32
      %dma_wait3A_352 = tpu.memref_slice %arg2[%dma_wait3A_350, %dma_wait3A_351] : memref<10000x128xf32, #tpu.memory_space<hbm>> -> memref<128x128xf32, #tpu.memory_space<hbm>>
      %dma_wait3A_353 = arith.constant 0 : i32
      %dma_wait3A_354 = arith.constant 0 : i32
      %dma_wait3A_355 = tpu.memref_slice %arg2[%dma_wait3A_353, %dma_wait3A_354] : memref<10000x128xf32, #tpu.memory_space<hbm>> -> memref<128x128xf32, #tpu.memory_space<hbm>>
      tpu.wait_dma2 semaphore(%arg20 : memref<!tpu.dma_semaphore, #tpu.memory_space<semaphore_mem>>) src(%dma_wait3A_355 : memref<128x128xf32, #tpu.memory_space<hbm>>) dst(%arg13 : memref<128x128xf32, #tpu.memory_space<vmem>>)
      %dma_start3A_356 = arith.constant 0 : i32
      %dma_start3A_357 = tpu.memref_slice %arg7[%sub3A_349, %dma_start3A_356] : memref<80x128xi32, #tpu.memory_space<vmem>> -> memref<1x128xi32, #tpu.memory_space<vmem>>
      %dma_start3A_358 = tpu.memref_squeeze %dma_start3A_357 : memref<1x128xi32, #tpu.memory_space<vmem>> -> memref<128xi32, #tpu.memory_space<vmem>>
      %dma_start3A_359 = arith.constant 0 : i32
      %dma_start3A_360 = arith.constant 0 : i32
      %dma_start3A_361 = tpu.memref_slice %arg14[%dma_start3A_359, %dma_start3A_360] : memref<10112x128xf32, #tpu.memory_space<vmem_shared>> -> memref<10112x128xf32, #tpu.memory_space<vmem_shared>>
      tpu.enqueue_indirect_dma source(%arg13 : memref<128x128xf32, #tpu.memory_space<vmem>>) target(%dma_start3A_361 : memref<10112x128xf32, #tpu.memory_space<vmem_shared>>) offsets(%dma_start3A_358 : memref<128xi32, #tpu.memory_space<vmem>>) semaphore(%arg22 : memref<!tpu.dma_semaphore, #tpu.memory_space<semaphore_mem>>) {add = true}
      %add3A_362 = arith.constant 4 : i32
      %add3A_363 = arith.addi %sub3A_349, %add3A_362 : i32
      %dma_start3A_364 = arith.constant 0 : i32
      %dma_start3A_365 = tpu.memref_slice %arg3[%add3A, %add3A_363, %dma_start3A_364] : memref<32x80x128xi32, #tpu.memory_space<hbm>> -> memref<1x1x128xi32, #tpu.memory_space<hbm>>
      %dma_start3A_366 = tpu.memref_squeeze %dma_start3A_365 : memref<1x1x128xi32, #tpu.memory_space<hbm>> -> memref<128xi32, #tpu.memory_space<hbm>>
      %dma_start3A_367 = arith.constant 0 : i32
      %dma_start3A_368 = tpu.memref_slice %arg3[%add3A, %add3A_363, %dma_start3A_367] : memref<32x80x128xi32, #tpu.memory_space<hbm>> -> memref<1x1x128xi32, #tpu.memory_space<hbm>>
      %dma_start3A_369 = tpu.memref_squeeze %dma_start3A_368 : memref<1x1x128xi32, #tpu.memory_space<hbm>> -> memref<128xi32, #tpu.memory_space<hbm>>
      tpu.enqueue_dma source(%dma_start3A_369 : memref<128xi32, #tpu.memory_space<hbm>>) target(%arg11 : memref<128xi32, #tpu.memory_space<vmem>>) target_semaphore(%arg18 : memref<!tpu.dma_semaphore, #tpu.memory_space<semaphore_mem>>)
      %dma_wait3A_370 = arith.constant 0 : i32
      %dma_wait3A_371 = arith.constant 0 : i32
      %dma_wait3A_372 = tpu.memref_slice %arg14[%dma_wait3A_370, %dma_wait3A_371] : memref<10112x128xf32, #tpu.memory_space<vmem_shared>> -> memref<128x128xf32, #tpu.memory_space<vmem_shared>>
      %dma_wait3A_373 = arith.constant 0 : i32
      %dma_wait3A_374 = arith.constant 0 : i32
      %dma_wait3A_375 = tpu.memref_slice %arg14[%dma_wait3A_373, %dma_wait3A_374] : memref<10112x128xf32, #tpu.memory_space<vmem_shared>> -> memref<128x128xf32, #tpu.memory_space<vmem_shared>>
      tpu.wait_dma2 semaphore(%arg22 : memref<!tpu.dma_semaphore, #tpu.memory_space<semaphore_mem>>) src(%arg13 : memref<128x128xf32, #tpu.memory_space<vmem>>) dst(%dma_wait3A_375 : memref<128x128xf32, #tpu.memory_space<vmem_shared>>)
      %dma_wait3A_376 = arith.constant 0 : i32
      %dma_wait3A_377 = arith.constant 0 : i32
      %dma_wait3A_378 = arith.constant 0 : i32
      %dma_wait3A_379 = tpu.memref_slice %arg3[%dma_wait3A_376, %dma_wait3A_377, %dma_wait3A_378] : memref<32x80x128xi32, #tpu.memory_space<hbm>> -> memref<1x1x128xi32, #tpu.memory_space<hbm>>
      %dma_wait3A_380 = tpu.memref_squeeze %dma_wait3A_379 : memref<1x1x128xi32, #tpu.memory_space<hbm>> -> memref<128xi32, #tpu.memory_space<hbm>>
      %dma_wait3A_381 = arith.constant 0 : i32
      %dma_wait3A_382 = tpu.memref_slice %arg3[%dma_wait3A_376, %dma_wait3A_377, %dma_wait3A_381] : memref<32x80x128xi32, #tpu.memory_space<hbm>> -> memref<1x1x128xi32, #tpu.memory_space<hbm>>
      %dma_wait3A_383 = tpu.memref_squeeze %dma_wait3A_382 : memref<1x1x128xi32, #tpu.memory_space<hbm>> -> memref<128xi32, #tpu.memory_space<hbm>>
      tpu.wait_dma2 semaphore(%arg16 : memref<!tpu.dma_semaphore, #tpu.memory_space<semaphore_mem>>) src(%dma_wait3A_383 : memref<128xi32, #tpu.memory_space<hbm>>) dst(%arg9 : memref<128xi32, #tpu.memory_space<vmem>>)
      %dma_start3A_384 = arith.constant 0 : i32
      %dma_start3A_385 = arith.constant 0 : i32
      %dma_start3A_386 = tpu.memref_slice %arg2[%dma_start3A_384, %dma_start3A_385] : memref<10000x128xf32, #tpu.memory_space<hbm>> -> memref<10000x128xf32, #tpu.memory_space<hbm>>
      tpu.enqueue_indirect_dma source(%dma_start3A_386 : memref<10000x128xf32, #tpu.memory_space<hbm>>) target(%arg13 : memref<128x128xf32, #tpu.memory_space<vmem>>) offsets(%arg9 : memref<128xi32, #tpu.memory_space<vmem>>) semaphore(%arg20 : memref<!tpu.dma_semaphore, #tpu.memory_space<semaphore_mem>>)
      %add3A_387 = arith.constant 2 : i32
      %add3A_388 = arith.addi %mul3A_305, %add3A_387 : i32
      %sub3A_389 = arith.constant 2 : i32
      %sub3A_390 = arith.subi %add3A_388, %sub3A_389 : i32
      %dma_wait3A_391 = arith.constant 0 : i32
      %dma_wait3A_392 = arith.constant 0 : i32
      %dma_wait3A_393 = tpu.memref_slice %arg2[%dma_wait3A_391, %dma_wait3A_392] : memref<10000x128xf32, #tpu.memory_space<hbm>> -> memref<128x128xf32, #tpu.memory_space<hbm>>
      %dma_wait3A_394 = arith.constant 0 : i32
      %dma_wait3A_395 = arith.constant 0 : i32
      %dma_wait3A_396 = tpu.memref_slice %arg2[%dma_wait3A_394, %dma_wait3A_395] : memref<10000x128xf32, #tpu.memory_space<hbm>> -> memref<128x128xf32, #tpu.memory_space<hbm>>
      tpu.wait_dma2 semaphore(%arg19 : memref<!tpu.dma_semaphore, #tpu.memory_space<semaphore_mem>>) src(%dma_wait3A_396 : memref<128x128xf32, #tpu.memory_space<hbm>>) dst(%arg12 : memref<128x128xf32, #tpu.memory_space<vmem>>)
      %dma_start3A_397 = arith.constant 0 : i32
      %dma_start3A_398 = tpu.memref_slice %arg7[%sub3A_390, %dma_start3A_397] : memref<80x128xi32, #tpu.memory_space<vmem>> -> memref<1x128xi32, #tpu.memory_space<vmem>>
      %dma_start3A_399 = tpu.memref_squeeze %dma_start3A_398 : memref<1x128xi32, #tpu.memory_space<vmem>> -> memref<128xi32, #tpu.memory_space<vmem>>
      %dma_start3A_400 = arith.constant 0 : i32
      %dma_start3A_401 = arith.constant 0 : i32
      %dma_start3A_402 = tpu.memref_slice %arg14[%dma_start3A_400, %dma_start3A_401] : memref<10112x128xf32, #tpu.memory_space<vmem_shared>> -> memref<10112x128xf32, #tpu.memory_space<vmem_shared>>
      tpu.enqueue_indirect_dma source(%arg12 : memref<128x128xf32, #tpu.memory_space<vmem>>) target(%dma_start3A_402 : memref<10112x128xf32, #tpu.memory_space<vmem_shared>>) offsets(%dma_start3A_399 : memref<128xi32, #tpu.memory_space<vmem>>) semaphore(%arg21 : memref<!tpu.dma_semaphore, #tpu.memory_space<semaphore_mem>>) {add = true}
      %add3A_403 = arith.constant 4 : i32
      %add3A_404 = arith.addi %sub3A_390, %add3A_403 : i32
      %dma_start3A_405 = arith.constant 0 : i32
      %dma_start3A_406 = tpu.memref_slice %arg3[%add3A, %add3A_404, %dma_start3A_405] : memref<32x80x128xi32, #tpu.memory_space<hbm>> -> memref<1x1x128xi32, #tpu.memory_space<hbm>>
      %dma_start3A_407 = tpu.memref_squeeze %dma_start3A_406 : memref<1x1x128xi32, #tpu.memory_space<hbm>> -> memref<128xi32, #tpu.memory_space<hbm>>
      %dma_start3A_408 = arith.constant 0 : i32
      %dma_start3A_409 = tpu.memref_slice %arg3[%add3A, %add3A_404, %dma_start3A_408] : memref<32x80x128xi32, #tpu.memory_space<hbm>> -> memref<1x1x128xi32, #tpu.memory_space<hbm>>
      %dma_start3A_410 = tpu.memref_squeeze %dma_start3A_409 : memref<1x1x128xi32, #tpu.memory_space<hbm>> -> memref<128xi32, #tpu.memory_space<hbm>>
      tpu.enqueue_dma source(%dma_start3A_410 : memref<128xi32, #tpu.memory_space<hbm>>) target(%arg8 : memref<128xi32, #tpu.memory_space<vmem>>) target_semaphore(%arg15 : memref<!tpu.dma_semaphore, #tpu.memory_space<semaphore_mem>>)
      %dma_wait3A_411 = arith.constant 0 : i32
      %dma_wait3A_412 = arith.constant 0 : i32
      %dma_wait3A_413 = tpu.memref_slice %arg14[%dma_wait3A_411, %dma_wait3A_412] : memref<10112x128xf32, #tpu.memory_space<vmem_shared>> -> memref<128x128xf32, #tpu.memory_space<vmem_shared>>
      %dma_wait3A_414 = arith.constant 0 : i32
      %dma_wait3A_415 = arith.constant 0 : i32
      %dma_wait3A_416 = tpu.memref_slice %arg14[%dma_wait3A_414, %dma_wait3A_415] : memref<10112x128xf32, #tpu.memory_space<vmem_shared>> -> memref<128x128xf32, #tpu.memory_space<vmem_shared>>
      tpu.wait_dma2 semaphore(%arg21 : memref<!tpu.dma_semaphore, #tpu.memory_space<semaphore_mem>>) src(%arg12 : memref<128x128xf32, #tpu.memory_space<vmem>>) dst(%dma_wait3A_416 : memref<128x128xf32, #tpu.memory_space<vmem_shared>>)
      %dma_wait3A_417 = arith.constant 0 : i32
      %dma_wait3A_418 = arith.constant 0 : i32
      %dma_wait3A_419 = arith.constant 0 : i32
      %dma_wait3A_420 = tpu.memref_slice %arg3[%dma_wait3A_417, %dma_wait3A_418, %dma_wait3A_419] : memref<32x80x128xi32, #tpu.memory_space<hbm>> -> memref<1x1x128xi32, #tpu.memory_space<hbm>>
      %dma_wait3A_421 = tpu.memref_squeeze %dma_wait3A_420 : memref<1x1x128xi32, #tpu.memory_space<hbm>> -> memref<128xi32, #tpu.memory_space<hbm>>
      %dma_wait3A_422 = arith.constant 0 : i32
      %dma_wait3A_423 = tpu.memref_slice %arg3[%dma_wait3A_417, %dma_wait3A_418, %dma_wait3A_422] : memref<32x80x128xi32, #tpu.memory_space<hbm>> -> memref<1x1x128xi32, #tpu.memory_space<hbm>>
      %dma_wait3A_424 = tpu.memref_squeeze %dma_wait3A_423 : memref<1x1x128xi32, #tpu.memory_space<hbm>> -> memref<128xi32, #tpu.memory_space<hbm>>
      tpu.wait_dma2 semaphore(%arg17 : memref<!tpu.dma_semaphore, #tpu.memory_space<semaphore_mem>>) src(%dma_wait3A_424 : memref<128xi32, #tpu.memory_space<hbm>>) dst(%arg10 : memref<128xi32, #tpu.memory_space<vmem>>)
      %dma_start3A_425 = arith.constant 0 : i32
      %dma_start3A_426 = arith.constant 0 : i32
      %dma_start3A_427 = tpu.memref_slice %arg2[%dma_start3A_425, %dma_start3A_426] : memref<10000x128xf32, #tpu.memory_space<hbm>> -> memref<10000x128xf32, #tpu.memory_space<hbm>>
      tpu.enqueue_indirect_dma source(%dma_start3A_427 : memref<10000x128xf32, #tpu.memory_space<hbm>>) target(%arg12 : memref<128x128xf32, #tpu.memory_space<vmem>>) offsets(%arg10 : memref<128xi32, #tpu.memory_space<vmem>>) semaphore(%arg19 : memref<!tpu.dma_semaphore, #tpu.memory_space<semaphore_mem>>)
      %add3A_428 = arith.constant 3 : i32
      %add3A_429 = arith.addi %mul3A_305, %add3A_428 : i32
      %sub3A_430 = arith.constant 2 : i32
      %sub3A_431 = arith.subi %add3A_429, %sub3A_430 : i32
      %dma_wait3A_432 = arith.constant 0 : i32
      %dma_wait3A_433 = arith.constant 0 : i32
      %dma_wait3A_434 = tpu.memref_slice %arg2[%dma_wait3A_432, %dma_wait3A_433] : memref<10000x128xf32, #tpu.memory_space<hbm>> -> memref<128x128xf32, #tpu.memory_space<hbm>>
      %dma_wait3A_435 = arith.constant 0 : i32
      %dma_wait3A_436 = arith.constant 0 : i32
      %dma_wait3A_437 = tpu.memref_slice %arg2[%dma_wait3A_435, %dma_wait3A_436] : memref<10000x128xf32, #tpu.memory_space<hbm>> -> memref<128x128xf32, #tpu.memory_space<hbm>>
      tpu.wait_dma2 semaphore(%arg20 : memref<!tpu.dma_semaphore, #tpu.memory_space<semaphore_mem>>) src(%dma_wait3A_437 : memref<128x128xf32, #tpu.memory_space<hbm>>) dst(%arg13 : memref<128x128xf32, #tpu.memory_space<vmem>>)
      %dma_start3A_438 = arith.constant 0 : i32
      %dma_start3A_439 = tpu.memref_slice %arg7[%sub3A_431, %dma_start3A_438] : memref<80x128xi32, #tpu.memory_space<vmem>> -> memref<1x128xi32, #tpu.memory_space<vmem>>
      %dma_start3A_440 = tpu.memref_squeeze %dma_start3A_439 : memref<1x128xi32, #tpu.memory_space<vmem>> -> memref<128xi32, #tpu.memory_space<vmem>>
      %dma_start3A_441 = arith.constant 0 : i32
      %dma_start3A_442 = arith.constant 0 : i32
      %dma_start3A_443 = tpu.memref_slice %arg14[%dma_start3A_441, %dma_start3A_442] : memref<10112x128xf32, #tpu.memory_space<vmem_shared>> -> memref<10112x128xf32, #tpu.memory_space<vmem_shared>>
      tpu.enqueue_indirect_dma source(%arg13 : memref<128x128xf32, #tpu.memory_space<vmem>>) target(%dma_start3A_443 : memref<10112x128xf32, #tpu.memory_space<vmem_shared>>) offsets(%dma_start3A_440 : memref<128xi32, #tpu.memory_space<vmem>>) semaphore(%arg22 : memref<!tpu.dma_semaphore, #tpu.memory_space<semaphore_mem>>) {add = true}
      %add3A_444 = arith.constant 4 : i32
      %add3A_445 = arith.addi %sub3A_431, %add3A_444 : i32
      %dma_start3A_446 = arith.constant 0 : i32
      %dma_start3A_447 = tpu.memref_slice %arg3[%add3A, %add3A_445, %dma_start3A_446] : memref<32x80x128xi32, #tpu.memory_space<hbm>> -> memref<1x1x128xi32, #tpu.memory_space<hbm>>
      %dma_start3A_448 = tpu.memref_squeeze %dma_start3A_447 : memref<1x1x128xi32, #tpu.memory_space<hbm>> -> memref<128xi32, #tpu.memory_space<hbm>>
      %dma_start3A_449 = arith.constant 0 : i32
      %dma_start3A_450 = tpu.memref_slice %arg3[%add3A, %add3A_445, %dma_start3A_449] : memref<32x80x128xi32, #tpu.memory_space<hbm>> -> memref<1x1x128xi32, #tpu.memory_space<hbm>>
      %dma_start3A_451 = tpu.memref_squeeze %dma_start3A_450 : memref<1x1x128xi32, #tpu.memory_space<hbm>> -> memref<128xi32, #tpu.memory_space<hbm>>
      tpu.enqueue_dma source(%dma_start3A_451 : memref<128xi32, #tpu.memory_space<hbm>>) target(%arg9 : memref<128xi32, #tpu.memory_space<vmem>>) target_semaphore(%arg16 : memref<!tpu.dma_semaphore, #tpu.memory_space<semaphore_mem>>)
      %dma_wait3A_452 = arith.constant 0 : i32
      %dma_wait3A_453 = arith.constant 0 : i32
      %dma_wait3A_454 = tpu.memref_slice %arg14[%dma_wait3A_452, %dma_wait3A_453] : memref<10112x128xf32, #tpu.memory_space<vmem_shared>> -> memref<128x128xf32, #tpu.memory_space<vmem_shared>>
      %dma_wait3A_455 = arith.constant 0 : i32
      %dma_wait3A_456 = arith.constant 0 : i32
      %dma_wait3A_457 = tpu.memref_slice %arg14[%dma_wait3A_455, %dma_wait3A_456] : memref<10112x128xf32, #tpu.memory_space<vmem_shared>> -> memref<128x128xf32, #tpu.memory_space<vmem_shared>>
      tpu.wait_dma2 semaphore(%arg22 : memref<!tpu.dma_semaphore, #tpu.memory_space<semaphore_mem>>) src(%arg13 : memref<128x128xf32, #tpu.memory_space<vmem>>) dst(%dma_wait3A_457 : memref<128x128xf32, #tpu.memory_space<vmem_shared>>)
      %dma_wait3A_458 = arith.constant 0 : i32
      %dma_wait3A_459 = arith.constant 0 : i32
      %dma_wait3A_460 = arith.constant 0 : i32
      %dma_wait3A_461 = tpu.memref_slice %arg3[%dma_wait3A_458, %dma_wait3A_459, %dma_wait3A_460] : memref<32x80x128xi32, #tpu.memory_space<hbm>> -> memref<1x1x128xi32, #tpu.memory_space<hbm>>
      %dma_wait3A_462 = tpu.memref_squeeze %dma_wait3A_461 : memref<1x1x128xi32, #tpu.memory_space<hbm>> -> memref<128xi32, #tpu.memory_space<hbm>>
      %dma_wait3A_463 = arith.constant 0 : i32
      %dma_wait3A_464 = tpu.memref_slice %arg3[%dma_wait3A_458, %dma_wait3A_459, %dma_wait3A_463] : memref<32x80x128xi32, #tpu.memory_space<hbm>> -> memref<1x1x128xi32, #tpu.memory_space<hbm>>
      %dma_wait3A_465 = tpu.memref_squeeze %dma_wait3A_464 : memref<1x1x128xi32, #tpu.memory_space<hbm>> -> memref<128xi32, #tpu.memory_space<hbm>>
      tpu.wait_dma2 semaphore(%arg18 : memref<!tpu.dma_semaphore, #tpu.memory_space<semaphore_mem>>) src(%dma_wait3A_465 : memref<128xi32, #tpu.memory_space<hbm>>) dst(%arg11 : memref<128xi32, #tpu.memory_space<vmem>>)
      %dma_start3A_466 = arith.constant 0 : i32
      %dma_start3A_467 = arith.constant 0 : i32
      %dma_start3A_468 = tpu.memref_slice %arg2[%dma_start3A_466, %dma_start3A_467] : memref<10000x128xf32, #tpu.memory_space<hbm>> -> memref<10000x128xf32, #tpu.memory_space<hbm>>
      tpu.enqueue_indirect_dma source(%dma_start3A_468 : memref<10000x128xf32, #tpu.memory_space<hbm>>) target(%arg13 : memref<128x128xf32, #tpu.memory_space<vmem>>) offsets(%arg11 : memref<128xi32, #tpu.memory_space<vmem>>) semaphore(%arg20 : memref<!tpu.dma_semaphore, #tpu.memory_space<semaphore_mem>>)
    }
    %scan3A_129 = arith.constant 18 : i32
    %dma_wait3A_130 = arith.constant 0 : i32
    %dma_wait3A_131 = arith.constant 0 : i32
    %dma_wait3A_132 = tpu.memref_slice %arg2[%dma_wait3A_130, %dma_wait3A_131] : memref<10000x128xf32, #tpu.memory_space<hbm>> -> memref<128x128xf32, #tpu.memory_space<hbm>>
    %dma_wait3A_133 = arith.constant 0 : i32
    %dma_wait3A_134 = arith.constant 0 : i32
    %dma_wait3A_135 = tpu.memref_slice %arg2[%dma_wait3A_133, %dma_wait3A_134] : memref<10000x128xf32, #tpu.memory_space<hbm>> -> memref<128x128xf32, #tpu.memory_space<hbm>>
    tpu.wait_dma2 semaphore(%arg19 : memref<!tpu.dma_semaphore, #tpu.memory_space<semaphore_mem>>) src(%dma_wait3A_135 : memref<128x128xf32, #tpu.memory_space<hbm>>) dst(%arg12 : memref<128x128xf32, #tpu.memory_space<vmem>>)
    %dma_start3A_136 = arith.constant 74 : i32
    %dma_start3A_137 = arith.constant 0 : i32
    %dma_start3A_138 = tpu.memref_slice %arg7[%dma_start3A_136, %dma_start3A_137] : memref<80x128xi32, #tpu.memory_space<vmem>> -> memref<1x128xi32, #tpu.memory_space<vmem>>
    %dma_start3A_139 = tpu.memref_squeeze %dma_start3A_138 : memref<1x128xi32, #tpu.memory_space<vmem>> -> memref<128xi32, #tpu.memory_space<vmem>>
    %dma_start3A_140 = arith.constant 0 : i32
    %dma_start3A_141 = arith.constant 0 : i32
    %dma_start3A_142 = tpu.memref_slice %arg14[%dma_start3A_140, %dma_start3A_141] : memref<10112x128xf32, #tpu.memory_space<vmem_shared>> -> memref<10112x128xf32, #tpu.memory_space<vmem_shared>>
    tpu.enqueue_indirect_dma source(%arg12 : memref<128x128xf32, #tpu.memory_space<vmem>>) target(%dma_start3A_142 : memref<10112x128xf32, #tpu.memory_space<vmem_shared>>) offsets(%dma_start3A_139 : memref<128xi32, #tpu.memory_space<vmem>>) semaphore(%arg21 : memref<!tpu.dma_semaphore, #tpu.memory_space<semaphore_mem>>) {add = true}
    %dma_start3A_143 = arith.constant 78 : i32
    %dma_start3A_144 = arith.constant 0 : i32
    %dma_start3A_145 = tpu.memref_slice %arg3[%add3A, %dma_start3A_143, %dma_start3A_144] : memref<32x80x128xi32, #tpu.memory_space<hbm>> -> memref<1x1x128xi32, #tpu.memory_space<hbm>>
    %dma_start3A_146 = tpu.memref_squeeze %dma_start3A_145 : memref<1x1x128xi32, #tpu.memory_space<hbm>> -> memref<128xi32, #tpu.memory_space<hbm>>
    %dma_start3A_147 = arith.constant 0 : i32
    %dma_start3A_148 = tpu.memref_slice %arg3[%add3A, %dma_start3A_143, %dma_start3A_147] : memref<32x80x128xi32, #tpu.memory_space<hbm>> -> memref<1x1x128xi32, #tpu.memory_space<hbm>>
    %dma_start3A_149 = tpu.memref_squeeze %dma_start3A_148 : memref<1x1x128xi32, #tpu.memory_space<hbm>> -> memref<128xi32, #tpu.memory_space<hbm>>
    tpu.enqueue_dma source(%dma_start3A_149 : memref<128xi32, #tpu.memory_space<hbm>>) target(%arg10 : memref<128xi32, #tpu.memory_space<vmem>>) target_semaphore(%arg17 : memref<!tpu.dma_semaphore, #tpu.memory_space<semaphore_mem>>)
    %dma_wait3A_150 = arith.constant 0 : i32
    %dma_wait3A_151 = arith.constant 0 : i32
    %dma_wait3A_152 = tpu.memref_slice %arg14[%dma_wait3A_150, %dma_wait3A_151] : memref<10112x128xf32, #tpu.memory_space<vmem_shared>> -> memref<128x128xf32, #tpu.memory_space<vmem_shared>>
    %dma_wait3A_153 = arith.constant 0 : i32
    %dma_wait3A_154 = arith.constant 0 : i32
    %dma_wait3A_155 = tpu.memref_slice %arg14[%dma_wait3A_153, %dma_wait3A_154] : memref<10112x128xf32, #tpu.memory_space<vmem_shared>> -> memref<128x128xf32, #tpu.memory_space<vmem_shared>>
    tpu.wait_dma2 semaphore(%arg21 : memref<!tpu.dma_semaphore, #tpu.memory_space<semaphore_mem>>) src(%arg12 : memref<128x128xf32, #tpu.memory_space<vmem>>) dst(%dma_wait3A_155 : memref<128x128xf32, #tpu.memory_space<vmem_shared>>)
    %dma_wait3A_156 = arith.constant 0 : i32
    %dma_wait3A_157 = arith.constant 0 : i32
    %dma_wait3A_158 = arith.constant 0 : i32
    %dma_wait3A_159 = tpu.memref_slice %arg3[%dma_wait3A_156, %dma_wait3A_157, %dma_wait3A_158] : memref<32x80x128xi32, #tpu.memory_space<hbm>> -> memref<1x1x128xi32, #tpu.memory_space<hbm>>
    %dma_wait3A_160 = tpu.memref_squeeze %dma_wait3A_159 : memref<1x1x128xi32, #tpu.memory_space<hbm>> -> memref<128xi32, #tpu.memory_space<hbm>>
    %dma_wait3A_161 = arith.constant 0 : i32
    %dma_wait3A_162 = tpu.memref_slice %arg3[%dma_wait3A_156, %dma_wait3A_157, %dma_wait3A_161] : memref<32x80x128xi32, #tpu.memory_space<hbm>> -> memref<1x1x128xi32, #tpu.memory_space<hbm>>
    %dma_wait3A_163 = tpu.memref_squeeze %dma_wait3A_162 : memref<1x1x128xi32, #tpu.memory_space<hbm>> -> memref<128xi32, #tpu.memory_space<hbm>>
    tpu.wait_dma2 semaphore(%arg15 : memref<!tpu.dma_semaphore, #tpu.memory_space<semaphore_mem>>) src(%dma_wait3A_163 : memref<128xi32, #tpu.memory_space<hbm>>) dst(%arg8 : memref<128xi32, #tpu.memory_space<vmem>>)
    %dma_start3A_164 = arith.constant 0 : i32
    %dma_start3A_165 = arith.constant 0 : i32
    %dma_start3A_166 = tpu.memref_slice %arg2[%dma_start3A_164, %dma_start3A_165] : memref<10000x128xf32, #tpu.memory_space<hbm>> -> memref<10000x128xf32, #tpu.memory_space<hbm>>
    tpu.enqueue_indirect_dma source(%dma_start3A_166 : memref<10000x128xf32, #tpu.memory_space<hbm>>) target(%arg12 : memref<128x128xf32, #tpu.memory_space<vmem>>) offsets(%arg8 : memref<128xi32, #tpu.memory_space<vmem>>) semaphore(%arg19 : memref<!tpu.dma_semaphore, #tpu.memory_space<semaphore_mem>>)
    %dma_wait3A_167 = arith.constant 0 : i32
    %dma_wait3A_168 = arith.constant 0 : i32
    %dma_wait3A_169 = tpu.memref_slice %arg2[%dma_wait3A_167, %dma_wait3A_168] : memref<10000x128xf32, #tpu.memory_space<hbm>> -> memref<128x128xf32, #tpu.memory_space<hbm>>
    %dma_wait3A_170 = arith.constant 0 : i32
    %dma_wait3A_171 = arith.constant 0 : i32
    %dma_wait3A_172 = tpu.memref_slice %arg2[%dma_wait3A_170, %dma_wait3A_171] : memref<10000x128xf32, #tpu.memory_space<hbm>> -> memref<128x128xf32, #tpu.memory_space<hbm>>
    tpu.wait_dma2 semaphore(%arg20 : memref<!tpu.dma_semaphore, #tpu.memory_space<semaphore_mem>>) src(%dma_wait3A_172 : memref<128x128xf32, #tpu.memory_space<hbm>>) dst(%arg13 : memref<128x128xf32, #tpu.memory_space<vmem>>)
    %dma_start3A_173 = arith.constant 75 : i32
    %dma_start3A_174 = arith.constant 0 : i32
    %dma_start3A_175 = tpu.memref_slice %arg7[%dma_start3A_173, %dma_start3A_174] : memref<80x128xi32, #tpu.memory_space<vmem>> -> memref<1x128xi32, #tpu.memory_space<vmem>>
    %dma_start3A_176 = tpu.memref_squeeze %dma_start3A_175 : memref<1x128xi32, #tpu.memory_space<vmem>> -> memref<128xi32, #tpu.memory_space<vmem>>
    %dma_start3A_177 = arith.constant 0 : i32
    %dma_start3A_178 = arith.constant 0 : i32
    %dma_start3A_179 = tpu.memref_slice %arg14[%dma_start3A_177, %dma_start3A_178] : memref<10112x128xf32, #tpu.memory_space<vmem_shared>> -> memref<10112x128xf32, #tpu.memory_space<vmem_shared>>
    tpu.enqueue_indirect_dma source(%arg13 : memref<128x128xf32, #tpu.memory_space<vmem>>) target(%dma_start3A_179 : memref<10112x128xf32, #tpu.memory_space<vmem_shared>>) offsets(%dma_start3A_176 : memref<128xi32, #tpu.memory_space<vmem>>) semaphore(%arg22 : memref<!tpu.dma_semaphore, #tpu.memory_space<semaphore_mem>>) {add = true}
    %dma_start3A_180 = arith.constant 79 : i32
    %dma_start3A_181 = arith.constant 0 : i32
    %dma_start3A_182 = tpu.memref_slice %arg3[%add3A, %dma_start3A_180, %dma_start3A_181] : memref<32x80x128xi32, #tpu.memory_space<hbm>> -> memref<1x1x128xi32, #tpu.memory_space<hbm>>
    %dma_start3A_183 = tpu.memref_squeeze %dma_start3A_182 : memref<1x1x128xi32, #tpu.memory_space<hbm>> -> memref<128xi32, #tpu.memory_space<hbm>>
    %dma_start3A_184 = arith.constant 0 : i32
    %dma_start3A_185 = tpu.memref_slice %arg3[%add3A, %dma_start3A_180, %dma_start3A_184] : memref<32x80x128xi32, #tpu.memory_space<hbm>> -> memref<1x1x128xi32, #tpu.memory_space<hbm>>
    %dma_start3A_186 = tpu.memref_squeeze %dma_start3A_185 : memref<1x1x128xi32, #tpu.memory_space<hbm>> -> memref<128xi32, #tpu.memory_space<hbm>>
    tpu.enqueue_dma source(%dma_start3A_186 : memref<128xi32, #tpu.memory_space<hbm>>) target(%arg11 : memref<128xi32, #tpu.memory_space<vmem>>) target_semaphore(%arg18 : memref<!tpu.dma_semaphore, #tpu.memory_space<semaphore_mem>>)
    %dma_wait3A_187 = arith.constant 0 : i32
    %dma_wait3A_188 = arith.constant 0 : i32
    %dma_wait3A_189 = tpu.memref_slice %arg14[%dma_wait3A_187, %dma_wait3A_188] : memref<10112x128xf32, #tpu.memory_space<vmem_shared>> -> memref<128x128xf32, #tpu.memory_space<vmem_shared>>
    %dma_wait3A_190 = arith.constant 0 : i32
    %dma_wait3A_191 = arith.constant 0 : i32
    %dma_wait3A_192 = tpu.memref_slice %arg14[%dma_wait3A_190, %dma_wait3A_191] : memref<10112x128xf32, #tpu.memory_space<vmem_shared>> -> memref<128x128xf32, #tpu.memory_space<vmem_shared>>
    tpu.wait_dma2 semaphore(%arg22 : memref<!tpu.dma_semaphore, #tpu.memory_space<semaphore_mem>>) src(%arg13 : memref<128x128xf32, #tpu.memory_space<vmem>>) dst(%dma_wait3A_192 : memref<128x128xf32, #tpu.memory_space<vmem_shared>>)
    %dma_wait3A_193 = arith.constant 0 : i32
    %dma_wait3A_194 = arith.constant 0 : i32
    %dma_wait3A_195 = arith.constant 0 : i32
    %dma_wait3A_196 = tpu.memref_slice %arg3[%dma_wait3A_193, %dma_wait3A_194, %dma_wait3A_195] : memref<32x80x128xi32, #tpu.memory_space<hbm>> -> memref<1x1x128xi32, #tpu.memory_space<hbm>>
    %dma_wait3A_197 = tpu.memref_squeeze %dma_wait3A_196 : memref<1x1x128xi32, #tpu.memory_space<hbm>> -> memref<128xi32, #tpu.memory_space<hbm>>
    %dma_wait3A_198 = arith.constant 0 : i32
    %dma_wait3A_199 = tpu.memref_slice %arg3[%dma_wait3A_193, %dma_wait3A_194, %dma_wait3A_198] : memref<32x80x128xi32, #tpu.memory_space<hbm>> -> memref<1x1x128xi32, #tpu.memory_space<hbm>>
    %dma_wait3A_200 = tpu.memref_squeeze %dma_wait3A_199 : memref<1x1x128xi32, #tpu.memory_space<hbm>> -> memref<128xi32, #tpu.memory_space<hbm>>
    tpu.wait_dma2 semaphore(%arg16 : memref<!tpu.dma_semaphore, #tpu.memory_space<semaphore_mem>>) src(%dma_wait3A_200 : memref<128xi32, #tpu.memory_space<hbm>>) dst(%arg9 : memref<128xi32, #tpu.memory_space<vmem>>)
    %dma_start3A_201 = arith.constant 0 : i32
    %dma_start3A_202 = arith.constant 0 : i32
    %dma_start3A_203 = tpu.memref_slice %arg2[%dma_start3A_201, %dma_start3A_202] : memref<10000x128xf32, #tpu.memory_space<hbm>> -> memref<10000x128xf32, #tpu.memory_space<hbm>>
    tpu.enqueue_indirect_dma source(%dma_start3A_203 : memref<10000x128xf32, #tpu.memory_space<hbm>>) target(%arg13 : memref<128x128xf32, #tpu.memory_space<vmem>>) offsets(%arg9 : memref<128xi32, #tpu.memory_space<vmem>>) semaphore(%arg20 : memref<!tpu.dma_semaphore, #tpu.memory_space<semaphore_mem>>)
    %dma_wait3A_204 = arith.constant 0 : i32
    %dma_wait3A_205 = arith.constant 0 : i32
    %dma_wait3A_206 = tpu.memref_slice %arg2[%dma_wait3A_204, %dma_wait3A_205] : memref<10000x128xf32, #tpu.memory_space<hbm>> -> memref<128x128xf32, #tpu.memory_space<hbm>>
    %dma_wait3A_207 = arith.constant 0 : i32
    %dma_wait3A_208 = arith.constant 0 : i32
    %dma_wait3A_209 = tpu.memref_slice %arg2[%dma_wait3A_207, %dma_wait3A_208] : memref<10000x128xf32, #tpu.memory_space<hbm>> -> memref<128x128xf32, #tpu.memory_space<hbm>>
    tpu.wait_dma2 semaphore(%arg19 : memref<!tpu.dma_semaphore, #tpu.memory_space<semaphore_mem>>) src(%dma_wait3A_209 : memref<128x128xf32, #tpu.memory_space<hbm>>) dst(%arg12 : memref<128x128xf32, #tpu.memory_space<vmem>>)
    %dma_start3A_210 = arith.constant 76 : i32
    %dma_start3A_211 = arith.constant 0 : i32
    %dma_start3A_212 = tpu.memref_slice %arg7[%dma_start3A_210, %dma_start3A_211] : memref<80x128xi32, #tpu.memory_space<vmem>> -> memref<1x128xi32, #tpu.memory_space<vmem>>
    %dma_start3A_213 = tpu.memref_squeeze %dma_start3A_212 : memref<1x128xi32, #tpu.memory_space<vmem>> -> memref<128xi32, #tpu.memory_space<vmem>>
    %dma_start3A_214 = arith.constant 0 : i32
    %dma_start3A_215 = arith.constant 0 : i32
    %dma_start3A_216 = tpu.memref_slice %arg14[%dma_start3A_214, %dma_start3A_215] : memref<10112x128xf32, #tpu.memory_space<vmem_shared>> -> memref<10112x128xf32, #tpu.memory_space<vmem_shared>>
    tpu.enqueue_indirect_dma source(%arg12 : memref<128x128xf32, #tpu.memory_space<vmem>>) target(%dma_start3A_216 : memref<10112x128xf32, #tpu.memory_space<vmem_shared>>) offsets(%dma_start3A_213 : memref<128xi32, #tpu.memory_space<vmem>>) semaphore(%arg21 : memref<!tpu.dma_semaphore, #tpu.memory_space<semaphore_mem>>) {add = true}
    %dma_wait3A_217 = arith.constant 0 : i32
    %dma_wait3A_218 = arith.constant 0 : i32
    %dma_wait3A_219 = tpu.memref_slice %arg14[%dma_wait3A_217, %dma_wait3A_218] : memref<10112x128xf32, #tpu.memory_space<vmem_shared>> -> memref<128x128xf32, #tpu.memory_space<vmem_shared>>
    %dma_wait3A_220 = arith.constant 0 : i32
    %dma_wait3A_221 = arith.constant 0 : i32
    %dma_wait3A_222 = tpu.memref_slice %arg14[%dma_wait3A_220, %dma_wait3A_221] : memref<10112x128xf32, #tpu.memory_space<vmem_shared>> -> memref<128x128xf32, #tpu.memory_space<vmem_shared>>
    tpu.wait_dma2 semaphore(%arg21 : memref<!tpu.dma_semaphore, #tpu.memory_space<semaphore_mem>>) src(%arg12 : memref<128x128xf32, #tpu.memory_space<vmem>>) dst(%dma_wait3A_222 : memref<128x128xf32, #tpu.memory_space<vmem_shared>>)
    %dma_wait3A_223 = arith.constant 0 : i32
    %dma_wait3A_224 = arith.constant 0 : i32
    %dma_wait3A_225 = arith.constant 0 : i32
    %dma_wait3A_226 = tpu.memref_slice %arg3[%dma_wait3A_223, %dma_wait3A_224, %dma_wait3A_225] : memref<32x80x128xi32, #tpu.memory_space<hbm>> -> memref<1x1x128xi32, #tpu.memory_space<hbm>>
    %dma_wait3A_227 = tpu.memref_squeeze %dma_wait3A_226 : memref<1x1x128xi32, #tpu.memory_space<hbm>> -> memref<128xi32, #tpu.memory_space<hbm>>
    %dma_wait3A_228 = arith.constant 0 : i32
    %dma_wait3A_229 = tpu.memref_slice %arg3[%dma_wait3A_223, %dma_wait3A_224, %dma_wait3A_228] : memref<32x80x128xi32, #tpu.memory_space<hbm>> -> memref<1x1x128xi32, #tpu.memory_space<hbm>>
    %dma_wait3A_230 = tpu.memref_squeeze %dma_wait3A_229 : memref<1x1x128xi32, #tpu.memory_space<hbm>> -> memref<128xi32, #tpu.memory_space<hbm>>
    tpu.wait_dma2 semaphore(%arg17 : memref<!tpu.dma_semaphore, #tpu.memory_space<semaphore_mem>>) src(%dma_wait3A_230 : memref<128xi32, #tpu.memory_space<hbm>>) dst(%arg10 : memref<128xi32, #tpu.memory_space<vmem>>)
    %dma_start3A_231 = arith.constant 0 : i32
    %dma_start3A_232 = arith.constant 0 : i32
    %dma_start3A_233 = tpu.memref_slice %arg2[%dma_start3A_231, %dma_start3A_232] : memref<10000x128xf32, #tpu.memory_space<hbm>> -> memref<10000x128xf32, #tpu.memory_space<hbm>>
    tpu.enqueue_indirect_dma source(%dma_start3A_233 : memref<10000x128xf32, #tpu.memory_space<hbm>>) target(%arg12 : memref<128x128xf32, #tpu.memory_space<vmem>>) offsets(%arg10 : memref<128xi32, #tpu.memory_space<vmem>>) semaphore(%arg19 : memref<!tpu.dma_semaphore, #tpu.memory_space<semaphore_mem>>)
    %dma_wait3A_234 = arith.constant 0 : i32
    %dma_wait3A_235 = arith.constant 0 : i32
    %dma_wait3A_236 = tpu.memref_slice %arg2[%dma_wait3A_234, %dma_wait3A_235] : memref<10000x128xf32, #tpu.memory_space<hbm>> -> memref<128x128xf32, #tpu.memory_space<hbm>>
    %dma_wait3A_237 = arith.constant 0 : i32
    %dma_wait3A_238 = arith.constant 0 : i32
    %dma_wait3A_239 = tpu.memref_slice %arg2[%dma_wait3A_237, %dma_wait3A_238] : memref<10000x128xf32, #tpu.memory_space<hbm>> -> memref<128x128xf32, #tpu.memory_space<hbm>>
    tpu.wait_dma2 semaphore(%arg20 : memref<!tpu.dma_semaphore, #tpu.memory_space<semaphore_mem>>) src(%dma_wait3A_239 : memref<128x128xf32, #tpu.memory_space<hbm>>) dst(%arg13 : memref<128x128xf32, #tpu.memory_space<vmem>>)
    %dma_start3A_240 = arith.constant 77 : i32
    %dma_start3A_241 = arith.constant 0 : i32
    %dma_start3A_242 = tpu.memref_slice %arg7[%dma_start3A_240, %dma_start3A_241] : memref<80x128xi32, #tpu.memory_space<vmem>> -> memref<1x128xi32, #tpu.memory_space<vmem>>
    %dma_start3A_243 = tpu.memref_squeeze %dma_start3A_242 : memref<1x128xi32, #tpu.memory_space<vmem>> -> memref<128xi32, #tpu.memory_space<vmem>>
    %dma_start3A_244 = arith.constant 0 : i32
    %dma_start3A_245 = arith.constant 0 : i32
    %dma_start3A_246 = tpu.memref_slice %arg14[%dma_start3A_244, %dma_start3A_245] : memref<10112x128xf32, #tpu.memory_space<vmem_shared>> -> memref<10112x128xf32, #tpu.memory_space<vmem_shared>>
    tpu.enqueue_indirect_dma source(%arg13 : memref<128x128xf32, #tpu.memory_space<vmem>>) target(%dma_start3A_246 : memref<10112x128xf32, #tpu.memory_space<vmem_shared>>) offsets(%dma_start3A_243 : memref<128xi32, #tpu.memory_space<vmem>>) semaphore(%arg22 : memref<!tpu.dma_semaphore, #tpu.memory_space<semaphore_mem>>) {add = true}
    %dma_wait3A_247 = arith.constant 0 : i32
    %dma_wait3A_248 = arith.constant 0 : i32
    %dma_wait3A_249 = tpu.memref_slice %arg14[%dma_wait3A_247, %dma_wait3A_248] : memref<10112x128xf32, #tpu.memory_space<vmem_shared>> -> memref<128x128xf32, #tpu.memory_space<vmem_shared>>
    %dma_wait3A_250 = arith.constant 0 : i32
    %dma_wait3A_251 = arith.constant 0 : i32
    %dma_wait3A_252 = tpu.memref_slice %arg14[%dma_wait3A_250, %dma_wait3A_251] : memref<10112x128xf32, #tpu.memory_space<vmem_shared>> -> memref<128x128xf32, #tpu.memory_space<vmem_shared>>
    tpu.wait_dma2 semaphore(%arg22 : memref<!tpu.dma_semaphore, #tpu.memory_space<semaphore_mem>>) src(%arg13 : memref<128x128xf32, #tpu.memory_space<vmem>>) dst(%dma_wait3A_252 : memref<128x128xf32, #tpu.memory_space<vmem_shared>>)
    %dma_wait3A_253 = arith.constant 0 : i32
    %dma_wait3A_254 = arith.constant 0 : i32
    %dma_wait3A_255 = arith.constant 0 : i32
    %dma_wait3A_256 = tpu.memref_slice %arg3[%dma_wait3A_253, %dma_wait3A_254, %dma_wait3A_255] : memref<32x80x128xi32, #tpu.memory_space<hbm>> -> memref<1x1x128xi32, #tpu.memory_space<hbm>>
    %dma_wait3A_257 = tpu.memref_squeeze %dma_wait3A_256 : memref<1x1x128xi32, #tpu.memory_space<hbm>> -> memref<128xi32, #tpu.memory_space<hbm>>
    %dma_wait3A_258 = arith.constant 0 : i32
    %dma_wait3A_259 = tpu.memref_slice %arg3[%dma_wait3A_253, %dma_wait3A_254, %dma_wait3A_258] : memref<32x80x128xi32, #tpu.memory_space<hbm>> -> memref<1x1x128xi32, #tpu.memory_space<hbm>>
    %dma_wait3A_260 = tpu.memref_squeeze %dma_wait3A_259 : memref<1x1x128xi32, #tpu.memory_space<hbm>> -> memref<128xi32, #tpu.memory_space<hbm>>
    tpu.wait_dma2 semaphore(%arg18 : memref<!tpu.dma_semaphore, #tpu.memory_space<semaphore_mem>>) src(%dma_wait3A_260 : memref<128xi32, #tpu.memory_space<hbm>>) dst(%arg11 : memref<128xi32, #tpu.memory_space<vmem>>)
    %dma_start3A_261 = arith.constant 0 : i32
    %dma_start3A_262 = arith.constant 0 : i32
    %dma_start3A_263 = tpu.memref_slice %arg2[%dma_start3A_261, %dma_start3A_262] : memref<10000x128xf32, #tpu.memory_space<hbm>> -> memref<10000x128xf32, #tpu.memory_space<hbm>>
    tpu.enqueue_indirect_dma source(%dma_start3A_263 : memref<10000x128xf32, #tpu.memory_space<hbm>>) target(%arg13 : memref<128x128xf32, #tpu.memory_space<vmem>>) offsets(%arg11 : memref<128xi32, #tpu.memory_space<vmem>>) semaphore(%arg20 : memref<!tpu.dma_semaphore, #tpu.memory_space<semaphore_mem>>)
    %dma_wait3A_264 = arith.constant 0 : i32
    %dma_wait3A_265 = arith.constant 0 : i32
    %dma_wait3A_266 = tpu.memref_slice %arg2[%dma_wait3A_264, %dma_wait3A_265] : memref<10000x128xf32, #tpu.memory_space<hbm>> -> memref<128x128xf32, #tpu.memory_space<hbm>>
    %dma_wait3A_267 = arith.constant 0 : i32
    %dma_wait3A_268 = arith.constant 0 : i32
    %dma_wait3A_269 = tpu.memref_slice %arg2[%dma_wait3A_267, %dma_wait3A_268] : memref<10000x128xf32, #tpu.memory_space<hbm>> -> memref<128x128xf32, #tpu.memory_space<hbm>>
    tpu.wait_dma2 semaphore(%arg19 : memref<!tpu.dma_semaphore, #tpu.memory_space<semaphore_mem>>) src(%dma_wait3A_269 : memref<128x128xf32, #tpu.memory_space<hbm>>) dst(%arg12 : memref<128x128xf32, #tpu.memory_space<vmem>>)
    %dma_start3A_270 = arith.constant 78 : i32
    %dma_start3A_271 = arith.constant 0 : i32
    %dma_start3A_272 = tpu.memref_slice %arg7[%dma_start3A_270, %dma_start3A_271] : memref<80x128xi32, #tpu.memory_space<vmem>> -> memref<1x128xi32, #tpu.memory_space<vmem>>
    %dma_start3A_273 = tpu.memref_squeeze %dma_start3A_272 : memref<1x128xi32, #tpu.memory_space<vmem>> -> memref<128xi32, #tpu.memory_space<vmem>>
    %dma_start3A_274 = arith.constant 0 : i32
    %dma_start3A_275 = arith.constant 0 : i32
    %dma_start3A_276 = tpu.memref_slice %arg14[%dma_start3A_274, %dma_start3A_275] : memref<10112x128xf32, #tpu.memory_space<vmem_shared>> -> memref<10112x128xf32, #tpu.memory_space<vmem_shared>>
    tpu.enqueue_indirect_dma source(%arg12 : memref<128x128xf32, #tpu.memory_space<vmem>>) target(%dma_start3A_276 : memref<10112x128xf32, #tpu.memory_space<vmem_shared>>) offsets(%dma_start3A_273 : memref<128xi32, #tpu.memory_space<vmem>>) semaphore(%arg21 : memref<!tpu.dma_semaphore, #tpu.memory_space<semaphore_mem>>) {add = true}
    %dma_wait3A_277 = arith.constant 0 : i32
    %dma_wait3A_278 = arith.constant 0 : i32
    %dma_wait3A_279 = tpu.memref_slice %arg2[%dma_wait3A_277, %dma_wait3A_278] : memref<10000x128xf32, #tpu.memory_space<hbm>> -> memref<128x128xf32, #tpu.memory_space<hbm>>
    %dma_wait3A_280 = arith.constant 0 : i32
    %dma_wait3A_281 = arith.constant 0 : i32
    %dma_wait3A_282 = tpu.memref_slice %arg2[%dma_wait3A_280, %dma_wait3A_281] : memref<10000x128xf32, #tpu.memory_space<hbm>> -> memref<128x128xf32, #tpu.memory_space<hbm>>
    tpu.wait_dma2 semaphore(%arg20 : memref<!tpu.dma_semaphore, #tpu.memory_space<semaphore_mem>>) src(%dma_wait3A_282 : memref<128x128xf32, #tpu.memory_space<hbm>>) dst(%arg13 : memref<128x128xf32, #tpu.memory_space<vmem>>)
    %dma_start3A_283 = arith.constant 79 : i32
    %dma_start3A_284 = arith.constant 0 : i32
    %dma_start3A_285 = tpu.memref_slice %arg7[%dma_start3A_283, %dma_start3A_284] : memref<80x128xi32, #tpu.memory_space<vmem>> -> memref<1x128xi32, #tpu.memory_space<vmem>>
    %dma_start3A_286 = tpu.memref_squeeze %dma_start3A_285 : memref<1x128xi32, #tpu.memory_space<vmem>> -> memref<128xi32, #tpu.memory_space<vmem>>
    %dma_start3A_287 = arith.constant 0 : i32
    %dma_start3A_288 = arith.constant 0 : i32
    %dma_start3A_289 = tpu.memref_slice %arg14[%dma_start3A_287, %dma_start3A_288] : memref<10112x128xf32, #tpu.memory_space<vmem_shared>> -> memref<10112x128xf32, #tpu.memory_space<vmem_shared>>
    tpu.enqueue_indirect_dma source(%arg13 : memref<128x128xf32, #tpu.memory_space<vmem>>) target(%dma_start3A_289 : memref<10112x128xf32, #tpu.memory_space<vmem_shared>>) offsets(%dma_start3A_286 : memref<128xi32, #tpu.memory_space<vmem>>) semaphore(%arg22 : memref<!tpu.dma_semaphore, #tpu.memory_space<semaphore_mem>>) {add = true}
    %dma_wait3A_290 = arith.constant 0 : i32
    %dma_wait3A_291 = arith.constant 0 : i32
    %dma_wait3A_292 = tpu.memref_slice %arg14[%dma_wait3A_290, %dma_wait3A_291] : memref<10112x128xf32, #tpu.memory_space<vmem_shared>> -> memref<128x128xf32, #tpu.memory_space<vmem_shared>>
    %dma_wait3A_293 = arith.constant 0 : i32
    %dma_wait3A_294 = arith.constant 0 : i32
    %dma_wait3A_295 = tpu.memref_slice %arg14[%dma_wait3A_293, %dma_wait3A_294] : memref<10112x128xf32, #tpu.memory_space<vmem_shared>> -> memref<128x128xf32, #tpu.memory_space<vmem_shared>>
    tpu.wait_dma2 semaphore(%arg21 : memref<!tpu.dma_semaphore, #tpu.memory_space<semaphore_mem>>) src(%arg12 : memref<128x128xf32, #tpu.memory_space<vmem>>) dst(%dma_wait3A_295 : memref<128x128xf32, #tpu.memory_space<vmem_shared>>)
    %dma_wait3A_296 = arith.constant 0 : i32
    %dma_wait3A_297 = arith.constant 0 : i32
    %dma_wait3A_298 = tpu.memref_slice %arg14[%dma_wait3A_296, %dma_wait3A_297] : memref<10112x128xf32, #tpu.memory_space<vmem_shared>> -> memref<128x128xf32, #tpu.memory_space<vmem_shared>>
    %dma_wait3A_299 = arith.constant 0 : i32
    %dma_wait3A_300 = arith.constant 0 : i32
    %dma_wait3A_301 = tpu.memref_slice %arg14[%dma_wait3A_299, %dma_wait3A_300] : memref<10112x128xf32, #tpu.memory_space<vmem_shared>> -> memref<128x128xf32, #tpu.memory_space<vmem_shared>>
    tpu.wait_dma2 semaphore(%arg22 : memref<!tpu.dma_semaphore, #tpu.memory_space<semaphore_mem>>) src(%arg13 : memref<128x128xf32, #tpu.memory_space<vmem>>) dst(%dma_wait3A_301 : memref<128x128xf32, #tpu.memory_space<vmem_shared>>)
    %barrier3A_302 = arith.constant 0 : index
    tpu.barrier barrier_id(%barrier3A_302)
    "tpu.region"() ({
      %run_scoped3A = tpu.sem_alloc : memref<!tpu.dma_semaphore, #tpu.memory_space<semaphore_mem>>
      %dma_start3A_303 = arith.constant 0 : i32
      %dma_start3A_304 = tpu.memref_slice %arg6[%arg0, %mul3A_0, %dma_start3A_303] : memref<2x10112x128xf32, #tpu.memory_space<hbm>> -> memref<1x632x128xf32, #tpu.memory_space<hbm>>
      %dma_start3A_305 = tpu.memref_squeeze %dma_start3A_304 : memref<1x632x128xf32, #tpu.memory_space<hbm>> -> memref<632x128xf32, #tpu.memory_space<hbm>>
      %dma_start3A_306 = arith.constant 0 : i32
      %dma_start3A_307 = tpu.memref_slice %arg14[%mul3A_0, %dma_start3A_306] : memref<10112x128xf32, #tpu.memory_space<vmem_shared>> -> memref<632x128xf32, #tpu.memory_space<vmem_shared>>
      tpu.enqueue_dma source(%dma_start3A_307 : memref<632x128xf32, #tpu.memory_space<vmem_shared>>) target(%dma_start3A_305 : memref<632x128xf32, #tpu.memory_space<hbm>>) target_semaphore(%run_scoped3A : memref<!tpu.dma_semaphore, #tpu.memory_space<semaphore_mem>>)
      %dma_wait3A_308 = arith.constant 0 : i32
      %dma_wait3A_309 = tpu.memref_slice %arg6[%arg0, %mul3A_0, %dma_wait3A_308] : memref<2x10112x128xf32, #tpu.memory_space<hbm>> -> memref<1x632x128xf32, #tpu.memory_space<hbm>>
      %dma_wait3A_310 = tpu.memref_squeeze %dma_wait3A_309 : memref<1x632x128xf32, #tpu.memory_space<hbm>> -> memref<632x128xf32, #tpu.memory_space<hbm>>
      %dma_wait3A_311 = arith.constant 0 : i32
      %dma_wait3A_312 = tpu.memref_slice %arg14[%mul3A_0, %dma_wait3A_311] : memref<10112x128xf32, #tpu.memory_space<vmem_shared>> -> memref<632x128xf32, #tpu.memory_space<vmem_shared>>
      tpu.wait_dma2 semaphore(%run_scoped3A : memref<!tpu.dma_semaphore, #tpu.memory_space<semaphore_mem>>) src(%dma_wait3A_312 : memref<632x128xf32, #tpu.memory_space<vmem_shared>>) dst(%dma_wait3A_310 : memref<632x128xf32, #tpu.memory_space<hbm>>)
      tpu.yield
    }) : () -> ()
    return
  }
}

#map = affine_map<(d0, d1) -> (0, 0)>
#map1 = affine_map<(d0, d1) -> (0, 0, 0)>
module attributes {stable_mosaic.version = 14 : i64} {
  func.func @_sc_agg(%arg0: i32, %arg1: i32, %arg2: memref<10000x128xf32, #tpu.memory_space<hbm>>, %arg3: memref<32x80x128xi32, #tpu.memory_space<hbm>>, %arg4: memref<32x80x128xi32, #tpu.memory_space<hbm>>, %arg5: memref<10112x128xf32, #tpu.memory_space<hbm>>, %arg6: memref<2x10112x128xf32, #tpu.memory_space<hbm>>, %arg7: memref<80x128xi32, #tpu.memory_space<vmem>>, %arg8: memref<128xi32, #tpu.memory_space<vmem>>, %arg9: memref<128xi32, #tpu.memory_space<vmem>>, %arg10: memref<128xi32, #tpu.memory_space<vmem>>, %arg11: memref<128xi32, #tpu.memory_space<vmem>>, %arg12: memref<128x128xf32, #tpu.memory_space<vmem>>, %arg13: memref<128x128xf32, #tpu.memory_space<vmem>>, %arg14: memref<10112x128xf32, #tpu.memory_space<vmem_shared>>, %arg15: memref<!tpu.dma_semaphore, #tpu.memory_space<semaphore_mem>>, %arg16: memref<!tpu.dma_semaphore, #tpu.memory_space<semaphore_mem>>, %arg17: memref<!tpu.dma_semaphore, #tpu.memory_space<semaphore_mem>>, %arg18: memref<!tpu.dma_semaphore, #tpu.memory_space<semaphore_mem>>, %arg19: memref<!tpu.dma_semaphore, #tpu.memory_space<semaphore_mem>>, %arg20: memref<!tpu.dma_semaphore, #tpu.memory_space<semaphore_mem>>, %arg21: memref<!tpu.dma_semaphore, #tpu.memory_space<semaphore_mem>>, %arg22: memref<!tpu.dma_semaphore, #tpu.memory_space<semaphore_mem>>) attributes {dimension_semantics = [#tpu.dimension_semantics<core_parallel>, #tpu.dimension_semantics<subcore_parallel>], iteration_bounds = array<i64: 2, 16>, scalar_prefetch = 0 : i64, scratch_operands = 16 : i64, tpu.core_type = #tpu.core_type<sc_vector_subcore>, window_params = [{transform_indices = #map}, {transform_indices = #map1}, {transform_indices = #map1}, {transform_indices = #map}, {transform_indices = #map1}]} {
    %mul3A = arith.constant 632 : i32
    %mul3A_0 = arith.muli %arg1, %mul3A : i32
    "tpu.region"() ({
      %run_scoped3A = tpu.sem_alloc : memref<!tpu.dma_semaphore, #tpu.memory_space<semaphore_mem>>
      %dma_start3A_303 = arith.constant 0 : i32
      %dma_start3A_304 = tpu.memref_slice %arg14[%mul3A_0, %dma_start3A_303] : memref<10112x128xf32, #tpu.memory_space<vmem_shared>> -> memref<632x128xf32, #tpu.memory_space<vmem_shared>>
      %dma_start3A_305 = arith.constant 0 : i32
      %dma_start3A_306 = tpu.memref_slice %arg5[%mul3A_0, %dma_start3A_305] : memref<10112x128xf32, #tpu.memory_space<hbm>> -> memref<632x128xf32, #tpu.memory_space<hbm>>
      tpu.enqueue_dma source(%dma_start3A_306 : memref<632x128xf32, #tpu.memory_space<hbm>>) target(%dma_start3A_304 : memref<632x128xf32, #tpu.memory_space<vmem_shared>>) target_semaphore(%run_scoped3A : memref<!tpu.dma_semaphore, #tpu.memory_space<semaphore_mem>>)
      %dma_wait3A_307 = arith.constant 0 : i32
      %dma_wait3A_308 = tpu.memref_slice %arg14[%mul3A_0, %dma_wait3A_307] : memref<10112x128xf32, #tpu.memory_space<vmem_shared>> -> memref<632x128xf32, #tpu.memory_space<vmem_shared>>
      %dma_wait3A_309 = arith.constant 0 : i32
      %dma_wait3A_310 = tpu.memref_slice %arg5[%mul3A_0, %dma_wait3A_309] : memref<10112x128xf32, #tpu.memory_space<hbm>> -> memref<632x128xf32, #tpu.memory_space<hbm>>
      tpu.wait_dma2 semaphore(%run_scoped3A : memref<!tpu.dma_semaphore, #tpu.memory_space<semaphore_mem>>) src(%dma_wait3A_310 : memref<632x128xf32, #tpu.memory_space<hbm>>) dst(%dma_wait3A_308 : memref<632x128xf32, #tpu.memory_space<vmem_shared>>)
      tpu.yield
    }) : () -> ()
    %mul3A_1 = arith.constant 2 : i32
    %mul3A_2 = arith.muli %arg1, %mul3A_1 : i32
    %add3A = arith.addi %mul3A_2, %arg0 : i32
    "tpu.region"() ({
      %run_scoped3A = tpu.sem_alloc : memref<!tpu.dma_semaphore, #tpu.memory_space<semaphore_mem>>
      %dma_start3A_303 = arith.constant 0 : i32
      %dma_start3A_304 = arith.constant 0 : i32
      %dma_start3A_305 = tpu.memref_slice %arg4[%add3A, %dma_start3A_303, %dma_start3A_304] : memref<32x80x128xi32, #tpu.memory_space<hbm>> -> memref<1x80x128xi32, #tpu.memory_space<hbm>>
      %dma_start3A_306 = tpu.memref_squeeze %dma_start3A_305 : memref<1x80x128xi32, #tpu.memory_space<hbm>> -> memref<80x128xi32, #tpu.memory_space<hbm>>
      %dma_start3A_307 = arith.constant 0 : i32
      %dma_start3A_308 = arith.constant 0 : i32
      %dma_start3A_309 = tpu.memref_slice %arg4[%add3A, %dma_start3A_307, %dma_start3A_308] : memref<32x80x128xi32, #tpu.memory_space<hbm>> -> memref<1x80x128xi32, #tpu.memory_space<hbm>>
      %dma_start3A_310 = tpu.memref_squeeze %dma_start3A_309 : memref<1x80x128xi32, #tpu.memory_space<hbm>> -> memref<80x128xi32, #tpu.memory_space<hbm>>
      tpu.enqueue_dma source(%dma_start3A_310 : memref<80x128xi32, #tpu.memory_space<hbm>>) target(%arg7 : memref<80x128xi32, #tpu.memory_space<vmem>>) target_semaphore(%run_scoped3A : memref<!tpu.dma_semaphore, #tpu.memory_space<semaphore_mem>>)
      %dma_wait3A_311 = arith.constant 0 : i32
      %dma_wait3A_312 = arith.constant 0 : i32
      %dma_wait3A_313 = tpu.memref_slice %arg4[%add3A, %dma_wait3A_311, %dma_wait3A_312] : memref<32x80x128xi32, #tpu.memory_space<hbm>> -> memref<1x80x128xi32, #tpu.memory_space<hbm>>
      %dma_wait3A_314 = tpu.memref_squeeze %dma_wait3A_313 : memref<1x80x128xi32, #tpu.memory_space<hbm>> -> memref<80x128xi32, #tpu.memory_space<hbm>>
      %dma_wait3A_315 = arith.constant 0 : i32
      %dma_wait3A_316 = arith.constant 0 : i32
      %dma_wait3A_317 = tpu.memref_slice %arg4[%add3A, %dma_wait3A_315, %dma_wait3A_316] : memref<32x80x128xi32, #tpu.memory_space<hbm>> -> memref<1x80x128xi32, #tpu.memory_space<hbm>>
      %dma_wait3A_318 = tpu.memref_squeeze %dma_wait3A_317 : memref<1x80x128xi32, #tpu.memory_space<hbm>> -> memref<80x128xi32, #tpu.memory_space<hbm>>
      tpu.wait_dma2 semaphore(%run_scoped3A : memref<!tpu.dma_semaphore, #tpu.memory_space<semaphore_mem>>) src(%dma_wait3A_318 : memref<80x128xi32, #tpu.memory_space<hbm>>) dst(%arg7 : memref<80x128xi32, #tpu.memory_space<vmem>>)
      tpu.yield
    }) : () -> ()
    %barrier3A = arith.constant 0 : index
    tpu.barrier barrier_id(%barrier3A)
    %dma_start3A = arith.constant 0 : i32
    %dma_start3A_3 = arith.constant 0 : i32
    %dma_start3A_4 = tpu.memref_slice %arg3[%add3A, %dma_start3A, %dma_start3A_3] : memref<32x80x128xi32, #tpu.memory_space<hbm>> -> memref<1x1x128xi32, #tpu.memory_space<hbm>>
    %dma_start3A_5 = tpu.memref_squeeze %dma_start3A_4 : memref<1x1x128xi32, #tpu.memory_space<hbm>> -> memref<128xi32, #tpu.memory_space<hbm>>
    %dma_start3A_6 = arith.constant 0 : i32
    %dma_start3A_7 = tpu.memref_slice %arg3[%add3A, %dma_start3A, %dma_start3A_6] : memref<32x80x128xi32, #tpu.memory_space<hbm>> -> memref<1x1x128xi32, #tpu.memory_space<hbm>>
    %dma_start3A_8 = tpu.memref_squeeze %dma_start3A_7 : memref<1x1x128xi32, #tpu.memory_space<hbm>> -> memref<128xi32, #tpu.memory_space<hbm>>
    tpu.enqueue_dma source(%dma_start3A_8 : memref<128xi32, #tpu.memory_space<hbm>>) target(%arg8 : memref<128xi32, #tpu.memory_space<vmem>>) target_semaphore(%arg15 : memref<!tpu.dma_semaphore, #tpu.memory_space<semaphore_mem>>)
    %dma_start3A_9 = arith.constant 1 : i32
    %dma_start3A_10 = arith.constant 0 : i32
    %dma_start3A_11 = tpu.memref_slice %arg3[%add3A, %dma_start3A_9, %dma_start3A_10] : memref<32x80x128xi32, #tpu.memory_space<hbm>> -> memref<1x1x128xi32, #tpu.memory_space<hbm>>
    %dma_start3A_12 = tpu.memref_squeeze %dma_start3A_11 : memref<1x1x128xi32, #tpu.memory_space<hbm>> -> memref<128xi32, #tpu.memory_space<hbm>>
    %dma_start3A_13 = arith.constant 0 : i32
    %dma_start3A_14 = tpu.memref_slice %arg3[%add3A, %dma_start3A_9, %dma_start3A_13] : memref<32x80x128xi32, #tpu.memory_space<hbm>> -> memref<1x1x128xi32, #tpu.memory_space<hbm>>
    %dma_start3A_15 = tpu.memref_squeeze %dma_start3A_14 : memref<1x1x128xi32, #tpu.memory_space<hbm>> -> memref<128xi32, #tpu.memory_space<hbm>>
    tpu.enqueue_dma source(%dma_start3A_15 : memref<128xi32, #tpu.memory_space<hbm>>) target(%arg9 : memref<128xi32, #tpu.memory_space<vmem>>) target_semaphore(%arg16 : memref<!tpu.dma_semaphore, #tpu.memory_space<semaphore_mem>>)
    %dma_start3A_16 = arith.constant 2 : i32
    %dma_start3A_17 = arith.constant 0 : i32
    %dma_start3A_18 = tpu.memref_slice %arg3[%add3A, %dma_start3A_16, %dma_start3A_17] : memref<32x80x128xi32, #tpu.memory_space<hbm>> -> memref<1x1x128xi32, #tpu.memory_space<hbm>>
    %dma_start3A_19 = tpu.memref_squeeze %dma_start3A_18 : memref<1x1x128xi32, #tpu.memory_space<hbm>> -> memref<128xi32, #tpu.memory_space<hbm>>
    %dma_start3A_20 = arith.constant 0 : i32
    %dma_start3A_21 = tpu.memref_slice %arg3[%add3A, %dma_start3A_16, %dma_start3A_20] : memref<32x80x128xi32, #tpu.memory_space<hbm>> -> memref<1x1x128xi32, #tpu.memory_space<hbm>>
    %dma_start3A_22 = tpu.memref_squeeze %dma_start3A_21 : memref<1x1x128xi32, #tpu.memory_space<hbm>> -> memref<128xi32, #tpu.memory_space<hbm>>
    tpu.enqueue_dma source(%dma_start3A_22 : memref<128xi32, #tpu.memory_space<hbm>>) target(%arg10 : memref<128xi32, #tpu.memory_space<vmem>>) target_semaphore(%arg17 : memref<!tpu.dma_semaphore, #tpu.memory_space<semaphore_mem>>)
    %dma_start3A_23 = arith.constant 3 : i32
    %dma_start3A_24 = arith.constant 0 : i32
    %dma_start3A_25 = tpu.memref_slice %arg3[%add3A, %dma_start3A_23, %dma_start3A_24] : memref<32x80x128xi32, #tpu.memory_space<hbm>> -> memref<1x1x128xi32, #tpu.memory_space<hbm>>
    %dma_start3A_26 = tpu.memref_squeeze %dma_start3A_25 : memref<1x1x128xi32, #tpu.memory_space<hbm>> -> memref<128xi32, #tpu.memory_space<hbm>>
    %dma_start3A_27 = arith.constant 0 : i32
    %dma_start3A_28 = tpu.memref_slice %arg3[%add3A, %dma_start3A_23, %dma_start3A_27] : memref<32x80x128xi32, #tpu.memory_space<hbm>> -> memref<1x1x128xi32, #tpu.memory_space<hbm>>
    %dma_start3A_29 = tpu.memref_squeeze %dma_start3A_28 : memref<1x1x128xi32, #tpu.memory_space<hbm>> -> memref<128xi32, #tpu.memory_space<hbm>>
    tpu.enqueue_dma source(%dma_start3A_29 : memref<128xi32, #tpu.memory_space<hbm>>) target(%arg11 : memref<128xi32, #tpu.memory_space<vmem>>) target_semaphore(%arg18 : memref<!tpu.dma_semaphore, #tpu.memory_space<semaphore_mem>>)
    %dma_wait3A = arith.constant 0 : i32
    %dma_wait3A_30 = arith.constant 0 : i32
    %dma_wait3A_31 = arith.constant 0 : i32
    %dma_wait3A_32 = tpu.memref_slice %arg3[%dma_wait3A, %dma_wait3A_30, %dma_wait3A_31] : memref<32x80x128xi32, #tpu.memory_space<hbm>> -> memref<1x1x128xi32, #tpu.memory_space<hbm>>
    %dma_wait3A_33 = tpu.memref_squeeze %dma_wait3A_32 : memref<1x1x128xi32, #tpu.memory_space<hbm>> -> memref<128xi32, #tpu.memory_space<hbm>>
    %dma_wait3A_34 = arith.constant 0 : i32
    %dma_wait3A_35 = tpu.memref_slice %arg3[%dma_wait3A, %dma_wait3A_30, %dma_wait3A_34] : memref<32x80x128xi32, #tpu.memory_space<hbm>> -> memref<1x1x128xi32, #tpu.memory_space<hbm>>
    %dma_wait3A_36 = tpu.memref_squeeze %dma_wait3A_35 : memref<1x1x128xi32, #tpu.memory_space<hbm>> -> memref<128xi32, #tpu.memory_space<hbm>>
    tpu.wait_dma2 semaphore(%arg15 : memref<!tpu.dma_semaphore, #tpu.memory_space<semaphore_mem>>) src(%dma_wait3A_36 : memref<128xi32, #tpu.memory_space<hbm>>) dst(%arg8 : memref<128xi32, #tpu.memory_space<vmem>>)
    %dma_start3A_37 = arith.constant 0 : i32
    %dma_start3A_38 = arith.constant 0 : i32
    %dma_start3A_39 = tpu.memref_slice %arg2[%dma_start3A_37, %dma_start3A_38] : memref<10000x128xf32, #tpu.memory_space<hbm>> -> memref<10000x128xf32, #tpu.memory_space<hbm>>
    tpu.enqueue_indirect_dma source(%dma_start3A_39 : memref<10000x128xf32, #tpu.memory_space<hbm>>) target(%arg12 : memref<128x128xf32, #tpu.memory_space<vmem>>) offsets(%arg8 : memref<128xi32, #tpu.memory_space<vmem>>) semaphore(%arg19 : memref<!tpu.dma_semaphore, #tpu.memory_space<semaphore_mem>>)
    %dma_wait3A_40 = arith.constant 0 : i32
    %dma_wait3A_41 = arith.constant 0 : i32
    %dma_wait3A_42 = arith.constant 0 : i32
    %dma_wait3A_43 = tpu.memref_slice %arg3[%dma_wait3A_40, %dma_wait3A_41, %dma_wait3A_42] : memref<32x80x128xi32, #tpu.memory_space<hbm>> -> memref<1x1x128xi32, #tpu.memory_space<hbm>>
    %dma_wait3A_44 = tpu.memref_squeeze %dma_wait3A_43 : memref<1x1x128xi32, #tpu.memory_space<hbm>> -> memref<128xi32, #tpu.memory_space<hbm>>
    %dma_wait3A_45 = arith.constant 0 : i32
    %dma_wait3A_46 = tpu.memref_slice %arg3[%dma_wait3A_40, %dma_wait3A_41, %dma_wait3A_45] : memref<32x80x128xi32, #tpu.memory_space<hbm>> -> memref<1x1x128xi32, #tpu.memory_space<hbm>>
    %dma_wait3A_47 = tpu.memref_squeeze %dma_wait3A_46 : memref<1x1x128xi32, #tpu.memory_space<hbm>> -> memref<128xi32, #tpu.memory_space<hbm>>
    tpu.wait_dma2 semaphore(%arg16 : memref<!tpu.dma_semaphore, #tpu.memory_space<semaphore_mem>>) src(%dma_wait3A_47 : memref<128xi32, #tpu.memory_space<hbm>>) dst(%arg9 : memref<128xi32, #tpu.memory_space<vmem>>)
    %dma_start3A_48 = arith.constant 0 : i32
    %dma_start3A_49 = arith.constant 0 : i32
    %dma_start3A_50 = tpu.memref_slice %arg2[%dma_start3A_48, %dma_start3A_49] : memref<10000x128xf32, #tpu.memory_space<hbm>> -> memref<10000x128xf32, #tpu.memory_space<hbm>>
    tpu.enqueue_indirect_dma source(%dma_start3A_50 : memref<10000x128xf32, #tpu.memory_space<hbm>>) target(%arg13 : memref<128x128xf32, #tpu.memory_space<vmem>>) offsets(%arg9 : memref<128xi32, #tpu.memory_space<vmem>>) semaphore(%arg20 : memref<!tpu.dma_semaphore, #tpu.memory_space<semaphore_mem>>)
    %dma_wait3A_51 = arith.constant 0 : i32
    %dma_wait3A_52 = arith.constant 0 : i32
    %dma_wait3A_53 = tpu.memref_slice %arg2[%dma_wait3A_51, %dma_wait3A_52] : memref<10000x128xf32, #tpu.memory_space<hbm>> -> memref<128x128xf32, #tpu.memory_space<hbm>>
    %dma_wait3A_54 = arith.constant 0 : i32
    %dma_wait3A_55 = arith.constant 0 : i32
    %dma_wait3A_56 = tpu.memref_slice %arg2[%dma_wait3A_54, %dma_wait3A_55] : memref<10000x128xf32, #tpu.memory_space<hbm>> -> memref<128x128xf32, #tpu.memory_space<hbm>>
    tpu.wait_dma2 semaphore(%arg19 : memref<!tpu.dma_semaphore, #tpu.memory_space<semaphore_mem>>) src(%dma_wait3A_56 : memref<128x128xf32, #tpu.memory_space<hbm>>) dst(%arg12 : memref<128x128xf32, #tpu.memory_space<vmem>>)
    %dma_start3A_57 = arith.constant 0 : i32
    %dma_start3A_58 = arith.constant 0 : i32
    %dma_start3A_59 = tpu.memref_slice %arg7[%dma_start3A_57, %dma_start3A_58] : memref<80x128xi32, #tpu.memory_space<vmem>> -> memref<1x128xi32, #tpu.memory_space<vmem>>
    %dma_start3A_60 = tpu.memref_squeeze %dma_start3A_59 : memref<1x128xi32, #tpu.memory_space<vmem>> -> memref<128xi32, #tpu.memory_space<vmem>>
    %dma_start3A_61 = arith.constant 0 : i32
    %dma_start3A_62 = arith.constant 0 : i32
    %dma_start3A_63 = tpu.memref_slice %arg14[%dma_start3A_61, %dma_start3A_62] : memref<10112x128xf32, #tpu.memory_space<vmem_shared>> -> memref<10112x128xf32, #tpu.memory_space<vmem_shared>>
    tpu.enqueue_indirect_dma source(%arg12 : memref<128x128xf32, #tpu.memory_space<vmem>>) target(%dma_start3A_63 : memref<10112x128xf32, #tpu.memory_space<vmem_shared>>) offsets(%dma_start3A_60 : memref<128xi32, #tpu.memory_space<vmem>>) semaphore(%arg21 : memref<!tpu.dma_semaphore, #tpu.memory_space<semaphore_mem>>) {add = true}
    %dma_start3A_64 = arith.constant 4 : i32
    %dma_start3A_65 = arith.constant 0 : i32
    %dma_start3A_66 = tpu.memref_slice %arg3[%add3A, %dma_start3A_64, %dma_start3A_65] : memref<32x80x128xi32, #tpu.memory_space<hbm>> -> memref<1x1x128xi32, #tpu.memory_space<hbm>>
    %dma_start3A_67 = tpu.memref_squeeze %dma_start3A_66 : memref<1x1x128xi32, #tpu.memory_space<hbm>> -> memref<128xi32, #tpu.memory_space<hbm>>
    %dma_start3A_68 = arith.constant 0 : i32
    %dma_start3A_69 = tpu.memref_slice %arg3[%add3A, %dma_start3A_64, %dma_start3A_68] : memref<32x80x128xi32, #tpu.memory_space<hbm>> -> memref<1x1x128xi32, #tpu.memory_space<hbm>>
    %dma_start3A_70 = tpu.memref_squeeze %dma_start3A_69 : memref<1x1x128xi32, #tpu.memory_space<hbm>> -> memref<128xi32, #tpu.memory_space<hbm>>
    tpu.enqueue_dma source(%dma_start3A_70 : memref<128xi32, #tpu.memory_space<hbm>>) target(%arg8 : memref<128xi32, #tpu.memory_space<vmem>>) target_semaphore(%arg15 : memref<!tpu.dma_semaphore, #tpu.memory_space<semaphore_mem>>)
    %dma_wait3A_71 = arith.constant 0 : i32
    %dma_wait3A_72 = arith.constant 0 : i32
    %dma_wait3A_73 = tpu.memref_slice %arg14[%dma_wait3A_71, %dma_wait3A_72] : memref<10112x128xf32, #tpu.memory_space<vmem_shared>> -> memref<128x128xf32, #tpu.memory_space<vmem_shared>>
    %dma_wait3A_74 = arith.constant 0 : i32
    %dma_wait3A_75 = arith.constant 0 : i32
    %dma_wait3A_76 = tpu.memref_slice %arg14[%dma_wait3A_74, %dma_wait3A_75] : memref<10112x128xf32, #tpu.memory_space<vmem_shared>> -> memref<128x128xf32, #tpu.memory_space<vmem_shared>>
    tpu.wait_dma2 semaphore(%arg21 : memref<!tpu.dma_semaphore, #tpu.memory_space<semaphore_mem>>) src(%arg12 : memref<128x128xf32, #tpu.memory_space<vmem>>) dst(%dma_wait3A_76 : memref<128x128xf32, #tpu.memory_space<vmem_shared>>)
    %dma_wait3A_77 = arith.constant 0 : i32
    %dma_wait3A_78 = arith.constant 0 : i32
    %dma_wait3A_79 = arith.constant 0 : i32
    %dma_wait3A_80 = tpu.memref_slice %arg3[%dma_wait3A_77, %dma_wait3A_78, %dma_wait3A_79] : memref<32x80x128xi32, #tpu.memory_space<hbm>> -> memref<1x1x128xi32, #tpu.memory_space<hbm>>
    %dma_wait3A_81 = tpu.memref_squeeze %dma_wait3A_80 : memref<1x1x128xi32, #tpu.memory_space<hbm>> -> memref<128xi32, #tpu.memory_space<hbm>>
    %dma_wait3A_82 = arith.constant 0 : i32
    %dma_wait3A_83 = tpu.memref_slice %arg3[%dma_wait3A_77, %dma_wait3A_78, %dma_wait3A_82] : memref<32x80x128xi32, #tpu.memory_space<hbm>> -> memref<1x1x128xi32, #tpu.memory_space<hbm>>
    %dma_wait3A_84 = tpu.memref_squeeze %dma_wait3A_83 : memref<1x1x128xi32, #tpu.memory_space<hbm>> -> memref<128xi32, #tpu.memory_space<hbm>>
    tpu.wait_dma2 semaphore(%arg17 : memref<!tpu.dma_semaphore, #tpu.memory_space<semaphore_mem>>) src(%dma_wait3A_84 : memref<128xi32, #tpu.memory_space<hbm>>) dst(%arg10 : memref<128xi32, #tpu.memory_space<vmem>>)
    %dma_start3A_85 = arith.constant 0 : i32
    %dma_start3A_86 = arith.constant 0 : i32
    %dma_start3A_87 = tpu.memref_slice %arg2[%dma_start3A_85, %dma_start3A_86] : memref<10000x128xf32, #tpu.memory_space<hbm>> -> memref<10000x128xf32, #tpu.memory_space<hbm>>
    tpu.enqueue_indirect_dma source(%dma_start3A_87 : memref<10000x128xf32, #tpu.memory_space<hbm>>) target(%arg12 : memref<128x128xf32, #tpu.memory_space<vmem>>) offsets(%arg10 : memref<128xi32, #tpu.memory_space<vmem>>) semaphore(%arg19 : memref<!tpu.dma_semaphore, #tpu.memory_space<semaphore_mem>>)
    %dma_wait3A_88 = arith.constant 0 : i32
    %dma_wait3A_89 = arith.constant 0 : i32
    %dma_wait3A_90 = tpu.memref_slice %arg2[%dma_wait3A_88, %dma_wait3A_89] : memref<10000x128xf32, #tpu.memory_space<hbm>> -> memref<128x128xf32, #tpu.memory_space<hbm>>
    %dma_wait3A_91 = arith.constant 0 : i32
    %dma_wait3A_92 = arith.constant 0 : i32
    %dma_wait3A_93 = tpu.memref_slice %arg2[%dma_wait3A_91, %dma_wait3A_92] : memref<10000x128xf32, #tpu.memory_space<hbm>> -> memref<128x128xf32, #tpu.memory_space<hbm>>
    tpu.wait_dma2 semaphore(%arg20 : memref<!tpu.dma_semaphore, #tpu.memory_space<semaphore_mem>>) src(%dma_wait3A_93 : memref<128x128xf32, #tpu.memory_space<hbm>>) dst(%arg13 : memref<128x128xf32, #tpu.memory_space<vmem>>)
    %dma_start3A_94 = arith.constant 1 : i32
    %dma_start3A_95 = arith.constant 0 : i32
    %dma_start3A_96 = tpu.memref_slice %arg7[%dma_start3A_94, %dma_start3A_95] : memref<80x128xi32, #tpu.memory_space<vmem>> -> memref<1x128xi32, #tpu.memory_space<vmem>>
    %dma_start3A_97 = tpu.memref_squeeze %dma_start3A_96 : memref<1x128xi32, #tpu.memory_space<vmem>> -> memref<128xi32, #tpu.memory_space<vmem>>
    %dma_start3A_98 = arith.constant 0 : i32
    %dma_start3A_99 = arith.constant 0 : i32
    %dma_start3A_100 = tpu.memref_slice %arg14[%dma_start3A_98, %dma_start3A_99] : memref<10112x128xf32, #tpu.memory_space<vmem_shared>> -> memref<10112x128xf32, #tpu.memory_space<vmem_shared>>
    tpu.enqueue_indirect_dma source(%arg13 : memref<128x128xf32, #tpu.memory_space<vmem>>) target(%dma_start3A_100 : memref<10112x128xf32, #tpu.memory_space<vmem_shared>>) offsets(%dma_start3A_97 : memref<128xi32, #tpu.memory_space<vmem>>) semaphore(%arg22 : memref<!tpu.dma_semaphore, #tpu.memory_space<semaphore_mem>>) {add = true}
    %dma_start3A_101 = arith.constant 5 : i32
    %dma_start3A_102 = arith.constant 0 : i32
    %dma_start3A_103 = tpu.memref_slice %arg3[%add3A, %dma_start3A_101, %dma_start3A_102] : memref<32x80x128xi32, #tpu.memory_space<hbm>> -> memref<1x1x128xi32, #tpu.memory_space<hbm>>
    %dma_start3A_104 = tpu.memref_squeeze %dma_start3A_103 : memref<1x1x128xi32, #tpu.memory_space<hbm>> -> memref<128xi32, #tpu.memory_space<hbm>>
    %dma_start3A_105 = arith.constant 0 : i32
    %dma_start3A_106 = tpu.memref_slice %arg3[%add3A, %dma_start3A_101, %dma_start3A_105] : memref<32x80x128xi32, #tpu.memory_space<hbm>> -> memref<1x1x128xi32, #tpu.memory_space<hbm>>
    %dma_start3A_107 = tpu.memref_squeeze %dma_start3A_106 : memref<1x1x128xi32, #tpu.memory_space<hbm>> -> memref<128xi32, #tpu.memory_space<hbm>>
    tpu.enqueue_dma source(%dma_start3A_107 : memref<128xi32, #tpu.memory_space<hbm>>) target(%arg9 : memref<128xi32, #tpu.memory_space<vmem>>) target_semaphore(%arg16 : memref<!tpu.dma_semaphore, #tpu.memory_space<semaphore_mem>>)
    %dma_wait3A_108 = arith.constant 0 : i32
    %dma_wait3A_109 = arith.constant 0 : i32
    %dma_wait3A_110 = tpu.memref_slice %arg14[%dma_wait3A_108, %dma_wait3A_109] : memref<10112x128xf32, #tpu.memory_space<vmem_shared>> -> memref<128x128xf32, #tpu.memory_space<vmem_shared>>
    %dma_wait3A_111 = arith.constant 0 : i32
    %dma_wait3A_112 = arith.constant 0 : i32
    %dma_wait3A_113 = tpu.memref_slice %arg14[%dma_wait3A_111, %dma_wait3A_112] : memref<10112x128xf32, #tpu.memory_space<vmem_shared>> -> memref<128x128xf32, #tpu.memory_space<vmem_shared>>
    tpu.wait_dma2 semaphore(%arg22 : memref<!tpu.dma_semaphore, #tpu.memory_space<semaphore_mem>>) src(%arg13 : memref<128x128xf32, #tpu.memory_space<vmem>>) dst(%dma_wait3A_113 : memref<128x128xf32, #tpu.memory_space<vmem_shared>>)
    %dma_wait3A_114 = arith.constant 0 : i32
    %dma_wait3A_115 = arith.constant 0 : i32
    %dma_wait3A_116 = arith.constant 0 : i32
    %dma_wait3A_117 = tpu.memref_slice %arg3[%dma_wait3A_114, %dma_wait3A_115, %dma_wait3A_116] : memref<32x80x128xi32, #tpu.memory_space<hbm>> -> memref<1x1x128xi32, #tpu.memory_space<hbm>>
    %dma_wait3A_118 = tpu.memref_squeeze %dma_wait3A_117 : memref<1x1x128xi32, #tpu.memory_space<hbm>> -> memref<128xi32, #tpu.memory_space<hbm>>
    %dma_wait3A_119 = arith.constant 0 : i32
    %dma_wait3A_120 = tpu.memref_slice %arg3[%dma_wait3A_114, %dma_wait3A_115, %dma_wait3A_119] : memref<32x80x128xi32, #tpu.memory_space<hbm>> -> memref<1x1x128xi32, #tpu.memory_space<hbm>>
    %dma_wait3A_121 = tpu.memref_squeeze %dma_wait3A_120 : memref<1x1x128xi32, #tpu.memory_space<hbm>> -> memref<128xi32, #tpu.memory_space<hbm>>
    tpu.wait_dma2 semaphore(%arg18 : memref<!tpu.dma_semaphore, #tpu.memory_space<semaphore_mem>>) src(%dma_wait3A_121 : memref<128xi32, #tpu.memory_space<hbm>>) dst(%arg11 : memref<128xi32, #tpu.memory_space<vmem>>)
    %dma_start3A_122 = arith.constant 0 : i32
    %dma_start3A_123 = arith.constant 0 : i32
    %dma_start3A_124 = tpu.memref_slice %arg2[%dma_start3A_122, %dma_start3A_123] : memref<10000x128xf32, #tpu.memory_space<hbm>> -> memref<10000x128xf32, #tpu.memory_space<hbm>>
    tpu.enqueue_indirect_dma source(%dma_start3A_124 : memref<10000x128xf32, #tpu.memory_space<hbm>>) target(%arg13 : memref<128x128xf32, #tpu.memory_space<vmem>>) offsets(%arg11 : memref<128xi32, #tpu.memory_space<vmem>>) semaphore(%arg20 : memref<!tpu.dma_semaphore, #tpu.memory_space<semaphore_mem>>)
    %scan3A = arith.constant 0 : i32
    %scan3A_125 = arith.constant 1 : i32
    %scan3A_126 = arith.constant 18 : i32
    %scan3A_127 = arith.addi %scan3A_125, %scan3A_126 : i32
    %scan3A_128 = arith.constant 1 : i32
    scf.for %scan3A_303 = %scan3A_125 to %scan3A_127 step %scan3A_128  : i32 {
      %mul3A_304 = arith.constant 4 : i32
      %mul3A_305 = arith.muli %mul3A_304, %scan3A_303 : i32
      %add3A_306 = arith.constant 0 : i32
      %add3A_307 = arith.addi %mul3A_305, %add3A_306 : i32
      %sub3A = arith.constant 2 : i32
      %sub3A_308 = arith.subi %add3A_307, %sub3A : i32
      %dma_wait3A_309 = arith.constant 0 : i32
      %dma_wait3A_310 = arith.constant 0 : i32
      %dma_wait3A_311 = tpu.memref_slice %arg2[%dma_wait3A_309, %dma_wait3A_310] : memref<10000x128xf32, #tpu.memory_space<hbm>> -> memref<128x128xf32, #tpu.memory_space<hbm>>
      %dma_wait3A_312 = arith.constant 0 : i32
      %dma_wait3A_313 = arith.constant 0 : i32
      %dma_wait3A_314 = tpu.memref_slice %arg2[%dma_wait3A_312, %dma_wait3A_313] : memref<10000x128xf32, #tpu.memory_space<hbm>> -> memref<128x128xf32, #tpu.memory_space<hbm>>
      tpu.wait_dma2 semaphore(%arg19 : memref<!tpu.dma_semaphore, #tpu.memory_space<semaphore_mem>>) src(%dma_wait3A_314 : memref<128x128xf32, #tpu.memory_space<hbm>>) dst(%arg12 : memref<128x128xf32, #tpu.memory_space<vmem>>)
      %dma_start3A_315 = arith.constant 0 : i32
      %dma_start3A_316 = tpu.memref_slice %arg7[%sub3A_308, %dma_start3A_315] : memref<80x128xi32, #tpu.memory_space<vmem>> -> memref<1x128xi32, #tpu.memory_space<vmem>>
      %dma_start3A_317 = tpu.memref_squeeze %dma_start3A_316 : memref<1x128xi32, #tpu.memory_space<vmem>> -> memref<128xi32, #tpu.memory_space<vmem>>
      %dma_start3A_318 = arith.constant 0 : i32
      %dma_start3A_319 = arith.constant 0 : i32
      %dma_start3A_320 = tpu.memref_slice %arg14[%dma_start3A_318, %dma_start3A_319] : memref<10112x128xf32, #tpu.memory_space<vmem_shared>> -> memref<10112x128xf32, #tpu.memory_space<vmem_shared>>
      tpu.enqueue_indirect_dma source(%arg12 : memref<128x128xf32, #tpu.memory_space<vmem>>) target(%dma_start3A_320 : memref<10112x128xf32, #tpu.memory_space<vmem_shared>>) offsets(%dma_start3A_317 : memref<128xi32, #tpu.memory_space<vmem>>) semaphore(%arg21 : memref<!tpu.dma_semaphore, #tpu.memory_space<semaphore_mem>>) {add = true}
      %add3A_321 = arith.constant 4 : i32
      %add3A_322 = arith.addi %sub3A_308, %add3A_321 : i32
      %dma_start3A_323 = arith.constant 0 : i32
      %dma_start3A_324 = tpu.memref_slice %arg3[%add3A, %add3A_322, %dma_start3A_323] : memref<32x80x128xi32, #tpu.memory_space<hbm>> -> memref<1x1x128xi32, #tpu.memory_space<hbm>>
      %dma_start3A_325 = tpu.memref_squeeze %dma_start3A_324 : memref<1x1x128xi32, #tpu.memory_space<hbm>> -> memref<128xi32, #tpu.memory_space<hbm>>
      %dma_start3A_326 = arith.constant 0 : i32
      %dma_start3A_327 = tpu.memref_slice %arg3[%add3A, %add3A_322, %dma_start3A_326] : memref<32x80x128xi32, #tpu.memory_space<hbm>> -> memref<1x1x128xi32, #tpu.memory_space<hbm>>
      %dma_start3A_328 = tpu.memref_squeeze %dma_start3A_327 : memref<1x1x128xi32, #tpu.memory_space<hbm>> -> memref<128xi32, #tpu.memory_space<hbm>>
      tpu.enqueue_dma source(%dma_start3A_328 : memref<128xi32, #tpu.memory_space<hbm>>) target(%arg10 : memref<128xi32, #tpu.memory_space<vmem>>) target_semaphore(%arg17 : memref<!tpu.dma_semaphore, #tpu.memory_space<semaphore_mem>>)
      %dma_wait3A_329 = arith.constant 0 : i32
      %dma_wait3A_330 = arith.constant 0 : i32
      %dma_wait3A_331 = tpu.memref_slice %arg14[%dma_wait3A_329, %dma_wait3A_330] : memref<10112x128xf32, #tpu.memory_space<vmem_shared>> -> memref<128x128xf32, #tpu.memory_space<vmem_shared>>
      %dma_wait3A_332 = arith.constant 0 : i32
      %dma_wait3A_333 = arith.constant 0 : i32
      %dma_wait3A_334 = tpu.memref_slice %arg14[%dma_wait3A_332, %dma_wait3A_333] : memref<10112x128xf32, #tpu.memory_space<vmem_shared>> -> memref<128x128xf32, #tpu.memory_space<vmem_shared>>
      tpu.wait_dma2 semaphore(%arg21 : memref<!tpu.dma_semaphore, #tpu.memory_space<semaphore_mem>>) src(%arg12 : memref<128x128xf32, #tpu.memory_space<vmem>>) dst(%dma_wait3A_334 : memref<128x128xf32, #tpu.memory_space<vmem_shared>>)
      %dma_wait3A_335 = arith.constant 0 : i32
      %dma_wait3A_336 = arith.constant 0 : i32
      %dma_wait3A_337 = arith.constant 0 : i32
      %dma_wait3A_338 = tpu.memref_slice %arg3[%dma_wait3A_335, %dma_wait3A_336, %dma_wait3A_337] : memref<32x80x128xi32, #tpu.memory_space<hbm>> -> memref<1x1x128xi32, #tpu.memory_space<hbm>>
      %dma_wait3A_339 = tpu.memref_squeeze %dma_wait3A_338 : memref<1x1x128xi32, #tpu.memory_space<hbm>> -> memref<128xi32, #tpu.memory_space<hbm>>
      %dma_wait3A_340 = arith.constant 0 : i32
      %dma_wait3A_341 = tpu.memref_slice %arg3[%dma_wait3A_335, %dma_wait3A_336, %dma_wait3A_340] : memref<32x80x128xi32, #tpu.memory_space<hbm>> -> memref<1x1x128xi32, #tpu.memory_space<hbm>>
      %dma_wait3A_342 = tpu.memref_squeeze %dma_wait3A_341 : memref<1x1x128xi32, #tpu.memory_space<hbm>> -> memref<128xi32, #tpu.memory_space<hbm>>
      tpu.wait_dma2 semaphore(%arg15 : memref<!tpu.dma_semaphore, #tpu.memory_space<semaphore_mem>>) src(%dma_wait3A_342 : memref<128xi32, #tpu.memory_space<hbm>>) dst(%arg8 : memref<128xi32, #tpu.memory_space<vmem>>)
      %dma_start3A_343 = arith.constant 0 : i32
      %dma_start3A_344 = arith.constant 0 : i32
      %dma_start3A_345 = tpu.memref_slice %arg2[%dma_start3A_343, %dma_start3A_344] : memref<10000x128xf32, #tpu.memory_space<hbm>> -> memref<10000x128xf32, #tpu.memory_space<hbm>>
      tpu.enqueue_indirect_dma source(%dma_start3A_345 : memref<10000x128xf32, #tpu.memory_space<hbm>>) target(%arg12 : memref<128x128xf32, #tpu.memory_space<vmem>>) offsets(%arg8 : memref<128xi32, #tpu.memory_space<vmem>>) semaphore(%arg19 : memref<!tpu.dma_semaphore, #tpu.memory_space<semaphore_mem>>)
      %add3A_346 = arith.constant 1 : i32
      %add3A_347 = arith.addi %mul3A_305, %add3A_346 : i32
      %sub3A_348 = arith.constant 2 : i32
      %sub3A_349 = arith.subi %add3A_347, %sub3A_348 : i32
      %dma_wait3A_350 = arith.constant 0 : i32
      %dma_wait3A_351 = arith.constant 0 : i32
      %dma_wait3A_352 = tpu.memref_slice %arg2[%dma_wait3A_350, %dma_wait3A_351] : memref<10000x128xf32, #tpu.memory_space<hbm>> -> memref<128x128xf32, #tpu.memory_space<hbm>>
      %dma_wait3A_353 = arith.constant 0 : i32
      %dma_wait3A_354 = arith.constant 0 : i32
      %dma_wait3A_355 = tpu.memref_slice %arg2[%dma_wait3A_353, %dma_wait3A_354] : memref<10000x128xf32, #tpu.memory_space<hbm>> -> memref<128x128xf32, #tpu.memory_space<hbm>>
      tpu.wait_dma2 semaphore(%arg20 : memref<!tpu.dma_semaphore, #tpu.memory_space<semaphore_mem>>) src(%dma_wait3A_355 : memref<128x128xf32, #tpu.memory_space<hbm>>) dst(%arg13 : memref<128x128xf32, #tpu.memory_space<vmem>>)
      %dma_start3A_356 = arith.constant 0 : i32
      %dma_start3A_357 = tpu.memref_slice %arg7[%sub3A_349, %dma_start3A_356] : memref<80x128xi32, #tpu.memory_space<vmem>> -> memref<1x128xi32, #tpu.memory_space<vmem>>
      %dma_start3A_358 = tpu.memref_squeeze %dma_start3A_357 : memref<1x128xi32, #tpu.memory_space<vmem>> -> memref<128xi32, #tpu.memory_space<vmem>>
      %dma_start3A_359 = arith.constant 0 : i32
      %dma_start3A_360 = arith.constant 0 : i32
      %dma_start3A_361 = tpu.memref_slice %arg14[%dma_start3A_359, %dma_start3A_360] : memref<10112x128xf32, #tpu.memory_space<vmem_shared>> -> memref<10112x128xf32, #tpu.memory_space<vmem_shared>>
      tpu.enqueue_indirect_dma source(%arg13 : memref<128x128xf32, #tpu.memory_space<vmem>>) target(%dma_start3A_361 : memref<10112x128xf32, #tpu.memory_space<vmem_shared>>) offsets(%dma_start3A_358 : memref<128xi32, #tpu.memory_space<vmem>>) semaphore(%arg22 : memref<!tpu.dma_semaphore, #tpu.memory_space<semaphore_mem>>) {add = true}
      %add3A_362 = arith.constant 4 : i32
      %add3A_363 = arith.addi %sub3A_349, %add3A_362 : i32
      %dma_start3A_364 = arith.constant 0 : i32
      %dma_start3A_365 = tpu.memref_slice %arg3[%add3A, %add3A_363, %dma_start3A_364] : memref<32x80x128xi32, #tpu.memory_space<hbm>> -> memref<1x1x128xi32, #tpu.memory_space<hbm>>
      %dma_start3A_366 = tpu.memref_squeeze %dma_start3A_365 : memref<1x1x128xi32, #tpu.memory_space<hbm>> -> memref<128xi32, #tpu.memory_space<hbm>>
      %dma_start3A_367 = arith.constant 0 : i32
      %dma_start3A_368 = tpu.memref_slice %arg3[%add3A, %add3A_363, %dma_start3A_367] : memref<32x80x128xi32, #tpu.memory_space<hbm>> -> memref<1x1x128xi32, #tpu.memory_space<hbm>>
      %dma_start3A_369 = tpu.memref_squeeze %dma_start3A_368 : memref<1x1x128xi32, #tpu.memory_space<hbm>> -> memref<128xi32, #tpu.memory_space<hbm>>
      tpu.enqueue_dma source(%dma_start3A_369 : memref<128xi32, #tpu.memory_space<hbm>>) target(%arg11 : memref<128xi32, #tpu.memory_space<vmem>>) target_semaphore(%arg18 : memref<!tpu.dma_semaphore, #tpu.memory_space<semaphore_mem>>)
      %dma_wait3A_370 = arith.constant 0 : i32
      %dma_wait3A_371 = arith.constant 0 : i32
      %dma_wait3A_372 = tpu.memref_slice %arg14[%dma_wait3A_370, %dma_wait3A_371] : memref<10112x128xf32, #tpu.memory_space<vmem_shared>> -> memref<128x128xf32, #tpu.memory_space<vmem_shared>>
      %dma_wait3A_373 = arith.constant 0 : i32
      %dma_wait3A_374 = arith.constant 0 : i32
      %dma_wait3A_375 = tpu.memref_slice %arg14[%dma_wait3A_373, %dma_wait3A_374] : memref<10112x128xf32, #tpu.memory_space<vmem_shared>> -> memref<128x128xf32, #tpu.memory_space<vmem_shared>>
      tpu.wait_dma2 semaphore(%arg22 : memref<!tpu.dma_semaphore, #tpu.memory_space<semaphore_mem>>) src(%arg13 : memref<128x128xf32, #tpu.memory_space<vmem>>) dst(%dma_wait3A_375 : memref<128x128xf32, #tpu.memory_space<vmem_shared>>)
      %dma_wait3A_376 = arith.constant 0 : i32
      %dma_wait3A_377 = arith.constant 0 : i32
      %dma_wait3A_378 = arith.constant 0 : i32
      %dma_wait3A_379 = tpu.memref_slice %arg3[%dma_wait3A_376, %dma_wait3A_377, %dma_wait3A_378] : memref<32x80x128xi32, #tpu.memory_space<hbm>> -> memref<1x1x128xi32, #tpu.memory_space<hbm>>
      %dma_wait3A_380 = tpu.memref_squeeze %dma_wait3A_379 : memref<1x1x128xi32, #tpu.memory_space<hbm>> -> memref<128xi32, #tpu.memory_space<hbm>>
      %dma_wait3A_381 = arith.constant 0 : i32
      %dma_wait3A_382 = tpu.memref_slice %arg3[%dma_wait3A_376, %dma_wait3A_377, %dma_wait3A_381] : memref<32x80x128xi32, #tpu.memory_space<hbm>> -> memref<1x1x128xi32, #tpu.memory_space<hbm>>
      %dma_wait3A_383 = tpu.memref_squeeze %dma_wait3A_382 : memref<1x1x128xi32, #tpu.memory_space<hbm>> -> memref<128xi32, #tpu.memory_space<hbm>>
      tpu.wait_dma2 semaphore(%arg16 : memref<!tpu.dma_semaphore, #tpu.memory_space<semaphore_mem>>) src(%dma_wait3A_383 : memref<128xi32, #tpu.memory_space<hbm>>) dst(%arg9 : memref<128xi32, #tpu.memory_space<vmem>>)
      %dma_start3A_384 = arith.constant 0 : i32
      %dma_start3A_385 = arith.constant 0 : i32
      %dma_start3A_386 = tpu.memref_slice %arg2[%dma_start3A_384, %dma_start3A_385] : memref<10000x128xf32, #tpu.memory_space<hbm>> -> memref<10000x128xf32, #tpu.memory_space<hbm>>
      tpu.enqueue_indirect_dma source(%dma_start3A_386 : memref<10000x128xf32, #tpu.memory_space<hbm>>) target(%arg13 : memref<128x128xf32, #tpu.memory_space<vmem>>) offsets(%arg9 : memref<128xi32, #tpu.memory_space<vmem>>) semaphore(%arg20 : memref<!tpu.dma_semaphore, #tpu.memory_space<semaphore_mem>>)
      %add3A_387 = arith.constant 2 : i32
      %add3A_388 = arith.addi %mul3A_305, %add3A_387 : i32
      %sub3A_389 = arith.constant 2 : i32
      %sub3A_390 = arith.subi %add3A_388, %sub3A_389 : i32
      %dma_wait3A_391 = arith.constant 0 : i32
      %dma_wait3A_392 = arith.constant 0 : i32
      %dma_wait3A_393 = tpu.memref_slice %arg2[%dma_wait3A_391, %dma_wait3A_392] : memref<10000x128xf32, #tpu.memory_space<hbm>> -> memref<128x128xf32, #tpu.memory_space<hbm>>
      %dma_wait3A_394 = arith.constant 0 : i32
      %dma_wait3A_395 = arith.constant 0 : i32
      %dma_wait3A_396 = tpu.memref_slice %arg2[%dma_wait3A_394, %dma_wait3A_395] : memref<10000x128xf32, #tpu.memory_space<hbm>> -> memref<128x128xf32, #tpu.memory_space<hbm>>
      tpu.wait_dma2 semaphore(%arg19 : memref<!tpu.dma_semaphore, #tpu.memory_space<semaphore_mem>>) src(%dma_wait3A_396 : memref<128x128xf32, #tpu.memory_space<hbm>>) dst(%arg12 : memref<128x128xf32, #tpu.memory_space<vmem>>)
      %dma_start3A_397 = arith.constant 0 : i32
      %dma_start3A_398 = tpu.memref_slice %arg7[%sub3A_390, %dma_start3A_397] : memref<80x128xi32, #tpu.memory_space<vmem>> -> memref<1x128xi32, #tpu.memory_space<vmem>>
      %dma_start3A_399 = tpu.memref_squeeze %dma_start3A_398 : memref<1x128xi32, #tpu.memory_space<vmem>> -> memref<128xi32, #tpu.memory_space<vmem>>
      %dma_start3A_400 = arith.constant 0 : i32
      %dma_start3A_401 = arith.constant 0 : i32
      %dma_start3A_402 = tpu.memref_slice %arg14[%dma_start3A_400, %dma_start3A_401] : memref<10112x128xf32, #tpu.memory_space<vmem_shared>> -> memref<10112x128xf32, #tpu.memory_space<vmem_shared>>
      tpu.enqueue_indirect_dma source(%arg12 : memref<128x128xf32, #tpu.memory_space<vmem>>) target(%dma_start3A_402 : memref<10112x128xf32, #tpu.memory_space<vmem_shared>>) offsets(%dma_start3A_399 : memref<128xi32, #tpu.memory_space<vmem>>) semaphore(%arg21 : memref<!tpu.dma_semaphore, #tpu.memory_space<semaphore_mem>>) {add = true}
      %add3A_403 = arith.constant 4 : i32
      %add3A_404 = arith.addi %sub3A_390, %add3A_403 : i32
      %dma_start3A_405 = arith.constant 0 : i32
      %dma_start3A_406 = tpu.memref_slice %arg3[%add3A, %add3A_404, %dma_start3A_405] : memref<32x80x128xi32, #tpu.memory_space<hbm>> -> memref<1x1x128xi32, #tpu.memory_space<hbm>>
      %dma_start3A_407 = tpu.memref_squeeze %dma_start3A_406 : memref<1x1x128xi32, #tpu.memory_space<hbm>> -> memref<128xi32, #tpu.memory_space<hbm>>
      %dma_start3A_408 = arith.constant 0 : i32
      %dma_start3A_409 = tpu.memref_slice %arg3[%add3A, %add3A_404, %dma_start3A_408] : memref<32x80x128xi32, #tpu.memory_space<hbm>> -> memref<1x1x128xi32, #tpu.memory_space<hbm>>
      %dma_start3A_410 = tpu.memref_squeeze %dma_start3A_409 : memref<1x1x128xi32, #tpu.memory_space<hbm>> -> memref<128xi32, #tpu.memory_space<hbm>>
      tpu.enqueue_dma source(%dma_start3A_410 : memref<128xi32, #tpu.memory_space<hbm>>) target(%arg8 : memref<128xi32, #tpu.memory_space<vmem>>) target_semaphore(%arg15 : memref<!tpu.dma_semaphore, #tpu.memory_space<semaphore_mem>>)
      %dma_wait3A_411 = arith.constant 0 : i32
      %dma_wait3A_412 = arith.constant 0 : i32
      %dma_wait3A_413 = tpu.memref_slice %arg14[%dma_wait3A_411, %dma_wait3A_412] : memref<10112x128xf32, #tpu.memory_space<vmem_shared>> -> memref<128x128xf32, #tpu.memory_space<vmem_shared>>
      %dma_wait3A_414 = arith.constant 0 : i32
      %dma_wait3A_415 = arith.constant 0 : i32
      %dma_wait3A_416 = tpu.memref_slice %arg14[%dma_wait3A_414, %dma_wait3A_415] : memref<10112x128xf32, #tpu.memory_space<vmem_shared>> -> memref<128x128xf32, #tpu.memory_space<vmem_shared>>
      tpu.wait_dma2 semaphore(%arg21 : memref<!tpu.dma_semaphore, #tpu.memory_space<semaphore_mem>>) src(%arg12 : memref<128x128xf32, #tpu.memory_space<vmem>>) dst(%dma_wait3A_416 : memref<128x128xf32, #tpu.memory_space<vmem_shared>>)
      %dma_wait3A_417 = arith.constant 0 : i32
      %dma_wait3A_418 = arith.constant 0 : i32
      %dma_wait3A_419 = arith.constant 0 : i32
      %dma_wait3A_420 = tpu.memref_slice %arg3[%dma_wait3A_417, %dma_wait3A_418, %dma_wait3A_419] : memref<32x80x128xi32, #tpu.memory_space<hbm>> -> memref<1x1x128xi32, #tpu.memory_space<hbm>>
      %dma_wait3A_421 = tpu.memref_squeeze %dma_wait3A_420 : memref<1x1x128xi32, #tpu.memory_space<hbm>> -> memref<128xi32, #tpu.memory_space<hbm>>
      %dma_wait3A_422 = arith.constant 0 : i32
      %dma_wait3A_423 = tpu.memref_slice %arg3[%dma_wait3A_417, %dma_wait3A_418, %dma_wait3A_422] : memref<32x80x128xi32, #tpu.memory_space<hbm>> -> memref<1x1x128xi32, #tpu.memory_space<hbm>>
      %dma_wait3A_424 = tpu.memref_squeeze %dma_wait3A_423 : memref<1x1x128xi32, #tpu.memory_space<hbm>> -> memref<128xi32, #tpu.memory_space<hbm>>
      tpu.wait_dma2 semaphore(%arg17 : memref<!tpu.dma_semaphore, #tpu.memory_space<semaphore_mem>>) src(%dma_wait3A_424 : memref<128xi32, #tpu.memory_space<hbm>>) dst(%arg10 : memref<128xi32, #tpu.memory_space<vmem>>)
      %dma_start3A_425 = arith.constant 0 : i32
      %dma_start3A_426 = arith.constant 0 : i32
      %dma_start3A_427 = tpu.memref_slice %arg2[%dma_start3A_425, %dma_start3A_426] : memref<10000x128xf32, #tpu.memory_space<hbm>> -> memref<10000x128xf32, #tpu.memory_space<hbm>>
      tpu.enqueue_indirect_dma source(%dma_start3A_427 : memref<10000x128xf32, #tpu.memory_space<hbm>>) target(%arg12 : memref<128x128xf32, #tpu.memory_space<vmem>>) offsets(%arg10 : memref<128xi32, #tpu.memory_space<vmem>>) semaphore(%arg19 : memref<!tpu.dma_semaphore, #tpu.memory_space<semaphore_mem>>)
      %add3A_428 = arith.constant 3 : i32
      %add3A_429 = arith.addi %mul3A_305, %add3A_428 : i32
      %sub3A_430 = arith.constant 2 : i32
      %sub3A_431 = arith.subi %add3A_429, %sub3A_430 : i32
      %dma_wait3A_432 = arith.constant 0 : i32
      %dma_wait3A_433 = arith.constant 0 : i32
      %dma_wait3A_434 = tpu.memref_slice %arg2[%dma_wait3A_432, %dma_wait3A_433] : memref<10000x128xf32, #tpu.memory_space<hbm>> -> memref<128x128xf32, #tpu.memory_space<hbm>>
      %dma_wait3A_435 = arith.constant 0 : i32
      %dma_wait3A_436 = arith.constant 0 : i32
      %dma_wait3A_437 = tpu.memref_slice %arg2[%dma_wait3A_435, %dma_wait3A_436] : memref<10000x128xf32, #tpu.memory_space<hbm>> -> memref<128x128xf32, #tpu.memory_space<hbm>>
      tpu.wait_dma2 semaphore(%arg20 : memref<!tpu.dma_semaphore, #tpu.memory_space<semaphore_mem>>) src(%dma_wait3A_437 : memref<128x128xf32, #tpu.memory_space<hbm>>) dst(%arg13 : memref<128x128xf32, #tpu.memory_space<vmem>>)
      %dma_start3A_438 = arith.constant 0 : i32
      %dma_start3A_439 = tpu.memref_slice %arg7[%sub3A_431, %dma_start3A_438] : memref<80x128xi32, #tpu.memory_space<vmem>> -> memref<1x128xi32, #tpu.memory_space<vmem>>
      %dma_start3A_440 = tpu.memref_squeeze %dma_start3A_439 : memref<1x128xi32, #tpu.memory_space<vmem>> -> memref<128xi32, #tpu.memory_space<vmem>>
      %dma_start3A_441 = arith.constant 0 : i32
      %dma_start3A_442 = arith.constant 0 : i32
      %dma_start3A_443 = tpu.memref_slice %arg14[%dma_start3A_441, %dma_start3A_442] : memref<10112x128xf32, #tpu.memory_space<vmem_shared>> -> memref<10112x128xf32, #tpu.memory_space<vmem_shared>>
      tpu.enqueue_indirect_dma source(%arg13 : memref<128x128xf32, #tpu.memory_space<vmem>>) target(%dma_start3A_443 : memref<10112x128xf32, #tpu.memory_space<vmem_shared>>) offsets(%dma_start3A_440 : memref<128xi32, #tpu.memory_space<vmem>>) semaphore(%arg22 : memref<!tpu.dma_semaphore, #tpu.memory_space<semaphore_mem>>) {add = true}
      %add3A_444 = arith.constant 4 : i32
      %add3A_445 = arith.addi %sub3A_431, %add3A_444 : i32
      %dma_start3A_446 = arith.constant 0 : i32
      %dma_start3A_447 = tpu.memref_slice %arg3[%add3A, %add3A_445, %dma_start3A_446] : memref<32x80x128xi32, #tpu.memory_space<hbm>> -> memref<1x1x128xi32, #tpu.memory_space<hbm>>
      %dma_start3A_448 = tpu.memref_squeeze %dma_start3A_447 : memref<1x1x128xi32, #tpu.memory_space<hbm>> -> memref<128xi32, #tpu.memory_space<hbm>>
      %dma_start3A_449 = arith.constant 0 : i32
      %dma_start3A_450 = tpu.memref_slice %arg3[%add3A, %add3A_445, %dma_start3A_449] : memref<32x80x128xi32, #tpu.memory_space<hbm>> -> memref<1x1x128xi32, #tpu.memory_space<hbm>>
      %dma_start3A_451 = tpu.memref_squeeze %dma_start3A_450 : memref<1x1x128xi32, #tpu.memory_space<hbm>> -> memref<128xi32, #tpu.memory_space<hbm>>
      tpu.enqueue_dma source(%dma_start3A_451 : memref<128xi32, #tpu.memory_space<hbm>>) target(%arg9 : memref<128xi32, #tpu.memory_space<vmem>>) target_semaphore(%arg16 : memref<!tpu.dma_semaphore, #tpu.memory_space<semaphore_mem>>)
      %dma_wait3A_452 = arith.constant 0 : i32
      %dma_wait3A_453 = arith.constant 0 : i32
      %dma_wait3A_454 = tpu.memref_slice %arg14[%dma_wait3A_452, %dma_wait3A_453] : memref<10112x128xf32, #tpu.memory_space<vmem_shared>> -> memref<128x128xf32, #tpu.memory_space<vmem_shared>>
      %dma_wait3A_455 = arith.constant 0 : i32
      %dma_wait3A_456 = arith.constant 0 : i32
      %dma_wait3A_457 = tpu.memref_slice %arg14[%dma_wait3A_455, %dma_wait3A_456] : memref<10112x128xf32, #tpu.memory_space<vmem_shared>> -> memref<128x128xf32, #tpu.memory_space<vmem_shared>>
      tpu.wait_dma2 semaphore(%arg22 : memref<!tpu.dma_semaphore, #tpu.memory_space<semaphore_mem>>) src(%arg13 : memref<128x128xf32, #tpu.memory_space<vmem>>) dst(%dma_wait3A_457 : memref<128x128xf32, #tpu.memory_space<vmem_shared>>)
      %dma_wait3A_458 = arith.constant 0 : i32
      %dma_wait3A_459 = arith.constant 0 : i32
      %dma_wait3A_460 = arith.constant 0 : i32
      %dma_wait3A_461 = tpu.memref_slice %arg3[%dma_wait3A_458, %dma_wait3A_459, %dma_wait3A_460] : memref<32x80x128xi32, #tpu.memory_space<hbm>> -> memref<1x1x128xi32, #tpu.memory_space<hbm>>
      %dma_wait3A_462 = tpu.memref_squeeze %dma_wait3A_461 : memref<1x1x128xi32, #tpu.memory_space<hbm>> -> memref<128xi32, #tpu.memory_space<hbm>>
      %dma_wait3A_463 = arith.constant 0 : i32
      %dma_wait3A_464 = tpu.memref_slice %arg3[%dma_wait3A_458, %dma_wait3A_459, %dma_wait3A_463] : memref<32x80x128xi32, #tpu.memory_space<hbm>> -> memref<1x1x128xi32, #tpu.memory_space<hbm>>
      %dma_wait3A_465 = tpu.memref_squeeze %dma_wait3A_464 : memref<1x1x128xi32, #tpu.memory_space<hbm>> -> memref<128xi32, #tpu.memory_space<hbm>>
      tpu.wait_dma2 semaphore(%arg18 : memref<!tpu.dma_semaphore, #tpu.memory_space<semaphore_mem>>) src(%dma_wait3A_465 : memref<128xi32, #tpu.memory_space<hbm>>) dst(%arg11 : memref<128xi32, #tpu.memory_space<vmem>>)
      %dma_start3A_466 = arith.constant 0 : i32
      %dma_start3A_467 = arith.constant 0 : i32
      %dma_start3A_468 = tpu.memref_slice %arg2[%dma_start3A_466, %dma_start3A_467] : memref<10000x128xf32, #tpu.memory_space<hbm>> -> memref<10000x128xf32, #tpu.memory_space<hbm>>
      tpu.enqueue_indirect_dma source(%dma_start3A_468 : memref<10000x128xf32, #tpu.memory_space<hbm>>) target(%arg13 : memref<128x128xf32, #tpu.memory_space<vmem>>) offsets(%arg11 : memref<128xi32, #tpu.memory_space<vmem>>) semaphore(%arg20 : memref<!tpu.dma_semaphore, #tpu.memory_space<semaphore_mem>>)
    }
    %scan3A_129 = arith.constant 18 : i32
    %dma_wait3A_130 = arith.constant 0 : i32
    %dma_wait3A_131 = arith.constant 0 : i32
    %dma_wait3A_132 = tpu.memref_slice %arg2[%dma_wait3A_130, %dma_wait3A_131] : memref<10000x128xf32, #tpu.memory_space<hbm>> -> memref<128x128xf32, #tpu.memory_space<hbm>>
    %dma_wait3A_133 = arith.constant 0 : i32
    %dma_wait3A_134 = arith.constant 0 : i32
    %dma_wait3A_135 = tpu.memref_slice %arg2[%dma_wait3A_133, %dma_wait3A_134] : memref<10000x128xf32, #tpu.memory_space<hbm>> -> memref<128x128xf32, #tpu.memory_space<hbm>>
    tpu.wait_dma2 semaphore(%arg19 : memref<!tpu.dma_semaphore, #tpu.memory_space<semaphore_mem>>) src(%dma_wait3A_135 : memref<128x128xf32, #tpu.memory_space<hbm>>) dst(%arg12 : memref<128x128xf32, #tpu.memory_space<vmem>>)
    %dma_start3A_136 = arith.constant 74 : i32
    %dma_start3A_137 = arith.constant 0 : i32
    %dma_start3A_138 = tpu.memref_slice %arg7[%dma_start3A_136, %dma_start3A_137] : memref<80x128xi32, #tpu.memory_space<vmem>> -> memref<1x128xi32, #tpu.memory_space<vmem>>
    %dma_start3A_139 = tpu.memref_squeeze %dma_start3A_138 : memref<1x128xi32, #tpu.memory_space<vmem>> -> memref<128xi32, #tpu.memory_space<vmem>>
    %dma_start3A_140 = arith.constant 0 : i32
    %dma_start3A_141 = arith.constant 0 : i32
    %dma_start3A_142 = tpu.memref_slice %arg14[%dma_start3A_140, %dma_start3A_141] : memref<10112x128xf32, #tpu.memory_space<vmem_shared>> -> memref<10112x128xf32, #tpu.memory_space<vmem_shared>>
    tpu.enqueue_indirect_dma source(%arg12 : memref<128x128xf32, #tpu.memory_space<vmem>>) target(%dma_start3A_142 : memref<10112x128xf32, #tpu.memory_space<vmem_shared>>) offsets(%dma_start3A_139 : memref<128xi32, #tpu.memory_space<vmem>>) semaphore(%arg21 : memref<!tpu.dma_semaphore, #tpu.memory_space<semaphore_mem>>) {add = true}
    %dma_start3A_143 = arith.constant 78 : i32
    %dma_start3A_144 = arith.constant 0 : i32
    %dma_start3A_145 = tpu.memref_slice %arg3[%add3A, %dma_start3A_143, %dma_start3A_144] : memref<32x80x128xi32, #tpu.memory_space<hbm>> -> memref<1x1x128xi32, #tpu.memory_space<hbm>>
    %dma_start3A_146 = tpu.memref_squeeze %dma_start3A_145 : memref<1x1x128xi32, #tpu.memory_space<hbm>> -> memref<128xi32, #tpu.memory_space<hbm>>
    %dma_start3A_147 = arith.constant 0 : i32
    %dma_start3A_148 = tpu.memref_slice %arg3[%add3A, %dma_start3A_143, %dma_start3A_147] : memref<32x80x128xi32, #tpu.memory_space<hbm>> -> memref<1x1x128xi32, #tpu.memory_space<hbm>>
    %dma_start3A_149 = tpu.memref_squeeze %dma_start3A_148 : memref<1x1x128xi32, #tpu.memory_space<hbm>> -> memref<128xi32, #tpu.memory_space<hbm>>
    tpu.enqueue_dma source(%dma_start3A_149 : memref<128xi32, #tpu.memory_space<hbm>>) target(%arg10 : memref<128xi32, #tpu.memory_space<vmem>>) target_semaphore(%arg17 : memref<!tpu.dma_semaphore, #tpu.memory_space<semaphore_mem>>)
    %dma_wait3A_150 = arith.constant 0 : i32
    %dma_wait3A_151 = arith.constant 0 : i32
    %dma_wait3A_152 = tpu.memref_slice %arg14[%dma_wait3A_150, %dma_wait3A_151] : memref<10112x128xf32, #tpu.memory_space<vmem_shared>> -> memref<128x128xf32, #tpu.memory_space<vmem_shared>>
    %dma_wait3A_153 = arith.constant 0 : i32
    %dma_wait3A_154 = arith.constant 0 : i32
    %dma_wait3A_155 = tpu.memref_slice %arg14[%dma_wait3A_153, %dma_wait3A_154] : memref<10112x128xf32, #tpu.memory_space<vmem_shared>> -> memref<128x128xf32, #tpu.memory_space<vmem_shared>>
    tpu.wait_dma2 semaphore(%arg21 : memref<!tpu.dma_semaphore, #tpu.memory_space<semaphore_mem>>) src(%arg12 : memref<128x128xf32, #tpu.memory_space<vmem>>) dst(%dma_wait3A_155 : memref<128x128xf32, #tpu.memory_space<vmem_shared>>)
    %dma_wait3A_156 = arith.constant 0 : i32
    %dma_wait3A_157 = arith.constant 0 : i32
    %dma_wait3A_158 = arith.constant 0 : i32
    %dma_wait3A_159 = tpu.memref_slice %arg3[%dma_wait3A_156, %dma_wait3A_157, %dma_wait3A_158] : memref<32x80x128xi32, #tpu.memory_space<hbm>> -> memref<1x1x128xi32, #tpu.memory_space<hbm>>
    %dma_wait3A_160 = tpu.memref_squeeze %dma_wait3A_159 : memref<1x1x128xi32, #tpu.memory_space<hbm>> -> memref<128xi32, #tpu.memory_space<hbm>>
    %dma_wait3A_161 = arith.constant 0 : i32
    %dma_wait3A_162 = tpu.memref_slice %arg3[%dma_wait3A_156, %dma_wait3A_157, %dma_wait3A_161] : memref<32x80x128xi32, #tpu.memory_space<hbm>> -> memref<1x1x128xi32, #tpu.memory_space<hbm>>
    %dma_wait3A_163 = tpu.memref_squeeze %dma_wait3A_162 : memref<1x1x128xi32, #tpu.memory_space<hbm>> -> memref<128xi32, #tpu.memory_space<hbm>>
    tpu.wait_dma2 semaphore(%arg15 : memref<!tpu.dma_semaphore, #tpu.memory_space<semaphore_mem>>) src(%dma_wait3A_163 : memref<128xi32, #tpu.memory_space<hbm>>) dst(%arg8 : memref<128xi32, #tpu.memory_space<vmem>>)
    %dma_start3A_164 = arith.constant 0 : i32
    %dma_start3A_165 = arith.constant 0 : i32
    %dma_start3A_166 = tpu.memref_slice %arg2[%dma_start3A_164, %dma_start3A_165] : memref<10000x128xf32, #tpu.memory_space<hbm>> -> memref<10000x128xf32, #tpu.memory_space<hbm>>
    tpu.enqueue_indirect_dma source(%dma_start3A_166 : memref<10000x128xf32, #tpu.memory_space<hbm>>) target(%arg12 : memref<128x128xf32, #tpu.memory_space<vmem>>) offsets(%arg8 : memref<128xi32, #tpu.memory_space<vmem>>) semaphore(%arg19 : memref<!tpu.dma_semaphore, #tpu.memory_space<semaphore_mem>>)
    %dma_wait3A_167 = arith.constant 0 : i32
    %dma_wait3A_168 = arith.constant 0 : i32
    %dma_wait3A_169 = tpu.memref_slice %arg2[%dma_wait3A_167, %dma_wait3A_168] : memref<10000x128xf32, #tpu.memory_space<hbm>> -> memref<128x128xf32, #tpu.memory_space<hbm>>
    %dma_wait3A_170 = arith.constant 0 : i32
    %dma_wait3A_171 = arith.constant 0 : i32
    %dma_wait3A_172 = tpu.memref_slice %arg2[%dma_wait3A_170, %dma_wait3A_171] : memref<10000x128xf32, #tpu.memory_space<hbm>> -> memref<128x128xf32, #tpu.memory_space<hbm>>
    tpu.wait_dma2 semaphore(%arg20 : memref<!tpu.dma_semaphore, #tpu.memory_space<semaphore_mem>>) src(%dma_wait3A_172 : memref<128x128xf32, #tpu.memory_space<hbm>>) dst(%arg13 : memref<128x128xf32, #tpu.memory_space<vmem>>)
    %dma_start3A_173 = arith.constant 75 : i32
    %dma_start3A_174 = arith.constant 0 : i32
    %dma_start3A_175 = tpu.memref_slice %arg7[%dma_start3A_173, %dma_start3A_174] : memref<80x128xi32, #tpu.memory_space<vmem>> -> memref<1x128xi32, #tpu.memory_space<vmem>>
    %dma_start3A_176 = tpu.memref_squeeze %dma_start3A_175 : memref<1x128xi32, #tpu.memory_space<vmem>> -> memref<128xi32, #tpu.memory_space<vmem>>
    %dma_start3A_177 = arith.constant 0 : i32
    %dma_start3A_178 = arith.constant 0 : i32
    %dma_start3A_179 = tpu.memref_slice %arg14[%dma_start3A_177, %dma_start3A_178] : memref<10112x128xf32, #tpu.memory_space<vmem_shared>> -> memref<10112x128xf32, #tpu.memory_space<vmem_shared>>
    tpu.enqueue_indirect_dma source(%arg13 : memref<128x128xf32, #tpu.memory_space<vmem>>) target(%dma_start3A_179 : memref<10112x128xf32, #tpu.memory_space<vmem_shared>>) offsets(%dma_start3A_176 : memref<128xi32, #tpu.memory_space<vmem>>) semaphore(%arg22 : memref<!tpu.dma_semaphore, #tpu.memory_space<semaphore_mem>>) {add = true}
    %dma_start3A_180 = arith.constant 79 : i32
    %dma_start3A_181 = arith.constant 0 : i32
    %dma_start3A_182 = tpu.memref_slice %arg3[%add3A, %dma_start3A_180, %dma_start3A_181] : memref<32x80x128xi32, #tpu.memory_space<hbm>> -> memref<1x1x128xi32, #tpu.memory_space<hbm>>
    %dma_start3A_183 = tpu.memref_squeeze %dma_start3A_182 : memref<1x1x128xi32, #tpu.memory_space<hbm>> -> memref<128xi32, #tpu.memory_space<hbm>>
    %dma_start3A_184 = arith.constant 0 : i32
    %dma_start3A_185 = tpu.memref_slice %arg3[%add3A, %dma_start3A_180, %dma_start3A_184] : memref<32x80x128xi32, #tpu.memory_space<hbm>> -> memref<1x1x128xi32, #tpu.memory_space<hbm>>
    %dma_start3A_186 = tpu.memref_squeeze %dma_start3A_185 : memref<1x1x128xi32, #tpu.memory_space<hbm>> -> memref<128xi32, #tpu.memory_space<hbm>>
    tpu.enqueue_dma source(%dma_start3A_186 : memref<128xi32, #tpu.memory_space<hbm>>) target(%arg11 : memref<128xi32, #tpu.memory_space<vmem>>) target_semaphore(%arg18 : memref<!tpu.dma_semaphore, #tpu.memory_space<semaphore_mem>>)
    %dma_wait3A_187 = arith.constant 0 : i32
    %dma_wait3A_188 = arith.constant 0 : i32
    %dma_wait3A_189 = tpu.memref_slice %arg14[%dma_wait3A_187, %dma_wait3A_188] : memref<10112x128xf32, #tpu.memory_space<vmem_shared>> -> memref<128x128xf32, #tpu.memory_space<vmem_shared>>
    %dma_wait3A_190 = arith.constant 0 : i32
    %dma_wait3A_191 = arith.constant 0 : i32
    %dma_wait3A_192 = tpu.memref_slice %arg14[%dma_wait3A_190, %dma_wait3A_191] : memref<10112x128xf32, #tpu.memory_space<vmem_shared>> -> memref<128x128xf32, #tpu.memory_space<vmem_shared>>
    tpu.wait_dma2 semaphore(%arg22 : memref<!tpu.dma_semaphore, #tpu.memory_space<semaphore_mem>>) src(%arg13 : memref<128x128xf32, #tpu.memory_space<vmem>>) dst(%dma_wait3A_192 : memref<128x128xf32, #tpu.memory_space<vmem_shared>>)
    %dma_wait3A_193 = arith.constant 0 : i32
    %dma_wait3A_194 = arith.constant 0 : i32
    %dma_wait3A_195 = arith.constant 0 : i32
    %dma_wait3A_196 = tpu.memref_slice %arg3[%dma_wait3A_193, %dma_wait3A_194, %dma_wait3A_195] : memref<32x80x128xi32, #tpu.memory_space<hbm>> -> memref<1x1x128xi32, #tpu.memory_space<hbm>>
    %dma_wait3A_197 = tpu.memref_squeeze %dma_wait3A_196 : memref<1x1x128xi32, #tpu.memory_space<hbm>> -> memref<128xi32, #tpu.memory_space<hbm>>
    %dma_wait3A_198 = arith.constant 0 : i32
    %dma_wait3A_199 = tpu.memref_slice %arg3[%dma_wait3A_193, %dma_wait3A_194, %dma_wait3A_198] : memref<32x80x128xi32, #tpu.memory_space<hbm>> -> memref<1x1x128xi32, #tpu.memory_space<hbm>>
    %dma_wait3A_200 = tpu.memref_squeeze %dma_wait3A_199 : memref<1x1x128xi32, #tpu.memory_space<hbm>> -> memref<128xi32, #tpu.memory_space<hbm>>
    tpu.wait_dma2 semaphore(%arg16 : memref<!tpu.dma_semaphore, #tpu.memory_space<semaphore_mem>>) src(%dma_wait3A_200 : memref<128xi32, #tpu.memory_space<hbm>>) dst(%arg9 : memref<128xi32, #tpu.memory_space<vmem>>)
    %dma_start3A_201 = arith.constant 0 : i32
    %dma_start3A_202 = arith.constant 0 : i32
    %dma_start3A_203 = tpu.memref_slice %arg2[%dma_start3A_201, %dma_start3A_202] : memref<10000x128xf32, #tpu.memory_space<hbm>> -> memref<10000x128xf32, #tpu.memory_space<hbm>>
    tpu.enqueue_indirect_dma source(%dma_start3A_203 : memref<10000x128xf32, #tpu.memory_space<hbm>>) target(%arg13 : memref<128x128xf32, #tpu.memory_space<vmem>>) offsets(%arg9 : memref<128xi32, #tpu.memory_space<vmem>>) semaphore(%arg20 : memref<!tpu.dma_semaphore, #tpu.memory_space<semaphore_mem>>)
    %dma_wait3A_204 = arith.constant 0 : i32
    %dma_wait3A_205 = arith.constant 0 : i32
    %dma_wait3A_206 = tpu.memref_slice %arg2[%dma_wait3A_204, %dma_wait3A_205] : memref<10000x128xf32, #tpu.memory_space<hbm>> -> memref<128x128xf32, #tpu.memory_space<hbm>>
    %dma_wait3A_207 = arith.constant 0 : i32
    %dma_wait3A_208 = arith.constant 0 : i32
    %dma_wait3A_209 = tpu.memref_slice %arg2[%dma_wait3A_207, %dma_wait3A_208] : memref<10000x128xf32, #tpu.memory_space<hbm>> -> memref<128x128xf32, #tpu.memory_space<hbm>>
    tpu.wait_dma2 semaphore(%arg19 : memref<!tpu.dma_semaphore, #tpu.memory_space<semaphore_mem>>) src(%dma_wait3A_209 : memref<128x128xf32, #tpu.memory_space<hbm>>) dst(%arg12 : memref<128x128xf32, #tpu.memory_space<vmem>>)
    %dma_start3A_210 = arith.constant 76 : i32
    %dma_start3A_211 = arith.constant 0 : i32
    %dma_start3A_212 = tpu.memref_slice %arg7[%dma_start3A_210, %dma_start3A_211] : memref<80x128xi32, #tpu.memory_space<vmem>> -> memref<1x128xi32, #tpu.memory_space<vmem>>
    %dma_start3A_213 = tpu.memref_squeeze %dma_start3A_212 : memref<1x128xi32, #tpu.memory_space<vmem>> -> memref<128xi32, #tpu.memory_space<vmem>>
    %dma_start3A_214 = arith.constant 0 : i32
    %dma_start3A_215 = arith.constant 0 : i32
    %dma_start3A_216 = tpu.memref_slice %arg14[%dma_start3A_214, %dma_start3A_215] : memref<10112x128xf32, #tpu.memory_space<vmem_shared>> -> memref<10112x128xf32, #tpu.memory_space<vmem_shared>>
    tpu.enqueue_indirect_dma source(%arg12 : memref<128x128xf32, #tpu.memory_space<vmem>>) target(%dma_start3A_216 : memref<10112x128xf32, #tpu.memory_space<vmem_shared>>) offsets(%dma_start3A_213 : memref<128xi32, #tpu.memory_space<vmem>>) semaphore(%arg21 : memref<!tpu.dma_semaphore, #tpu.memory_space<semaphore_mem>>) {add = true}
    %dma_wait3A_217 = arith.constant 0 : i32
    %dma_wait3A_218 = arith.constant 0 : i32
    %dma_wait3A_219 = tpu.memref_slice %arg14[%dma_wait3A_217, %dma_wait3A_218] : memref<10112x128xf32, #tpu.memory_space<vmem_shared>> -> memref<128x128xf32, #tpu.memory_space<vmem_shared>>
    %dma_wait3A_220 = arith.constant 0 : i32
    %dma_wait3A_221 = arith.constant 0 : i32
    %dma_wait3A_222 = tpu.memref_slice %arg14[%dma_wait3A_220, %dma_wait3A_221] : memref<10112x128xf32, #tpu.memory_space<vmem_shared>> -> memref<128x128xf32, #tpu.memory_space<vmem_shared>>
    tpu.wait_dma2 semaphore(%arg21 : memref<!tpu.dma_semaphore, #tpu.memory_space<semaphore_mem>>) src(%arg12 : memref<128x128xf32, #tpu.memory_space<vmem>>) dst(%dma_wait3A_222 : memref<128x128xf32, #tpu.memory_space<vmem_shared>>)
    %dma_wait3A_223 = arith.constant 0 : i32
    %dma_wait3A_224 = arith.constant 0 : i32
    %dma_wait3A_225 = arith.constant 0 : i32
    %dma_wait3A_226 = tpu.memref_slice %arg3[%dma_wait3A_223, %dma_wait3A_224, %dma_wait3A_225] : memref<32x80x128xi32, #tpu.memory_space<hbm>> -> memref<1x1x128xi32, #tpu.memory_space<hbm>>
    %dma_wait3A_227 = tpu.memref_squeeze %dma_wait3A_226 : memref<1x1x128xi32, #tpu.memory_space<hbm>> -> memref<128xi32, #tpu.memory_space<hbm>>
    %dma_wait3A_228 = arith.constant 0 : i32
    %dma_wait3A_229 = tpu.memref_slice %arg3[%dma_wait3A_223, %dma_wait3A_224, %dma_wait3A_228] : memref<32x80x128xi32, #tpu.memory_space<hbm>> -> memref<1x1x128xi32, #tpu.memory_space<hbm>>
    %dma_wait3A_230 = tpu.memref_squeeze %dma_wait3A_229 : memref<1x1x128xi32, #tpu.memory_space<hbm>> -> memref<128xi32, #tpu.memory_space<hbm>>
    tpu.wait_dma2 semaphore(%arg17 : memref<!tpu.dma_semaphore, #tpu.memory_space<semaphore_mem>>) src(%dma_wait3A_230 : memref<128xi32, #tpu.memory_space<hbm>>) dst(%arg10 : memref<128xi32, #tpu.memory_space<vmem>>)
    %dma_start3A_231 = arith.constant 0 : i32
    %dma_start3A_232 = arith.constant 0 : i32
    %dma_start3A_233 = tpu.memref_slice %arg2[%dma_start3A_231, %dma_start3A_232] : memref<10000x128xf32, #tpu.memory_space<hbm>> -> memref<10000x128xf32, #tpu.memory_space<hbm>>
    tpu.enqueue_indirect_dma source(%dma_start3A_233 : memref<10000x128xf32, #tpu.memory_space<hbm>>) target(%arg12 : memref<128x128xf32, #tpu.memory_space<vmem>>) offsets(%arg10 : memref<128xi32, #tpu.memory_space<vmem>>) semaphore(%arg19 : memref<!tpu.dma_semaphore, #tpu.memory_space<semaphore_mem>>)
    %dma_wait3A_234 = arith.constant 0 : i32
    %dma_wait3A_235 = arith.constant 0 : i32
    %dma_wait3A_236 = tpu.memref_slice %arg2[%dma_wait3A_234, %dma_wait3A_235] : memref<10000x128xf32, #tpu.memory_space<hbm>> -> memref<128x128xf32, #tpu.memory_space<hbm>>
    %dma_wait3A_237 = arith.constant 0 : i32
    %dma_wait3A_238 = arith.constant 0 : i32
    %dma_wait3A_239 = tpu.memref_slice %arg2[%dma_wait3A_237, %dma_wait3A_238] : memref<10000x128xf32, #tpu.memory_space<hbm>> -> memref<128x128xf32, #tpu.memory_space<hbm>>
    tpu.wait_dma2 semaphore(%arg20 : memref<!tpu.dma_semaphore, #tpu.memory_space<semaphore_mem>>) src(%dma_wait3A_239 : memref<128x128xf32, #tpu.memory_space<hbm>>) dst(%arg13 : memref<128x128xf32, #tpu.memory_space<vmem>>)
    %dma_start3A_240 = arith.constant 77 : i32
    %dma_start3A_241 = arith.constant 0 : i32
    %dma_start3A_242 = tpu.memref_slice %arg7[%dma_start3A_240, %dma_start3A_241] : memref<80x128xi32, #tpu.memory_space<vmem>> -> memref<1x128xi32, #tpu.memory_space<vmem>>
    %dma_start3A_243 = tpu.memref_squeeze %dma_start3A_242 : memref<1x128xi32, #tpu.memory_space<vmem>> -> memref<128xi32, #tpu.memory_space<vmem>>
    %dma_start3A_244 = arith.constant 0 : i32
    %dma_start3A_245 = arith.constant 0 : i32
    %dma_start3A_246 = tpu.memref_slice %arg14[%dma_start3A_244, %dma_start3A_245] : memref<10112x128xf32, #tpu.memory_space<vmem_shared>> -> memref<10112x128xf32, #tpu.memory_space<vmem_shared>>
    tpu.enqueue_indirect_dma source(%arg13 : memref<128x128xf32, #tpu.memory_space<vmem>>) target(%dma_start3A_246 : memref<10112x128xf32, #tpu.memory_space<vmem_shared>>) offsets(%dma_start3A_243 : memref<128xi32, #tpu.memory_space<vmem>>) semaphore(%arg22 : memref<!tpu.dma_semaphore, #tpu.memory_space<semaphore_mem>>) {add = true}
    %dma_wait3A_247 = arith.constant 0 : i32
    %dma_wait3A_248 = arith.constant 0 : i32
    %dma_wait3A_249 = tpu.memref_slice %arg14[%dma_wait3A_247, %dma_wait3A_248] : memref<10112x128xf32, #tpu.memory_space<vmem_shared>> -> memref<128x128xf32, #tpu.memory_space<vmem_shared>>
    %dma_wait3A_250 = arith.constant 0 : i32
    %dma_wait3A_251 = arith.constant 0 : i32
    %dma_wait3A_252 = tpu.memref_slice %arg14[%dma_wait3A_250, %dma_wait3A_251] : memref<10112x128xf32, #tpu.memory_space<vmem_shared>> -> memref<128x128xf32, #tpu.memory_space<vmem_shared>>
    tpu.wait_dma2 semaphore(%arg22 : memref<!tpu.dma_semaphore, #tpu.memory_space<semaphore_mem>>) src(%arg13 : memref<128x128xf32, #tpu.memory_space<vmem>>) dst(%dma_wait3A_252 : memref<128x128xf32, #tpu.memory_space<vmem_shared>>)
    %dma_wait3A_253 = arith.constant 0 : i32
    %dma_wait3A_254 = arith.constant 0 : i32
    %dma_wait3A_255 = arith.constant 0 : i32
    %dma_wait3A_256 = tpu.memref_slice %arg3[%dma_wait3A_253, %dma_wait3A_254, %dma_wait3A_255] : memref<32x80x128xi32, #tpu.memory_space<hbm>> -> memref<1x1x128xi32, #tpu.memory_space<hbm>>
    %dma_wait3A_257 = tpu.memref_squeeze %dma_wait3A_256 : memref<1x1x128xi32, #tpu.memory_space<hbm>> -> memref<128xi32, #tpu.memory_space<hbm>>
    %dma_wait3A_258 = arith.constant 0 : i32
    %dma_wait3A_259 = tpu.memref_slice %arg3[%dma_wait3A_253, %dma_wait3A_254, %dma_wait3A_258] : memref<32x80x128xi32, #tpu.memory_space<hbm>> -> memref<1x1x128xi32, #tpu.memory_space<hbm>>
    %dma_wait3A_260 = tpu.memref_squeeze %dma_wait3A_259 : memref<1x1x128xi32, #tpu.memory_space<hbm>> -> memref<128xi32, #tpu.memory_space<hbm>>
    tpu.wait_dma2 semaphore(%arg18 : memref<!tpu.dma_semaphore, #tpu.memory_space<semaphore_mem>>) src(%dma_wait3A_260 : memref<128xi32, #tpu.memory_space<hbm>>) dst(%arg11 : memref<128xi32, #tpu.memory_space<vmem>>)
    %dma_start3A_261 = arith.constant 0 : i32
    %dma_start3A_262 = arith.constant 0 : i32
    %dma_start3A_263 = tpu.memref_slice %arg2[%dma_start3A_261, %dma_start3A_262] : memref<10000x128xf32, #tpu.memory_space<hbm>> -> memref<10000x128xf32, #tpu.memory_space<hbm>>
    tpu.enqueue_indirect_dma source(%dma_start3A_263 : memref<10000x128xf32, #tpu.memory_space<hbm>>) target(%arg13 : memref<128x128xf32, #tpu.memory_space<vmem>>) offsets(%arg11 : memref<128xi32, #tpu.memory_space<vmem>>) semaphore(%arg20 : memref<!tpu.dma_semaphore, #tpu.memory_space<semaphore_mem>>)
    %dma_wait3A_264 = arith.constant 0 : i32
    %dma_wait3A_265 = arith.constant 0 : i32
    %dma_wait3A_266 = tpu.memref_slice %arg2[%dma_wait3A_264, %dma_wait3A_265] : memref<10000x128xf32, #tpu.memory_space<hbm>> -> memref<128x128xf32, #tpu.memory_space<hbm>>
    %dma_wait3A_267 = arith.constant 0 : i32
    %dma_wait3A_268 = arith.constant 0 : i32
    %dma_wait3A_269 = tpu.memref_slice %arg2[%dma_wait3A_267, %dma_wait3A_268] : memref<10000x128xf32, #tpu.memory_space<hbm>> -> memref<128x128xf32, #tpu.memory_space<hbm>>
    tpu.wait_dma2 semaphore(%arg19 : memref<!tpu.dma_semaphore, #tpu.memory_space<semaphore_mem>>) src(%dma_wait3A_269 : memref<128x128xf32, #tpu.memory_space<hbm>>) dst(%arg12 : memref<128x128xf32, #tpu.memory_space<vmem>>)
    %dma_start3A_270 = arith.constant 78 : i32
    %dma_start3A_271 = arith.constant 0 : i32
    %dma_start3A_272 = tpu.memref_slice %arg7[%dma_start3A_270, %dma_start3A_271] : memref<80x128xi32, #tpu.memory_space<vmem>> -> memref<1x128xi32, #tpu.memory_space<vmem>>
    %dma_start3A_273 = tpu.memref_squeeze %dma_start3A_272 : memref<1x128xi32, #tpu.memory_space<vmem>> -> memref<128xi32, #tpu.memory_space<vmem>>
    %dma_start3A_274 = arith.constant 0 : i32
    %dma_start3A_275 = arith.constant 0 : i32
    %dma_start3A_276 = tpu.memref_slice %arg14[%dma_start3A_274, %dma_start3A_275] : memref<10112x128xf32, #tpu.memory_space<vmem_shared>> -> memref<10112x128xf32, #tpu.memory_space<vmem_shared>>
    tpu.enqueue_indirect_dma source(%arg12 : memref<128x128xf32, #tpu.memory_space<vmem>>) target(%dma_start3A_276 : memref<10112x128xf32, #tpu.memory_space<vmem_shared>>) offsets(%dma_start3A_273 : memref<128xi32, #tpu.memory_space<vmem>>) semaphore(%arg21 : memref<!tpu.dma_semaphore, #tpu.memory_space<semaphore_mem>>) {add = true}
    %dma_wait3A_277 = arith.constant 0 : i32
    %dma_wait3A_278 = arith.constant 0 : i32
    %dma_wait3A_279 = tpu.memref_slice %arg2[%dma_wait3A_277, %dma_wait3A_278] : memref<10000x128xf32, #tpu.memory_space<hbm>> -> memref<128x128xf32, #tpu.memory_space<hbm>>
    %dma_wait3A_280 = arith.constant 0 : i32
    %dma_wait3A_281 = arith.constant 0 : i32
    %dma_wait3A_282 = tpu.memref_slice %arg2[%dma_wait3A_280, %dma_wait3A_281] : memref<10000x128xf32, #tpu.memory_space<hbm>> -> memref<128x128xf32, #tpu.memory_space<hbm>>
    tpu.wait_dma2 semaphore(%arg20 : memref<!tpu.dma_semaphore, #tpu.memory_space<semaphore_mem>>) src(%dma_wait3A_282 : memref<128x128xf32, #tpu.memory_space<hbm>>) dst(%arg13 : memref<128x128xf32, #tpu.memory_space<vmem>>)
    %dma_start3A_283 = arith.constant 79 : i32
    %dma_start3A_284 = arith.constant 0 : i32
    %dma_start3A_285 = tpu.memref_slice %arg7[%dma_start3A_283, %dma_start3A_284] : memref<80x128xi32, #tpu.memory_space<vmem>> -> memref<1x128xi32, #tpu.memory_space<vmem>>
    %dma_start3A_286 = tpu.memref_squeeze %dma_start3A_285 : memref<1x128xi32, #tpu.memory_space<vmem>> -> memref<128xi32, #tpu.memory_space<vmem>>
    %dma_start3A_287 = arith.constant 0 : i32
    %dma_start3A_288 = arith.constant 0 : i32
    %dma_start3A_289 = tpu.memref_slice %arg14[%dma_start3A_287, %dma_start3A_288] : memref<10112x128xf32, #tpu.memory_space<vmem_shared>> -> memref<10112x128xf32, #tpu.memory_space<vmem_shared>>
    tpu.enqueue_indirect_dma source(%arg13 : memref<128x128xf32, #tpu.memory_space<vmem>>) target(%dma_start3A_289 : memref<10112x128xf32, #tpu.memory_space<vmem_shared>>) offsets(%dma_start3A_286 : memref<128xi32, #tpu.memory_space<vmem>>) semaphore(%arg22 : memref<!tpu.dma_semaphore, #tpu.memory_space<semaphore_mem>>) {add = true}
    %dma_wait3A_290 = arith.constant 0 : i32
    %dma_wait3A_291 = arith.constant 0 : i32
    %dma_wait3A_292 = tpu.memref_slice %arg14[%dma_wait3A_290, %dma_wait3A_291] : memref<10112x128xf32, #tpu.memory_space<vmem_shared>> -> memref<128x128xf32, #tpu.memory_space<vmem_shared>>
    %dma_wait3A_293 = arith.constant 0 : i32
    %dma_wait3A_294 = arith.constant 0 : i32
    %dma_wait3A_295 = tpu.memref_slice %arg14[%dma_wait3A_293, %dma_wait3A_294] : memref<10112x128xf32, #tpu.memory_space<vmem_shared>> -> memref<128x128xf32, #tpu.memory_space<vmem_shared>>
    tpu.wait_dma2 semaphore(%arg21 : memref<!tpu.dma_semaphore, #tpu.memory_space<semaphore_mem>>) src(%arg12 : memref<128x128xf32, #tpu.memory_space<vmem>>) dst(%dma_wait3A_295 : memref<128x128xf32, #tpu.memory_space<vmem_shared>>)
    %dma_wait3A_296 = arith.constant 0 : i32
    %dma_wait3A_297 = arith.constant 0 : i32
    %dma_wait3A_298 = tpu.memref_slice %arg14[%dma_wait3A_296, %dma_wait3A_297] : memref<10112x128xf32, #tpu.memory_space<vmem_shared>> -> memref<128x128xf32, #tpu.memory_space<vmem_shared>>
    %dma_wait3A_299 = arith.constant 0 : i32
    %dma_wait3A_300 = arith.constant 0 : i32
    %dma_wait3A_301 = tpu.memref_slice %arg14[%dma_wait3A_299, %dma_wait3A_300] : memref<10112x128xf32, #tpu.memory_space<vmem_shared>> -> memref<128x128xf32, #tpu.memory_space<vmem_shared>>
    tpu.wait_dma2 semaphore(%arg22 : memref<!tpu.dma_semaphore, #tpu.memory_space<semaphore_mem>>) src(%arg13 : memref<128x128xf32, #tpu.memory_space<vmem>>) dst(%dma_wait3A_301 : memref<128x128xf32, #tpu.memory_space<vmem_shared>>)
    %barrier3A_302 = arith.constant 0 : index
    tpu.barrier barrier_id(%barrier3A_302)
    "tpu.region"() ({
      %run_scoped3A = tpu.sem_alloc : memref<!tpu.dma_semaphore, #tpu.memory_space<semaphore_mem>>
      %dma_start3A_303 = arith.constant 0 : i32
      %dma_start3A_304 = tpu.memref_slice %arg6[%arg0, %mul3A_0, %dma_start3A_303] : memref<2x10112x128xf32, #tpu.memory_space<hbm>> -> memref<1x632x128xf32, #tpu.memory_space<hbm>>
      %dma_start3A_305 = tpu.memref_squeeze %dma_start3A_304 : memref<1x632x128xf32, #tpu.memory_space<hbm>> -> memref<632x128xf32, #tpu.memory_space<hbm>>
      %dma_start3A_306 = arith.constant 0 : i32
      %dma_start3A_307 = tpu.memref_slice %arg14[%mul3A_0, %dma_start3A_306] : memref<10112x128xf32, #tpu.memory_space<vmem_shared>> -> memref<632x128xf32, #tpu.memory_space<vmem_shared>>
      tpu.enqueue_dma source(%dma_start3A_307 : memref<632x128xf32, #tpu.memory_space<vmem_shared>>) target(%dma_start3A_305 : memref<632x128xf32, #tpu.memory_space<hbm>>) target_semaphore(%run_scoped3A : memref<!tpu.dma_semaphore, #tpu.memory_space<semaphore_mem>>)
      %dma_wait3A_308 = arith.constant 0 : i32
      %dma_wait3A_309 = tpu.memref_slice %arg6[%arg0, %mul3A_0, %dma_wait3A_308] : memref<2x10112x128xf32, #tpu.memory_space<hbm>> -> memref<1x632x128xf32, #tpu.memory_space<hbm>>
      %dma_wait3A_310 = tpu.memref_squeeze %dma_wait3A_309 : memref<1x632x128xf32, #tpu.memory_space<hbm>> -> memref<632x128xf32, #tpu.memory_space<hbm>>
      %dma_wait3A_311 = arith.constant 0 : i32
      %dma_wait3A_312 = tpu.memref_slice %arg14[%mul3A_0, %dma_wait3A_311] : memref<10112x128xf32, #tpu.memory_space<vmem_shared>> -> memref<632x128xf32, #tpu.memory_space<vmem_shared>>
      tpu.wait_dma2 semaphore(%run_scoped3A : memref<!tpu.dma_semaphore, #tpu.memory_space<semaphore_mem>>) src(%dma_wait3A_312 : memref<632x128xf32, #tpu.memory_space<vmem_shared>>) dst(%dma_wait3A_310 : memref<632x128xf32, #tpu.memory_space<hbm>>)
      tpu.yield
    }) : () -> ()
    return
  }
}

#map = affine_map<(d0, d1) -> (0, 0)>
#map1 = affine_map<(d0, d1) -> (0, 0, 0)>
module attributes {stable_mosaic.version = 14 : i64} {
  func.func @_sc_agg(%arg0: i32, %arg1: i32, %arg2: memref<10000x128xf32, #tpu.memory_space<hbm>>, %arg3: memref<32x80x128xi32, #tpu.memory_space<hbm>>, %arg4: memref<32x80x128xi32, #tpu.memory_space<hbm>>, %arg5: memref<10112x128xf32, #tpu.memory_space<hbm>>, %arg6: memref<2x10112x128xf32, #tpu.memory_space<hbm>>, %arg7: memref<80x128xi32, #tpu.memory_space<vmem>>, %arg8: memref<128xi32, #tpu.memory_space<vmem>>, %arg9: memref<128xi32, #tpu.memory_space<vmem>>, %arg10: memref<128xi32, #tpu.memory_space<vmem>>, %arg11: memref<128xi32, #tpu.memory_space<vmem>>, %arg12: memref<128x128xf32, #tpu.memory_space<vmem>>, %arg13: memref<128x128xf32, #tpu.memory_space<vmem>>, %arg14: memref<10112x128xf32, #tpu.memory_space<vmem_shared>>, %arg15: memref<!tpu.dma_semaphore, #tpu.memory_space<semaphore_mem>>, %arg16: memref<!tpu.dma_semaphore, #tpu.memory_space<semaphore_mem>>, %arg17: memref<!tpu.dma_semaphore, #tpu.memory_space<semaphore_mem>>, %arg18: memref<!tpu.dma_semaphore, #tpu.memory_space<semaphore_mem>>, %arg19: memref<!tpu.dma_semaphore, #tpu.memory_space<semaphore_mem>>, %arg20: memref<!tpu.dma_semaphore, #tpu.memory_space<semaphore_mem>>, %arg21: memref<!tpu.dma_semaphore, #tpu.memory_space<semaphore_mem>>, %arg22: memref<!tpu.dma_semaphore, #tpu.memory_space<semaphore_mem>>) attributes {dimension_semantics = [#tpu.dimension_semantics<core_parallel>, #tpu.dimension_semantics<subcore_parallel>], iteration_bounds = array<i64: 2, 16>, scalar_prefetch = 0 : i64, scratch_operands = 16 : i64, tpu.core_type = #tpu.core_type<sc_vector_subcore>, window_params = [{transform_indices = #map}, {transform_indices = #map1}, {transform_indices = #map1}, {transform_indices = #map}, {transform_indices = #map1}]} {
    %mul3A = arith.constant 632 : i32
    %mul3A_0 = arith.muli %arg1, %mul3A : i32
    "tpu.region"() ({
      %run_scoped3A = tpu.sem_alloc : memref<!tpu.dma_semaphore, #tpu.memory_space<semaphore_mem>>
      %dma_start3A_303 = arith.constant 0 : i32
      %dma_start3A_304 = tpu.memref_slice %arg14[%mul3A_0, %dma_start3A_303] : memref<10112x128xf32, #tpu.memory_space<vmem_shared>> -> memref<632x128xf32, #tpu.memory_space<vmem_shared>>
      %dma_start3A_305 = arith.constant 0 : i32
      %dma_start3A_306 = tpu.memref_slice %arg5[%mul3A_0, %dma_start3A_305] : memref<10112x128xf32, #tpu.memory_space<hbm>> -> memref<632x128xf32, #tpu.memory_space<hbm>>
      tpu.enqueue_dma source(%dma_start3A_306 : memref<632x128xf32, #tpu.memory_space<hbm>>) target(%dma_start3A_304 : memref<632x128xf32, #tpu.memory_space<vmem_shared>>) target_semaphore(%run_scoped3A : memref<!tpu.dma_semaphore, #tpu.memory_space<semaphore_mem>>)
      %dma_wait3A_307 = arith.constant 0 : i32
      %dma_wait3A_308 = tpu.memref_slice %arg14[%mul3A_0, %dma_wait3A_307] : memref<10112x128xf32, #tpu.memory_space<vmem_shared>> -> memref<632x128xf32, #tpu.memory_space<vmem_shared>>
      %dma_wait3A_309 = arith.constant 0 : i32
      %dma_wait3A_310 = tpu.memref_slice %arg5[%mul3A_0, %dma_wait3A_309] : memref<10112x128xf32, #tpu.memory_space<hbm>> -> memref<632x128xf32, #tpu.memory_space<hbm>>
      tpu.wait_dma2 semaphore(%run_scoped3A : memref<!tpu.dma_semaphore, #tpu.memory_space<semaphore_mem>>) src(%dma_wait3A_310 : memref<632x128xf32, #tpu.memory_space<hbm>>) dst(%dma_wait3A_308 : memref<632x128xf32, #tpu.memory_space<vmem_shared>>)
      tpu.yield
    }) : () -> ()
    %mul3A_1 = arith.constant 2 : i32
    %mul3A_2 = arith.muli %arg1, %mul3A_1 : i32
    %add3A = arith.addi %mul3A_2, %arg0 : i32
    "tpu.region"() ({
      %run_scoped3A = tpu.sem_alloc : memref<!tpu.dma_semaphore, #tpu.memory_space<semaphore_mem>>
      %dma_start3A_303 = arith.constant 0 : i32
      %dma_start3A_304 = arith.constant 0 : i32
      %dma_start3A_305 = tpu.memref_slice %arg4[%add3A, %dma_start3A_303, %dma_start3A_304] : memref<32x80x128xi32, #tpu.memory_space<hbm>> -> memref<1x80x128xi32, #tpu.memory_space<hbm>>
      %dma_start3A_306 = tpu.memref_squeeze %dma_start3A_305 : memref<1x80x128xi32, #tpu.memory_space<hbm>> -> memref<80x128xi32, #tpu.memory_space<hbm>>
      %dma_start3A_307 = arith.constant 0 : i32
      %dma_start3A_308 = arith.constant 0 : i32
      %dma_start3A_309 = tpu.memref_slice %arg4[%add3A, %dma_start3A_307, %dma_start3A_308] : memref<32x80x128xi32, #tpu.memory_space<hbm>> -> memref<1x80x128xi32, #tpu.memory_space<hbm>>
      %dma_start3A_310 = tpu.memref_squeeze %dma_start3A_309 : memref<1x80x128xi32, #tpu.memory_space<hbm>> -> memref<80x128xi32, #tpu.memory_space<hbm>>
      tpu.enqueue_dma source(%dma_start3A_310 : memref<80x128xi32, #tpu.memory_space<hbm>>) target(%arg7 : memref<80x128xi32, #tpu.memory_space<vmem>>) target_semaphore(%run_scoped3A : memref<!tpu.dma_semaphore, #tpu.memory_space<semaphore_mem>>)
      %dma_wait3A_311 = arith.constant 0 : i32
      %dma_wait3A_312 = arith.constant 0 : i32
      %dma_wait3A_313 = tpu.memref_slice %arg4[%add3A, %dma_wait3A_311, %dma_wait3A_312] : memref<32x80x128xi32, #tpu.memory_space<hbm>> -> memref<1x80x128xi32, #tpu.memory_space<hbm>>
      %dma_wait3A_314 = tpu.memref_squeeze %dma_wait3A_313 : memref<1x80x128xi32, #tpu.memory_space<hbm>> -> memref<80x128xi32, #tpu.memory_space<hbm>>
      %dma_wait3A_315 = arith.constant 0 : i32
      %dma_wait3A_316 = arith.constant 0 : i32
      %dma_wait3A_317 = tpu.memref_slice %arg4[%add3A, %dma_wait3A_315, %dma_wait3A_316] : memref<32x80x128xi32, #tpu.memory_space<hbm>> -> memref<1x80x128xi32, #tpu.memory_space<hbm>>
      %dma_wait3A_318 = tpu.memref_squeeze %dma_wait3A_317 : memref<1x80x128xi32, #tpu.memory_space<hbm>> -> memref<80x128xi32, #tpu.memory_space<hbm>>
      tpu.wait_dma2 semaphore(%run_scoped3A : memref<!tpu.dma_semaphore, #tpu.memory_space<semaphore_mem>>) src(%dma_wait3A_318 : memref<80x128xi32, #tpu.memory_space<hbm>>) dst(%arg7 : memref<80x128xi32, #tpu.memory_space<vmem>>)
      tpu.yield
    }) : () -> ()
    %barrier3A = arith.constant 0 : index
    tpu.barrier barrier_id(%barrier3A)
    %dma_start3A = arith.constant 0 : i32
    %dma_start3A_3 = arith.constant 0 : i32
    %dma_start3A_4 = tpu.memref_slice %arg3[%add3A, %dma_start3A, %dma_start3A_3] : memref<32x80x128xi32, #tpu.memory_space<hbm>> -> memref<1x1x128xi32, #tpu.memory_space<hbm>>
    %dma_start3A_5 = tpu.memref_squeeze %dma_start3A_4 : memref<1x1x128xi32, #tpu.memory_space<hbm>> -> memref<128xi32, #tpu.memory_space<hbm>>
    %dma_start3A_6 = arith.constant 0 : i32
    %dma_start3A_7 = tpu.memref_slice %arg3[%add3A, %dma_start3A, %dma_start3A_6] : memref<32x80x128xi32, #tpu.memory_space<hbm>> -> memref<1x1x128xi32, #tpu.memory_space<hbm>>
    %dma_start3A_8 = tpu.memref_squeeze %dma_start3A_7 : memref<1x1x128xi32, #tpu.memory_space<hbm>> -> memref<128xi32, #tpu.memory_space<hbm>>
    tpu.enqueue_dma source(%dma_start3A_8 : memref<128xi32, #tpu.memory_space<hbm>>) target(%arg8 : memref<128xi32, #tpu.memory_space<vmem>>) target_semaphore(%arg15 : memref<!tpu.dma_semaphore, #tpu.memory_space<semaphore_mem>>)
    %dma_start3A_9 = arith.constant 1 : i32
    %dma_start3A_10 = arith.constant 0 : i32
    %dma_start3A_11 = tpu.memref_slice %arg3[%add3A, %dma_start3A_9, %dma_start3A_10] : memref<32x80x128xi32, #tpu.memory_space<hbm>> -> memref<1x1x128xi32, #tpu.memory_space<hbm>>
    %dma_start3A_12 = tpu.memref_squeeze %dma_start3A_11 : memref<1x1x128xi32, #tpu.memory_space<hbm>> -> memref<128xi32, #tpu.memory_space<hbm>>
    %dma_start3A_13 = arith.constant 0 : i32
    %dma_start3A_14 = tpu.memref_slice %arg3[%add3A, %dma_start3A_9, %dma_start3A_13] : memref<32x80x128xi32, #tpu.memory_space<hbm>> -> memref<1x1x128xi32, #tpu.memory_space<hbm>>
    %dma_start3A_15 = tpu.memref_squeeze %dma_start3A_14 : memref<1x1x128xi32, #tpu.memory_space<hbm>> -> memref<128xi32, #tpu.memory_space<hbm>>
    tpu.enqueue_dma source(%dma_start3A_15 : memref<128xi32, #tpu.memory_space<hbm>>) target(%arg9 : memref<128xi32, #tpu.memory_space<vmem>>) target_semaphore(%arg16 : memref<!tpu.dma_semaphore, #tpu.memory_space<semaphore_mem>>)
    %dma_start3A_16 = arith.constant 2 : i32
    %dma_start3A_17 = arith.constant 0 : i32
    %dma_start3A_18 = tpu.memref_slice %arg3[%add3A, %dma_start3A_16, %dma_start3A_17] : memref<32x80x128xi32, #tpu.memory_space<hbm>> -> memref<1x1x128xi32, #tpu.memory_space<hbm>>
    %dma_start3A_19 = tpu.memref_squeeze %dma_start3A_18 : memref<1x1x128xi32, #tpu.memory_space<hbm>> -> memref<128xi32, #tpu.memory_space<hbm>>
    %dma_start3A_20 = arith.constant 0 : i32
    %dma_start3A_21 = tpu.memref_slice %arg3[%add3A, %dma_start3A_16, %dma_start3A_20] : memref<32x80x128xi32, #tpu.memory_space<hbm>> -> memref<1x1x128xi32, #tpu.memory_space<hbm>>
    %dma_start3A_22 = tpu.memref_squeeze %dma_start3A_21 : memref<1x1x128xi32, #tpu.memory_space<hbm>> -> memref<128xi32, #tpu.memory_space<hbm>>
    tpu.enqueue_dma source(%dma_start3A_22 : memref<128xi32, #tpu.memory_space<hbm>>) target(%arg10 : memref<128xi32, #tpu.memory_space<vmem>>) target_semaphore(%arg17 : memref<!tpu.dma_semaphore, #tpu.memory_space<semaphore_mem>>)
    %dma_start3A_23 = arith.constant 3 : i32
    %dma_start3A_24 = arith.constant 0 : i32
    %dma_start3A_25 = tpu.memref_slice %arg3[%add3A, %dma_start3A_23, %dma_start3A_24] : memref<32x80x128xi32, #tpu.memory_space<hbm>> -> memref<1x1x128xi32, #tpu.memory_space<hbm>>
    %dma_start3A_26 = tpu.memref_squeeze %dma_start3A_25 : memref<1x1x128xi32, #tpu.memory_space<hbm>> -> memref<128xi32, #tpu.memory_space<hbm>>
    %dma_start3A_27 = arith.constant 0 : i32
    %dma_start3A_28 = tpu.memref_slice %arg3[%add3A, %dma_start3A_23, %dma_start3A_27] : memref<32x80x128xi32, #tpu.memory_space<hbm>> -> memref<1x1x128xi32, #tpu.memory_space<hbm>>
    %dma_start3A_29 = tpu.memref_squeeze %dma_start3A_28 : memref<1x1x128xi32, #tpu.memory_space<hbm>> -> memref<128xi32, #tpu.memory_space<hbm>>
    tpu.enqueue_dma source(%dma_start3A_29 : memref<128xi32, #tpu.memory_space<hbm>>) target(%arg11 : memref<128xi32, #tpu.memory_space<vmem>>) target_semaphore(%arg18 : memref<!tpu.dma_semaphore, #tpu.memory_space<semaphore_mem>>)
    %dma_wait3A = arith.constant 0 : i32
    %dma_wait3A_30 = arith.constant 0 : i32
    %dma_wait3A_31 = arith.constant 0 : i32
    %dma_wait3A_32 = tpu.memref_slice %arg3[%dma_wait3A, %dma_wait3A_30, %dma_wait3A_31] : memref<32x80x128xi32, #tpu.memory_space<hbm>> -> memref<1x1x128xi32, #tpu.memory_space<hbm>>
    %dma_wait3A_33 = tpu.memref_squeeze %dma_wait3A_32 : memref<1x1x128xi32, #tpu.memory_space<hbm>> -> memref<128xi32, #tpu.memory_space<hbm>>
    %dma_wait3A_34 = arith.constant 0 : i32
    %dma_wait3A_35 = tpu.memref_slice %arg3[%dma_wait3A, %dma_wait3A_30, %dma_wait3A_34] : memref<32x80x128xi32, #tpu.memory_space<hbm>> -> memref<1x1x128xi32, #tpu.memory_space<hbm>>
    %dma_wait3A_36 = tpu.memref_squeeze %dma_wait3A_35 : memref<1x1x128xi32, #tpu.memory_space<hbm>> -> memref<128xi32, #tpu.memory_space<hbm>>
    tpu.wait_dma2 semaphore(%arg15 : memref<!tpu.dma_semaphore, #tpu.memory_space<semaphore_mem>>) src(%dma_wait3A_36 : memref<128xi32, #tpu.memory_space<hbm>>) dst(%arg8 : memref<128xi32, #tpu.memory_space<vmem>>)
    %dma_start3A_37 = arith.constant 0 : i32
    %dma_start3A_38 = arith.constant 0 : i32
    %dma_start3A_39 = tpu.memref_slice %arg2[%dma_start3A_37, %dma_start3A_38] : memref<10000x128xf32, #tpu.memory_space<hbm>> -> memref<10000x128xf32, #tpu.memory_space<hbm>>
    tpu.enqueue_indirect_dma source(%dma_start3A_39 : memref<10000x128xf32, #tpu.memory_space<hbm>>) target(%arg12 : memref<128x128xf32, #tpu.memory_space<vmem>>) offsets(%arg8 : memref<128xi32, #tpu.memory_space<vmem>>) semaphore(%arg19 : memref<!tpu.dma_semaphore, #tpu.memory_space<semaphore_mem>>)
    %dma_wait3A_40 = arith.constant 0 : i32
    %dma_wait3A_41 = arith.constant 0 : i32
    %dma_wait3A_42 = arith.constant 0 : i32
    %dma_wait3A_43 = tpu.memref_slice %arg3[%dma_wait3A_40, %dma_wait3A_41, %dma_wait3A_42] : memref<32x80x128xi32, #tpu.memory_space<hbm>> -> memref<1x1x128xi32, #tpu.memory_space<hbm>>
    %dma_wait3A_44 = tpu.memref_squeeze %dma_wait3A_43 : memref<1x1x128xi32, #tpu.memory_space<hbm>> -> memref<128xi32, #tpu.memory_space<hbm>>
    %dma_wait3A_45 = arith.constant 0 : i32
    %dma_wait3A_46 = tpu.memref_slice %arg3[%dma_wait3A_40, %dma_wait3A_41, %dma_wait3A_45] : memref<32x80x128xi32, #tpu.memory_space<hbm>> -> memref<1x1x128xi32, #tpu.memory_space<hbm>>
    %dma_wait3A_47 = tpu.memref_squeeze %dma_wait3A_46 : memref<1x1x128xi32, #tpu.memory_space<hbm>> -> memref<128xi32, #tpu.memory_space<hbm>>
    tpu.wait_dma2 semaphore(%arg16 : memref<!tpu.dma_semaphore, #tpu.memory_space<semaphore_mem>>) src(%dma_wait3A_47 : memref<128xi32, #tpu.memory_space<hbm>>) dst(%arg9 : memref<128xi32, #tpu.memory_space<vmem>>)
    %dma_start3A_48 = arith.constant 0 : i32
    %dma_start3A_49 = arith.constant 0 : i32
    %dma_start3A_50 = tpu.memref_slice %arg2[%dma_start3A_48, %dma_start3A_49] : memref<10000x128xf32, #tpu.memory_space<hbm>> -> memref<10000x128xf32, #tpu.memory_space<hbm>>
    tpu.enqueue_indirect_dma source(%dma_start3A_50 : memref<10000x128xf32, #tpu.memory_space<hbm>>) target(%arg13 : memref<128x128xf32, #tpu.memory_space<vmem>>) offsets(%arg9 : memref<128xi32, #tpu.memory_space<vmem>>) semaphore(%arg20 : memref<!tpu.dma_semaphore, #tpu.memory_space<semaphore_mem>>)
    %dma_wait3A_51 = arith.constant 0 : i32
    %dma_wait3A_52 = arith.constant 0 : i32
    %dma_wait3A_53 = tpu.memref_slice %arg2[%dma_wait3A_51, %dma_wait3A_52] : memref<10000x128xf32, #tpu.memory_space<hbm>> -> memref<128x128xf32, #tpu.memory_space<hbm>>
    %dma_wait3A_54 = arith.constant 0 : i32
    %dma_wait3A_55 = arith.constant 0 : i32
    %dma_wait3A_56 = tpu.memref_slice %arg2[%dma_wait3A_54, %dma_wait3A_55] : memref<10000x128xf32, #tpu.memory_space<hbm>> -> memref<128x128xf32, #tpu.memory_space<hbm>>
    tpu.wait_dma2 semaphore(%arg19 : memref<!tpu.dma_semaphore, #tpu.memory_space<semaphore_mem>>) src(%dma_wait3A_56 : memref<128x128xf32, #tpu.memory_space<hbm>>) dst(%arg12 : memref<128x128xf32, #tpu.memory_space<vmem>>)
    %dma_start3A_57 = arith.constant 0 : i32
    %dma_start3A_58 = arith.constant 0 : i32
    %dma_start3A_59 = tpu.memref_slice %arg7[%dma_start3A_57, %dma_start3A_58] : memref<80x128xi32, #tpu.memory_space<vmem>> -> memref<1x128xi32, #tpu.memory_space<vmem>>
    %dma_start3A_60 = tpu.memref_squeeze %dma_start3A_59 : memref<1x128xi32, #tpu.memory_space<vmem>> -> memref<128xi32, #tpu.memory_space<vmem>>
    %dma_start3A_61 = arith.constant 0 : i32
    %dma_start3A_62 = arith.constant 0 : i32
    %dma_start3A_63 = tpu.memref_slice %arg14[%dma_start3A_61, %dma_start3A_62] : memref<10112x128xf32, #tpu.memory_space<vmem_shared>> -> memref<10112x128xf32, #tpu.memory_space<vmem_shared>>
    tpu.enqueue_indirect_dma source(%arg12 : memref<128x128xf32, #tpu.memory_space<vmem>>) target(%dma_start3A_63 : memref<10112x128xf32, #tpu.memory_space<vmem_shared>>) offsets(%dma_start3A_60 : memref<128xi32, #tpu.memory_space<vmem>>) semaphore(%arg21 : memref<!tpu.dma_semaphore, #tpu.memory_space<semaphore_mem>>) {add = true}
    %dma_start3A_64 = arith.constant 4 : i32
    %dma_start3A_65 = arith.constant 0 : i32
    %dma_start3A_66 = tpu.memref_slice %arg3[%add3A, %dma_start3A_64, %dma_start3A_65] : memref<32x80x128xi32, #tpu.memory_space<hbm>> -> memref<1x1x128xi32, #tpu.memory_space<hbm>>
    %dma_start3A_67 = tpu.memref_squeeze %dma_start3A_66 : memref<1x1x128xi32, #tpu.memory_space<hbm>> -> memref<128xi32, #tpu.memory_space<hbm>>
    %dma_start3A_68 = arith.constant 0 : i32
    %dma_start3A_69 = tpu.memref_slice %arg3[%add3A, %dma_start3A_64, %dma_start3A_68] : memref<32x80x128xi32, #tpu.memory_space<hbm>> -> memref<1x1x128xi32, #tpu.memory_space<hbm>>
    %dma_start3A_70 = tpu.memref_squeeze %dma_start3A_69 : memref<1x1x128xi32, #tpu.memory_space<hbm>> -> memref<128xi32, #tpu.memory_space<hbm>>
    tpu.enqueue_dma source(%dma_start3A_70 : memref<128xi32, #tpu.memory_space<hbm>>) target(%arg8 : memref<128xi32, #tpu.memory_space<vmem>>) target_semaphore(%arg15 : memref<!tpu.dma_semaphore, #tpu.memory_space<semaphore_mem>>)
    %dma_wait3A_71 = arith.constant 0 : i32
    %dma_wait3A_72 = arith.constant 0 : i32
    %dma_wait3A_73 = tpu.memref_slice %arg14[%dma_wait3A_71, %dma_wait3A_72] : memref<10112x128xf32, #tpu.memory_space<vmem_shared>> -> memref<128x128xf32, #tpu.memory_space<vmem_shared>>
    %dma_wait3A_74 = arith.constant 0 : i32
    %dma_wait3A_75 = arith.constant 0 : i32
    %dma_wait3A_76 = tpu.memref_slice %arg14[%dma_wait3A_74, %dma_wait3A_75] : memref<10112x128xf32, #tpu.memory_space<vmem_shared>> -> memref<128x128xf32, #tpu.memory_space<vmem_shared>>
    tpu.wait_dma2 semaphore(%arg21 : memref<!tpu.dma_semaphore, #tpu.memory_space<semaphore_mem>>) src(%arg12 : memref<128x128xf32, #tpu.memory_space<vmem>>) dst(%dma_wait3A_76 : memref<128x128xf32, #tpu.memory_space<vmem_shared>>)
    %dma_wait3A_77 = arith.constant 0 : i32
    %dma_wait3A_78 = arith.constant 0 : i32
    %dma_wait3A_79 = arith.constant 0 : i32
    %dma_wait3A_80 = tpu.memref_slice %arg3[%dma_wait3A_77, %dma_wait3A_78, %dma_wait3A_79] : memref<32x80x128xi32, #tpu.memory_space<hbm>> -> memref<1x1x128xi32, #tpu.memory_space<hbm>>
    %dma_wait3A_81 = tpu.memref_squeeze %dma_wait3A_80 : memref<1x1x128xi32, #tpu.memory_space<hbm>> -> memref<128xi32, #tpu.memory_space<hbm>>
    %dma_wait3A_82 = arith.constant 0 : i32
    %dma_wait3A_83 = tpu.memref_slice %arg3[%dma_wait3A_77, %dma_wait3A_78, %dma_wait3A_82] : memref<32x80x128xi32, #tpu.memory_space<hbm>> -> memref<1x1x128xi32, #tpu.memory_space<hbm>>
    %dma_wait3A_84 = tpu.memref_squeeze %dma_wait3A_83 : memref<1x1x128xi32, #tpu.memory_space<hbm>> -> memref<128xi32, #tpu.memory_space<hbm>>
    tpu.wait_dma2 semaphore(%arg17 : memref<!tpu.dma_semaphore, #tpu.memory_space<semaphore_mem>>) src(%dma_wait3A_84 : memref<128xi32, #tpu.memory_space<hbm>>) dst(%arg10 : memref<128xi32, #tpu.memory_space<vmem>>)
    %dma_start3A_85 = arith.constant 0 : i32
    %dma_start3A_86 = arith.constant 0 : i32
    %dma_start3A_87 = tpu.memref_slice %arg2[%dma_start3A_85, %dma_start3A_86] : memref<10000x128xf32, #tpu.memory_space<hbm>> -> memref<10000x128xf32, #tpu.memory_space<hbm>>
    tpu.enqueue_indirect_dma source(%dma_start3A_87 : memref<10000x128xf32, #tpu.memory_space<hbm>>) target(%arg12 : memref<128x128xf32, #tpu.memory_space<vmem>>) offsets(%arg10 : memref<128xi32, #tpu.memory_space<vmem>>) semaphore(%arg19 : memref<!tpu.dma_semaphore, #tpu.memory_space<semaphore_mem>>)
    %dma_wait3A_88 = arith.constant 0 : i32
    %dma_wait3A_89 = arith.constant 0 : i32
    %dma_wait3A_90 = tpu.memref_slice %arg2[%dma_wait3A_88, %dma_wait3A_89] : memref<10000x128xf32, #tpu.memory_space<hbm>> -> memref<128x128xf32, #tpu.memory_space<hbm>>
    %dma_wait3A_91 = arith.constant 0 : i32
    %dma_wait3A_92 = arith.constant 0 : i32
    %dma_wait3A_93 = tpu.memref_slice %arg2[%dma_wait3A_91, %dma_wait3A_92] : memref<10000x128xf32, #tpu.memory_space<hbm>> -> memref<128x128xf32, #tpu.memory_space<hbm>>
    tpu.wait_dma2 semaphore(%arg20 : memref<!tpu.dma_semaphore, #tpu.memory_space<semaphore_mem>>) src(%dma_wait3A_93 : memref<128x128xf32, #tpu.memory_space<hbm>>) dst(%arg13 : memref<128x128xf32, #tpu.memory_space<vmem>>)
    %dma_start3A_94 = arith.constant 1 : i32
    %dma_start3A_95 = arith.constant 0 : i32
    %dma_start3A_96 = tpu.memref_slice %arg7[%dma_start3A_94, %dma_start3A_95] : memref<80x128xi32, #tpu.memory_space<vmem>> -> memref<1x128xi32, #tpu.memory_space<vmem>>
    %dma_start3A_97 = tpu.memref_squeeze %dma_start3A_96 : memref<1x128xi32, #tpu.memory_space<vmem>> -> memref<128xi32, #tpu.memory_space<vmem>>
    %dma_start3A_98 = arith.constant 0 : i32
    %dma_start3A_99 = arith.constant 0 : i32
    %dma_start3A_100 = tpu.memref_slice %arg14[%dma_start3A_98, %dma_start3A_99] : memref<10112x128xf32, #tpu.memory_space<vmem_shared>> -> memref<10112x128xf32, #tpu.memory_space<vmem_shared>>
    tpu.enqueue_indirect_dma source(%arg13 : memref<128x128xf32, #tpu.memory_space<vmem>>) target(%dma_start3A_100 : memref<10112x128xf32, #tpu.memory_space<vmem_shared>>) offsets(%dma_start3A_97 : memref<128xi32, #tpu.memory_space<vmem>>) semaphore(%arg22 : memref<!tpu.dma_semaphore, #tpu.memory_space<semaphore_mem>>) {add = true}
    %dma_start3A_101 = arith.constant 5 : i32
    %dma_start3A_102 = arith.constant 0 : i32
    %dma_start3A_103 = tpu.memref_slice %arg3[%add3A, %dma_start3A_101, %dma_start3A_102] : memref<32x80x128xi32, #tpu.memory_space<hbm>> -> memref<1x1x128xi32, #tpu.memory_space<hbm>>
    %dma_start3A_104 = tpu.memref_squeeze %dma_start3A_103 : memref<1x1x128xi32, #tpu.memory_space<hbm>> -> memref<128xi32, #tpu.memory_space<hbm>>
    %dma_start3A_105 = arith.constant 0 : i32
    %dma_start3A_106 = tpu.memref_slice %arg3[%add3A, %dma_start3A_101, %dma_start3A_105] : memref<32x80x128xi32, #tpu.memory_space<hbm>> -> memref<1x1x128xi32, #tpu.memory_space<hbm>>
    %dma_start3A_107 = tpu.memref_squeeze %dma_start3A_106 : memref<1x1x128xi32, #tpu.memory_space<hbm>> -> memref<128xi32, #tpu.memory_space<hbm>>
    tpu.enqueue_dma source(%dma_start3A_107 : memref<128xi32, #tpu.memory_space<hbm>>) target(%arg9 : memref<128xi32, #tpu.memory_space<vmem>>) target_semaphore(%arg16 : memref<!tpu.dma_semaphore, #tpu.memory_space<semaphore_mem>>)
    %dma_wait3A_108 = arith.constant 0 : i32
    %dma_wait3A_109 = arith.constant 0 : i32
    %dma_wait3A_110 = tpu.memref_slice %arg14[%dma_wait3A_108, %dma_wait3A_109] : memref<10112x128xf32, #tpu.memory_space<vmem_shared>> -> memref<128x128xf32, #tpu.memory_space<vmem_shared>>
    %dma_wait3A_111 = arith.constant 0 : i32
    %dma_wait3A_112 = arith.constant 0 : i32
    %dma_wait3A_113 = tpu.memref_slice %arg14[%dma_wait3A_111, %dma_wait3A_112] : memref<10112x128xf32, #tpu.memory_space<vmem_shared>> -> memref<128x128xf32, #tpu.memory_space<vmem_shared>>
    tpu.wait_dma2 semaphore(%arg22 : memref<!tpu.dma_semaphore, #tpu.memory_space<semaphore_mem>>) src(%arg13 : memref<128x128xf32, #tpu.memory_space<vmem>>) dst(%dma_wait3A_113 : memref<128x128xf32, #tpu.memory_space<vmem_shared>>)
    %dma_wait3A_114 = arith.constant 0 : i32
    %dma_wait3A_115 = arith.constant 0 : i32
    %dma_wait3A_116 = arith.constant 0 : i32
    %dma_wait3A_117 = tpu.memref_slice %arg3[%dma_wait3A_114, %dma_wait3A_115, %dma_wait3A_116] : memref<32x80x128xi32, #tpu.memory_space<hbm>> -> memref<1x1x128xi32, #tpu.memory_space<hbm>>
    %dma_wait3A_118 = tpu.memref_squeeze %dma_wait3A_117 : memref<1x1x128xi32, #tpu.memory_space<hbm>> -> memref<128xi32, #tpu.memory_space<hbm>>
    %dma_wait3A_119 = arith.constant 0 : i32
    %dma_wait3A_120 = tpu.memref_slice %arg3[%dma_wait3A_114, %dma_wait3A_115, %dma_wait3A_119] : memref<32x80x128xi32, #tpu.memory_space<hbm>> -> memref<1x1x128xi32, #tpu.memory_space<hbm>>
    %dma_wait3A_121 = tpu.memref_squeeze %dma_wait3A_120 : memref<1x1x128xi32, #tpu.memory_space<hbm>> -> memref<128xi32, #tpu.memory_space<hbm>>
    tpu.wait_dma2 semaphore(%arg18 : memref<!tpu.dma_semaphore, #tpu.memory_space<semaphore_mem>>) src(%dma_wait3A_121 : memref<128xi32, #tpu.memory_space<hbm>>) dst(%arg11 : memref<128xi32, #tpu.memory_space<vmem>>)
    %dma_start3A_122 = arith.constant 0 : i32
    %dma_start3A_123 = arith.constant 0 : i32
    %dma_start3A_124 = tpu.memref_slice %arg2[%dma_start3A_122, %dma_start3A_123] : memref<10000x128xf32, #tpu.memory_space<hbm>> -> memref<10000x128xf32, #tpu.memory_space<hbm>>
    tpu.enqueue_indirect_dma source(%dma_start3A_124 : memref<10000x128xf32, #tpu.memory_space<hbm>>) target(%arg13 : memref<128x128xf32, #tpu.memory_space<vmem>>) offsets(%arg11 : memref<128xi32, #tpu.memory_space<vmem>>) semaphore(%arg20 : memref<!tpu.dma_semaphore, #tpu.memory_space<semaphore_mem>>)
    %scan3A = arith.constant 0 : i32
    %scan3A_125 = arith.constant 1 : i32
    %scan3A_126 = arith.constant 18 : i32
    %scan3A_127 = arith.addi %scan3A_125, %scan3A_126 : i32
    %scan3A_128 = arith.constant 1 : i32
    scf.for %scan3A_303 = %scan3A_125 to %scan3A_127 step %scan3A_128  : i32 {
      %mul3A_304 = arith.constant 4 : i32
      %mul3A_305 = arith.muli %mul3A_304, %scan3A_303 : i32
      %add3A_306 = arith.constant 0 : i32
      %add3A_307 = arith.addi %mul3A_305, %add3A_306 : i32
      %sub3A = arith.constant 2 : i32
      %sub3A_308 = arith.subi %add3A_307, %sub3A : i32
      %dma_wait3A_309 = arith.constant 0 : i32
      %dma_wait3A_310 = arith.constant 0 : i32
      %dma_wait3A_311 = tpu.memref_slice %arg2[%dma_wait3A_309, %dma_wait3A_310] : memref<10000x128xf32, #tpu.memory_space<hbm>> -> memref<128x128xf32, #tpu.memory_space<hbm>>
      %dma_wait3A_312 = arith.constant 0 : i32
      %dma_wait3A_313 = arith.constant 0 : i32
      %dma_wait3A_314 = tpu.memref_slice %arg2[%dma_wait3A_312, %dma_wait3A_313] : memref<10000x128xf32, #tpu.memory_space<hbm>> -> memref<128x128xf32, #tpu.memory_space<hbm>>
      tpu.wait_dma2 semaphore(%arg19 : memref<!tpu.dma_semaphore, #tpu.memory_space<semaphore_mem>>) src(%dma_wait3A_314 : memref<128x128xf32, #tpu.memory_space<hbm>>) dst(%arg12 : memref<128x128xf32, #tpu.memory_space<vmem>>)
      %dma_start3A_315 = arith.constant 0 : i32
      %dma_start3A_316 = tpu.memref_slice %arg7[%sub3A_308, %dma_start3A_315] : memref<80x128xi32, #tpu.memory_space<vmem>> -> memref<1x128xi32, #tpu.memory_space<vmem>>
      %dma_start3A_317 = tpu.memref_squeeze %dma_start3A_316 : memref<1x128xi32, #tpu.memory_space<vmem>> -> memref<128xi32, #tpu.memory_space<vmem>>
      %dma_start3A_318 = arith.constant 0 : i32
      %dma_start3A_319 = arith.constant 0 : i32
      %dma_start3A_320 = tpu.memref_slice %arg14[%dma_start3A_318, %dma_start3A_319] : memref<10112x128xf32, #tpu.memory_space<vmem_shared>> -> memref<10112x128xf32, #tpu.memory_space<vmem_shared>>
      tpu.enqueue_indirect_dma source(%arg12 : memref<128x128xf32, #tpu.memory_space<vmem>>) target(%dma_start3A_320 : memref<10112x128xf32, #tpu.memory_space<vmem_shared>>) offsets(%dma_start3A_317 : memref<128xi32, #tpu.memory_space<vmem>>) semaphore(%arg21 : memref<!tpu.dma_semaphore, #tpu.memory_space<semaphore_mem>>) {add = true}
      %add3A_321 = arith.constant 4 : i32
      %add3A_322 = arith.addi %sub3A_308, %add3A_321 : i32
      %dma_start3A_323 = arith.constant 0 : i32
      %dma_start3A_324 = tpu.memref_slice %arg3[%add3A, %add3A_322, %dma_start3A_323] : memref<32x80x128xi32, #tpu.memory_space<hbm>> -> memref<1x1x128xi32, #tpu.memory_space<hbm>>
      %dma_start3A_325 = tpu.memref_squeeze %dma_start3A_324 : memref<1x1x128xi32, #tpu.memory_space<hbm>> -> memref<128xi32, #tpu.memory_space<hbm>>
      %dma_start3A_326 = arith.constant 0 : i32
      %dma_start3A_327 = tpu.memref_slice %arg3[%add3A, %add3A_322, %dma_start3A_326] : memref<32x80x128xi32, #tpu.memory_space<hbm>> -> memref<1x1x128xi32, #tpu.memory_space<hbm>>
      %dma_start3A_328 = tpu.memref_squeeze %dma_start3A_327 : memref<1x1x128xi32, #tpu.memory_space<hbm>> -> memref<128xi32, #tpu.memory_space<hbm>>
      tpu.enqueue_dma source(%dma_start3A_328 : memref<128xi32, #tpu.memory_space<hbm>>) target(%arg10 : memref<128xi32, #tpu.memory_space<vmem>>) target_semaphore(%arg17 : memref<!tpu.dma_semaphore, #tpu.memory_space<semaphore_mem>>)
      %dma_wait3A_329 = arith.constant 0 : i32
      %dma_wait3A_330 = arith.constant 0 : i32
      %dma_wait3A_331 = tpu.memref_slice %arg14[%dma_wait3A_329, %dma_wait3A_330] : memref<10112x128xf32, #tpu.memory_space<vmem_shared>> -> memref<128x128xf32, #tpu.memory_space<vmem_shared>>
      %dma_wait3A_332 = arith.constant 0 : i32
      %dma_wait3A_333 = arith.constant 0 : i32
      %dma_wait3A_334 = tpu.memref_slice %arg14[%dma_wait3A_332, %dma_wait3A_333] : memref<10112x128xf32, #tpu.memory_space<vmem_shared>> -> memref<128x128xf32, #tpu.memory_space<vmem_shared>>
      tpu.wait_dma2 semaphore(%arg21 : memref<!tpu.dma_semaphore, #tpu.memory_space<semaphore_mem>>) src(%arg12 : memref<128x128xf32, #tpu.memory_space<vmem>>) dst(%dma_wait3A_334 : memref<128x128xf32, #tpu.memory_space<vmem_shared>>)
      %dma_wait3A_335 = arith.constant 0 : i32
      %dma_wait3A_336 = arith.constant 0 : i32
      %dma_wait3A_337 = arith.constant 0 : i32
      %dma_wait3A_338 = tpu.memref_slice %arg3[%dma_wait3A_335, %dma_wait3A_336, %dma_wait3A_337] : memref<32x80x128xi32, #tpu.memory_space<hbm>> -> memref<1x1x128xi32, #tpu.memory_space<hbm>>
      %dma_wait3A_339 = tpu.memref_squeeze %dma_wait3A_338 : memref<1x1x128xi32, #tpu.memory_space<hbm>> -> memref<128xi32, #tpu.memory_space<hbm>>
      %dma_wait3A_340 = arith.constant 0 : i32
      %dma_wait3A_341 = tpu.memref_slice %arg3[%dma_wait3A_335, %dma_wait3A_336, %dma_wait3A_340] : memref<32x80x128xi32, #tpu.memory_space<hbm>> -> memref<1x1x128xi32, #tpu.memory_space<hbm>>
      %dma_wait3A_342 = tpu.memref_squeeze %dma_wait3A_341 : memref<1x1x128xi32, #tpu.memory_space<hbm>> -> memref<128xi32, #tpu.memory_space<hbm>>
      tpu.wait_dma2 semaphore(%arg15 : memref<!tpu.dma_semaphore, #tpu.memory_space<semaphore_mem>>) src(%dma_wait3A_342 : memref<128xi32, #tpu.memory_space<hbm>>) dst(%arg8 : memref<128xi32, #tpu.memory_space<vmem>>)
      %dma_start3A_343 = arith.constant 0 : i32
      %dma_start3A_344 = arith.constant 0 : i32
      %dma_start3A_345 = tpu.memref_slice %arg2[%dma_start3A_343, %dma_start3A_344] : memref<10000x128xf32, #tpu.memory_space<hbm>> -> memref<10000x128xf32, #tpu.memory_space<hbm>>
      tpu.enqueue_indirect_dma source(%dma_start3A_345 : memref<10000x128xf32, #tpu.memory_space<hbm>>) target(%arg12 : memref<128x128xf32, #tpu.memory_space<vmem>>) offsets(%arg8 : memref<128xi32, #tpu.memory_space<vmem>>) semaphore(%arg19 : memref<!tpu.dma_semaphore, #tpu.memory_space<semaphore_mem>>)
      %add3A_346 = arith.constant 1 : i32
      %add3A_347 = arith.addi %mul3A_305, %add3A_346 : i32
      %sub3A_348 = arith.constant 2 : i32
      %sub3A_349 = arith.subi %add3A_347, %sub3A_348 : i32
      %dma_wait3A_350 = arith.constant 0 : i32
      %dma_wait3A_351 = arith.constant 0 : i32
      %dma_wait3A_352 = tpu.memref_slice %arg2[%dma_wait3A_350, %dma_wait3A_351] : memref<10000x128xf32, #tpu.memory_space<hbm>> -> memref<128x128xf32, #tpu.memory_space<hbm>>
      %dma_wait3A_353 = arith.constant 0 : i32
      %dma_wait3A_354 = arith.constant 0 : i32
      %dma_wait3A_355 = tpu.memref_slice %arg2[%dma_wait3A_353, %dma_wait3A_354] : memref<10000x128xf32, #tpu.memory_space<hbm>> -> memref<128x128xf32, #tpu.memory_space<hbm>>
      tpu.wait_dma2 semaphore(%arg20 : memref<!tpu.dma_semaphore, #tpu.memory_space<semaphore_mem>>) src(%dma_wait3A_355 : memref<128x128xf32, #tpu.memory_space<hbm>>) dst(%arg13 : memref<128x128xf32, #tpu.memory_space<vmem>>)
      %dma_start3A_356 = arith.constant 0 : i32
      %dma_start3A_357 = tpu.memref_slice %arg7[%sub3A_349, %dma_start3A_356] : memref<80x128xi32, #tpu.memory_space<vmem>> -> memref<1x128xi32, #tpu.memory_space<vmem>>
      %dma_start3A_358 = tpu.memref_squeeze %dma_start3A_357 : memref<1x128xi32, #tpu.memory_space<vmem>> -> memref<128xi32, #tpu.memory_space<vmem>>
      %dma_start3A_359 = arith.constant 0 : i32
      %dma_start3A_360 = arith.constant 0 : i32
      %dma_start3A_361 = tpu.memref_slice %arg14[%dma_start3A_359, %dma_start3A_360] : memref<10112x128xf32, #tpu.memory_space<vmem_shared>> -> memref<10112x128xf32, #tpu.memory_space<vmem_shared>>
      tpu.enqueue_indirect_dma source(%arg13 : memref<128x128xf32, #tpu.memory_space<vmem>>) target(%dma_start3A_361 : memref<10112x128xf32, #tpu.memory_space<vmem_shared>>) offsets(%dma_start3A_358 : memref<128xi32, #tpu.memory_space<vmem>>) semaphore(%arg22 : memref<!tpu.dma_semaphore, #tpu.memory_space<semaphore_mem>>) {add = true}
      %add3A_362 = arith.constant 4 : i32
      %add3A_363 = arith.addi %sub3A_349, %add3A_362 : i32
      %dma_start3A_364 = arith.constant 0 : i32
      %dma_start3A_365 = tpu.memref_slice %arg3[%add3A, %add3A_363, %dma_start3A_364] : memref<32x80x128xi32, #tpu.memory_space<hbm>> -> memref<1x1x128xi32, #tpu.memory_space<hbm>>
      %dma_start3A_366 = tpu.memref_squeeze %dma_start3A_365 : memref<1x1x128xi32, #tpu.memory_space<hbm>> -> memref<128xi32, #tpu.memory_space<hbm>>
      %dma_start3A_367 = arith.constant 0 : i32
      %dma_start3A_368 = tpu.memref_slice %arg3[%add3A, %add3A_363, %dma_start3A_367] : memref<32x80x128xi32, #tpu.memory_space<hbm>> -> memref<1x1x128xi32, #tpu.memory_space<hbm>>
      %dma_start3A_369 = tpu.memref_squeeze %dma_start3A_368 : memref<1x1x128xi32, #tpu.memory_space<hbm>> -> memref<128xi32, #tpu.memory_space<hbm>>
      tpu.enqueue_dma source(%dma_start3A_369 : memref<128xi32, #tpu.memory_space<hbm>>) target(%arg11 : memref<128xi32, #tpu.memory_space<vmem>>) target_semaphore(%arg18 : memref<!tpu.dma_semaphore, #tpu.memory_space<semaphore_mem>>)
      %dma_wait3A_370 = arith.constant 0 : i32
      %dma_wait3A_371 = arith.constant 0 : i32
      %dma_wait3A_372 = tpu.memref_slice %arg14[%dma_wait3A_370, %dma_wait3A_371] : memref<10112x128xf32, #tpu.memory_space<vmem_shared>> -> memref<128x128xf32, #tpu.memory_space<vmem_shared>>
      %dma_wait3A_373 = arith.constant 0 : i32
      %dma_wait3A_374 = arith.constant 0 : i32
      %dma_wait3A_375 = tpu.memref_slice %arg14[%dma_wait3A_373, %dma_wait3A_374] : memref<10112x128xf32, #tpu.memory_space<vmem_shared>> -> memref<128x128xf32, #tpu.memory_space<vmem_shared>>
      tpu.wait_dma2 semaphore(%arg22 : memref<!tpu.dma_semaphore, #tpu.memory_space<semaphore_mem>>) src(%arg13 : memref<128x128xf32, #tpu.memory_space<vmem>>) dst(%dma_wait3A_375 : memref<128x128xf32, #tpu.memory_space<vmem_shared>>)
      %dma_wait3A_376 = arith.constant 0 : i32
      %dma_wait3A_377 = arith.constant 0 : i32
      %dma_wait3A_378 = arith.constant 0 : i32
      %dma_wait3A_379 = tpu.memref_slice %arg3[%dma_wait3A_376, %dma_wait3A_377, %dma_wait3A_378] : memref<32x80x128xi32, #tpu.memory_space<hbm>> -> memref<1x1x128xi32, #tpu.memory_space<hbm>>
      %dma_wait3A_380 = tpu.memref_squeeze %dma_wait3A_379 : memref<1x1x128xi32, #tpu.memory_space<hbm>> -> memref<128xi32, #tpu.memory_space<hbm>>
      %dma_wait3A_381 = arith.constant 0 : i32
      %dma_wait3A_382 = tpu.memref_slice %arg3[%dma_wait3A_376, %dma_wait3A_377, %dma_wait3A_381] : memref<32x80x128xi32, #tpu.memory_space<hbm>> -> memref<1x1x128xi32, #tpu.memory_space<hbm>>
      %dma_wait3A_383 = tpu.memref_squeeze %dma_wait3A_382 : memref<1x1x128xi32, #tpu.memory_space<hbm>> -> memref<128xi32, #tpu.memory_space<hbm>>
      tpu.wait_dma2 semaphore(%arg16 : memref<!tpu.dma_semaphore, #tpu.memory_space<semaphore_mem>>) src(%dma_wait3A_383 : memref<128xi32, #tpu.memory_space<hbm>>) dst(%arg9 : memref<128xi32, #tpu.memory_space<vmem>>)
      %dma_start3A_384 = arith.constant 0 : i32
      %dma_start3A_385 = arith.constant 0 : i32
      %dma_start3A_386 = tpu.memref_slice %arg2[%dma_start3A_384, %dma_start3A_385] : memref<10000x128xf32, #tpu.memory_space<hbm>> -> memref<10000x128xf32, #tpu.memory_space<hbm>>
      tpu.enqueue_indirect_dma source(%dma_start3A_386 : memref<10000x128xf32, #tpu.memory_space<hbm>>) target(%arg13 : memref<128x128xf32, #tpu.memory_space<vmem>>) offsets(%arg9 : memref<128xi32, #tpu.memory_space<vmem>>) semaphore(%arg20 : memref<!tpu.dma_semaphore, #tpu.memory_space<semaphore_mem>>)
      %add3A_387 = arith.constant 2 : i32
      %add3A_388 = arith.addi %mul3A_305, %add3A_387 : i32
      %sub3A_389 = arith.constant 2 : i32
      %sub3A_390 = arith.subi %add3A_388, %sub3A_389 : i32
      %dma_wait3A_391 = arith.constant 0 : i32
      %dma_wait3A_392 = arith.constant 0 : i32
      %dma_wait3A_393 = tpu.memref_slice %arg2[%dma_wait3A_391, %dma_wait3A_392] : memref<10000x128xf32, #tpu.memory_space<hbm>> -> memref<128x128xf32, #tpu.memory_space<hbm>>
      %dma_wait3A_394 = arith.constant 0 : i32
      %dma_wait3A_395 = arith.constant 0 : i32
      %dma_wait3A_396 = tpu.memref_slice %arg2[%dma_wait3A_394, %dma_wait3A_395] : memref<10000x128xf32, #tpu.memory_space<hbm>> -> memref<128x128xf32, #tpu.memory_space<hbm>>
      tpu.wait_dma2 semaphore(%arg19 : memref<!tpu.dma_semaphore, #tpu.memory_space<semaphore_mem>>) src(%dma_wait3A_396 : memref<128x128xf32, #tpu.memory_space<hbm>>) dst(%arg12 : memref<128x128xf32, #tpu.memory_space<vmem>>)
      %dma_start3A_397 = arith.constant 0 : i32
      %dma_start3A_398 = tpu.memref_slice %arg7[%sub3A_390, %dma_start3A_397] : memref<80x128xi32, #tpu.memory_space<vmem>> -> memref<1x128xi32, #tpu.memory_space<vmem>>
      %dma_start3A_399 = tpu.memref_squeeze %dma_start3A_398 : memref<1x128xi32, #tpu.memory_space<vmem>> -> memref<128xi32, #tpu.memory_space<vmem>>
      %dma_start3A_400 = arith.constant 0 : i32
      %dma_start3A_401 = arith.constant 0 : i32
      %dma_start3A_402 = tpu.memref_slice %arg14[%dma_start3A_400, %dma_start3A_401] : memref<10112x128xf32, #tpu.memory_space<vmem_shared>> -> memref<10112x128xf32, #tpu.memory_space<vmem_shared>>
      tpu.enqueue_indirect_dma source(%arg12 : memref<128x128xf32, #tpu.memory_space<vmem>>) target(%dma_start3A_402 : memref<10112x128xf32, #tpu.memory_space<vmem_shared>>) offsets(%dma_start3A_399 : memref<128xi32, #tpu.memory_space<vmem>>) semaphore(%arg21 : memref<!tpu.dma_semaphore, #tpu.memory_space<semaphore_mem>>) {add = true}
      %add3A_403 = arith.constant 4 : i32
      %add3A_404 = arith.addi %sub3A_390, %add3A_403 : i32
      %dma_start3A_405 = arith.constant 0 : i32
      %dma_start3A_406 = tpu.memref_slice %arg3[%add3A, %add3A_404, %dma_start3A_405] : memref<32x80x128xi32, #tpu.memory_space<hbm>> -> memref<1x1x128xi32, #tpu.memory_space<hbm>>
      %dma_start3A_407 = tpu.memref_squeeze %dma_start3A_406 : memref<1x1x128xi32, #tpu.memory_space<hbm>> -> memref<128xi32, #tpu.memory_space<hbm>>
      %dma_start3A_408 = arith.constant 0 : i32
      %dma_start3A_409 = tpu.memref_slice %arg3[%add3A, %add3A_404, %dma_start3A_408] : memref<32x80x128xi32, #tpu.memory_space<hbm>> -> memref<1x1x128xi32, #tpu.memory_space<hbm>>
      %dma_start3A_410 = tpu.memref_squeeze %dma_start3A_409 : memref<1x1x128xi32, #tpu.memory_space<hbm>> -> memref<128xi32, #tpu.memory_space<hbm>>
      tpu.enqueue_dma source(%dma_start3A_410 : memref<128xi32, #tpu.memory_space<hbm>>) target(%arg8 : memref<128xi32, #tpu.memory_space<vmem>>) target_semaphore(%arg15 : memref<!tpu.dma_semaphore, #tpu.memory_space<semaphore_mem>>)
      %dma_wait3A_411 = arith.constant 0 : i32
      %dma_wait3A_412 = arith.constant 0 : i32
      %dma_wait3A_413 = tpu.memref_slice %arg14[%dma_wait3A_411, %dma_wait3A_412] : memref<10112x128xf32, #tpu.memory_space<vmem_shared>> -> memref<128x128xf32, #tpu.memory_space<vmem_shared>>
      %dma_wait3A_414 = arith.constant 0 : i32
      %dma_wait3A_415 = arith.constant 0 : i32
      %dma_wait3A_416 = tpu.memref_slice %arg14[%dma_wait3A_414, %dma_wait3A_415] : memref<10112x128xf32, #tpu.memory_space<vmem_shared>> -> memref<128x128xf32, #tpu.memory_space<vmem_shared>>
      tpu.wait_dma2 semaphore(%arg21 : memref<!tpu.dma_semaphore, #tpu.memory_space<semaphore_mem>>) src(%arg12 : memref<128x128xf32, #tpu.memory_space<vmem>>) dst(%dma_wait3A_416 : memref<128x128xf32, #tpu.memory_space<vmem_shared>>)
      %dma_wait3A_417 = arith.constant 0 : i32
      %dma_wait3A_418 = arith.constant 0 : i32
      %dma_wait3A_419 = arith.constant 0 : i32
      %dma_wait3A_420 = tpu.memref_slice %arg3[%dma_wait3A_417, %dma_wait3A_418, %dma_wait3A_419] : memref<32x80x128xi32, #tpu.memory_space<hbm>> -> memref<1x1x128xi32, #tpu.memory_space<hbm>>
      %dma_wait3A_421 = tpu.memref_squeeze %dma_wait3A_420 : memref<1x1x128xi32, #tpu.memory_space<hbm>> -> memref<128xi32, #tpu.memory_space<hbm>>
      %dma_wait3A_422 = arith.constant 0 : i32
      %dma_wait3A_423 = tpu.memref_slice %arg3[%dma_wait3A_417, %dma_wait3A_418, %dma_wait3A_422] : memref<32x80x128xi32, #tpu.memory_space<hbm>> -> memref<1x1x128xi32, #tpu.memory_space<hbm>>
      %dma_wait3A_424 = tpu.memref_squeeze %dma_wait3A_423 : memref<1x1x128xi32, #tpu.memory_space<hbm>> -> memref<128xi32, #tpu.memory_space<hbm>>
      tpu.wait_dma2 semaphore(%arg17 : memref<!tpu.dma_semaphore, #tpu.memory_space<semaphore_mem>>) src(%dma_wait3A_424 : memref<128xi32, #tpu.memory_space<hbm>>) dst(%arg10 : memref<128xi32, #tpu.memory_space<vmem>>)
      %dma_start3A_425 = arith.constant 0 : i32
      %dma_start3A_426 = arith.constant 0 : i32
      %dma_start3A_427 = tpu.memref_slice %arg2[%dma_start3A_425, %dma_start3A_426] : memref<10000x128xf32, #tpu.memory_space<hbm>> -> memref<10000x128xf32, #tpu.memory_space<hbm>>
      tpu.enqueue_indirect_dma source(%dma_start3A_427 : memref<10000x128xf32, #tpu.memory_space<hbm>>) target(%arg12 : memref<128x128xf32, #tpu.memory_space<vmem>>) offsets(%arg10 : memref<128xi32, #tpu.memory_space<vmem>>) semaphore(%arg19 : memref<!tpu.dma_semaphore, #tpu.memory_space<semaphore_mem>>)
      %add3A_428 = arith.constant 3 : i32
      %add3A_429 = arith.addi %mul3A_305, %add3A_428 : i32
      %sub3A_430 = arith.constant 2 : i32
      %sub3A_431 = arith.subi %add3A_429, %sub3A_430 : i32
      %dma_wait3A_432 = arith.constant 0 : i32
      %dma_wait3A_433 = arith.constant 0 : i32
      %dma_wait3A_434 = tpu.memref_slice %arg2[%dma_wait3A_432, %dma_wait3A_433] : memref<10000x128xf32, #tpu.memory_space<hbm>> -> memref<128x128xf32, #tpu.memory_space<hbm>>
      %dma_wait3A_435 = arith.constant 0 : i32
      %dma_wait3A_436 = arith.constant 0 : i32
      %dma_wait3A_437 = tpu.memref_slice %arg2[%dma_wait3A_435, %dma_wait3A_436] : memref<10000x128xf32, #tpu.memory_space<hbm>> -> memref<128x128xf32, #tpu.memory_space<hbm>>
      tpu.wait_dma2 semaphore(%arg20 : memref<!tpu.dma_semaphore, #tpu.memory_space<semaphore_mem>>) src(%dma_wait3A_437 : memref<128x128xf32, #tpu.memory_space<hbm>>) dst(%arg13 : memref<128x128xf32, #tpu.memory_space<vmem>>)
      %dma_start3A_438 = arith.constant 0 : i32
      %dma_start3A_439 = tpu.memref_slice %arg7[%sub3A_431, %dma_start3A_438] : memref<80x128xi32, #tpu.memory_space<vmem>> -> memref<1x128xi32, #tpu.memory_space<vmem>>
      %dma_start3A_440 = tpu.memref_squeeze %dma_start3A_439 : memref<1x128xi32, #tpu.memory_space<vmem>> -> memref<128xi32, #tpu.memory_space<vmem>>
      %dma_start3A_441 = arith.constant 0 : i32
      %dma_start3A_442 = arith.constant 0 : i32
      %dma_start3A_443 = tpu.memref_slice %arg14[%dma_start3A_441, %dma_start3A_442] : memref<10112x128xf32, #tpu.memory_space<vmem_shared>> -> memref<10112x128xf32, #tpu.memory_space<vmem_shared>>
      tpu.enqueue_indirect_dma source(%arg13 : memref<128x128xf32, #tpu.memory_space<vmem>>) target(%dma_start3A_443 : memref<10112x128xf32, #tpu.memory_space<vmem_shared>>) offsets(%dma_start3A_440 : memref<128xi32, #tpu.memory_space<vmem>>) semaphore(%arg22 : memref<!tpu.dma_semaphore, #tpu.memory_space<semaphore_mem>>) {add = true}
      %add3A_444 = arith.constant 4 : i32
      %add3A_445 = arith.addi %sub3A_431, %add3A_444 : i32
      %dma_start3A_446 = arith.constant 0 : i32
      %dma_start3A_447 = tpu.memref_slice %arg3[%add3A, %add3A_445, %dma_start3A_446] : memref<32x80x128xi32, #tpu.memory_space<hbm>> -> memref<1x1x128xi32, #tpu.memory_space<hbm>>
      %dma_start3A_448 = tpu.memref_squeeze %dma_start3A_447 : memref<1x1x128xi32, #tpu.memory_space<hbm>> -> memref<128xi32, #tpu.memory_space<hbm>>
      %dma_start3A_449 = arith.constant 0 : i32
      %dma_start3A_450 = tpu.memref_slice %arg3[%add3A, %add3A_445, %dma_start3A_449] : memref<32x80x128xi32, #tpu.memory_space<hbm>> -> memref<1x1x128xi32, #tpu.memory_space<hbm>>
      %dma_start3A_451 = tpu.memref_squeeze %dma_start3A_450 : memref<1x1x128xi32, #tpu.memory_space<hbm>> -> memref<128xi32, #tpu.memory_space<hbm>>
      tpu.enqueue_dma source(%dma_start3A_451 : memref<128xi32, #tpu.memory_space<hbm>>) target(%arg9 : memref<128xi32, #tpu.memory_space<vmem>>) target_semaphore(%arg16 : memref<!tpu.dma_semaphore, #tpu.memory_space<semaphore_mem>>)
      %dma_wait3A_452 = arith.constant 0 : i32
      %dma_wait3A_453 = arith.constant 0 : i32
      %dma_wait3A_454 = tpu.memref_slice %arg14[%dma_wait3A_452, %dma_wait3A_453] : memref<10112x128xf32, #tpu.memory_space<vmem_shared>> -> memref<128x128xf32, #tpu.memory_space<vmem_shared>>
      %dma_wait3A_455 = arith.constant 0 : i32
      %dma_wait3A_456 = arith.constant 0 : i32
      %dma_wait3A_457 = tpu.memref_slice %arg14[%dma_wait3A_455, %dma_wait3A_456] : memref<10112x128xf32, #tpu.memory_space<vmem_shared>> -> memref<128x128xf32, #tpu.memory_space<vmem_shared>>
      tpu.wait_dma2 semaphore(%arg22 : memref<!tpu.dma_semaphore, #tpu.memory_space<semaphore_mem>>) src(%arg13 : memref<128x128xf32, #tpu.memory_space<vmem>>) dst(%dma_wait3A_457 : memref<128x128xf32, #tpu.memory_space<vmem_shared>>)
      %dma_wait3A_458 = arith.constant 0 : i32
      %dma_wait3A_459 = arith.constant 0 : i32
      %dma_wait3A_460 = arith.constant 0 : i32
      %dma_wait3A_461 = tpu.memref_slice %arg3[%dma_wait3A_458, %dma_wait3A_459, %dma_wait3A_460] : memref<32x80x128xi32, #tpu.memory_space<hbm>> -> memref<1x1x128xi32, #tpu.memory_space<hbm>>
      %dma_wait3A_462 = tpu.memref_squeeze %dma_wait3A_461 : memref<1x1x128xi32, #tpu.memory_space<hbm>> -> memref<128xi32, #tpu.memory_space<hbm>>
      %dma_wait3A_463 = arith.constant 0 : i32
      %dma_wait3A_464 = tpu.memref_slice %arg3[%dma_wait3A_458, %dma_wait3A_459, %dma_wait3A_463] : memref<32x80x128xi32, #tpu.memory_space<hbm>> -> memref<1x1x128xi32, #tpu.memory_space<hbm>>
      %dma_wait3A_465 = tpu.memref_squeeze %dma_wait3A_464 : memref<1x1x128xi32, #tpu.memory_space<hbm>> -> memref<128xi32, #tpu.memory_space<hbm>>
      tpu.wait_dma2 semaphore(%arg18 : memref<!tpu.dma_semaphore, #tpu.memory_space<semaphore_mem>>) src(%dma_wait3A_465 : memref<128xi32, #tpu.memory_space<hbm>>) dst(%arg11 : memref<128xi32, #tpu.memory_space<vmem>>)
      %dma_start3A_466 = arith.constant 0 : i32
      %dma_start3A_467 = arith.constant 0 : i32
      %dma_start3A_468 = tpu.memref_slice %arg2[%dma_start3A_466, %dma_start3A_467] : memref<10000x128xf32, #tpu.memory_space<hbm>> -> memref<10000x128xf32, #tpu.memory_space<hbm>>
      tpu.enqueue_indirect_dma source(%dma_start3A_468 : memref<10000x128xf32, #tpu.memory_space<hbm>>) target(%arg13 : memref<128x128xf32, #tpu.memory_space<vmem>>) offsets(%arg11 : memref<128xi32, #tpu.memory_space<vmem>>) semaphore(%arg20 : memref<!tpu.dma_semaphore, #tpu.memory_space<semaphore_mem>>)
    }
    %scan3A_129 = arith.constant 18 : i32
    %dma_wait3A_130 = arith.constant 0 : i32
    %dma_wait3A_131 = arith.constant 0 : i32
    %dma_wait3A_132 = tpu.memref_slice %arg2[%dma_wait3A_130, %dma_wait3A_131] : memref<10000x128xf32, #tpu.memory_space<hbm>> -> memref<128x128xf32, #tpu.memory_space<hbm>>
    %dma_wait3A_133 = arith.constant 0 : i32
    %dma_wait3A_134 = arith.constant 0 : i32
    %dma_wait3A_135 = tpu.memref_slice %arg2[%dma_wait3A_133, %dma_wait3A_134] : memref<10000x128xf32, #tpu.memory_space<hbm>> -> memref<128x128xf32, #tpu.memory_space<hbm>>
    tpu.wait_dma2 semaphore(%arg19 : memref<!tpu.dma_semaphore, #tpu.memory_space<semaphore_mem>>) src(%dma_wait3A_135 : memref<128x128xf32, #tpu.memory_space<hbm>>) dst(%arg12 : memref<128x128xf32, #tpu.memory_space<vmem>>)
    %dma_start3A_136 = arith.constant 74 : i32
    %dma_start3A_137 = arith.constant 0 : i32
    %dma_start3A_138 = tpu.memref_slice %arg7[%dma_start3A_136, %dma_start3A_137] : memref<80x128xi32, #tpu.memory_space<vmem>> -> memref<1x128xi32, #tpu.memory_space<vmem>>
    %dma_start3A_139 = tpu.memref_squeeze %dma_start3A_138 : memref<1x128xi32, #tpu.memory_space<vmem>> -> memref<128xi32, #tpu.memory_space<vmem>>
    %dma_start3A_140 = arith.constant 0 : i32
    %dma_start3A_141 = arith.constant 0 : i32
    %dma_start3A_142 = tpu.memref_slice %arg14[%dma_start3A_140, %dma_start3A_141] : memref<10112x128xf32, #tpu.memory_space<vmem_shared>> -> memref<10112x128xf32, #tpu.memory_space<vmem_shared>>
    tpu.enqueue_indirect_dma source(%arg12 : memref<128x128xf32, #tpu.memory_space<vmem>>) target(%dma_start3A_142 : memref<10112x128xf32, #tpu.memory_space<vmem_shared>>) offsets(%dma_start3A_139 : memref<128xi32, #tpu.memory_space<vmem>>) semaphore(%arg21 : memref<!tpu.dma_semaphore, #tpu.memory_space<semaphore_mem>>) {add = true}
    %dma_start3A_143 = arith.constant 78 : i32
    %dma_start3A_144 = arith.constant 0 : i32
    %dma_start3A_145 = tpu.memref_slice %arg3[%add3A, %dma_start3A_143, %dma_start3A_144] : memref<32x80x128xi32, #tpu.memory_space<hbm>> -> memref<1x1x128xi32, #tpu.memory_space<hbm>>
    %dma_start3A_146 = tpu.memref_squeeze %dma_start3A_145 : memref<1x1x128xi32, #tpu.memory_space<hbm>> -> memref<128xi32, #tpu.memory_space<hbm>>
    %dma_start3A_147 = arith.constant 0 : i32
    %dma_start3A_148 = tpu.memref_slice %arg3[%add3A, %dma_start3A_143, %dma_start3A_147] : memref<32x80x128xi32, #tpu.memory_space<hbm>> -> memref<1x1x128xi32, #tpu.memory_space<hbm>>
    %dma_start3A_149 = tpu.memref_squeeze %dma_start3A_148 : memref<1x1x128xi32, #tpu.memory_space<hbm>> -> memref<128xi32, #tpu.memory_space<hbm>>
    tpu.enqueue_dma source(%dma_start3A_149 : memref<128xi32, #tpu.memory_space<hbm>>) target(%arg10 : memref<128xi32, #tpu.memory_space<vmem>>) target_semaphore(%arg17 : memref<!tpu.dma_semaphore, #tpu.memory_space<semaphore_mem>>)
    %dma_wait3A_150 = arith.constant 0 : i32
    %dma_wait3A_151 = arith.constant 0 : i32
    %dma_wait3A_152 = tpu.memref_slice %arg14[%dma_wait3A_150, %dma_wait3A_151] : memref<10112x128xf32, #tpu.memory_space<vmem_shared>> -> memref<128x128xf32, #tpu.memory_space<vmem_shared>>
    %dma_wait3A_153 = arith.constant 0 : i32
    %dma_wait3A_154 = arith.constant 0 : i32
    %dma_wait3A_155 = tpu.memref_slice %arg14[%dma_wait3A_153, %dma_wait3A_154] : memref<10112x128xf32, #tpu.memory_space<vmem_shared>> -> memref<128x128xf32, #tpu.memory_space<vmem_shared>>
    tpu.wait_dma2 semaphore(%arg21 : memref<!tpu.dma_semaphore, #tpu.memory_space<semaphore_mem>>) src(%arg12 : memref<128x128xf32, #tpu.memory_space<vmem>>) dst(%dma_wait3A_155 : memref<128x128xf32, #tpu.memory_space<vmem_shared>>)
    %dma_wait3A_156 = arith.constant 0 : i32
    %dma_wait3A_157 = arith.constant 0 : i32
    %dma_wait3A_158 = arith.constant 0 : i32
    %dma_wait3A_159 = tpu.memref_slice %arg3[%dma_wait3A_156, %dma_wait3A_157, %dma_wait3A_158] : memref<32x80x128xi32, #tpu.memory_space<hbm>> -> memref<1x1x128xi32, #tpu.memory_space<hbm>>
    %dma_wait3A_160 = tpu.memref_squeeze %dma_wait3A_159 : memref<1x1x128xi32, #tpu.memory_space<hbm>> -> memref<128xi32, #tpu.memory_space<hbm>>
    %dma_wait3A_161 = arith.constant 0 : i32
    %dma_wait3A_162 = tpu.memref_slice %arg3[%dma_wait3A_156, %dma_wait3A_157, %dma_wait3A_161] : memref<32x80x128xi32, #tpu.memory_space<hbm>> -> memref<1x1x128xi32, #tpu.memory_space<hbm>>
    %dma_wait3A_163 = tpu.memref_squeeze %dma_wait3A_162 : memref<1x1x128xi32, #tpu.memory_space<hbm>> -> memref<128xi32, #tpu.memory_space<hbm>>
    tpu.wait_dma2 semaphore(%arg15 : memref<!tpu.dma_semaphore, #tpu.memory_space<semaphore_mem>>) src(%dma_wait3A_163 : memref<128xi32, #tpu.memory_space<hbm>>) dst(%arg8 : memref<128xi32, #tpu.memory_space<vmem>>)
    %dma_start3A_164 = arith.constant 0 : i32
    %dma_start3A_165 = arith.constant 0 : i32
    %dma_start3A_166 = tpu.memref_slice %arg2[%dma_start3A_164, %dma_start3A_165] : memref<10000x128xf32, #tpu.memory_space<hbm>> -> memref<10000x128xf32, #tpu.memory_space<hbm>>
    tpu.enqueue_indirect_dma source(%dma_start3A_166 : memref<10000x128xf32, #tpu.memory_space<hbm>>) target(%arg12 : memref<128x128xf32, #tpu.memory_space<vmem>>) offsets(%arg8 : memref<128xi32, #tpu.memory_space<vmem>>) semaphore(%arg19 : memref<!tpu.dma_semaphore, #tpu.memory_space<semaphore_mem>>)
    %dma_wait3A_167 = arith.constant 0 : i32
    %dma_wait3A_168 = arith.constant 0 : i32
    %dma_wait3A_169 = tpu.memref_slice %arg2[%dma_wait3A_167, %dma_wait3A_168] : memref<10000x128xf32, #tpu.memory_space<hbm>> -> memref<128x128xf32, #tpu.memory_space<hbm>>
    %dma_wait3A_170 = arith.constant 0 : i32
    %dma_wait3A_171 = arith.constant 0 : i32
    %dma_wait3A_172 = tpu.memref_slice %arg2[%dma_wait3A_170, %dma_wait3A_171] : memref<10000x128xf32, #tpu.memory_space<hbm>> -> memref<128x128xf32, #tpu.memory_space<hbm>>
    tpu.wait_dma2 semaphore(%arg20 : memref<!tpu.dma_semaphore, #tpu.memory_space<semaphore_mem>>) src(%dma_wait3A_172 : memref<128x128xf32, #tpu.memory_space<hbm>>) dst(%arg13 : memref<128x128xf32, #tpu.memory_space<vmem>>)
    %dma_start3A_173 = arith.constant 75 : i32
    %dma_start3A_174 = arith.constant 0 : i32
    %dma_start3A_175 = tpu.memref_slice %arg7[%dma_start3A_173, %dma_start3A_174] : memref<80x128xi32, #tpu.memory_space<vmem>> -> memref<1x128xi32, #tpu.memory_space<vmem>>
    %dma_start3A_176 = tpu.memref_squeeze %dma_start3A_175 : memref<1x128xi32, #tpu.memory_space<vmem>> -> memref<128xi32, #tpu.memory_space<vmem>>
    %dma_start3A_177 = arith.constant 0 : i32
    %dma_start3A_178 = arith.constant 0 : i32
    %dma_start3A_179 = tpu.memref_slice %arg14[%dma_start3A_177, %dma_start3A_178] : memref<10112x128xf32, #tpu.memory_space<vmem_shared>> -> memref<10112x128xf32, #tpu.memory_space<vmem_shared>>
    tpu.enqueue_indirect_dma source(%arg13 : memref<128x128xf32, #tpu.memory_space<vmem>>) target(%dma_start3A_179 : memref<10112x128xf32, #tpu.memory_space<vmem_shared>>) offsets(%dma_start3A_176 : memref<128xi32, #tpu.memory_space<vmem>>) semaphore(%arg22 : memref<!tpu.dma_semaphore, #tpu.memory_space<semaphore_mem>>) {add = true}
    %dma_start3A_180 = arith.constant 79 : i32
    %dma_start3A_181 = arith.constant 0 : i32
    %dma_start3A_182 = tpu.memref_slice %arg3[%add3A, %dma_start3A_180, %dma_start3A_181] : memref<32x80x128xi32, #tpu.memory_space<hbm>> -> memref<1x1x128xi32, #tpu.memory_space<hbm>>
    %dma_start3A_183 = tpu.memref_squeeze %dma_start3A_182 : memref<1x1x128xi32, #tpu.memory_space<hbm>> -> memref<128xi32, #tpu.memory_space<hbm>>
    %dma_start3A_184 = arith.constant 0 : i32
    %dma_start3A_185 = tpu.memref_slice %arg3[%add3A, %dma_start3A_180, %dma_start3A_184] : memref<32x80x128xi32, #tpu.memory_space<hbm>> -> memref<1x1x128xi32, #tpu.memory_space<hbm>>
    %dma_start3A_186 = tpu.memref_squeeze %dma_start3A_185 : memref<1x1x128xi32, #tpu.memory_space<hbm>> -> memref<128xi32, #tpu.memory_space<hbm>>
    tpu.enqueue_dma source(%dma_start3A_186 : memref<128xi32, #tpu.memory_space<hbm>>) target(%arg11 : memref<128xi32, #tpu.memory_space<vmem>>) target_semaphore(%arg18 : memref<!tpu.dma_semaphore, #tpu.memory_space<semaphore_mem>>)
    %dma_wait3A_187 = arith.constant 0 : i32
    %dma_wait3A_188 = arith.constant 0 : i32
    %dma_wait3A_189 = tpu.memref_slice %arg14[%dma_wait3A_187, %dma_wait3A_188] : memref<10112x128xf32, #tpu.memory_space<vmem_shared>> -> memref<128x128xf32, #tpu.memory_space<vmem_shared>>
    %dma_wait3A_190 = arith.constant 0 : i32
    %dma_wait3A_191 = arith.constant 0 : i32
    %dma_wait3A_192 = tpu.memref_slice %arg14[%dma_wait3A_190, %dma_wait3A_191] : memref<10112x128xf32, #tpu.memory_space<vmem_shared>> -> memref<128x128xf32, #tpu.memory_space<vmem_shared>>
    tpu.wait_dma2 semaphore(%arg22 : memref<!tpu.dma_semaphore, #tpu.memory_space<semaphore_mem>>) src(%arg13 : memref<128x128xf32, #tpu.memory_space<vmem>>) dst(%dma_wait3A_192 : memref<128x128xf32, #tpu.memory_space<vmem_shared>>)
    %dma_wait3A_193 = arith.constant 0 : i32
    %dma_wait3A_194 = arith.constant 0 : i32
    %dma_wait3A_195 = arith.constant 0 : i32
    %dma_wait3A_196 = tpu.memref_slice %arg3[%dma_wait3A_193, %dma_wait3A_194, %dma_wait3A_195] : memref<32x80x128xi32, #tpu.memory_space<hbm>> -> memref<1x1x128xi32, #tpu.memory_space<hbm>>
    %dma_wait3A_197 = tpu.memref_squeeze %dma_wait3A_196 : memref<1x1x128xi32, #tpu.memory_space<hbm>> -> memref<128xi32, #tpu.memory_space<hbm>>
    %dma_wait3A_198 = arith.constant 0 : i32
    %dma_wait3A_199 = tpu.memref_slice %arg3[%dma_wait3A_193, %dma_wait3A_194, %dma_wait3A_198] : memref<32x80x128xi32, #tpu.memory_space<hbm>> -> memref<1x1x128xi32, #tpu.memory_space<hbm>>
    %dma_wait3A_200 = tpu.memref_squeeze %dma_wait3A_199 : memref<1x1x128xi32, #tpu.memory_space<hbm>> -> memref<128xi32, #tpu.memory_space<hbm>>
    tpu.wait_dma2 semaphore(%arg16 : memref<!tpu.dma_semaphore, #tpu.memory_space<semaphore_mem>>) src(%dma_wait3A_200 : memref<128xi32, #tpu.memory_space<hbm>>) dst(%arg9 : memref<128xi32, #tpu.memory_space<vmem>>)
    %dma_start3A_201 = arith.constant 0 : i32
    %dma_start3A_202 = arith.constant 0 : i32
    %dma_start3A_203 = tpu.memref_slice %arg2[%dma_start3A_201, %dma_start3A_202] : memref<10000x128xf32, #tpu.memory_space<hbm>> -> memref<10000x128xf32, #tpu.memory_space<hbm>>
    tpu.enqueue_indirect_dma source(%dma_start3A_203 : memref<10000x128xf32, #tpu.memory_space<hbm>>) target(%arg13 : memref<128x128xf32, #tpu.memory_space<vmem>>) offsets(%arg9 : memref<128xi32, #tpu.memory_space<vmem>>) semaphore(%arg20 : memref<!tpu.dma_semaphore, #tpu.memory_space<semaphore_mem>>)
    %dma_wait3A_204 = arith.constant 0 : i32
    %dma_wait3A_205 = arith.constant 0 : i32
    %dma_wait3A_206 = tpu.memref_slice %arg2[%dma_wait3A_204, %dma_wait3A_205] : memref<10000x128xf32, #tpu.memory_space<hbm>> -> memref<128x128xf32, #tpu.memory_space<hbm>>
    %dma_wait3A_207 = arith.constant 0 : i32
    %dma_wait3A_208 = arith.constant 0 : i32
    %dma_wait3A_209 = tpu.memref_slice %arg2[%dma_wait3A_207, %dma_wait3A_208] : memref<10000x128xf32, #tpu.memory_space<hbm>> -> memref<128x128xf32, #tpu.memory_space<hbm>>
    tpu.wait_dma2 semaphore(%arg19 : memref<!tpu.dma_semaphore, #tpu.memory_space<semaphore_mem>>) src(%dma_wait3A_209 : memref<128x128xf32, #tpu.memory_space<hbm>>) dst(%arg12 : memref<128x128xf32, #tpu.memory_space<vmem>>)
    %dma_start3A_210 = arith.constant 76 : i32
    %dma_start3A_211 = arith.constant 0 : i32
    %dma_start3A_212 = tpu.memref_slice %arg7[%dma_start3A_210, %dma_start3A_211] : memref<80x128xi32, #tpu.memory_space<vmem>> -> memref<1x128xi32, #tpu.memory_space<vmem>>
    %dma_start3A_213 = tpu.memref_squeeze %dma_start3A_212 : memref<1x128xi32, #tpu.memory_space<vmem>> -> memref<128xi32, #tpu.memory_space<vmem>>
    %dma_start3A_214 = arith.constant 0 : i32
    %dma_start3A_215 = arith.constant 0 : i32
    %dma_start3A_216 = tpu.memref_slice %arg14[%dma_start3A_214, %dma_start3A_215] : memref<10112x128xf32, #tpu.memory_space<vmem_shared>> -> memref<10112x128xf32, #tpu.memory_space<vmem_shared>>
    tpu.enqueue_indirect_dma source(%arg12 : memref<128x128xf32, #tpu.memory_space<vmem>>) target(%dma_start3A_216 : memref<10112x128xf32, #tpu.memory_space<vmem_shared>>) offsets(%dma_start3A_213 : memref<128xi32, #tpu.memory_space<vmem>>) semaphore(%arg21 : memref<!tpu.dma_semaphore, #tpu.memory_space<semaphore_mem>>) {add = true}
    %dma_wait3A_217 = arith.constant 0 : i32
    %dma_wait3A_218 = arith.constant 0 : i32
    %dma_wait3A_219 = tpu.memref_slice %arg14[%dma_wait3A_217, %dma_wait3A_218] : memref<10112x128xf32, #tpu.memory_space<vmem_shared>> -> memref<128x128xf32, #tpu.memory_space<vmem_shared>>
    %dma_wait3A_220 = arith.constant 0 : i32
    %dma_wait3A_221 = arith.constant 0 : i32
    %dma_wait3A_222 = tpu.memref_slice %arg14[%dma_wait3A_220, %dma_wait3A_221] : memref<10112x128xf32, #tpu.memory_space<vmem_shared>> -> memref<128x128xf32, #tpu.memory_space<vmem_shared>>
    tpu.wait_dma2 semaphore(%arg21 : memref<!tpu.dma_semaphore, #tpu.memory_space<semaphore_mem>>) src(%arg12 : memref<128x128xf32, #tpu.memory_space<vmem>>) dst(%dma_wait3A_222 : memref<128x128xf32, #tpu.memory_space<vmem_shared>>)
    %dma_wait3A_223 = arith.constant 0 : i32
    %dma_wait3A_224 = arith.constant 0 : i32
    %dma_wait3A_225 = arith.constant 0 : i32
    %dma_wait3A_226 = tpu.memref_slice %arg3[%dma_wait3A_223, %dma_wait3A_224, %dma_wait3A_225] : memref<32x80x128xi32, #tpu.memory_space<hbm>> -> memref<1x1x128xi32, #tpu.memory_space<hbm>>
    %dma_wait3A_227 = tpu.memref_squeeze %dma_wait3A_226 : memref<1x1x128xi32, #tpu.memory_space<hbm>> -> memref<128xi32, #tpu.memory_space<hbm>>
    %dma_wait3A_228 = arith.constant 0 : i32
    %dma_wait3A_229 = tpu.memref_slice %arg3[%dma_wait3A_223, %dma_wait3A_224, %dma_wait3A_228] : memref<32x80x128xi32, #tpu.memory_space<hbm>> -> memref<1x1x128xi32, #tpu.memory_space<hbm>>
    %dma_wait3A_230 = tpu.memref_squeeze %dma_wait3A_229 : memref<1x1x128xi32, #tpu.memory_space<hbm>> -> memref<128xi32, #tpu.memory_space<hbm>>
    tpu.wait_dma2 semaphore(%arg17 : memref<!tpu.dma_semaphore, #tpu.memory_space<semaphore_mem>>) src(%dma_wait3A_230 : memref<128xi32, #tpu.memory_space<hbm>>) dst(%arg10 : memref<128xi32, #tpu.memory_space<vmem>>)
    %dma_start3A_231 = arith.constant 0 : i32
    %dma_start3A_232 = arith.constant 0 : i32
    %dma_start3A_233 = tpu.memref_slice %arg2[%dma_start3A_231, %dma_start3A_232] : memref<10000x128xf32, #tpu.memory_space<hbm>> -> memref<10000x128xf32, #tpu.memory_space<hbm>>
    tpu.enqueue_indirect_dma source(%dma_start3A_233 : memref<10000x128xf32, #tpu.memory_space<hbm>>) target(%arg12 : memref<128x128xf32, #tpu.memory_space<vmem>>) offsets(%arg10 : memref<128xi32, #tpu.memory_space<vmem>>) semaphore(%arg19 : memref<!tpu.dma_semaphore, #tpu.memory_space<semaphore_mem>>)
    %dma_wait3A_234 = arith.constant 0 : i32
    %dma_wait3A_235 = arith.constant 0 : i32
    %dma_wait3A_236 = tpu.memref_slice %arg2[%dma_wait3A_234, %dma_wait3A_235] : memref<10000x128xf32, #tpu.memory_space<hbm>> -> memref<128x128xf32, #tpu.memory_space<hbm>>
    %dma_wait3A_237 = arith.constant 0 : i32
    %dma_wait3A_238 = arith.constant 0 : i32
    %dma_wait3A_239 = tpu.memref_slice %arg2[%dma_wait3A_237, %dma_wait3A_238] : memref<10000x128xf32, #tpu.memory_space<hbm>> -> memref<128x128xf32, #tpu.memory_space<hbm>>
    tpu.wait_dma2 semaphore(%arg20 : memref<!tpu.dma_semaphore, #tpu.memory_space<semaphore_mem>>) src(%dma_wait3A_239 : memref<128x128xf32, #tpu.memory_space<hbm>>) dst(%arg13 : memref<128x128xf32, #tpu.memory_space<vmem>>)
    %dma_start3A_240 = arith.constant 77 : i32
    %dma_start3A_241 = arith.constant 0 : i32
    %dma_start3A_242 = tpu.memref_slice %arg7[%dma_start3A_240, %dma_start3A_241] : memref<80x128xi32, #tpu.memory_space<vmem>> -> memref<1x128xi32, #tpu.memory_space<vmem>>
    %dma_start3A_243 = tpu.memref_squeeze %dma_start3A_242 : memref<1x128xi32, #tpu.memory_space<vmem>> -> memref<128xi32, #tpu.memory_space<vmem>>
    %dma_start3A_244 = arith.constant 0 : i32
    %dma_start3A_245 = arith.constant 0 : i32
    %dma_start3A_246 = tpu.memref_slice %arg14[%dma_start3A_244, %dma_start3A_245] : memref<10112x128xf32, #tpu.memory_space<vmem_shared>> -> memref<10112x128xf32, #tpu.memory_space<vmem_shared>>
    tpu.enqueue_indirect_dma source(%arg13 : memref<128x128xf32, #tpu.memory_space<vmem>>) target(%dma_start3A_246 : memref<10112x128xf32, #tpu.memory_space<vmem_shared>>) offsets(%dma_start3A_243 : memref<128xi32, #tpu.memory_space<vmem>>) semaphore(%arg22 : memref<!tpu.dma_semaphore, #tpu.memory_space<semaphore_mem>>) {add = true}
    %dma_wait3A_247 = arith.constant 0 : i32
    %dma_wait3A_248 = arith.constant 0 : i32
    %dma_wait3A_249 = tpu.memref_slice %arg14[%dma_wait3A_247, %dma_wait3A_248] : memref<10112x128xf32, #tpu.memory_space<vmem_shared>> -> memref<128x128xf32, #tpu.memory_space<vmem_shared>>
    %dma_wait3A_250 = arith.constant 0 : i32
    %dma_wait3A_251 = arith.constant 0 : i32
    %dma_wait3A_252 = tpu.memref_slice %arg14[%dma_wait3A_250, %dma_wait3A_251] : memref<10112x128xf32, #tpu.memory_space<vmem_shared>> -> memref<128x128xf32, #tpu.memory_space<vmem_shared>>
    tpu.wait_dma2 semaphore(%arg22 : memref<!tpu.dma_semaphore, #tpu.memory_space<semaphore_mem>>) src(%arg13 : memref<128x128xf32, #tpu.memory_space<vmem>>) dst(%dma_wait3A_252 : memref<128x128xf32, #tpu.memory_space<vmem_shared>>)
    %dma_wait3A_253 = arith.constant 0 : i32
    %dma_wait3A_254 = arith.constant 0 : i32
    %dma_wait3A_255 = arith.constant 0 : i32
    %dma_wait3A_256 = tpu.memref_slice %arg3[%dma_wait3A_253, %dma_wait3A_254, %dma_wait3A_255] : memref<32x80x128xi32, #tpu.memory_space<hbm>> -> memref<1x1x128xi32, #tpu.memory_space<hbm>>
    %dma_wait3A_257 = tpu.memref_squeeze %dma_wait3A_256 : memref<1x1x128xi32, #tpu.memory_space<hbm>> -> memref<128xi32, #tpu.memory_space<hbm>>
    %dma_wait3A_258 = arith.constant 0 : i32
    %dma_wait3A_259 = tpu.memref_slice %arg3[%dma_wait3A_253, %dma_wait3A_254, %dma_wait3A_258] : memref<32x80x128xi32, #tpu.memory_space<hbm>> -> memref<1x1x128xi32, #tpu.memory_space<hbm>>
    %dma_wait3A_260 = tpu.memref_squeeze %dma_wait3A_259 : memref<1x1x128xi32, #tpu.memory_space<hbm>> -> memref<128xi32, #tpu.memory_space<hbm>>
    tpu.wait_dma2 semaphore(%arg18 : memref<!tpu.dma_semaphore, #tpu.memory_space<semaphore_mem>>) src(%dma_wait3A_260 : memref<128xi32, #tpu.memory_space<hbm>>) dst(%arg11 : memref<128xi32, #tpu.memory_space<vmem>>)
    %dma_start3A_261 = arith.constant 0 : i32
    %dma_start3A_262 = arith.constant 0 : i32
    %dma_start3A_263 = tpu.memref_slice %arg2[%dma_start3A_261, %dma_start3A_262] : memref<10000x128xf32, #tpu.memory_space<hbm>> -> memref<10000x128xf32, #tpu.memory_space<hbm>>
    tpu.enqueue_indirect_dma source(%dma_start3A_263 : memref<10000x128xf32, #tpu.memory_space<hbm>>) target(%arg13 : memref<128x128xf32, #tpu.memory_space<vmem>>) offsets(%arg11 : memref<128xi32, #tpu.memory_space<vmem>>) semaphore(%arg20 : memref<!tpu.dma_semaphore, #tpu.memory_space<semaphore_mem>>)
    %dma_wait3A_264 = arith.constant 0 : i32
    %dma_wait3A_265 = arith.constant 0 : i32
    %dma_wait3A_266 = tpu.memref_slice %arg2[%dma_wait3A_264, %dma_wait3A_265] : memref<10000x128xf32, #tpu.memory_space<hbm>> -> memref<128x128xf32, #tpu.memory_space<hbm>>
    %dma_wait3A_267 = arith.constant 0 : i32
    %dma_wait3A_268 = arith.constant 0 : i32
    %dma_wait3A_269 = tpu.memref_slice %arg2[%dma_wait3A_267, %dma_wait3A_268] : memref<10000x128xf32, #tpu.memory_space<hbm>> -> memref<128x128xf32, #tpu.memory_space<hbm>>
    tpu.wait_dma2 semaphore(%arg19 : memref<!tpu.dma_semaphore, #tpu.memory_space<semaphore_mem>>) src(%dma_wait3A_269 : memref<128x128xf32, #tpu.memory_space<hbm>>) dst(%arg12 : memref<128x128xf32, #tpu.memory_space<vmem>>)
    %dma_start3A_270 = arith.constant 78 : i32
    %dma_start3A_271 = arith.constant 0 : i32
    %dma_start3A_272 = tpu.memref_slice %arg7[%dma_start3A_270, %dma_start3A_271] : memref<80x128xi32, #tpu.memory_space<vmem>> -> memref<1x128xi32, #tpu.memory_space<vmem>>
    %dma_start3A_273 = tpu.memref_squeeze %dma_start3A_272 : memref<1x128xi32, #tpu.memory_space<vmem>> -> memref<128xi32, #tpu.memory_space<vmem>>
    %dma_start3A_274 = arith.constant 0 : i32
    %dma_start3A_275 = arith.constant 0 : i32
    %dma_start3A_276 = tpu.memref_slice %arg14[%dma_start3A_274, %dma_start3A_275] : memref<10112x128xf32, #tpu.memory_space<vmem_shared>> -> memref<10112x128xf32, #tpu.memory_space<vmem_shared>>
    tpu.enqueue_indirect_dma source(%arg12 : memref<128x128xf32, #tpu.memory_space<vmem>>) target(%dma_start3A_276 : memref<10112x128xf32, #tpu.memory_space<vmem_shared>>) offsets(%dma_start3A_273 : memref<128xi32, #tpu.memory_space<vmem>>) semaphore(%arg21 : memref<!tpu.dma_semaphore, #tpu.memory_space<semaphore_mem>>) {add = true}
    %dma_wait3A_277 = arith.constant 0 : i32
    %dma_wait3A_278 = arith.constant 0 : i32
    %dma_wait3A_279 = tpu.memref_slice %arg2[%dma_wait3A_277, %dma_wait3A_278] : memref<10000x128xf32, #tpu.memory_space<hbm>> -> memref<128x128xf32, #tpu.memory_space<hbm>>
    %dma_wait3A_280 = arith.constant 0 : i32
    %dma_wait3A_281 = arith.constant 0 : i32
    %dma_wait3A_282 = tpu.memref_slice %arg2[%dma_wait3A_280, %dma_wait3A_281] : memref<10000x128xf32, #tpu.memory_space<hbm>> -> memref<128x128xf32, #tpu.memory_space<hbm>>
    tpu.wait_dma2 semaphore(%arg20 : memref<!tpu.dma_semaphore, #tpu.memory_space<semaphore_mem>>) src(%dma_wait3A_282 : memref<128x128xf32, #tpu.memory_space<hbm>>) dst(%arg13 : memref<128x128xf32, #tpu.memory_space<vmem>>)
    %dma_start3A_283 = arith.constant 79 : i32
    %dma_start3A_284 = arith.constant 0 : i32
    %dma_start3A_285 = tpu.memref_slice %arg7[%dma_start3A_283, %dma_start3A_284] : memref<80x128xi32, #tpu.memory_space<vmem>> -> memref<1x128xi32, #tpu.memory_space<vmem>>
    %dma_start3A_286 = tpu.memref_squeeze %dma_start3A_285 : memref<1x128xi32, #tpu.memory_space<vmem>> -> memref<128xi32, #tpu.memory_space<vmem>>
    %dma_start3A_287 = arith.constant 0 : i32
    %dma_start3A_288 = arith.constant 0 : i32
    %dma_start3A_289 = tpu.memref_slice %arg14[%dma_start3A_287, %dma_start3A_288] : memref<10112x128xf32, #tpu.memory_space<vmem_shared>> -> memref<10112x128xf32, #tpu.memory_space<vmem_shared>>
    tpu.enqueue_indirect_dma source(%arg13 : memref<128x128xf32, #tpu.memory_space<vmem>>) target(%dma_start3A_289 : memref<10112x128xf32, #tpu.memory_space<vmem_shared>>) offsets(%dma_start3A_286 : memref<128xi32, #tpu.memory_space<vmem>>) semaphore(%arg22 : memref<!tpu.dma_semaphore, #tpu.memory_space<semaphore_mem>>) {add = true}
    %dma_wait3A_290 = arith.constant 0 : i32
    %dma_wait3A_291 = arith.constant 0 : i32
    %dma_wait3A_292 = tpu.memref_slice %arg14[%dma_wait3A_290, %dma_wait3A_291] : memref<10112x128xf32, #tpu.memory_space<vmem_shared>> -> memref<128x128xf32, #tpu.memory_space<vmem_shared>>
    %dma_wait3A_293 = arith.constant 0 : i32
    %dma_wait3A_294 = arith.constant 0 : i32
    %dma_wait3A_295 = tpu.memref_slice %arg14[%dma_wait3A_293, %dma_wait3A_294] : memref<10112x128xf32, #tpu.memory_space<vmem_shared>> -> memref<128x128xf32, #tpu.memory_space<vmem_shared>>
    tpu.wait_dma2 semaphore(%arg21 : memref<!tpu.dma_semaphore, #tpu.memory_space<semaphore_mem>>) src(%arg12 : memref<128x128xf32, #tpu.memory_space<vmem>>) dst(%dma_wait3A_295 : memref<128x128xf32, #tpu.memory_space<vmem_shared>>)
    %dma_wait3A_296 = arith.constant 0 : i32
    %dma_wait3A_297 = arith.constant 0 : i32
    %dma_wait3A_298 = tpu.memref_slice %arg14[%dma_wait3A_296, %dma_wait3A_297] : memref<10112x128xf32, #tpu.memory_space<vmem_shared>> -> memref<128x128xf32, #tpu.memory_space<vmem_shared>>
    %dma_wait3A_299 = arith.constant 0 : i32
    %dma_wait3A_300 = arith.constant 0 : i32
    %dma_wait3A_301 = tpu.memref_slice %arg14[%dma_wait3A_299, %dma_wait3A_300] : memref<10112x128xf32, #tpu.memory_space<vmem_shared>> -> memref<128x128xf32, #tpu.memory_space<vmem_shared>>
    tpu.wait_dma2 semaphore(%arg22 : memref<!tpu.dma_semaphore, #tpu.memory_space<semaphore_mem>>) src(%arg13 : memref<128x128xf32, #tpu.memory_space<vmem>>) dst(%dma_wait3A_301 : memref<128x128xf32, #tpu.memory_space<vmem_shared>>)
    %barrier3A_302 = arith.constant 0 : index
    tpu.barrier barrier_id(%barrier3A_302)
    "tpu.region"() ({
      %run_scoped3A = tpu.sem_alloc : memref<!tpu.dma_semaphore, #tpu.memory_space<semaphore_mem>>
      %dma_start3A_303 = arith.constant 0 : i32
      %dma_start3A_304 = tpu.memref_slice %arg6[%arg0, %mul3A_0, %dma_start3A_303] : memref<2x10112x128xf32, #tpu.memory_space<hbm>> -> memref<1x632x128xf32, #tpu.memory_space<hbm>>
      %dma_start3A_305 = tpu.memref_squeeze %dma_start3A_304 : memref<1x632x128xf32, #tpu.memory_space<hbm>> -> memref<632x128xf32, #tpu.memory_space<hbm>>
      %dma_start3A_306 = arith.constant 0 : i32
      %dma_start3A_307 = tpu.memref_slice %arg14[%mul3A_0, %dma_start3A_306] : memref<10112x128xf32, #tpu.memory_space<vmem_shared>> -> memref<632x128xf32, #tpu.memory_space<vmem_shared>>
      tpu.enqueue_dma source(%dma_start3A_307 : memref<632x128xf32, #tpu.memory_space<vmem_shared>>) target(%dma_start3A_305 : memref<632x128xf32, #tpu.memory_space<hbm>>) target_semaphore(%run_scoped3A : memref<!tpu.dma_semaphore, #tpu.memory_space<semaphore_mem>>)
      %dma_wait3A_308 = arith.constant 0 : i32
      %dma_wait3A_309 = tpu.memref_slice %arg6[%arg0, %mul3A_0, %dma_wait3A_308] : memref<2x10112x128xf32, #tpu.memory_space<hbm>> -> memref<1x632x128xf32, #tpu.memory_space<hbm>>
      %dma_wait3A_310 = tpu.memref_squeeze %dma_wait3A_309 : memref<1x632x128xf32, #tpu.memory_space<hbm>> -> memref<632x128xf32, #tpu.memory_space<hbm>>
      %dma_wait3A_311 = arith.constant 0 : i32
      %dma_wait3A_312 = tpu.memref_slice %arg14[%mul3A_0, %dma_wait3A_311] : memref<10112x128xf32, #tpu.memory_space<vmem_shared>> -> memref<632x128xf32, #tpu.memory_space<vmem_shared>>
      tpu.wait_dma2 semaphore(%run_scoped3A : memref<!tpu.dma_semaphore, #tpu.memory_space<semaphore_mem>>) src(%dma_wait3A_312 : memref<632x128xf32, #tpu.memory_space<vmem_shared>>) dst(%dma_wait3A_310 : memref<632x128xf32, #tpu.memory_space<hbm>>)
      tpu.yield
    }) : () -> ()
    return
  }
}

#map = affine_map<(d0, d1) -> (0, 0)>
#map1 = affine_map<(d0, d1) -> (0, 0, 0)>
module attributes {stable_mosaic.version = 14 : i64} {
  func.func @_sc_agg(%arg0: i32, %arg1: i32, %arg2: memref<10000x128xf32, #tpu.memory_space<hbm>>, %arg3: memref<32x80x128xi32, #tpu.memory_space<hbm>>, %arg4: memref<32x80x128xi32, #tpu.memory_space<hbm>>, %arg5: memref<10112x128xf32, #tpu.memory_space<hbm>>, %arg6: memref<2x10112x128xf32, #tpu.memory_space<hbm>>, %arg7: memref<80x128xi32, #tpu.memory_space<vmem>>, %arg8: memref<128xi32, #tpu.memory_space<vmem>>, %arg9: memref<128xi32, #tpu.memory_space<vmem>>, %arg10: memref<128xi32, #tpu.memory_space<vmem>>, %arg11: memref<128xi32, #tpu.memory_space<vmem>>, %arg12: memref<128x128xf32, #tpu.memory_space<vmem>>, %arg13: memref<128x128xf32, #tpu.memory_space<vmem>>, %arg14: memref<10112x128xf32, #tpu.memory_space<vmem_shared>>, %arg15: memref<!tpu.dma_semaphore, #tpu.memory_space<semaphore_mem>>, %arg16: memref<!tpu.dma_semaphore, #tpu.memory_space<semaphore_mem>>, %arg17: memref<!tpu.dma_semaphore, #tpu.memory_space<semaphore_mem>>, %arg18: memref<!tpu.dma_semaphore, #tpu.memory_space<semaphore_mem>>, %arg19: memref<!tpu.dma_semaphore, #tpu.memory_space<semaphore_mem>>, %arg20: memref<!tpu.dma_semaphore, #tpu.memory_space<semaphore_mem>>, %arg21: memref<!tpu.dma_semaphore, #tpu.memory_space<semaphore_mem>>, %arg22: memref<!tpu.dma_semaphore, #tpu.memory_space<semaphore_mem>>) attributes {dimension_semantics = [#tpu.dimension_semantics<core_parallel>, #tpu.dimension_semantics<subcore_parallel>], iteration_bounds = array<i64: 2, 16>, scalar_prefetch = 0 : i64, scratch_operands = 16 : i64, tpu.core_type = #tpu.core_type<sc_vector_subcore>, window_params = [{transform_indices = #map}, {transform_indices = #map1}, {transform_indices = #map1}, {transform_indices = #map}, {transform_indices = #map1}]} {
    %mul3A = arith.constant 632 : i32
    %mul3A_0 = arith.muli %arg1, %mul3A : i32
    "tpu.region"() ({
      %run_scoped3A = tpu.sem_alloc : memref<!tpu.dma_semaphore, #tpu.memory_space<semaphore_mem>>
      %dma_start3A_303 = arith.constant 0 : i32
      %dma_start3A_304 = tpu.memref_slice %arg14[%mul3A_0, %dma_start3A_303] : memref<10112x128xf32, #tpu.memory_space<vmem_shared>> -> memref<632x128xf32, #tpu.memory_space<vmem_shared>>
      %dma_start3A_305 = arith.constant 0 : i32
      %dma_start3A_306 = tpu.memref_slice %arg5[%mul3A_0, %dma_start3A_305] : memref<10112x128xf32, #tpu.memory_space<hbm>> -> memref<632x128xf32, #tpu.memory_space<hbm>>
      tpu.enqueue_dma source(%dma_start3A_306 : memref<632x128xf32, #tpu.memory_space<hbm>>) target(%dma_start3A_304 : memref<632x128xf32, #tpu.memory_space<vmem_shared>>) target_semaphore(%run_scoped3A : memref<!tpu.dma_semaphore, #tpu.memory_space<semaphore_mem>>)
      %dma_wait3A_307 = arith.constant 0 : i32
      %dma_wait3A_308 = tpu.memref_slice %arg14[%mul3A_0, %dma_wait3A_307] : memref<10112x128xf32, #tpu.memory_space<vmem_shared>> -> memref<632x128xf32, #tpu.memory_space<vmem_shared>>
      %dma_wait3A_309 = arith.constant 0 : i32
      %dma_wait3A_310 = tpu.memref_slice %arg5[%mul3A_0, %dma_wait3A_309] : memref<10112x128xf32, #tpu.memory_space<hbm>> -> memref<632x128xf32, #tpu.memory_space<hbm>>
      tpu.wait_dma2 semaphore(%run_scoped3A : memref<!tpu.dma_semaphore, #tpu.memory_space<semaphore_mem>>) src(%dma_wait3A_310 : memref<632x128xf32, #tpu.memory_space<hbm>>) dst(%dma_wait3A_308 : memref<632x128xf32, #tpu.memory_space<vmem_shared>>)
      tpu.yield
    }) : () -> ()
    %mul3A_1 = arith.constant 2 : i32
    %mul3A_2 = arith.muli %arg1, %mul3A_1 : i32
    %add3A = arith.addi %mul3A_2, %arg0 : i32
    "tpu.region"() ({
      %run_scoped3A = tpu.sem_alloc : memref<!tpu.dma_semaphore, #tpu.memory_space<semaphore_mem>>
      %dma_start3A_303 = arith.constant 0 : i32
      %dma_start3A_304 = arith.constant 0 : i32
      %dma_start3A_305 = tpu.memref_slice %arg4[%add3A, %dma_start3A_303, %dma_start3A_304] : memref<32x80x128xi32, #tpu.memory_space<hbm>> -> memref<1x80x128xi32, #tpu.memory_space<hbm>>
      %dma_start3A_306 = tpu.memref_squeeze %dma_start3A_305 : memref<1x80x128xi32, #tpu.memory_space<hbm>> -> memref<80x128xi32, #tpu.memory_space<hbm>>
      %dma_start3A_307 = arith.constant 0 : i32
      %dma_start3A_308 = arith.constant 0 : i32
      %dma_start3A_309 = tpu.memref_slice %arg4[%add3A, %dma_start3A_307, %dma_start3A_308] : memref<32x80x128xi32, #tpu.memory_space<hbm>> -> memref<1x80x128xi32, #tpu.memory_space<hbm>>
      %dma_start3A_310 = tpu.memref_squeeze %dma_start3A_309 : memref<1x80x128xi32, #tpu.memory_space<hbm>> -> memref<80x128xi32, #tpu.memory_space<hbm>>
      tpu.enqueue_dma source(%dma_start3A_310 : memref<80x128xi32, #tpu.memory_space<hbm>>) target(%arg7 : memref<80x128xi32, #tpu.memory_space<vmem>>) target_semaphore(%run_scoped3A : memref<!tpu.dma_semaphore, #tpu.memory_space<semaphore_mem>>)
      %dma_wait3A_311 = arith.constant 0 : i32
      %dma_wait3A_312 = arith.constant 0 : i32
      %dma_wait3A_313 = tpu.memref_slice %arg4[%add3A, %dma_wait3A_311, %dma_wait3A_312] : memref<32x80x128xi32, #tpu.memory_space<hbm>> -> memref<1x80x128xi32, #tpu.memory_space<hbm>>
      %dma_wait3A_314 = tpu.memref_squeeze %dma_wait3A_313 : memref<1x80x128xi32, #tpu.memory_space<hbm>> -> memref<80x128xi32, #tpu.memory_space<hbm>>
      %dma_wait3A_315 = arith.constant 0 : i32
      %dma_wait3A_316 = arith.constant 0 : i32
      %dma_wait3A_317 = tpu.memref_slice %arg4[%add3A, %dma_wait3A_315, %dma_wait3A_316] : memref<32x80x128xi32, #tpu.memory_space<hbm>> -> memref<1x80x128xi32, #tpu.memory_space<hbm>>
      %dma_wait3A_318 = tpu.memref_squeeze %dma_wait3A_317 : memref<1x80x128xi32, #tpu.memory_space<hbm>> -> memref<80x128xi32, #tpu.memory_space<hbm>>
      tpu.wait_dma2 semaphore(%run_scoped3A : memref<!tpu.dma_semaphore, #tpu.memory_space<semaphore_mem>>) src(%dma_wait3A_318 : memref<80x128xi32, #tpu.memory_space<hbm>>) dst(%arg7 : memref<80x128xi32, #tpu.memory_space<vmem>>)
      tpu.yield
    }) : () -> ()
    %barrier3A = arith.constant 0 : index
    tpu.barrier barrier_id(%barrier3A)
    %dma_start3A = arith.constant 0 : i32
    %dma_start3A_3 = arith.constant 0 : i32
    %dma_start3A_4 = tpu.memref_slice %arg3[%add3A, %dma_start3A, %dma_start3A_3] : memref<32x80x128xi32, #tpu.memory_space<hbm>> -> memref<1x1x128xi32, #tpu.memory_space<hbm>>
    %dma_start3A_5 = tpu.memref_squeeze %dma_start3A_4 : memref<1x1x128xi32, #tpu.memory_space<hbm>> -> memref<128xi32, #tpu.memory_space<hbm>>
    %dma_start3A_6 = arith.constant 0 : i32
    %dma_start3A_7 = tpu.memref_slice %arg3[%add3A, %dma_start3A, %dma_start3A_6] : memref<32x80x128xi32, #tpu.memory_space<hbm>> -> memref<1x1x128xi32, #tpu.memory_space<hbm>>
    %dma_start3A_8 = tpu.memref_squeeze %dma_start3A_7 : memref<1x1x128xi32, #tpu.memory_space<hbm>> -> memref<128xi32, #tpu.memory_space<hbm>>
    tpu.enqueue_dma source(%dma_start3A_8 : memref<128xi32, #tpu.memory_space<hbm>>) target(%arg8 : memref<128xi32, #tpu.memory_space<vmem>>) target_semaphore(%arg15 : memref<!tpu.dma_semaphore, #tpu.memory_space<semaphore_mem>>)
    %dma_start3A_9 = arith.constant 1 : i32
    %dma_start3A_10 = arith.constant 0 : i32
    %dma_start3A_11 = tpu.memref_slice %arg3[%add3A, %dma_start3A_9, %dma_start3A_10] : memref<32x80x128xi32, #tpu.memory_space<hbm>> -> memref<1x1x128xi32, #tpu.memory_space<hbm>>
    %dma_start3A_12 = tpu.memref_squeeze %dma_start3A_11 : memref<1x1x128xi32, #tpu.memory_space<hbm>> -> memref<128xi32, #tpu.memory_space<hbm>>
    %dma_start3A_13 = arith.constant 0 : i32
    %dma_start3A_14 = tpu.memref_slice %arg3[%add3A, %dma_start3A_9, %dma_start3A_13] : memref<32x80x128xi32, #tpu.memory_space<hbm>> -> memref<1x1x128xi32, #tpu.memory_space<hbm>>
    %dma_start3A_15 = tpu.memref_squeeze %dma_start3A_14 : memref<1x1x128xi32, #tpu.memory_space<hbm>> -> memref<128xi32, #tpu.memory_space<hbm>>
    tpu.enqueue_dma source(%dma_start3A_15 : memref<128xi32, #tpu.memory_space<hbm>>) target(%arg9 : memref<128xi32, #tpu.memory_space<vmem>>) target_semaphore(%arg16 : memref<!tpu.dma_semaphore, #tpu.memory_space<semaphore_mem>>)
    %dma_start3A_16 = arith.constant 2 : i32
    %dma_start3A_17 = arith.constant 0 : i32
    %dma_start3A_18 = tpu.memref_slice %arg3[%add3A, %dma_start3A_16, %dma_start3A_17] : memref<32x80x128xi32, #tpu.memory_space<hbm>> -> memref<1x1x128xi32, #tpu.memory_space<hbm>>
    %dma_start3A_19 = tpu.memref_squeeze %dma_start3A_18 : memref<1x1x128xi32, #tpu.memory_space<hbm>> -> memref<128xi32, #tpu.memory_space<hbm>>
    %dma_start3A_20 = arith.constant 0 : i32
    %dma_start3A_21 = tpu.memref_slice %arg3[%add3A, %dma_start3A_16, %dma_start3A_20] : memref<32x80x128xi32, #tpu.memory_space<hbm>> -> memref<1x1x128xi32, #tpu.memory_space<hbm>>
    %dma_start3A_22 = tpu.memref_squeeze %dma_start3A_21 : memref<1x1x128xi32, #tpu.memory_space<hbm>> -> memref<128xi32, #tpu.memory_space<hbm>>
    tpu.enqueue_dma source(%dma_start3A_22 : memref<128xi32, #tpu.memory_space<hbm>>) target(%arg10 : memref<128xi32, #tpu.memory_space<vmem>>) target_semaphore(%arg17 : memref<!tpu.dma_semaphore, #tpu.memory_space<semaphore_mem>>)
    %dma_start3A_23 = arith.constant 3 : i32
    %dma_start3A_24 = arith.constant 0 : i32
    %dma_start3A_25 = tpu.memref_slice %arg3[%add3A, %dma_start3A_23, %dma_start3A_24] : memref<32x80x128xi32, #tpu.memory_space<hbm>> -> memref<1x1x128xi32, #tpu.memory_space<hbm>>
    %dma_start3A_26 = tpu.memref_squeeze %dma_start3A_25 : memref<1x1x128xi32, #tpu.memory_space<hbm>> -> memref<128xi32, #tpu.memory_space<hbm>>
    %dma_start3A_27 = arith.constant 0 : i32
    %dma_start3A_28 = tpu.memref_slice %arg3[%add3A, %dma_start3A_23, %dma_start3A_27] : memref<32x80x128xi32, #tpu.memory_space<hbm>> -> memref<1x1x128xi32, #tpu.memory_space<hbm>>
    %dma_start3A_29 = tpu.memref_squeeze %dma_start3A_28 : memref<1x1x128xi32, #tpu.memory_space<hbm>> -> memref<128xi32, #tpu.memory_space<hbm>>
    tpu.enqueue_dma source(%dma_start3A_29 : memref<128xi32, #tpu.memory_space<hbm>>) target(%arg11 : memref<128xi32, #tpu.memory_space<vmem>>) target_semaphore(%arg18 : memref<!tpu.dma_semaphore, #tpu.memory_space<semaphore_mem>>)
    %dma_wait3A = arith.constant 0 : i32
    %dma_wait3A_30 = arith.constant 0 : i32
    %dma_wait3A_31 = arith.constant 0 : i32
    %dma_wait3A_32 = tpu.memref_slice %arg3[%dma_wait3A, %dma_wait3A_30, %dma_wait3A_31] : memref<32x80x128xi32, #tpu.memory_space<hbm>> -> memref<1x1x128xi32, #tpu.memory_space<hbm>>
    %dma_wait3A_33 = tpu.memref_squeeze %dma_wait3A_32 : memref<1x1x128xi32, #tpu.memory_space<hbm>> -> memref<128xi32, #tpu.memory_space<hbm>>
    %dma_wait3A_34 = arith.constant 0 : i32
    %dma_wait3A_35 = tpu.memref_slice %arg3[%dma_wait3A, %dma_wait3A_30, %dma_wait3A_34] : memref<32x80x128xi32, #tpu.memory_space<hbm>> -> memref<1x1x128xi32, #tpu.memory_space<hbm>>
    %dma_wait3A_36 = tpu.memref_squeeze %dma_wait3A_35 : memref<1x1x128xi32, #tpu.memory_space<hbm>> -> memref<128xi32, #tpu.memory_space<hbm>>
    tpu.wait_dma2 semaphore(%arg15 : memref<!tpu.dma_semaphore, #tpu.memory_space<semaphore_mem>>) src(%dma_wait3A_36 : memref<128xi32, #tpu.memory_space<hbm>>) dst(%arg8 : memref<128xi32, #tpu.memory_space<vmem>>)
    %dma_start3A_37 = arith.constant 0 : i32
    %dma_start3A_38 = arith.constant 0 : i32
    %dma_start3A_39 = tpu.memref_slice %arg2[%dma_start3A_37, %dma_start3A_38] : memref<10000x128xf32, #tpu.memory_space<hbm>> -> memref<10000x128xf32, #tpu.memory_space<hbm>>
    tpu.enqueue_indirect_dma source(%dma_start3A_39 : memref<10000x128xf32, #tpu.memory_space<hbm>>) target(%arg12 : memref<128x128xf32, #tpu.memory_space<vmem>>) offsets(%arg8 : memref<128xi32, #tpu.memory_space<vmem>>) semaphore(%arg19 : memref<!tpu.dma_semaphore, #tpu.memory_space<semaphore_mem>>)
    %dma_wait3A_40 = arith.constant 0 : i32
    %dma_wait3A_41 = arith.constant 0 : i32
    %dma_wait3A_42 = arith.constant 0 : i32
    %dma_wait3A_43 = tpu.memref_slice %arg3[%dma_wait3A_40, %dma_wait3A_41, %dma_wait3A_42] : memref<32x80x128xi32, #tpu.memory_space<hbm>> -> memref<1x1x128xi32, #tpu.memory_space<hbm>>
    %dma_wait3A_44 = tpu.memref_squeeze %dma_wait3A_43 : memref<1x1x128xi32, #tpu.memory_space<hbm>> -> memref<128xi32, #tpu.memory_space<hbm>>
    %dma_wait3A_45 = arith.constant 0 : i32
    %dma_wait3A_46 = tpu.memref_slice %arg3[%dma_wait3A_40, %dma_wait3A_41, %dma_wait3A_45] : memref<32x80x128xi32, #tpu.memory_space<hbm>> -> memref<1x1x128xi32, #tpu.memory_space<hbm>>
    %dma_wait3A_47 = tpu.memref_squeeze %dma_wait3A_46 : memref<1x1x128xi32, #tpu.memory_space<hbm>> -> memref<128xi32, #tpu.memory_space<hbm>>
    tpu.wait_dma2 semaphore(%arg16 : memref<!tpu.dma_semaphore, #tpu.memory_space<semaphore_mem>>) src(%dma_wait3A_47 : memref<128xi32, #tpu.memory_space<hbm>>) dst(%arg9 : memref<128xi32, #tpu.memory_space<vmem>>)
    %dma_start3A_48 = arith.constant 0 : i32
    %dma_start3A_49 = arith.constant 0 : i32
    %dma_start3A_50 = tpu.memref_slice %arg2[%dma_start3A_48, %dma_start3A_49] : memref<10000x128xf32, #tpu.memory_space<hbm>> -> memref<10000x128xf32, #tpu.memory_space<hbm>>
    tpu.enqueue_indirect_dma source(%dma_start3A_50 : memref<10000x128xf32, #tpu.memory_space<hbm>>) target(%arg13 : memref<128x128xf32, #tpu.memory_space<vmem>>) offsets(%arg9 : memref<128xi32, #tpu.memory_space<vmem>>) semaphore(%arg20 : memref<!tpu.dma_semaphore, #tpu.memory_space<semaphore_mem>>)
    %dma_wait3A_51 = arith.constant 0 : i32
    %dma_wait3A_52 = arith.constant 0 : i32
    %dma_wait3A_53 = tpu.memref_slice %arg2[%dma_wait3A_51, %dma_wait3A_52] : memref<10000x128xf32, #tpu.memory_space<hbm>> -> memref<128x128xf32, #tpu.memory_space<hbm>>
    %dma_wait3A_54 = arith.constant 0 : i32
    %dma_wait3A_55 = arith.constant 0 : i32
    %dma_wait3A_56 = tpu.memref_slice %arg2[%dma_wait3A_54, %dma_wait3A_55] : memref<10000x128xf32, #tpu.memory_space<hbm>> -> memref<128x128xf32, #tpu.memory_space<hbm>>
    tpu.wait_dma2 semaphore(%arg19 : memref<!tpu.dma_semaphore, #tpu.memory_space<semaphore_mem>>) src(%dma_wait3A_56 : memref<128x128xf32, #tpu.memory_space<hbm>>) dst(%arg12 : memref<128x128xf32, #tpu.memory_space<vmem>>)
    %dma_start3A_57 = arith.constant 0 : i32
    %dma_start3A_58 = arith.constant 0 : i32
    %dma_start3A_59 = tpu.memref_slice %arg7[%dma_start3A_57, %dma_start3A_58] : memref<80x128xi32, #tpu.memory_space<vmem>> -> memref<1x128xi32, #tpu.memory_space<vmem>>
    %dma_start3A_60 = tpu.memref_squeeze %dma_start3A_59 : memref<1x128xi32, #tpu.memory_space<vmem>> -> memref<128xi32, #tpu.memory_space<vmem>>
    %dma_start3A_61 = arith.constant 0 : i32
    %dma_start3A_62 = arith.constant 0 : i32
    %dma_start3A_63 = tpu.memref_slice %arg14[%dma_start3A_61, %dma_start3A_62] : memref<10112x128xf32, #tpu.memory_space<vmem_shared>> -> memref<10112x128xf32, #tpu.memory_space<vmem_shared>>
    tpu.enqueue_indirect_dma source(%arg12 : memref<128x128xf32, #tpu.memory_space<vmem>>) target(%dma_start3A_63 : memref<10112x128xf32, #tpu.memory_space<vmem_shared>>) offsets(%dma_start3A_60 : memref<128xi32, #tpu.memory_space<vmem>>) semaphore(%arg21 : memref<!tpu.dma_semaphore, #tpu.memory_space<semaphore_mem>>) {add = true}
    %dma_start3A_64 = arith.constant 4 : i32
    %dma_start3A_65 = arith.constant 0 : i32
    %dma_start3A_66 = tpu.memref_slice %arg3[%add3A, %dma_start3A_64, %dma_start3A_65] : memref<32x80x128xi32, #tpu.memory_space<hbm>> -> memref<1x1x128xi32, #tpu.memory_space<hbm>>
    %dma_start3A_67 = tpu.memref_squeeze %dma_start3A_66 : memref<1x1x128xi32, #tpu.memory_space<hbm>> -> memref<128xi32, #tpu.memory_space<hbm>>
    %dma_start3A_68 = arith.constant 0 : i32
    %dma_start3A_69 = tpu.memref_slice %arg3[%add3A, %dma_start3A_64, %dma_start3A_68] : memref<32x80x128xi32, #tpu.memory_space<hbm>> -> memref<1x1x128xi32, #tpu.memory_space<hbm>>
    %dma_start3A_70 = tpu.memref_squeeze %dma_start3A_69 : memref<1x1x128xi32, #tpu.memory_space<hbm>> -> memref<128xi32, #tpu.memory_space<hbm>>
    tpu.enqueue_dma source(%dma_start3A_70 : memref<128xi32, #tpu.memory_space<hbm>>) target(%arg8 : memref<128xi32, #tpu.memory_space<vmem>>) target_semaphore(%arg15 : memref<!tpu.dma_semaphore, #tpu.memory_space<semaphore_mem>>)
    %dma_wait3A_71 = arith.constant 0 : i32
    %dma_wait3A_72 = arith.constant 0 : i32
    %dma_wait3A_73 = tpu.memref_slice %arg14[%dma_wait3A_71, %dma_wait3A_72] : memref<10112x128xf32, #tpu.memory_space<vmem_shared>> -> memref<128x128xf32, #tpu.memory_space<vmem_shared>>
    %dma_wait3A_74 = arith.constant 0 : i32
    %dma_wait3A_75 = arith.constant 0 : i32
    %dma_wait3A_76 = tpu.memref_slice %arg14[%dma_wait3A_74, %dma_wait3A_75] : memref<10112x128xf32, #tpu.memory_space<vmem_shared>> -> memref<128x128xf32, #tpu.memory_space<vmem_shared>>
    tpu.wait_dma2 semaphore(%arg21 : memref<!tpu.dma_semaphore, #tpu.memory_space<semaphore_mem>>) src(%arg12 : memref<128x128xf32, #tpu.memory_space<vmem>>) dst(%dma_wait3A_76 : memref<128x128xf32, #tpu.memory_space<vmem_shared>>)
    %dma_wait3A_77 = arith.constant 0 : i32
    %dma_wait3A_78 = arith.constant 0 : i32
    %dma_wait3A_79 = arith.constant 0 : i32
    %dma_wait3A_80 = tpu.memref_slice %arg3[%dma_wait3A_77, %dma_wait3A_78, %dma_wait3A_79] : memref<32x80x128xi32, #tpu.memory_space<hbm>> -> memref<1x1x128xi32, #tpu.memory_space<hbm>>
    %dma_wait3A_81 = tpu.memref_squeeze %dma_wait3A_80 : memref<1x1x128xi32, #tpu.memory_space<hbm>> -> memref<128xi32, #tpu.memory_space<hbm>>
    %dma_wait3A_82 = arith.constant 0 : i32
    %dma_wait3A_83 = tpu.memref_slice %arg3[%dma_wait3A_77, %dma_wait3A_78, %dma_wait3A_82] : memref<32x80x128xi32, #tpu.memory_space<hbm>> -> memref<1x1x128xi32, #tpu.memory_space<hbm>>
    %dma_wait3A_84 = tpu.memref_squeeze %dma_wait3A_83 : memref<1x1x128xi32, #tpu.memory_space<hbm>> -> memref<128xi32, #tpu.memory_space<hbm>>
    tpu.wait_dma2 semaphore(%arg17 : memref<!tpu.dma_semaphore, #tpu.memory_space<semaphore_mem>>) src(%dma_wait3A_84 : memref<128xi32, #tpu.memory_space<hbm>>) dst(%arg10 : memref<128xi32, #tpu.memory_space<vmem>>)
    %dma_start3A_85 = arith.constant 0 : i32
    %dma_start3A_86 = arith.constant 0 : i32
    %dma_start3A_87 = tpu.memref_slice %arg2[%dma_start3A_85, %dma_start3A_86] : memref<10000x128xf32, #tpu.memory_space<hbm>> -> memref<10000x128xf32, #tpu.memory_space<hbm>>
    tpu.enqueue_indirect_dma source(%dma_start3A_87 : memref<10000x128xf32, #tpu.memory_space<hbm>>) target(%arg12 : memref<128x128xf32, #tpu.memory_space<vmem>>) offsets(%arg10 : memref<128xi32, #tpu.memory_space<vmem>>) semaphore(%arg19 : memref<!tpu.dma_semaphore, #tpu.memory_space<semaphore_mem>>)
    %dma_wait3A_88 = arith.constant 0 : i32
    %dma_wait3A_89 = arith.constant 0 : i32
    %dma_wait3A_90 = tpu.memref_slice %arg2[%dma_wait3A_88, %dma_wait3A_89] : memref<10000x128xf32, #tpu.memory_space<hbm>> -> memref<128x128xf32, #tpu.memory_space<hbm>>
    %dma_wait3A_91 = arith.constant 0 : i32
    %dma_wait3A_92 = arith.constant 0 : i32
    %dma_wait3A_93 = tpu.memref_slice %arg2[%dma_wait3A_91, %dma_wait3A_92] : memref<10000x128xf32, #tpu.memory_space<hbm>> -> memref<128x128xf32, #tpu.memory_space<hbm>>
    tpu.wait_dma2 semaphore(%arg20 : memref<!tpu.dma_semaphore, #tpu.memory_space<semaphore_mem>>) src(%dma_wait3A_93 : memref<128x128xf32, #tpu.memory_space<hbm>>) dst(%arg13 : memref<128x128xf32, #tpu.memory_space<vmem>>)
    %dma_start3A_94 = arith.constant 1 : i32
    %dma_start3A_95 = arith.constant 0 : i32
    %dma_start3A_96 = tpu.memref_slice %arg7[%dma_start3A_94, %dma_start3A_95] : memref<80x128xi32, #tpu.memory_space<vmem>> -> memref<1x128xi32, #tpu.memory_space<vmem>>
    %dma_start3A_97 = tpu.memref_squeeze %dma_start3A_96 : memref<1x128xi32, #tpu.memory_space<vmem>> -> memref<128xi32, #tpu.memory_space<vmem>>
    %dma_start3A_98 = arith.constant 0 : i32
    %dma_start3A_99 = arith.constant 0 : i32
    %dma_start3A_100 = tpu.memref_slice %arg14[%dma_start3A_98, %dma_start3A_99] : memref<10112x128xf32, #tpu.memory_space<vmem_shared>> -> memref<10112x128xf32, #tpu.memory_space<vmem_shared>>
    tpu.enqueue_indirect_dma source(%arg13 : memref<128x128xf32, #tpu.memory_space<vmem>>) target(%dma_start3A_100 : memref<10112x128xf32, #tpu.memory_space<vmem_shared>>) offsets(%dma_start3A_97 : memref<128xi32, #tpu.memory_space<vmem>>) semaphore(%arg22 : memref<!tpu.dma_semaphore, #tpu.memory_space<semaphore_mem>>) {add = true}
    %dma_start3A_101 = arith.constant 5 : i32
    %dma_start3A_102 = arith.constant 0 : i32
    %dma_start3A_103 = tpu.memref_slice %arg3[%add3A, %dma_start3A_101, %dma_start3A_102] : memref<32x80x128xi32, #tpu.memory_space<hbm>> -> memref<1x1x128xi32, #tpu.memory_space<hbm>>
    %dma_start3A_104 = tpu.memref_squeeze %dma_start3A_103 : memref<1x1x128xi32, #tpu.memory_space<hbm>> -> memref<128xi32, #tpu.memory_space<hbm>>
    %dma_start3A_105 = arith.constant 0 : i32
    %dma_start3A_106 = tpu.memref_slice %arg3[%add3A, %dma_start3A_101, %dma_start3A_105] : memref<32x80x128xi32, #tpu.memory_space<hbm>> -> memref<1x1x128xi32, #tpu.memory_space<hbm>>
    %dma_start3A_107 = tpu.memref_squeeze %dma_start3A_106 : memref<1x1x128xi32, #tpu.memory_space<hbm>> -> memref<128xi32, #tpu.memory_space<hbm>>
    tpu.enqueue_dma source(%dma_start3A_107 : memref<128xi32, #tpu.memory_space<hbm>>) target(%arg9 : memref<128xi32, #tpu.memory_space<vmem>>) target_semaphore(%arg16 : memref<!tpu.dma_semaphore, #tpu.memory_space<semaphore_mem>>)
    %dma_wait3A_108 = arith.constant 0 : i32
    %dma_wait3A_109 = arith.constant 0 : i32
    %dma_wait3A_110 = tpu.memref_slice %arg14[%dma_wait3A_108, %dma_wait3A_109] : memref<10112x128xf32, #tpu.memory_space<vmem_shared>> -> memref<128x128xf32, #tpu.memory_space<vmem_shared>>
    %dma_wait3A_111 = arith.constant 0 : i32
    %dma_wait3A_112 = arith.constant 0 : i32
    %dma_wait3A_113 = tpu.memref_slice %arg14[%dma_wait3A_111, %dma_wait3A_112] : memref<10112x128xf32, #tpu.memory_space<vmem_shared>> -> memref<128x128xf32, #tpu.memory_space<vmem_shared>>
    tpu.wait_dma2 semaphore(%arg22 : memref<!tpu.dma_semaphore, #tpu.memory_space<semaphore_mem>>) src(%arg13 : memref<128x128xf32, #tpu.memory_space<vmem>>) dst(%dma_wait3A_113 : memref<128x128xf32, #tpu.memory_space<vmem_shared>>)
    %dma_wait3A_114 = arith.constant 0 : i32
    %dma_wait3A_115 = arith.constant 0 : i32
    %dma_wait3A_116 = arith.constant 0 : i32
    %dma_wait3A_117 = tpu.memref_slice %arg3[%dma_wait3A_114, %dma_wait3A_115, %dma_wait3A_116] : memref<32x80x128xi32, #tpu.memory_space<hbm>> -> memref<1x1x128xi32, #tpu.memory_space<hbm>>
    %dma_wait3A_118 = tpu.memref_squeeze %dma_wait3A_117 : memref<1x1x128xi32, #tpu.memory_space<hbm>> -> memref<128xi32, #tpu.memory_space<hbm>>
    %dma_wait3A_119 = arith.constant 0 : i32
    %dma_wait3A_120 = tpu.memref_slice %arg3[%dma_wait3A_114, %dma_wait3A_115, %dma_wait3A_119] : memref<32x80x128xi32, #tpu.memory_space<hbm>> -> memref<1x1x128xi32, #tpu.memory_space<hbm>>
    %dma_wait3A_121 = tpu.memref_squeeze %dma_wait3A_120 : memref<1x1x128xi32, #tpu.memory_space<hbm>> -> memref<128xi32, #tpu.memory_space<hbm>>
    tpu.wait_dma2 semaphore(%arg18 : memref<!tpu.dma_semaphore, #tpu.memory_space<semaphore_mem>>) src(%dma_wait3A_121 : memref<128xi32, #tpu.memory_space<hbm>>) dst(%arg11 : memref<128xi32, #tpu.memory_space<vmem>>)
    %dma_start3A_122 = arith.constant 0 : i32
    %dma_start3A_123 = arith.constant 0 : i32
    %dma_start3A_124 = tpu.memref_slice %arg2[%dma_start3A_122, %dma_start3A_123] : memref<10000x128xf32, #tpu.memory_space<hbm>> -> memref<10000x128xf32, #tpu.memory_space<hbm>>
    tpu.enqueue_indirect_dma source(%dma_start3A_124 : memref<10000x128xf32, #tpu.memory_space<hbm>>) target(%arg13 : memref<128x128xf32, #tpu.memory_space<vmem>>) offsets(%arg11 : memref<128xi32, #tpu.memory_space<vmem>>) semaphore(%arg20 : memref<!tpu.dma_semaphore, #tpu.memory_space<semaphore_mem>>)
    %scan3A = arith.constant 0 : i32
    %scan3A_125 = arith.constant 1 : i32
    %scan3A_126 = arith.constant 18 : i32
    %scan3A_127 = arith.addi %scan3A_125, %scan3A_126 : i32
    %scan3A_128 = arith.constant 1 : i32
    scf.for %scan3A_303 = %scan3A_125 to %scan3A_127 step %scan3A_128  : i32 {
      %mul3A_304 = arith.constant 4 : i32
      %mul3A_305 = arith.muli %mul3A_304, %scan3A_303 : i32
      %add3A_306 = arith.constant 0 : i32
      %add3A_307 = arith.addi %mul3A_305, %add3A_306 : i32
      %sub3A = arith.constant 2 : i32
      %sub3A_308 = arith.subi %add3A_307, %sub3A : i32
      %dma_wait3A_309 = arith.constant 0 : i32
      %dma_wait3A_310 = arith.constant 0 : i32
      %dma_wait3A_311 = tpu.memref_slice %arg2[%dma_wait3A_309, %dma_wait3A_310] : memref<10000x128xf32, #tpu.memory_space<hbm>> -> memref<128x128xf32, #tpu.memory_space<hbm>>
      %dma_wait3A_312 = arith.constant 0 : i32
      %dma_wait3A_313 = arith.constant 0 : i32
      %dma_wait3A_314 = tpu.memref_slice %arg2[%dma_wait3A_312, %dma_wait3A_313] : memref<10000x128xf32, #tpu.memory_space<hbm>> -> memref<128x128xf32, #tpu.memory_space<hbm>>
      tpu.wait_dma2 semaphore(%arg19 : memref<!tpu.dma_semaphore, #tpu.memory_space<semaphore_mem>>) src(%dma_wait3A_314 : memref<128x128xf32, #tpu.memory_space<hbm>>) dst(%arg12 : memref<128x128xf32, #tpu.memory_space<vmem>>)
      %dma_start3A_315 = arith.constant 0 : i32
      %dma_start3A_316 = tpu.memref_slice %arg7[%sub3A_308, %dma_start3A_315] : memref<80x128xi32, #tpu.memory_space<vmem>> -> memref<1x128xi32, #tpu.memory_space<vmem>>
      %dma_start3A_317 = tpu.memref_squeeze %dma_start3A_316 : memref<1x128xi32, #tpu.memory_space<vmem>> -> memref<128xi32, #tpu.memory_space<vmem>>
      %dma_start3A_318 = arith.constant 0 : i32
      %dma_start3A_319 = arith.constant 0 : i32
      %dma_start3A_320 = tpu.memref_slice %arg14[%dma_start3A_318, %dma_start3A_319] : memref<10112x128xf32, #tpu.memory_space<vmem_shared>> -> memref<10112x128xf32, #tpu.memory_space<vmem_shared>>
      tpu.enqueue_indirect_dma source(%arg12 : memref<128x128xf32, #tpu.memory_space<vmem>>) target(%dma_start3A_320 : memref<10112x128xf32, #tpu.memory_space<vmem_shared>>) offsets(%dma_start3A_317 : memref<128xi32, #tpu.memory_space<vmem>>) semaphore(%arg21 : memref<!tpu.dma_semaphore, #tpu.memory_space<semaphore_mem>>) {add = true}
      %add3A_321 = arith.constant 4 : i32
      %add3A_322 = arith.addi %sub3A_308, %add3A_321 : i32
      %dma_start3A_323 = arith.constant 0 : i32
      %dma_start3A_324 = tpu.memref_slice %arg3[%add3A, %add3A_322, %dma_start3A_323] : memref<32x80x128xi32, #tpu.memory_space<hbm>> -> memref<1x1x128xi32, #tpu.memory_space<hbm>>
      %dma_start3A_325 = tpu.memref_squeeze %dma_start3A_324 : memref<1x1x128xi32, #tpu.memory_space<hbm>> -> memref<128xi32, #tpu.memory_space<hbm>>
      %dma_start3A_326 = arith.constant 0 : i32
      %dma_start3A_327 = tpu.memref_slice %arg3[%add3A, %add3A_322, %dma_start3A_326] : memref<32x80x128xi32, #tpu.memory_space<hbm>> -> memref<1x1x128xi32, #tpu.memory_space<hbm>>
      %dma_start3A_328 = tpu.memref_squeeze %dma_start3A_327 : memref<1x1x128xi32, #tpu.memory_space<hbm>> -> memref<128xi32, #tpu.memory_space<hbm>>
      tpu.enqueue_dma source(%dma_start3A_328 : memref<128xi32, #tpu.memory_space<hbm>>) target(%arg10 : memref<128xi32, #tpu.memory_space<vmem>>) target_semaphore(%arg17 : memref<!tpu.dma_semaphore, #tpu.memory_space<semaphore_mem>>)
      %dma_wait3A_329 = arith.constant 0 : i32
      %dma_wait3A_330 = arith.constant 0 : i32
      %dma_wait3A_331 = tpu.memref_slice %arg14[%dma_wait3A_329, %dma_wait3A_330] : memref<10112x128xf32, #tpu.memory_space<vmem_shared>> -> memref<128x128xf32, #tpu.memory_space<vmem_shared>>
      %dma_wait3A_332 = arith.constant 0 : i32
      %dma_wait3A_333 = arith.constant 0 : i32
      %dma_wait3A_334 = tpu.memref_slice %arg14[%dma_wait3A_332, %dma_wait3A_333] : memref<10112x128xf32, #tpu.memory_space<vmem_shared>> -> memref<128x128xf32, #tpu.memory_space<vmem_shared>>
      tpu.wait_dma2 semaphore(%arg21 : memref<!tpu.dma_semaphore, #tpu.memory_space<semaphore_mem>>) src(%arg12 : memref<128x128xf32, #tpu.memory_space<vmem>>) dst(%dma_wait3A_334 : memref<128x128xf32, #tpu.memory_space<vmem_shared>>)
      %dma_wait3A_335 = arith.constant 0 : i32
      %dma_wait3A_336 = arith.constant 0 : i32
      %dma_wait3A_337 = arith.constant 0 : i32
      %dma_wait3A_338 = tpu.memref_slice %arg3[%dma_wait3A_335, %dma_wait3A_336, %dma_wait3A_337] : memref<32x80x128xi32, #tpu.memory_space<hbm>> -> memref<1x1x128xi32, #tpu.memory_space<hbm>>
      %dma_wait3A_339 = tpu.memref_squeeze %dma_wait3A_338 : memref<1x1x128xi32, #tpu.memory_space<hbm>> -> memref<128xi32, #tpu.memory_space<hbm>>
      %dma_wait3A_340 = arith.constant 0 : i32
      %dma_wait3A_341 = tpu.memref_slice %arg3[%dma_wait3A_335, %dma_wait3A_336, %dma_wait3A_340] : memref<32x80x128xi32, #tpu.memory_space<hbm>> -> memref<1x1x128xi32, #tpu.memory_space<hbm>>
      %dma_wait3A_342 = tpu.memref_squeeze %dma_wait3A_341 : memref<1x1x128xi32, #tpu.memory_space<hbm>> -> memref<128xi32, #tpu.memory_space<hbm>>
      tpu.wait_dma2 semaphore(%arg15 : memref<!tpu.dma_semaphore, #tpu.memory_space<semaphore_mem>>) src(%dma_wait3A_342 : memref<128xi32, #tpu.memory_space<hbm>>) dst(%arg8 : memref<128xi32, #tpu.memory_space<vmem>>)
      %dma_start3A_343 = arith.constant 0 : i32
      %dma_start3A_344 = arith.constant 0 : i32
      %dma_start3A_345 = tpu.memref_slice %arg2[%dma_start3A_343, %dma_start3A_344] : memref<10000x128xf32, #tpu.memory_space<hbm>> -> memref<10000x128xf32, #tpu.memory_space<hbm>>
      tpu.enqueue_indirect_dma source(%dma_start3A_345 : memref<10000x128xf32, #tpu.memory_space<hbm>>) target(%arg12 : memref<128x128xf32, #tpu.memory_space<vmem>>) offsets(%arg8 : memref<128xi32, #tpu.memory_space<vmem>>) semaphore(%arg19 : memref<!tpu.dma_semaphore, #tpu.memory_space<semaphore_mem>>)
      %add3A_346 = arith.constant 1 : i32
      %add3A_347 = arith.addi %mul3A_305, %add3A_346 : i32
      %sub3A_348 = arith.constant 2 : i32
      %sub3A_349 = arith.subi %add3A_347, %sub3A_348 : i32
      %dma_wait3A_350 = arith.constant 0 : i32
      %dma_wait3A_351 = arith.constant 0 : i32
      %dma_wait3A_352 = tpu.memref_slice %arg2[%dma_wait3A_350, %dma_wait3A_351] : memref<10000x128xf32, #tpu.memory_space<hbm>> -> memref<128x128xf32, #tpu.memory_space<hbm>>
      %dma_wait3A_353 = arith.constant 0 : i32
      %dma_wait3A_354 = arith.constant 0 : i32
      %dma_wait3A_355 = tpu.memref_slice %arg2[%dma_wait3A_353, %dma_wait3A_354] : memref<10000x128xf32, #tpu.memory_space<hbm>> -> memref<128x128xf32, #tpu.memory_space<hbm>>
      tpu.wait_dma2 semaphore(%arg20 : memref<!tpu.dma_semaphore, #tpu.memory_space<semaphore_mem>>) src(%dma_wait3A_355 : memref<128x128xf32, #tpu.memory_space<hbm>>) dst(%arg13 : memref<128x128xf32, #tpu.memory_space<vmem>>)
      %dma_start3A_356 = arith.constant 0 : i32
      %dma_start3A_357 = tpu.memref_slice %arg7[%sub3A_349, %dma_start3A_356] : memref<80x128xi32, #tpu.memory_space<vmem>> -> memref<1x128xi32, #tpu.memory_space<vmem>>
      %dma_start3A_358 = tpu.memref_squeeze %dma_start3A_357 : memref<1x128xi32, #tpu.memory_space<vmem>> -> memref<128xi32, #tpu.memory_space<vmem>>
      %dma_start3A_359 = arith.constant 0 : i32
      %dma_start3A_360 = arith.constant 0 : i32
      %dma_start3A_361 = tpu.memref_slice %arg14[%dma_start3A_359, %dma_start3A_360] : memref<10112x128xf32, #tpu.memory_space<vmem_shared>> -> memref<10112x128xf32, #tpu.memory_space<vmem_shared>>
      tpu.enqueue_indirect_dma source(%arg13 : memref<128x128xf32, #tpu.memory_space<vmem>>) target(%dma_start3A_361 : memref<10112x128xf32, #tpu.memory_space<vmem_shared>>) offsets(%dma_start3A_358 : memref<128xi32, #tpu.memory_space<vmem>>) semaphore(%arg22 : memref<!tpu.dma_semaphore, #tpu.memory_space<semaphore_mem>>) {add = true}
      %add3A_362 = arith.constant 4 : i32
      %add3A_363 = arith.addi %sub3A_349, %add3A_362 : i32
      %dma_start3A_364 = arith.constant 0 : i32
      %dma_start3A_365 = tpu.memref_slice %arg3[%add3A, %add3A_363, %dma_start3A_364] : memref<32x80x128xi32, #tpu.memory_space<hbm>> -> memref<1x1x128xi32, #tpu.memory_space<hbm>>
      %dma_start3A_366 = tpu.memref_squeeze %dma_start3A_365 : memref<1x1x128xi32, #tpu.memory_space<hbm>> -> memref<128xi32, #tpu.memory_space<hbm>>
      %dma_start3A_367 = arith.constant 0 : i32
      %dma_start3A_368 = tpu.memref_slice %arg3[%add3A, %add3A_363, %dma_start3A_367] : memref<32x80x128xi32, #tpu.memory_space<hbm>> -> memref<1x1x128xi32, #tpu.memory_space<hbm>>
      %dma_start3A_369 = tpu.memref_squeeze %dma_start3A_368 : memref<1x1x128xi32, #tpu.memory_space<hbm>> -> memref<128xi32, #tpu.memory_space<hbm>>
      tpu.enqueue_dma source(%dma_start3A_369 : memref<128xi32, #tpu.memory_space<hbm>>) target(%arg11 : memref<128xi32, #tpu.memory_space<vmem>>) target_semaphore(%arg18 : memref<!tpu.dma_semaphore, #tpu.memory_space<semaphore_mem>>)
      %dma_wait3A_370 = arith.constant 0 : i32
      %dma_wait3A_371 = arith.constant 0 : i32
      %dma_wait3A_372 = tpu.memref_slice %arg14[%dma_wait3A_370, %dma_wait3A_371] : memref<10112x128xf32, #tpu.memory_space<vmem_shared>> -> memref<128x128xf32, #tpu.memory_space<vmem_shared>>
      %dma_wait3A_373 = arith.constant 0 : i32
      %dma_wait3A_374 = arith.constant 0 : i32
      %dma_wait3A_375 = tpu.memref_slice %arg14[%dma_wait3A_373, %dma_wait3A_374] : memref<10112x128xf32, #tpu.memory_space<vmem_shared>> -> memref<128x128xf32, #tpu.memory_space<vmem_shared>>
      tpu.wait_dma2 semaphore(%arg22 : memref<!tpu.dma_semaphore, #tpu.memory_space<semaphore_mem>>) src(%arg13 : memref<128x128xf32, #tpu.memory_space<vmem>>) dst(%dma_wait3A_375 : memref<128x128xf32, #tpu.memory_space<vmem_shared>>)
      %dma_wait3A_376 = arith.constant 0 : i32
      %dma_wait3A_377 = arith.constant 0 : i32
      %dma_wait3A_378 = arith.constant 0 : i32
      %dma_wait3A_379 = tpu.memref_slice %arg3[%dma_wait3A_376, %dma_wait3A_377, %dma_wait3A_378] : memref<32x80x128xi32, #tpu.memory_space<hbm>> -> memref<1x1x128xi32, #tpu.memory_space<hbm>>
      %dma_wait3A_380 = tpu.memref_squeeze %dma_wait3A_379 : memref<1x1x128xi32, #tpu.memory_space<hbm>> -> memref<128xi32, #tpu.memory_space<hbm>>
      %dma_wait3A_381 = arith.constant 0 : i32
      %dma_wait3A_382 = tpu.memref_slice %arg3[%dma_wait3A_376, %dma_wait3A_377, %dma_wait3A_381] : memref<32x80x128xi32, #tpu.memory_space<hbm>> -> memref<1x1x128xi32, #tpu.memory_space<hbm>>
      %dma_wait3A_383 = tpu.memref_squeeze %dma_wait3A_382 : memref<1x1x128xi32, #tpu.memory_space<hbm>> -> memref<128xi32, #tpu.memory_space<hbm>>
      tpu.wait_dma2 semaphore(%arg16 : memref<!tpu.dma_semaphore, #tpu.memory_space<semaphore_mem>>) src(%dma_wait3A_383 : memref<128xi32, #tpu.memory_space<hbm>>) dst(%arg9 : memref<128xi32, #tpu.memory_space<vmem>>)
      %dma_start3A_384 = arith.constant 0 : i32
      %dma_start3A_385 = arith.constant 0 : i32
      %dma_start3A_386 = tpu.memref_slice %arg2[%dma_start3A_384, %dma_start3A_385] : memref<10000x128xf32, #tpu.memory_space<hbm>> -> memref<10000x128xf32, #tpu.memory_space<hbm>>
      tpu.enqueue_indirect_dma source(%dma_start3A_386 : memref<10000x128xf32, #tpu.memory_space<hbm>>) target(%arg13 : memref<128x128xf32, #tpu.memory_space<vmem>>) offsets(%arg9 : memref<128xi32, #tpu.memory_space<vmem>>) semaphore(%arg20 : memref<!tpu.dma_semaphore, #tpu.memory_space<semaphore_mem>>)
      %add3A_387 = arith.constant 2 : i32
      %add3A_388 = arith.addi %mul3A_305, %add3A_387 : i32
      %sub3A_389 = arith.constant 2 : i32
      %sub3A_390 = arith.subi %add3A_388, %sub3A_389 : i32
      %dma_wait3A_391 = arith.constant 0 : i32
      %dma_wait3A_392 = arith.constant 0 : i32
      %dma_wait3A_393 = tpu.memref_slice %arg2[%dma_wait3A_391, %dma_wait3A_392] : memref<10000x128xf32, #tpu.memory_space<hbm>> -> memref<128x128xf32, #tpu.memory_space<hbm>>
      %dma_wait3A_394 = arith.constant 0 : i32
      %dma_wait3A_395 = arith.constant 0 : i32
      %dma_wait3A_396 = tpu.memref_slice %arg2[%dma_wait3A_394, %dma_wait3A_395] : memref<10000x128xf32, #tpu.memory_space<hbm>> -> memref<128x128xf32, #tpu.memory_space<hbm>>
      tpu.wait_dma2 semaphore(%arg19 : memref<!tpu.dma_semaphore, #tpu.memory_space<semaphore_mem>>) src(%dma_wait3A_396 : memref<128x128xf32, #tpu.memory_space<hbm>>) dst(%arg12 : memref<128x128xf32, #tpu.memory_space<vmem>>)
      %dma_start3A_397 = arith.constant 0 : i32
      %dma_start3A_398 = tpu.memref_slice %arg7[%sub3A_390, %dma_start3A_397] : memref<80x128xi32, #tpu.memory_space<vmem>> -> memref<1x128xi32, #tpu.memory_space<vmem>>
      %dma_start3A_399 = tpu.memref_squeeze %dma_start3A_398 : memref<1x128xi32, #tpu.memory_space<vmem>> -> memref<128xi32, #tpu.memory_space<vmem>>
      %dma_start3A_400 = arith.constant 0 : i32
      %dma_start3A_401 = arith.constant 0 : i32
      %dma_start3A_402 = tpu.memref_slice %arg14[%dma_start3A_400, %dma_start3A_401] : memref<10112x128xf32, #tpu.memory_space<vmem_shared>> -> memref<10112x128xf32, #tpu.memory_space<vmem_shared>>
      tpu.enqueue_indirect_dma source(%arg12 : memref<128x128xf32, #tpu.memory_space<vmem>>) target(%dma_start3A_402 : memref<10112x128xf32, #tpu.memory_space<vmem_shared>>) offsets(%dma_start3A_399 : memref<128xi32, #tpu.memory_space<vmem>>) semaphore(%arg21 : memref<!tpu.dma_semaphore, #tpu.memory_space<semaphore_mem>>) {add = true}
      %add3A_403 = arith.constant 4 : i32
      %add3A_404 = arith.addi %sub3A_390, %add3A_403 : i32
      %dma_start3A_405 = arith.constant 0 : i32
      %dma_start3A_406 = tpu.memref_slice %arg3[%add3A, %add3A_404, %dma_start3A_405] : memref<32x80x128xi32, #tpu.memory_space<hbm>> -> memref<1x1x128xi32, #tpu.memory_space<hbm>>
      %dma_start3A_407 = tpu.memref_squeeze %dma_start3A_406 : memref<1x1x128xi32, #tpu.memory_space<hbm>> -> memref<128xi32, #tpu.memory_space<hbm>>
      %dma_start3A_408 = arith.constant 0 : i32
      %dma_start3A_409 = tpu.memref_slice %arg3[%add3A, %add3A_404, %dma_start3A_408] : memref<32x80x128xi32, #tpu.memory_space<hbm>> -> memref<1x1x128xi32, #tpu.memory_space<hbm>>
      %dma_start3A_410 = tpu.memref_squeeze %dma_start3A_409 : memref<1x1x128xi32, #tpu.memory_space<hbm>> -> memref<128xi32, #tpu.memory_space<hbm>>
      tpu.enqueue_dma source(%dma_start3A_410 : memref<128xi32, #tpu.memory_space<hbm>>) target(%arg8 : memref<128xi32, #tpu.memory_space<vmem>>) target_semaphore(%arg15 : memref<!tpu.dma_semaphore, #tpu.memory_space<semaphore_mem>>)
      %dma_wait3A_411 = arith.constant 0 : i32
      %dma_wait3A_412 = arith.constant 0 : i32
      %dma_wait3A_413 = tpu.memref_slice %arg14[%dma_wait3A_411, %dma_wait3A_412] : memref<10112x128xf32, #tpu.memory_space<vmem_shared>> -> memref<128x128xf32, #tpu.memory_space<vmem_shared>>
      %dma_wait3A_414 = arith.constant 0 : i32
      %dma_wait3A_415 = arith.constant 0 : i32
      %dma_wait3A_416 = tpu.memref_slice %arg14[%dma_wait3A_414, %dma_wait3A_415] : memref<10112x128xf32, #tpu.memory_space<vmem_shared>> -> memref<128x128xf32, #tpu.memory_space<vmem_shared>>
      tpu.wait_dma2 semaphore(%arg21 : memref<!tpu.dma_semaphore, #tpu.memory_space<semaphore_mem>>) src(%arg12 : memref<128x128xf32, #tpu.memory_space<vmem>>) dst(%dma_wait3A_416 : memref<128x128xf32, #tpu.memory_space<vmem_shared>>)
      %dma_wait3A_417 = arith.constant 0 : i32
      %dma_wait3A_418 = arith.constant 0 : i32
      %dma_wait3A_419 = arith.constant 0 : i32
      %dma_wait3A_420 = tpu.memref_slice %arg3[%dma_wait3A_417, %dma_wait3A_418, %dma_wait3A_419] : memref<32x80x128xi32, #tpu.memory_space<hbm>> -> memref<1x1x128xi32, #tpu.memory_space<hbm>>
      %dma_wait3A_421 = tpu.memref_squeeze %dma_wait3A_420 : memref<1x1x128xi32, #tpu.memory_space<hbm>> -> memref<128xi32, #tpu.memory_space<hbm>>
      %dma_wait3A_422 = arith.constant 0 : i32
      %dma_wait3A_423 = tpu.memref_slice %arg3[%dma_wait3A_417, %dma_wait3A_418, %dma_wait3A_422] : memref<32x80x128xi32, #tpu.memory_space<hbm>> -> memref<1x1x128xi32, #tpu.memory_space<hbm>>
      %dma_wait3A_424 = tpu.memref_squeeze %dma_wait3A_423 : memref<1x1x128xi32, #tpu.memory_space<hbm>> -> memref<128xi32, #tpu.memory_space<hbm>>
      tpu.wait_dma2 semaphore(%arg17 : memref<!tpu.dma_semaphore, #tpu.memory_space<semaphore_mem>>) src(%dma_wait3A_424 : memref<128xi32, #tpu.memory_space<hbm>>) dst(%arg10 : memref<128xi32, #tpu.memory_space<vmem>>)
      %dma_start3A_425 = arith.constant 0 : i32
      %dma_start3A_426 = arith.constant 0 : i32
      %dma_start3A_427 = tpu.memref_slice %arg2[%dma_start3A_425, %dma_start3A_426] : memref<10000x128xf32, #tpu.memory_space<hbm>> -> memref<10000x128xf32, #tpu.memory_space<hbm>>
      tpu.enqueue_indirect_dma source(%dma_start3A_427 : memref<10000x128xf32, #tpu.memory_space<hbm>>) target(%arg12 : memref<128x128xf32, #tpu.memory_space<vmem>>) offsets(%arg10 : memref<128xi32, #tpu.memory_space<vmem>>) semaphore(%arg19 : memref<!tpu.dma_semaphore, #tpu.memory_space<semaphore_mem>>)
      %add3A_428 = arith.constant 3 : i32
      %add3A_429 = arith.addi %mul3A_305, %add3A_428 : i32
      %sub3A_430 = arith.constant 2 : i32
      %sub3A_431 = arith.subi %add3A_429, %sub3A_430 : i32
      %dma_wait3A_432 = arith.constant 0 : i32
      %dma_wait3A_433 = arith.constant 0 : i32
      %dma_wait3A_434 = tpu.memref_slice %arg2[%dma_wait3A_432, %dma_wait3A_433] : memref<10000x128xf32, #tpu.memory_space<hbm>> -> memref<128x128xf32, #tpu.memory_space<hbm>>
      %dma_wait3A_435 = arith.constant 0 : i32
      %dma_wait3A_436 = arith.constant 0 : i32
      %dma_wait3A_437 = tpu.memref_slice %arg2[%dma_wait3A_435, %dma_wait3A_436] : memref<10000x128xf32, #tpu.memory_space<hbm>> -> memref<128x128xf32, #tpu.memory_space<hbm>>
      tpu.wait_dma2 semaphore(%arg20 : memref<!tpu.dma_semaphore, #tpu.memory_space<semaphore_mem>>) src(%dma_wait3A_437 : memref<128x128xf32, #tpu.memory_space<hbm>>) dst(%arg13 : memref<128x128xf32, #tpu.memory_space<vmem>>)
      %dma_start3A_438 = arith.constant 0 : i32
      %dma_start3A_439 = tpu.memref_slice %arg7[%sub3A_431, %dma_start3A_438] : memref<80x128xi32, #tpu.memory_space<vmem>> -> memref<1x128xi32, #tpu.memory_space<vmem>>
      %dma_start3A_440 = tpu.memref_squeeze %dma_start3A_439 : memref<1x128xi32, #tpu.memory_space<vmem>> -> memref<128xi32, #tpu.memory_space<vmem>>
      %dma_start3A_441 = arith.constant 0 : i32
      %dma_start3A_442 = arith.constant 0 : i32
      %dma_start3A_443 = tpu.memref_slice %arg14[%dma_start3A_441, %dma_start3A_442] : memref<10112x128xf32, #tpu.memory_space<vmem_shared>> -> memref<10112x128xf32, #tpu.memory_space<vmem_shared>>
      tpu.enqueue_indirect_dma source(%arg13 : memref<128x128xf32, #tpu.memory_space<vmem>>) target(%dma_start3A_443 : memref<10112x128xf32, #tpu.memory_space<vmem_shared>>) offsets(%dma_start3A_440 : memref<128xi32, #tpu.memory_space<vmem>>) semaphore(%arg22 : memref<!tpu.dma_semaphore, #tpu.memory_space<semaphore_mem>>) {add = true}
      %add3A_444 = arith.constant 4 : i32
      %add3A_445 = arith.addi %sub3A_431, %add3A_444 : i32
      %dma_start3A_446 = arith.constant 0 : i32
      %dma_start3A_447 = tpu.memref_slice %arg3[%add3A, %add3A_445, %dma_start3A_446] : memref<32x80x128xi32, #tpu.memory_space<hbm>> -> memref<1x1x128xi32, #tpu.memory_space<hbm>>
      %dma_start3A_448 = tpu.memref_squeeze %dma_start3A_447 : memref<1x1x128xi32, #tpu.memory_space<hbm>> -> memref<128xi32, #tpu.memory_space<hbm>>
      %dma_start3A_449 = arith.constant 0 : i32
      %dma_start3A_450 = tpu.memref_slice %arg3[%add3A, %add3A_445, %dma_start3A_449] : memref<32x80x128xi32, #tpu.memory_space<hbm>> -> memref<1x1x128xi32, #tpu.memory_space<hbm>>
      %dma_start3A_451 = tpu.memref_squeeze %dma_start3A_450 : memref<1x1x128xi32, #tpu.memory_space<hbm>> -> memref<128xi32, #tpu.memory_space<hbm>>
      tpu.enqueue_dma source(%dma_start3A_451 : memref<128xi32, #tpu.memory_space<hbm>>) target(%arg9 : memref<128xi32, #tpu.memory_space<vmem>>) target_semaphore(%arg16 : memref<!tpu.dma_semaphore, #tpu.memory_space<semaphore_mem>>)
      %dma_wait3A_452 = arith.constant 0 : i32
      %dma_wait3A_453 = arith.constant 0 : i32
      %dma_wait3A_454 = tpu.memref_slice %arg14[%dma_wait3A_452, %dma_wait3A_453] : memref<10112x128xf32, #tpu.memory_space<vmem_shared>> -> memref<128x128xf32, #tpu.memory_space<vmem_shared>>
      %dma_wait3A_455 = arith.constant 0 : i32
      %dma_wait3A_456 = arith.constant 0 : i32
      %dma_wait3A_457 = tpu.memref_slice %arg14[%dma_wait3A_455, %dma_wait3A_456] : memref<10112x128xf32, #tpu.memory_space<vmem_shared>> -> memref<128x128xf32, #tpu.memory_space<vmem_shared>>
      tpu.wait_dma2 semaphore(%arg22 : memref<!tpu.dma_semaphore, #tpu.memory_space<semaphore_mem>>) src(%arg13 : memref<128x128xf32, #tpu.memory_space<vmem>>) dst(%dma_wait3A_457 : memref<128x128xf32, #tpu.memory_space<vmem_shared>>)
      %dma_wait3A_458 = arith.constant 0 : i32
      %dma_wait3A_459 = arith.constant 0 : i32
      %dma_wait3A_460 = arith.constant 0 : i32
      %dma_wait3A_461 = tpu.memref_slice %arg3[%dma_wait3A_458, %dma_wait3A_459, %dma_wait3A_460] : memref<32x80x128xi32, #tpu.memory_space<hbm>> -> memref<1x1x128xi32, #tpu.memory_space<hbm>>
      %dma_wait3A_462 = tpu.memref_squeeze %dma_wait3A_461 : memref<1x1x128xi32, #tpu.memory_space<hbm>> -> memref<128xi32, #tpu.memory_space<hbm>>
      %dma_wait3A_463 = arith.constant 0 : i32
      %dma_wait3A_464 = tpu.memref_slice %arg3[%dma_wait3A_458, %dma_wait3A_459, %dma_wait3A_463] : memref<32x80x128xi32, #tpu.memory_space<hbm>> -> memref<1x1x128xi32, #tpu.memory_space<hbm>>
      %dma_wait3A_465 = tpu.memref_squeeze %dma_wait3A_464 : memref<1x1x128xi32, #tpu.memory_space<hbm>> -> memref<128xi32, #tpu.memory_space<hbm>>
      tpu.wait_dma2 semaphore(%arg18 : memref<!tpu.dma_semaphore, #tpu.memory_space<semaphore_mem>>) src(%dma_wait3A_465 : memref<128xi32, #tpu.memory_space<hbm>>) dst(%arg11 : memref<128xi32, #tpu.memory_space<vmem>>)
      %dma_start3A_466 = arith.constant 0 : i32
      %dma_start3A_467 = arith.constant 0 : i32
      %dma_start3A_468 = tpu.memref_slice %arg2[%dma_start3A_466, %dma_start3A_467] : memref<10000x128xf32, #tpu.memory_space<hbm>> -> memref<10000x128xf32, #tpu.memory_space<hbm>>
      tpu.enqueue_indirect_dma source(%dma_start3A_468 : memref<10000x128xf32, #tpu.memory_space<hbm>>) target(%arg13 : memref<128x128xf32, #tpu.memory_space<vmem>>) offsets(%arg11 : memref<128xi32, #tpu.memory_space<vmem>>) semaphore(%arg20 : memref<!tpu.dma_semaphore, #tpu.memory_space<semaphore_mem>>)
    }
    %scan3A_129 = arith.constant 18 : i32
    %dma_wait3A_130 = arith.constant 0 : i32
    %dma_wait3A_131 = arith.constant 0 : i32
    %dma_wait3A_132 = tpu.memref_slice %arg2[%dma_wait3A_130, %dma_wait3A_131] : memref<10000x128xf32, #tpu.memory_space<hbm>> -> memref<128x128xf32, #tpu.memory_space<hbm>>
    %dma_wait3A_133 = arith.constant 0 : i32
    %dma_wait3A_134 = arith.constant 0 : i32
    %dma_wait3A_135 = tpu.memref_slice %arg2[%dma_wait3A_133, %dma_wait3A_134] : memref<10000x128xf32, #tpu.memory_space<hbm>> -> memref<128x128xf32, #tpu.memory_space<hbm>>
    tpu.wait_dma2 semaphore(%arg19 : memref<!tpu.dma_semaphore, #tpu.memory_space<semaphore_mem>>) src(%dma_wait3A_135 : memref<128x128xf32, #tpu.memory_space<hbm>>) dst(%arg12 : memref<128x128xf32, #tpu.memory_space<vmem>>)
    %dma_start3A_136 = arith.constant 74 : i32
    %dma_start3A_137 = arith.constant 0 : i32
    %dma_start3A_138 = tpu.memref_slice %arg7[%dma_start3A_136, %dma_start3A_137] : memref<80x128xi32, #tpu.memory_space<vmem>> -> memref<1x128xi32, #tpu.memory_space<vmem>>
    %dma_start3A_139 = tpu.memref_squeeze %dma_start3A_138 : memref<1x128xi32, #tpu.memory_space<vmem>> -> memref<128xi32, #tpu.memory_space<vmem>>
    %dma_start3A_140 = arith.constant 0 : i32
    %dma_start3A_141 = arith.constant 0 : i32
    %dma_start3A_142 = tpu.memref_slice %arg14[%dma_start3A_140, %dma_start3A_141] : memref<10112x128xf32, #tpu.memory_space<vmem_shared>> -> memref<10112x128xf32, #tpu.memory_space<vmem_shared>>
    tpu.enqueue_indirect_dma source(%arg12 : memref<128x128xf32, #tpu.memory_space<vmem>>) target(%dma_start3A_142 : memref<10112x128xf32, #tpu.memory_space<vmem_shared>>) offsets(%dma_start3A_139 : memref<128xi32, #tpu.memory_space<vmem>>) semaphore(%arg21 : memref<!tpu.dma_semaphore, #tpu.memory_space<semaphore_mem>>) {add = true}
    %dma_start3A_143 = arith.constant 78 : i32
    %dma_start3A_144 = arith.constant 0 : i32
    %dma_start3A_145 = tpu.memref_slice %arg3[%add3A, %dma_start3A_143, %dma_start3A_144] : memref<32x80x128xi32, #tpu.memory_space<hbm>> -> memref<1x1x128xi32, #tpu.memory_space<hbm>>
    %dma_start3A_146 = tpu.memref_squeeze %dma_start3A_145 : memref<1x1x128xi32, #tpu.memory_space<hbm>> -> memref<128xi32, #tpu.memory_space<hbm>>
    %dma_start3A_147 = arith.constant 0 : i32
    %dma_start3A_148 = tpu.memref_slice %arg3[%add3A, %dma_start3A_143, %dma_start3A_147] : memref<32x80x128xi32, #tpu.memory_space<hbm>> -> memref<1x1x128xi32, #tpu.memory_space<hbm>>
    %dma_start3A_149 = tpu.memref_squeeze %dma_start3A_148 : memref<1x1x128xi32, #tpu.memory_space<hbm>> -> memref<128xi32, #tpu.memory_space<hbm>>
    tpu.enqueue_dma source(%dma_start3A_149 : memref<128xi32, #tpu.memory_space<hbm>>) target(%arg10 : memref<128xi32, #tpu.memory_space<vmem>>) target_semaphore(%arg17 : memref<!tpu.dma_semaphore, #tpu.memory_space<semaphore_mem>>)
    %dma_wait3A_150 = arith.constant 0 : i32
    %dma_wait3A_151 = arith.constant 0 : i32
    %dma_wait3A_152 = tpu.memref_slice %arg14[%dma_wait3A_150, %dma_wait3A_151] : memref<10112x128xf32, #tpu.memory_space<vmem_shared>> -> memref<128x128xf32, #tpu.memory_space<vmem_shared>>
    %dma_wait3A_153 = arith.constant 0 : i32
    %dma_wait3A_154 = arith.constant 0 : i32
    %dma_wait3A_155 = tpu.memref_slice %arg14[%dma_wait3A_153, %dma_wait3A_154] : memref<10112x128xf32, #tpu.memory_space<vmem_shared>> -> memref<128x128xf32, #tpu.memory_space<vmem_shared>>
    tpu.wait_dma2 semaphore(%arg21 : memref<!tpu.dma_semaphore, #tpu.memory_space<semaphore_mem>>) src(%arg12 : memref<128x128xf32, #tpu.memory_space<vmem>>) dst(%dma_wait3A_155 : memref<128x128xf32, #tpu.memory_space<vmem_shared>>)
    %dma_wait3A_156 = arith.constant 0 : i32
    %dma_wait3A_157 = arith.constant 0 : i32
    %dma_wait3A_158 = arith.constant 0 : i32
    %dma_wait3A_159 = tpu.memref_slice %arg3[%dma_wait3A_156, %dma_wait3A_157, %dma_wait3A_158] : memref<32x80x128xi32, #tpu.memory_space<hbm>> -> memref<1x1x128xi32, #tpu.memory_space<hbm>>
    %dma_wait3A_160 = tpu.memref_squeeze %dma_wait3A_159 : memref<1x1x128xi32, #tpu.memory_space<hbm>> -> memref<128xi32, #tpu.memory_space<hbm>>
    %dma_wait3A_161 = arith.constant 0 : i32
    %dma_wait3A_162 = tpu.memref_slice %arg3[%dma_wait3A_156, %dma_wait3A_157, %dma_wait3A_161] : memref<32x80x128xi32, #tpu.memory_space<hbm>> -> memref<1x1x128xi32, #tpu.memory_space<hbm>>
    %dma_wait3A_163 = tpu.memref_squeeze %dma_wait3A_162 : memref<1x1x128xi32, #tpu.memory_space<hbm>> -> memref<128xi32, #tpu.memory_space<hbm>>
    tpu.wait_dma2 semaphore(%arg15 : memref<!tpu.dma_semaphore, #tpu.memory_space<semaphore_mem>>) src(%dma_wait3A_163 : memref<128xi32, #tpu.memory_space<hbm>>) dst(%arg8 : memref<128xi32, #tpu.memory_space<vmem>>)
    %dma_start3A_164 = arith.constant 0 : i32
    %dma_start3A_165 = arith.constant 0 : i32
    %dma_start3A_166 = tpu.memref_slice %arg2[%dma_start3A_164, %dma_start3A_165] : memref<10000x128xf32, #tpu.memory_space<hbm>> -> memref<10000x128xf32, #tpu.memory_space<hbm>>
    tpu.enqueue_indirect_dma source(%dma_start3A_166 : memref<10000x128xf32, #tpu.memory_space<hbm>>) target(%arg12 : memref<128x128xf32, #tpu.memory_space<vmem>>) offsets(%arg8 : memref<128xi32, #tpu.memory_space<vmem>>) semaphore(%arg19 : memref<!tpu.dma_semaphore, #tpu.memory_space<semaphore_mem>>)
    %dma_wait3A_167 = arith.constant 0 : i32
    %dma_wait3A_168 = arith.constant 0 : i32
    %dma_wait3A_169 = tpu.memref_slice %arg2[%dma_wait3A_167, %dma_wait3A_168] : memref<10000x128xf32, #tpu.memory_space<hbm>> -> memref<128x128xf32, #tpu.memory_space<hbm>>
    %dma_wait3A_170 = arith.constant 0 : i32
    %dma_wait3A_171 = arith.constant 0 : i32
    %dma_wait3A_172 = tpu.memref_slice %arg2[%dma_wait3A_170, %dma_wait3A_171] : memref<10000x128xf32, #tpu.memory_space<hbm>> -> memref<128x128xf32, #tpu.memory_space<hbm>>
    tpu.wait_dma2 semaphore(%arg20 : memref<!tpu.dma_semaphore, #tpu.memory_space<semaphore_mem>>) src(%dma_wait3A_172 : memref<128x128xf32, #tpu.memory_space<hbm>>) dst(%arg13 : memref<128x128xf32, #tpu.memory_space<vmem>>)
    %dma_start3A_173 = arith.constant 75 : i32
    %dma_start3A_174 = arith.constant 0 : i32
    %dma_start3A_175 = tpu.memref_slice %arg7[%dma_start3A_173, %dma_start3A_174] : memref<80x128xi32, #tpu.memory_space<vmem>> -> memref<1x128xi32, #tpu.memory_space<vmem>>
    %dma_start3A_176 = tpu.memref_squeeze %dma_start3A_175 : memref<1x128xi32, #tpu.memory_space<vmem>> -> memref<128xi32, #tpu.memory_space<vmem>>
    %dma_start3A_177 = arith.constant 0 : i32
    %dma_start3A_178 = arith.constant 0 : i32
    %dma_start3A_179 = tpu.memref_slice %arg14[%dma_start3A_177, %dma_start3A_178] : memref<10112x128xf32, #tpu.memory_space<vmem_shared>> -> memref<10112x128xf32, #tpu.memory_space<vmem_shared>>
    tpu.enqueue_indirect_dma source(%arg13 : memref<128x128xf32, #tpu.memory_space<vmem>>) target(%dma_start3A_179 : memref<10112x128xf32, #tpu.memory_space<vmem_shared>>) offsets(%dma_start3A_176 : memref<128xi32, #tpu.memory_space<vmem>>) semaphore(%arg22 : memref<!tpu.dma_semaphore, #tpu.memory_space<semaphore_mem>>) {add = true}
    %dma_start3A_180 = arith.constant 79 : i32
    %dma_start3A_181 = arith.constant 0 : i32
    %dma_start3A_182 = tpu.memref_slice %arg3[%add3A, %dma_start3A_180, %dma_start3A_181] : memref<32x80x128xi32, #tpu.memory_space<hbm>> -> memref<1x1x128xi32, #tpu.memory_space<hbm>>
    %dma_start3A_183 = tpu.memref_squeeze %dma_start3A_182 : memref<1x1x128xi32, #tpu.memory_space<hbm>> -> memref<128xi32, #tpu.memory_space<hbm>>
    %dma_start3A_184 = arith.constant 0 : i32
    %dma_start3A_185 = tpu.memref_slice %arg3[%add3A, %dma_start3A_180, %dma_start3A_184] : memref<32x80x128xi32, #tpu.memory_space<hbm>> -> memref<1x1x128xi32, #tpu.memory_space<hbm>>
    %dma_start3A_186 = tpu.memref_squeeze %dma_start3A_185 : memref<1x1x128xi32, #tpu.memory_space<hbm>> -> memref<128xi32, #tpu.memory_space<hbm>>
    tpu.enqueue_dma source(%dma_start3A_186 : memref<128xi32, #tpu.memory_space<hbm>>) target(%arg11 : memref<128xi32, #tpu.memory_space<vmem>>) target_semaphore(%arg18 : memref<!tpu.dma_semaphore, #tpu.memory_space<semaphore_mem>>)
    %dma_wait3A_187 = arith.constant 0 : i32
    %dma_wait3A_188 = arith.constant 0 : i32
    %dma_wait3A_189 = tpu.memref_slice %arg14[%dma_wait3A_187, %dma_wait3A_188] : memref<10112x128xf32, #tpu.memory_space<vmem_shared>> -> memref<128x128xf32, #tpu.memory_space<vmem_shared>>
    %dma_wait3A_190 = arith.constant 0 : i32
    %dma_wait3A_191 = arith.constant 0 : i32
    %dma_wait3A_192 = tpu.memref_slice %arg14[%dma_wait3A_190, %dma_wait3A_191] : memref<10112x128xf32, #tpu.memory_space<vmem_shared>> -> memref<128x128xf32, #tpu.memory_space<vmem_shared>>
    tpu.wait_dma2 semaphore(%arg22 : memref<!tpu.dma_semaphore, #tpu.memory_space<semaphore_mem>>) src(%arg13 : memref<128x128xf32, #tpu.memory_space<vmem>>) dst(%dma_wait3A_192 : memref<128x128xf32, #tpu.memory_space<vmem_shared>>)
    %dma_wait3A_193 = arith.constant 0 : i32
    %dma_wait3A_194 = arith.constant 0 : i32
    %dma_wait3A_195 = arith.constant 0 : i32
    %dma_wait3A_196 = tpu.memref_slice %arg3[%dma_wait3A_193, %dma_wait3A_194, %dma_wait3A_195] : memref<32x80x128xi32, #tpu.memory_space<hbm>> -> memref<1x1x128xi32, #tpu.memory_space<hbm>>
    %dma_wait3A_197 = tpu.memref_squeeze %dma_wait3A_196 : memref<1x1x128xi32, #tpu.memory_space<hbm>> -> memref<128xi32, #tpu.memory_space<hbm>>
    %dma_wait3A_198 = arith.constant 0 : i32
    %dma_wait3A_199 = tpu.memref_slice %arg3[%dma_wait3A_193, %dma_wait3A_194, %dma_wait3A_198] : memref<32x80x128xi32, #tpu.memory_space<hbm>> -> memref<1x1x128xi32, #tpu.memory_space<hbm>>
    %dma_wait3A_200 = tpu.memref_squeeze %dma_wait3A_199 : memref<1x1x128xi32, #tpu.memory_space<hbm>> -> memref<128xi32, #tpu.memory_space<hbm>>
    tpu.wait_dma2 semaphore(%arg16 : memref<!tpu.dma_semaphore, #tpu.memory_space<semaphore_mem>>) src(%dma_wait3A_200 : memref<128xi32, #tpu.memory_space<hbm>>) dst(%arg9 : memref<128xi32, #tpu.memory_space<vmem>>)
    %dma_start3A_201 = arith.constant 0 : i32
    %dma_start3A_202 = arith.constant 0 : i32
    %dma_start3A_203 = tpu.memref_slice %arg2[%dma_start3A_201, %dma_start3A_202] : memref<10000x128xf32, #tpu.memory_space<hbm>> -> memref<10000x128xf32, #tpu.memory_space<hbm>>
    tpu.enqueue_indirect_dma source(%dma_start3A_203 : memref<10000x128xf32, #tpu.memory_space<hbm>>) target(%arg13 : memref<128x128xf32, #tpu.memory_space<vmem>>) offsets(%arg9 : memref<128xi32, #tpu.memory_space<vmem>>) semaphore(%arg20 : memref<!tpu.dma_semaphore, #tpu.memory_space<semaphore_mem>>)
    %dma_wait3A_204 = arith.constant 0 : i32
    %dma_wait3A_205 = arith.constant 0 : i32
    %dma_wait3A_206 = tpu.memref_slice %arg2[%dma_wait3A_204, %dma_wait3A_205] : memref<10000x128xf32, #tpu.memory_space<hbm>> -> memref<128x128xf32, #tpu.memory_space<hbm>>
    %dma_wait3A_207 = arith.constant 0 : i32
    %dma_wait3A_208 = arith.constant 0 : i32
    %dma_wait3A_209 = tpu.memref_slice %arg2[%dma_wait3A_207, %dma_wait3A_208] : memref<10000x128xf32, #tpu.memory_space<hbm>> -> memref<128x128xf32, #tpu.memory_space<hbm>>
    tpu.wait_dma2 semaphore(%arg19 : memref<!tpu.dma_semaphore, #tpu.memory_space<semaphore_mem>>) src(%dma_wait3A_209 : memref<128x128xf32, #tpu.memory_space<hbm>>) dst(%arg12 : memref<128x128xf32, #tpu.memory_space<vmem>>)
    %dma_start3A_210 = arith.constant 76 : i32
    %dma_start3A_211 = arith.constant 0 : i32
    %dma_start3A_212 = tpu.memref_slice %arg7[%dma_start3A_210, %dma_start3A_211] : memref<80x128xi32, #tpu.memory_space<vmem>> -> memref<1x128xi32, #tpu.memory_space<vmem>>
    %dma_start3A_213 = tpu.memref_squeeze %dma_start3A_212 : memref<1x128xi32, #tpu.memory_space<vmem>> -> memref<128xi32, #tpu.memory_space<vmem>>
    %dma_start3A_214 = arith.constant 0 : i32
    %dma_start3A_215 = arith.constant 0 : i32
    %dma_start3A_216 = tpu.memref_slice %arg14[%dma_start3A_214, %dma_start3A_215] : memref<10112x128xf32, #tpu.memory_space<vmem_shared>> -> memref<10112x128xf32, #tpu.memory_space<vmem_shared>>
    tpu.enqueue_indirect_dma source(%arg12 : memref<128x128xf32, #tpu.memory_space<vmem>>) target(%dma_start3A_216 : memref<10112x128xf32, #tpu.memory_space<vmem_shared>>) offsets(%dma_start3A_213 : memref<128xi32, #tpu.memory_space<vmem>>) semaphore(%arg21 : memref<!tpu.dma_semaphore, #tpu.memory_space<semaphore_mem>>) {add = true}
    %dma_wait3A_217 = arith.constant 0 : i32
    %dma_wait3A_218 = arith.constant 0 : i32
    %dma_wait3A_219 = tpu.memref_slice %arg14[%dma_wait3A_217, %dma_wait3A_218] : memref<10112x128xf32, #tpu.memory_space<vmem_shared>> -> memref<128x128xf32, #tpu.memory_space<vmem_shared>>
    %dma_wait3A_220 = arith.constant 0 : i32
    %dma_wait3A_221 = arith.constant 0 : i32
    %dma_wait3A_222 = tpu.memref_slice %arg14[%dma_wait3A_220, %dma_wait3A_221] : memref<10112x128xf32, #tpu.memory_space<vmem_shared>> -> memref<128x128xf32, #tpu.memory_space<vmem_shared>>
    tpu.wait_dma2 semaphore(%arg21 : memref<!tpu.dma_semaphore, #tpu.memory_space<semaphore_mem>>) src(%arg12 : memref<128x128xf32, #tpu.memory_space<vmem>>) dst(%dma_wait3A_222 : memref<128x128xf32, #tpu.memory_space<vmem_shared>>)
    %dma_wait3A_223 = arith.constant 0 : i32
    %dma_wait3A_224 = arith.constant 0 : i32
    %dma_wait3A_225 = arith.constant 0 : i32
    %dma_wait3A_226 = tpu.memref_slice %arg3[%dma_wait3A_223, %dma_wait3A_224, %dma_wait3A_225] : memref<32x80x128xi32, #tpu.memory_space<hbm>> -> memref<1x1x128xi32, #tpu.memory_space<hbm>>
    %dma_wait3A_227 = tpu.memref_squeeze %dma_wait3A_226 : memref<1x1x128xi32, #tpu.memory_space<hbm>> -> memref<128xi32, #tpu.memory_space<hbm>>
    %dma_wait3A_228 = arith.constant 0 : i32
    %dma_wait3A_229 = tpu.memref_slice %arg3[%dma_wait3A_223, %dma_wait3A_224, %dma_wait3A_228] : memref<32x80x128xi32, #tpu.memory_space<hbm>> -> memref<1x1x128xi32, #tpu.memory_space<hbm>>
    %dma_wait3A_230 = tpu.memref_squeeze %dma_wait3A_229 : memref<1x1x128xi32, #tpu.memory_space<hbm>> -> memref<128xi32, #tpu.memory_space<hbm>>
    tpu.wait_dma2 semaphore(%arg17 : memref<!tpu.dma_semaphore, #tpu.memory_space<semaphore_mem>>) src(%dma_wait3A_230 : memref<128xi32, #tpu.memory_space<hbm>>) dst(%arg10 : memref<128xi32, #tpu.memory_space<vmem>>)
    %dma_start3A_231 = arith.constant 0 : i32
    %dma_start3A_232 = arith.constant 0 : i32
    %dma_start3A_233 = tpu.memref_slice %arg2[%dma_start3A_231, %dma_start3A_232] : memref<10000x128xf32, #tpu.memory_space<hbm>> -> memref<10000x128xf32, #tpu.memory_space<hbm>>
    tpu.enqueue_indirect_dma source(%dma_start3A_233 : memref<10000x128xf32, #tpu.memory_space<hbm>>) target(%arg12 : memref<128x128xf32, #tpu.memory_space<vmem>>) offsets(%arg10 : memref<128xi32, #tpu.memory_space<vmem>>) semaphore(%arg19 : memref<!tpu.dma_semaphore, #tpu.memory_space<semaphore_mem>>)
    %dma_wait3A_234 = arith.constant 0 : i32
    %dma_wait3A_235 = arith.constant 0 : i32
    %dma_wait3A_236 = tpu.memref_slice %arg2[%dma_wait3A_234, %dma_wait3A_235] : memref<10000x128xf32, #tpu.memory_space<hbm>> -> memref<128x128xf32, #tpu.memory_space<hbm>>
    %dma_wait3A_237 = arith.constant 0 : i32
    %dma_wait3A_238 = arith.constant 0 : i32
    %dma_wait3A_239 = tpu.memref_slice %arg2[%dma_wait3A_237, %dma_wait3A_238] : memref<10000x128xf32, #tpu.memory_space<hbm>> -> memref<128x128xf32, #tpu.memory_space<hbm>>
    tpu.wait_dma2 semaphore(%arg20 : memref<!tpu.dma_semaphore, #tpu.memory_space<semaphore_mem>>) src(%dma_wait3A_239 : memref<128x128xf32, #tpu.memory_space<hbm>>) dst(%arg13 : memref<128x128xf32, #tpu.memory_space<vmem>>)
    %dma_start3A_240 = arith.constant 77 : i32
    %dma_start3A_241 = arith.constant 0 : i32
    %dma_start3A_242 = tpu.memref_slice %arg7[%dma_start3A_240, %dma_start3A_241] : memref<80x128xi32, #tpu.memory_space<vmem>> -> memref<1x128xi32, #tpu.memory_space<vmem>>
    %dma_start3A_243 = tpu.memref_squeeze %dma_start3A_242 : memref<1x128xi32, #tpu.memory_space<vmem>> -> memref<128xi32, #tpu.memory_space<vmem>>
    %dma_start3A_244 = arith.constant 0 : i32
    %dma_start3A_245 = arith.constant 0 : i32
    %dma_start3A_246 = tpu.memref_slice %arg14[%dma_start3A_244, %dma_start3A_245] : memref<10112x128xf32, #tpu.memory_space<vmem_shared>> -> memref<10112x128xf32, #tpu.memory_space<vmem_shared>>
    tpu.enqueue_indirect_dma source(%arg13 : memref<128x128xf32, #tpu.memory_space<vmem>>) target(%dma_start3A_246 : memref<10112x128xf32, #tpu.memory_space<vmem_shared>>) offsets(%dma_start3A_243 : memref<128xi32, #tpu.memory_space<vmem>>) semaphore(%arg22 : memref<!tpu.dma_semaphore, #tpu.memory_space<semaphore_mem>>) {add = true}
    %dma_wait3A_247 = arith.constant 0 : i32
    %dma_wait3A_248 = arith.constant 0 : i32
    %dma_wait3A_249 = tpu.memref_slice %arg14[%dma_wait3A_247, %dma_wait3A_248] : memref<10112x128xf32, #tpu.memory_space<vmem_shared>> -> memref<128x128xf32, #tpu.memory_space<vmem_shared>>
    %dma_wait3A_250 = arith.constant 0 : i32
    %dma_wait3A_251 = arith.constant 0 : i32
    %dma_wait3A_252 = tpu.memref_slice %arg14[%dma_wait3A_250, %dma_wait3A_251] : memref<10112x128xf32, #tpu.memory_space<vmem_shared>> -> memref<128x128xf32, #tpu.memory_space<vmem_shared>>
    tpu.wait_dma2 semaphore(%arg22 : memref<!tpu.dma_semaphore, #tpu.memory_space<semaphore_mem>>) src(%arg13 : memref<128x128xf32, #tpu.memory_space<vmem>>) dst(%dma_wait3A_252 : memref<128x128xf32, #tpu.memory_space<vmem_shared>>)
    %dma_wait3A_253 = arith.constant 0 : i32
    %dma_wait3A_254 = arith.constant 0 : i32
    %dma_wait3A_255 = arith.constant 0 : i32
    %dma_wait3A_256 = tpu.memref_slice %arg3[%dma_wait3A_253, %dma_wait3A_254, %dma_wait3A_255] : memref<32x80x128xi32, #tpu.memory_space<hbm>> -> memref<1x1x128xi32, #tpu.memory_space<hbm>>
    %dma_wait3A_257 = tpu.memref_squeeze %dma_wait3A_256 : memref<1x1x128xi32, #tpu.memory_space<hbm>> -> memref<128xi32, #tpu.memory_space<hbm>>
    %dma_wait3A_258 = arith.constant 0 : i32
    %dma_wait3A_259 = tpu.memref_slice %arg3[%dma_wait3A_253, %dma_wait3A_254, %dma_wait3A_258] : memref<32x80x128xi32, #tpu.memory_space<hbm>> -> memref<1x1x128xi32, #tpu.memory_space<hbm>>
    %dma_wait3A_260 = tpu.memref_squeeze %dma_wait3A_259 : memref<1x1x128xi32, #tpu.memory_space<hbm>> -> memref<128xi32, #tpu.memory_space<hbm>>
    tpu.wait_dma2 semaphore(%arg18 : memref<!tpu.dma_semaphore, #tpu.memory_space<semaphore_mem>>) src(%dma_wait3A_260 : memref<128xi32, #tpu.memory_space<hbm>>) dst(%arg11 : memref<128xi32, #tpu.memory_space<vmem>>)
    %dma_start3A_261 = arith.constant 0 : i32
    %dma_start3A_262 = arith.constant 0 : i32
    %dma_start3A_263 = tpu.memref_slice %arg2[%dma_start3A_261, %dma_start3A_262] : memref<10000x128xf32, #tpu.memory_space<hbm>> -> memref<10000x128xf32, #tpu.memory_space<hbm>>
    tpu.enqueue_indirect_dma source(%dma_start3A_263 : memref<10000x128xf32, #tpu.memory_space<hbm>>) target(%arg13 : memref<128x128xf32, #tpu.memory_space<vmem>>) offsets(%arg11 : memref<128xi32, #tpu.memory_space<vmem>>) semaphore(%arg20 : memref<!tpu.dma_semaphore, #tpu.memory_space<semaphore_mem>>)
    %dma_wait3A_264 = arith.constant 0 : i32
    %dma_wait3A_265 = arith.constant 0 : i32
    %dma_wait3A_266 = tpu.memref_slice %arg2[%dma_wait3A_264, %dma_wait3A_265] : memref<10000x128xf32, #tpu.memory_space<hbm>> -> memref<128x128xf32, #tpu.memory_space<hbm>>
    %dma_wait3A_267 = arith.constant 0 : i32
    %dma_wait3A_268 = arith.constant 0 : i32
    %dma_wait3A_269 = tpu.memref_slice %arg2[%dma_wait3A_267, %dma_wait3A_268] : memref<10000x128xf32, #tpu.memory_space<hbm>> -> memref<128x128xf32, #tpu.memory_space<hbm>>
    tpu.wait_dma2 semaphore(%arg19 : memref<!tpu.dma_semaphore, #tpu.memory_space<semaphore_mem>>) src(%dma_wait3A_269 : memref<128x128xf32, #tpu.memory_space<hbm>>) dst(%arg12 : memref<128x128xf32, #tpu.memory_space<vmem>>)
    %dma_start3A_270 = arith.constant 78 : i32
    %dma_start3A_271 = arith.constant 0 : i32
    %dma_start3A_272 = tpu.memref_slice %arg7[%dma_start3A_270, %dma_start3A_271] : memref<80x128xi32, #tpu.memory_space<vmem>> -> memref<1x128xi32, #tpu.memory_space<vmem>>
    %dma_start3A_273 = tpu.memref_squeeze %dma_start3A_272 : memref<1x128xi32, #tpu.memory_space<vmem>> -> memref<128xi32, #tpu.memory_space<vmem>>
    %dma_start3A_274 = arith.constant 0 : i32
    %dma_start3A_275 = arith.constant 0 : i32
    %dma_start3A_276 = tpu.memref_slice %arg14[%dma_start3A_274, %dma_start3A_275] : memref<10112x128xf32, #tpu.memory_space<vmem_shared>> -> memref<10112x128xf32, #tpu.memory_space<vmem_shared>>
    tpu.enqueue_indirect_dma source(%arg12 : memref<128x128xf32, #tpu.memory_space<vmem>>) target(%dma_start3A_276 : memref<10112x128xf32, #tpu.memory_space<vmem_shared>>) offsets(%dma_start3A_273 : memref<128xi32, #tpu.memory_space<vmem>>) semaphore(%arg21 : memref<!tpu.dma_semaphore, #tpu.memory_space<semaphore_mem>>) {add = true}
    %dma_wait3A_277 = arith.constant 0 : i32
    %dma_wait3A_278 = arith.constant 0 : i32
    %dma_wait3A_279 = tpu.memref_slice %arg2[%dma_wait3A_277, %dma_wait3A_278] : memref<10000x128xf32, #tpu.memory_space<hbm>> -> memref<128x128xf32, #tpu.memory_space<hbm>>
    %dma_wait3A_280 = arith.constant 0 : i32
    %dma_wait3A_281 = arith.constant 0 : i32
    %dma_wait3A_282 = tpu.memref_slice %arg2[%dma_wait3A_280, %dma_wait3A_281] : memref<10000x128xf32, #tpu.memory_space<hbm>> -> memref<128x128xf32, #tpu.memory_space<hbm>>
    tpu.wait_dma2 semaphore(%arg20 : memref<!tpu.dma_semaphore, #tpu.memory_space<semaphore_mem>>) src(%dma_wait3A_282 : memref<128x128xf32, #tpu.memory_space<hbm>>) dst(%arg13 : memref<128x128xf32, #tpu.memory_space<vmem>>)
    %dma_start3A_283 = arith.constant 79 : i32
    %dma_start3A_284 = arith.constant 0 : i32
    %dma_start3A_285 = tpu.memref_slice %arg7[%dma_start3A_283, %dma_start3A_284] : memref<80x128xi32, #tpu.memory_space<vmem>> -> memref<1x128xi32, #tpu.memory_space<vmem>>
    %dma_start3A_286 = tpu.memref_squeeze %dma_start3A_285 : memref<1x128xi32, #tpu.memory_space<vmem>> -> memref<128xi32, #tpu.memory_space<vmem>>
    %dma_start3A_287 = arith.constant 0 : i32
    %dma_start3A_288 = arith.constant 0 : i32
    %dma_start3A_289 = tpu.memref_slice %arg14[%dma_start3A_287, %dma_start3A_288] : memref<10112x128xf32, #tpu.memory_space<vmem_shared>> -> memref<10112x128xf32, #tpu.memory_space<vmem_shared>>
    tpu.enqueue_indirect_dma source(%arg13 : memref<128x128xf32, #tpu.memory_space<vmem>>) target(%dma_start3A_289 : memref<10112x128xf32, #tpu.memory_space<vmem_shared>>) offsets(%dma_start3A_286 : memref<128xi32, #tpu.memory_space<vmem>>) semaphore(%arg22 : memref<!tpu.dma_semaphore, #tpu.memory_space<semaphore_mem>>) {add = true}
    %dma_wait3A_290 = arith.constant 0 : i32
    %dma_wait3A_291 = arith.constant 0 : i32
    %dma_wait3A_292 = tpu.memref_slice %arg14[%dma_wait3A_290, %dma_wait3A_291] : memref<10112x128xf32, #tpu.memory_space<vmem_shared>> -> memref<128x128xf32, #tpu.memory_space<vmem_shared>>
    %dma_wait3A_293 = arith.constant 0 : i32
    %dma_wait3A_294 = arith.constant 0 : i32
    %dma_wait3A_295 = tpu.memref_slice %arg14[%dma_wait3A_293, %dma_wait3A_294] : memref<10112x128xf32, #tpu.memory_space<vmem_shared>> -> memref<128x128xf32, #tpu.memory_space<vmem_shared>>
    tpu.wait_dma2 semaphore(%arg21 : memref<!tpu.dma_semaphore, #tpu.memory_space<semaphore_mem>>) src(%arg12 : memref<128x128xf32, #tpu.memory_space<vmem>>) dst(%dma_wait3A_295 : memref<128x128xf32, #tpu.memory_space<vmem_shared>>)
    %dma_wait3A_296 = arith.constant 0 : i32
    %dma_wait3A_297 = arith.constant 0 : i32
    %dma_wait3A_298 = tpu.memref_slice %arg14[%dma_wait3A_296, %dma_wait3A_297] : memref<10112x128xf32, #tpu.memory_space<vmem_shared>> -> memref<128x128xf32, #tpu.memory_space<vmem_shared>>
    %dma_wait3A_299 = arith.constant 0 : i32
    %dma_wait3A_300 = arith.constant 0 : i32
    %dma_wait3A_301 = tpu.memref_slice %arg14[%dma_wait3A_299, %dma_wait3A_300] : memref<10112x128xf32, #tpu.memory_space<vmem_shared>> -> memref<128x128xf32, #tpu.memory_space<vmem_shared>>
    tpu.wait_dma2 semaphore(%arg22 : memref<!tpu.dma_semaphore, #tpu.memory_space<semaphore_mem>>) src(%arg13 : memref<128x128xf32, #tpu.memory_space<vmem>>) dst(%dma_wait3A_301 : memref<128x128xf32, #tpu.memory_space<vmem_shared>>)
    %barrier3A_302 = arith.constant 0 : index
    tpu.barrier barrier_id(%barrier3A_302)
    "tpu.region"() ({
      %run_scoped3A = tpu.sem_alloc : memref<!tpu.dma_semaphore, #tpu.memory_space<semaphore_mem>>
      %dma_start3A_303 = arith.constant 0 : i32
      %dma_start3A_304 = tpu.memref_slice %arg6[%arg0, %mul3A_0, %dma_start3A_303] : memref<2x10112x128xf32, #tpu.memory_space<hbm>> -> memref<1x632x128xf32, #tpu.memory_space<hbm>>
      %dma_start3A_305 = tpu.memref_squeeze %dma_start3A_304 : memref<1x632x128xf32, #tpu.memory_space<hbm>> -> memref<632x128xf32, #tpu.memory_space<hbm>>
      %dma_start3A_306 = arith.constant 0 : i32
      %dma_start3A_307 = tpu.memref_slice %arg14[%mul3A_0, %dma_start3A_306] : memref<10112x128xf32, #tpu.memory_space<vmem_shared>> -> memref<632x128xf32, #tpu.memory_space<vmem_shared>>
      tpu.enqueue_dma source(%dma_start3A_307 : memref<632x128xf32, #tpu.memory_space<vmem_shared>>) target(%dma_start3A_305 : memref<632x128xf32, #tpu.memory_space<hbm>>) target_semaphore(%run_scoped3A : memref<!tpu.dma_semaphore, #tpu.memory_space<semaphore_mem>>)
      %dma_wait3A_308 = arith.constant 0 : i32
      %dma_wait3A_309 = tpu.memref_slice %arg6[%arg0, %mul3A_0, %dma_wait3A_308] : memref<2x10112x128xf32, #tpu.memory_space<hbm>> -> memref<1x632x128xf32, #tpu.memory_space<hbm>>
      %dma_wait3A_310 = tpu.memref_squeeze %dma_wait3A_309 : memref<1x632x128xf32, #tpu.memory_space<hbm>> -> memref<632x128xf32, #tpu.memory_space<hbm>>
      %dma_wait3A_311 = arith.constant 0 : i32
      %dma_wait3A_312 = tpu.memref_slice %arg14[%mul3A_0, %dma_wait3A_311] : memref<10112x128xf32, #tpu.memory_space<vmem_shared>> -> memref<632x128xf32, #tpu.memory_space<vmem_shared>>
      tpu.wait_dma2 semaphore(%run_scoped3A : memref<!tpu.dma_semaphore, #tpu.memory_space<semaphore_mem>>) src(%dma_wait3A_312 : memref<632x128xf32, #tpu.memory_space<vmem_shared>>) dst(%dma_wait3A_310 : memref<632x128xf32, #tpu.memory_space<hbm>>)
      tpu.yield
    }) : () -> ()
    return
  }
}

module attributes {stable_mosaic.version = 14 : i64} {
  func.func @_tc_body(%arg0: i32, %arg1: memref<1000x128xf32, #tpu.memory_space<vmem>>, %arg2: memref<1000x128xf32, #tpu.memory_space<vmem>>, %arg3: memref<1000x128xf32, #tpu.memory_space<vmem>>, %arg4: memref<1000x16xf32, #tpu.memory_space<vmem>>, %arg5: memref<1000x16xf32, #tpu.memory_space<vmem>>, %arg6: memref<128x128xf32, #tpu.memory_space<vmem>>, %arg7: memref<128x128xf32, #tpu.memory_space<vmem>>, %arg8: memref<1x128xf32, #tpu.memory_space<vmem>>, %arg9: memref<1000x128xf32, #tpu.memory_space<vmem>>) attributes {dimension_semantics = [#tpu.dimension_semantics<arbitrary>], iteration_bounds = array<i64: 10>, scalar_prefetch = 0 : i64, scratch_operands = 0 : i64, tpu.core_type = #tpu.core_type<tc>, window_params = [{transform_indices = @transform_0, window_bounds = array<i64: 1000, 128>}, {transform_indices = @transform_1, window_bounds = array<i64: 1000, 128>}, {transform_indices = @transform_2, window_bounds = array<i64: 1000, 128>}, {transform_indices = @transform_3, window_bounds = array<i64: 1000, 16>}, {transform_indices = @transform_4, window_bounds = array<i64: 1000, 16>}, {pipeline_mode = #tpu.pipeline_mode<synchronous>, transform_indices = @transform_5, window_bounds = array<i64: 128, 128>}, {pipeline_mode = #tpu.pipeline_mode<synchronous>, transform_indices = @transform_6, window_bounds = array<i64: 128, 128>}, {pipeline_mode = #tpu.pipeline_mode<synchronous>, transform_indices = @transform_7, window_bounds = array<i64: 1, 128>}, {transform_indices = @transform_8, window_bounds = array<i64: 1000, 128>}]} {
    %get3A = arith.constant 0 : index
    %get3A_0 = arith.constant 0 : index
    %get3A_1 = vector.load %arg4[%get3A, %get3A_0] : memref<1000x16xf32, #tpu.memory_space<vmem>>, vector<1000x1xf32>
    %get3A_2 = arith.constant 0 : index
    %get3A_3 = arith.constant 0 : index
    %get3A_4 = vector.load %arg5[%get3A_2, %get3A_3] : memref<1000x16xf32, #tpu.memory_space<vmem>>, vector<1000x1xf32>
    %add3A = arith.addf %get3A_1, %get3A_4 : vector<1000x1xf32>
    %max3A = arith.constant 1.000000e+00 : f32
    %max3A_5 = vector.broadcast %max3A : f32 to vector<1000x1xf32>
    %max3A_6 = arith.maximumf %add3A, %max3A_5 : vector<1000x1xf32>
    %get3A_7 = arith.constant 0 : index
    %get3A_8 = arith.constant 0 : index
    %get3A_9 = vector.load %arg2[%get3A_7, %get3A_8] : memref<1000x128xf32, #tpu.memory_space<vmem>>, vector<1000x128xf32>
    %get3A_10 = arith.constant 0 : index
    %get3A_11 = arith.constant 0 : index
    %get3A_12 = vector.load %arg3[%get3A_10, %get3A_11] : memref<1000x128xf32, #tpu.memory_space<vmem>>, vector<1000x128xf32>
    %add3A_13 = arith.addf %get3A_9, %get3A_12 : vector<1000x128xf32>
    %div3A = vector.broadcast %max3A_6 : vector<1000x1xf32> to vector<1000x128xf32>
    %div3A_14 = arith.divf %add3A_13, %div3A : vector<1000x128xf32>
    %get3A_15 = arith.constant 0 : index
    %get3A_16 = arith.constant 0 : index
    %get3A_17 = vector.load %arg1[%get3A_15, %get3A_16] : memref<1000x128xf32, #tpu.memory_space<vmem>>, vector<1000x128xf32>
    %get3A_18 = arith.constant 0 : index
    %get3A_19 = arith.constant 0 : index
    %get3A_20 = vector.load %arg6[%get3A_18, %get3A_19] : memref<128x128xf32, #tpu.memory_space<vmem>>, vector<128x128xf32>
    %dot_general3A = arith.constant dense<0.000000e+00> : vector<1000x128xf32>
    %dot_general3A_21 = tpu.matmul %get3A_17, %get3A_20, %dot_general3A {dimension_numbers = #tpu.dot_dimension_numbers<[1], [0], [0], [1], [0, 0, 1, 1], [], []>, transpose_lhs_hint = false} : vector<1000x128xf32>, vector<128x128xf32>, vector<1000x128xf32> -> vector<1000x128xf32>
    %get3A_22 = arith.constant 0 : index
    %get3A_23 = arith.constant 0 : index
    %get3A_24 = vector.load %arg7[%get3A_22, %get3A_23] : memref<128x128xf32, #tpu.memory_space<vmem>>, vector<128x128xf32>
    %dot_general3A_25 = arith.constant dense<0.000000e+00> : vector<1000x128xf32>
    %dot_general3A_26 = tpu.matmul %div3A_14, %get3A_24, %dot_general3A_25 {dimension_numbers = #tpu.dot_dimension_numbers<[1], [0], [0], [1], [0, 0, 1, 1], [], []>, transpose_lhs_hint = false} : vector<1000x128xf32>, vector<128x128xf32>, vector<1000x128xf32> -> vector<1000x128xf32>
    %add3A_27 = arith.addf %dot_general3A_21, %dot_general3A_26 : vector<1000x128xf32>
    %get3A_28 = arith.constant 0 : index
    %get3A_29 = arith.constant 0 : index
    %get3A_30 = vector.load %arg8[%get3A_28, %get3A_29] : memref<1x128xf32, #tpu.memory_space<vmem>>, vector<1x128xf32>
    %add3A_31 = vector.broadcast %get3A_30 : vector<1x128xf32> to vector<1000x128xf32>
    %add3A_32 = arith.addf %add3A_27, %add3A_31 : vector<1000x128xf32>
    %max3A_33 = arith.constant 0.000000e+00 : f32
    %max3A_34 = vector.broadcast %max3A_33 : f32 to vector<1000x128xf32>
    %max3A_35 = arith.maximumf %add3A_32, %max3A_34 : vector<1000x128xf32>
    %swap3A = arith.constant 0 : index
    %swap3A_36 = arith.constant 0 : index
    %swap3A_37 = vector.load %arg9[%swap3A, %swap3A_36] : memref<1000x128xf32, #tpu.memory_space<vmem>>, vector<1000x128xf32>
    tpu.vector_store %arg9[%swap3A, %swap3A_36], %max3A_35 {strides = array<i32>} : memref<1000x128xf32, #tpu.memory_space<vmem>>, vector<1000x128xf32>,
    return
  }
  func.func @transform_0(%arg0: i32) -> (i32, i32) {
    %c0_i32 = arith.constant 0 : i32
    %c0_i32_0 = arith.constant 0 : i32
    return %arg0, %c0_i32 : i32, i32
  }
  func.func @transform_1(%arg0: i32) -> (i32, i32) {
    %c0_i32 = arith.constant 0 : i32
    %c0_i32_0 = arith.constant 0 : i32
    return %arg0, %c0_i32 : i32, i32
  }
  func.func @transform_2(%arg0: i32) -> (i32, i32) {
    %c0_i32 = arith.constant 0 : i32
    %c0_i32_0 = arith.constant 0 : i32
    return %arg0, %c0_i32 : i32, i32
  }
  func.func @transform_3(%arg0: i32) -> (i32, i32) {
    %c0_i32 = arith.constant 0 : i32
    %c0_i32_0 = arith.constant 0 : i32
    return %arg0, %c0_i32 : i32, i32
  }
  func.func @transform_4(%arg0: i32) -> (i32, i32) {
    %c0_i32 = arith.constant 0 : i32
    %c0_i32_0 = arith.constant 0 : i32
    return %arg0, %c0_i32 : i32, i32
  }
  func.func @transform_5(%arg0: i32) -> (i32, i32) {
    %c0_i32 = arith.constant 0 : i32
    %c0_i32_0 = arith.constant 0 : i32
    %c0_i32_1 = arith.constant 0 : i32
    return %c0_i32, %c0_i32_0 : i32, i32
  }
  func.func @transform_6(%arg0: i32) -> (i32, i32) {
    %c0_i32 = arith.constant 0 : i32
    %c0_i32_0 = arith.constant 0 : i32
    %c0_i32_1 = arith.constant 0 : i32
    return %c0_i32, %c0_i32_0 : i32, i32
  }
  func.func @transform_7(%arg0: i32) -> (i32, i32) {
    %c0_i32 = arith.constant 0 : i32
    %c0_i32_0 = arith.constant 0 : i32
    %c0_i32_1 = arith.constant 0 : i32
    return %c0_i32, %c0_i32_0 : i32, i32
  }
  func.func @transform_8(%arg0: i32) -> (i32, i32) {
    %c0_i32 = arith.constant 0 : i32
    %c0_i32_0 = arith.constant 0 : i32
    return %arg0, %c0_i32 : i32, i32
  }
}

module attributes {stable_mosaic.version = 14 : i64} {
  func.func @_tc_body(%arg0: i32, %arg1: memref<1000x128xf32, #tpu.memory_space<vmem>>, %arg2: memref<1000x128xf32, #tpu.memory_space<vmem>>, %arg3: memref<1000x128xf32, #tpu.memory_space<vmem>>, %arg4: memref<1000x16xf32, #tpu.memory_space<vmem>>, %arg5: memref<1000x16xf32, #tpu.memory_space<vmem>>, %arg6: memref<128x128xf32, #tpu.memory_space<vmem>>, %arg7: memref<128x128xf32, #tpu.memory_space<vmem>>, %arg8: memref<1x128xf32, #tpu.memory_space<vmem>>, %arg9: memref<1000x128xf32, #tpu.memory_space<vmem>>) attributes {dimension_semantics = [#tpu.dimension_semantics<arbitrary>], iteration_bounds = array<i64: 10>, scalar_prefetch = 0 : i64, scratch_operands = 0 : i64, tpu.core_type = #tpu.core_type<tc>, window_params = [{transform_indices = @transform_0, window_bounds = array<i64: 1000, 128>}, {transform_indices = @transform_1, window_bounds = array<i64: 1000, 128>}, {transform_indices = @transform_2, window_bounds = array<i64: 1000, 128>}, {transform_indices = @transform_3, window_bounds = array<i64: 1000, 16>}, {transform_indices = @transform_4, window_bounds = array<i64: 1000, 16>}, {pipeline_mode = #tpu.pipeline_mode<synchronous>, transform_indices = @transform_5, window_bounds = array<i64: 128, 128>}, {pipeline_mode = #tpu.pipeline_mode<synchronous>, transform_indices = @transform_6, window_bounds = array<i64: 128, 128>}, {pipeline_mode = #tpu.pipeline_mode<synchronous>, transform_indices = @transform_7, window_bounds = array<i64: 1, 128>}, {transform_indices = @transform_8, window_bounds = array<i64: 1000, 128>}]} {
    %get3A = arith.constant 0 : index
    %get3A_0 = arith.constant 0 : index
    %get3A_1 = vector.load %arg4[%get3A, %get3A_0] : memref<1000x16xf32, #tpu.memory_space<vmem>>, vector<1000x1xf32>
    %get3A_2 = arith.constant 0 : index
    %get3A_3 = arith.constant 0 : index
    %get3A_4 = vector.load %arg5[%get3A_2, %get3A_3] : memref<1000x16xf32, #tpu.memory_space<vmem>>, vector<1000x1xf32>
    %add3A = arith.addf %get3A_1, %get3A_4 : vector<1000x1xf32>
    %max3A = arith.constant 1.000000e+00 : f32
    %max3A_5 = vector.broadcast %max3A : f32 to vector<1000x1xf32>
    %max3A_6 = arith.maximumf %add3A, %max3A_5 : vector<1000x1xf32>
    %get3A_7 = arith.constant 0 : index
    %get3A_8 = arith.constant 0 : index
    %get3A_9 = vector.load %arg2[%get3A_7, %get3A_8] : memref<1000x128xf32, #tpu.memory_space<vmem>>, vector<1000x128xf32>
    %get3A_10 = arith.constant 0 : index
    %get3A_11 = arith.constant 0 : index
    %get3A_12 = vector.load %arg3[%get3A_10, %get3A_11] : memref<1000x128xf32, #tpu.memory_space<vmem>>, vector<1000x128xf32>
    %add3A_13 = arith.addf %get3A_9, %get3A_12 : vector<1000x128xf32>
    %div3A = vector.broadcast %max3A_6 : vector<1000x1xf32> to vector<1000x128xf32>
    %div3A_14 = arith.divf %add3A_13, %div3A : vector<1000x128xf32>
    %get3A_15 = arith.constant 0 : index
    %get3A_16 = arith.constant 0 : index
    %get3A_17 = vector.load %arg1[%get3A_15, %get3A_16] : memref<1000x128xf32, #tpu.memory_space<vmem>>, vector<1000x128xf32>
    %get3A_18 = arith.constant 0 : index
    %get3A_19 = arith.constant 0 : index
    %get3A_20 = vector.load %arg6[%get3A_18, %get3A_19] : memref<128x128xf32, #tpu.memory_space<vmem>>, vector<128x128xf32>
    %dot_general3A = arith.constant dense<0.000000e+00> : vector<1000x128xf32>
    %dot_general3A_21 = tpu.matmul %get3A_17, %get3A_20, %dot_general3A {dimension_numbers = #tpu.dot_dimension_numbers<[1], [0], [0], [1], [0, 0, 1, 1], [], []>, transpose_lhs_hint = false} : vector<1000x128xf32>, vector<128x128xf32>, vector<1000x128xf32> -> vector<1000x128xf32>
    %get3A_22 = arith.constant 0 : index
    %get3A_23 = arith.constant 0 : index
    %get3A_24 = vector.load %arg7[%get3A_22, %get3A_23] : memref<128x128xf32, #tpu.memory_space<vmem>>, vector<128x128xf32>
    %dot_general3A_25 = arith.constant dense<0.000000e+00> : vector<1000x128xf32>
    %dot_general3A_26 = tpu.matmul %div3A_14, %get3A_24, %dot_general3A_25 {dimension_numbers = #tpu.dot_dimension_numbers<[1], [0], [0], [1], [0, 0, 1, 1], [], []>, transpose_lhs_hint = false} : vector<1000x128xf32>, vector<128x128xf32>, vector<1000x128xf32> -> vector<1000x128xf32>
    %add3A_27 = arith.addf %dot_general3A_21, %dot_general3A_26 : vector<1000x128xf32>
    %get3A_28 = arith.constant 0 : index
    %get3A_29 = arith.constant 0 : index
    %get3A_30 = vector.load %arg8[%get3A_28, %get3A_29] : memref<1x128xf32, #tpu.memory_space<vmem>>, vector<1x128xf32>
    %add3A_31 = vector.broadcast %get3A_30 : vector<1x128xf32> to vector<1000x128xf32>
    %add3A_32 = arith.addf %add3A_27, %add3A_31 : vector<1000x128xf32>
    %swap3A = arith.constant 0 : index
    %swap3A_33 = arith.constant 0 : index
    %swap3A_34 = vector.load %arg9[%swap3A, %swap3A_33] : memref<1000x128xf32, #tpu.memory_space<vmem>>, vector<1000x128xf32>
    tpu.vector_store %arg9[%swap3A, %swap3A_33], %add3A_32 {strides = array<i32>} : memref<1000x128xf32, #tpu.memory_space<vmem>>, vector<1000x128xf32>,
    return
  }
  func.func @transform_0(%arg0: i32) -> (i32, i32) {
    %c0_i32 = arith.constant 0 : i32
    %c0_i32_0 = arith.constant 0 : i32
    return %arg0, %c0_i32 : i32, i32
  }
  func.func @transform_1(%arg0: i32) -> (i32, i32) {
    %c0_i32 = arith.constant 0 : i32
    %c0_i32_0 = arith.constant 0 : i32
    return %arg0, %c0_i32 : i32, i32
  }
  func.func @transform_2(%arg0: i32) -> (i32, i32) {
    %c0_i32 = arith.constant 0 : i32
    %c0_i32_0 = arith.constant 0 : i32
    return %arg0, %c0_i32 : i32, i32
  }
  func.func @transform_3(%arg0: i32) -> (i32, i32) {
    %c0_i32 = arith.constant 0 : i32
    %c0_i32_0 = arith.constant 0 : i32
    return %arg0, %c0_i32 : i32, i32
  }
  func.func @transform_4(%arg0: i32) -> (i32, i32) {
    %c0_i32 = arith.constant 0 : i32
    %c0_i32_0 = arith.constant 0 : i32
    return %arg0, %c0_i32 : i32, i32
  }
  func.func @transform_5(%arg0: i32) -> (i32, i32) {
    %c0_i32 = arith.constant 0 : i32
    %c0_i32_0 = arith.constant 0 : i32
    %c0_i32_1 = arith.constant 0 : i32
    return %c0_i32, %c0_i32_0 : i32, i32
  }
  func.func @transform_6(%arg0: i32) -> (i32, i32) {
    %c0_i32 = arith.constant 0 : i32
    %c0_i32_0 = arith.constant 0 : i32
    %c0_i32_1 = arith.constant 0 : i32
    return %c0_i32, %c0_i32_0 : i32, i32
  }
  func.func @transform_7(%arg0: i32) -> (i32, i32) {
    %c0_i32 = arith.constant 0 : i32
    %c0_i32_0 = arith.constant 0 : i32
    %c0_i32_1 = arith.constant 0 : i32
    return %c0_i32, %c0_i32_0 : i32, i32
  }
  func.func @transform_8(%arg0: i32) -> (i32, i32) {
    %c0_i32 = arith.constant 0 : i32
    %c0_i32_0 = arith.constant 0 : i32
    return %arg0, %c0_i32 : i32, i32
  }
}

</mosaic_0001>

<sc_bundles>
// kernel: kernel.12.cloned.1.call-start
scs
__scs_entry_jumppad:
0x0: {  	(pc) =	sbr.rel $0x88, $3  }
0x1: {  	(tag) =	ssettag $0x0;
	lr =	simm.s32 $0x1  }
0x2: {  	[smem:$0x3F96] =	sst lr;
	_ =	strace $0xD0000000  }
0x3: {  	_ = 	snop  }
0x4: {  	_ = 	snop  }
0x5: {  	_ = 	snop  }
0x6: {  	_ = 	snop  }
0x7: {  	_ = 	snop  }
__scs_overlays_trampoline_lowered:
0x8: {  	[smem:$0x3FA5] =	sst s0  }
0x9: {  	[smem:$0x3FA6] =	sst s1  }
0xa: {  	[smem:$0x3FA7] =	sst s2  }
0xb: {  	[smem:$0x3FA8] =	sst s3  }
0xc: {  	[smem:$0x3FA9] =	sst s4  }
0xd: {  	[smem:$0x3FAA] =	sst s5  }
0xe: {  	[smem:$0x3FAB] =	sst s6  }
0xf: {  	[smem:$0x3FAC] =	sst s7  }
0x10: {  	[smem:$0x3FAD] =	sst s8  }
0x11: {  	[smem:$0x3FAE] =	sst s9;
	s0 =	simm.s32 @!p0 $0x0  }
0x12: {  	s1 =	sld [smem:$0x3F94];
	s0 =	simm.s32 @p0 $0x1  }
0x13: {  	[smem:$0x3FAF] =	sst s0;
	s0 =	simm.s32 @!p1 $0x0  }
0x14: {  	s2 =	sld [smem:$0x3F93];
	s0 =	simm.s32 @p1 $0x1  }
0x15: {  	[smem:$0x3FB0] =	sst s0;
	s0 =	simm.s32 @!p2 $0x0  }
0x16: {  	s3 =	sld [smem:$0x3FDB];
	s0 =	simm.s32 @p2 $0x1  }
0x17: {  	s4 =	simm.s32 $0x1BF5;
	[smem:$0x3FB2] =	sst s0  }
0x18: {  	s0 =	sld [smem:$0x3F95];
	_ =	swait.ge [sflag:s4], $0x0  }
0x19: {  	s7 =	sld [smem:$0x3F96]  }
0x1a: {  	s8 =	sadd.s32 $0xFFFFE003, lr  }
0x1b: {  	s9 =	sadd.s32 $0xFFFFFEF7, lr;
	s5 =	simm.s32 $0xFFFFFFFF;
	p2 =	slt.u32 s8, $0xFFFFF086  }
0x1c: {  	p1 =	slt.u32 s9, $0xF7A;
	s5 =	simm.s32 @!p2 $0x0  }
0x1d: {  	s5 =	simm.s32 @p1 $0x1;
	p0 =	seq.s32 s7, s2  }
0x1e: {  	s7 =	smul.u32 @!p0 $0xF7A, s2;
	p2 =	seq.s32 @!p0 s5, $0x0  }
0x1f: {  	s9 =	smul.u32 $0xF7A, s1;
	s8 =	simm.s32 @!p0 $0x1BF5;
	p2 =	por !p2, p0  }
0x20: {  	[sflag:s8] =	ssyncset.s32 @!p0 $0xFFFFF086;
	s6 =	sadd.s32 @!p0 s3, s7;
	s7 =	simm.s32 @!p0 $0x108  }
0x21: {  	s3 =	sadd.s32 s3, s9;
	s6 =	sadd.s32 @!p0 $0x88, s6;
	s7 =	simm.s32 @p2 $0x1082  }
0x22: {  	[simem:s7], [sflag:s8] =	dma.local @!p0 [hbm:s6], $0xF7A  }
0x23: {  	s9 =	sor.u32 $0xD0000000, s2;
	s6 =	simm.s32 $0x108;
	_ =	swait.ge @!p0 [sflag:s8], $0x0  }
0x24: {  	s3 =	sadd.s32 $0x88, s3;
	s6 =	simm.s32 @!p1 $0x1082;
	[sflag:s4] =	ssyncset.s32 $0xFFFFF086  }
0x25: {  	[simem:s6], [sflag:s4] =	dma.local [hbm:s3], $0xF7A  }
0x26: {  	[smem:$0x3F96] =	sst s1;
	(tag) =	ssettag s2;
	_ =	strace s9  }
0x27: {  	s1 =	sld [smem:$0x3FA6]  }
0x28: {  	s2 =	sld [smem:$0x3FA7]  }
0x29: {  	s4 =	sld [smem:$0x3FA9]  }
0x2a: {  	p0 =	seq.s32 s5, $0x0;
	s5 =	sld [smem:$0x3FAA]  }
0x2b: {  	s6 =	sld [smem:$0x3FAB]  }
0x2c: {  	s7 =	sld [smem:$0x3FAC]  }
0x2d: {  	s3 =	simm.s32 $0x108;
	s8 =	sld [smem:$0x3FAD]  }
0x2e: {  	s3 =	simm.s32 @!p0 $0x1082;
	s9 =	sld [smem:$0x3FAE]  }
0x2f: {  	lr =	sadd.s32 s0, s3;
	s0 =	sld [smem:$0x3FA5]  }
0x30: {  	s3 =	sld [smem:$0x3FA8]  }
0x31: {  	[smem:$0x3FB1] =	sst s10  }
0x32: {  	s10 =	sld [smem:$0x3FAF];
	_ =	sdelay $0x3  }
0x33: {  	p0 =	seq.s32 s10, $0x1;
	s10 =	sld [smem:$0x3FB1];
	_ =	sdelay $0x3  }
0x34: {  	[smem:$0x3FB1] =	sst s10  }
0x35: {  	s10 =	sld [smem:$0x3FB0];
	_ =	sdelay $0x3  }
0x36: {  	p1 =	seq.s32 s10, $0x1;
	s10 =	sld [smem:$0x3FB1];
	_ =	sdelay $0x3  }
0x37: {  	[smem:$0x3FB1] =	sst s10  }
0x38: {  	s10 =	sld [smem:$0x3FB2]  }
0x39: {  	_ = 	snop;
	(pc) =	sbr.ind lr, $3  }
0x3a: {  	_ = 	snop  }
0x3b: {  	_ = 	snop  }
0x3c: {  	p2 =	seq.s32 s10, $0x1;
	s10 =	sld [smem:$0x3FB1]  }
0x3d: {  	_ =	shalt  }
0x3e: {  	_ =	shalt  }
0x3f: {  	_ =	shalt  }
0x40: {  	_ =	shalt  }
0x41: {  	_ =	shalt  }
0x42: {  	_ =	shalt  }
0x43: {  	_ =	shalt  }
0x44: {  	_ =	shalt  }
0x45: {  	_ =	shalt  }
0x46: {  	_ =	shalt  }
0x47: {  	_ =	shalt  }
0x48: {  	_ =	shalt  }
0x49: {  	_ =	shalt  }
0x4a: {  	_ =	shalt  }
0x4b: {  	_ =	shalt  }
0x4c: {  	_ =	shalt  }
0x4d: {  	_ =	shalt  }
0x4e: {  	_ =	shalt  }
0x4f: {  	_ =	shalt  }
0x50: {  	_ =	shalt  }
0x51: {  	_ =	shalt  }
0x52: {  	_ =	shalt  }
0x53: {  	_ =	shalt  }
0x54: {  	_ =	shalt  }
0x55: {  	_ =	shalt  }
0x56: {  	_ =	shalt  }
0x57: {  	_ =	shalt  }
0x58: {  	_ =	shalt  }
0x59: {  	_ =	shalt  }
0x5a: {  	_ =	shalt  }
0x5b: {  	_ =	shalt  }
0x5c: {  	_ =	shalt  }
0x5d: {  	_ =	shalt  }
0x5e: {  	_ =	shalt  }
0x5f: {  	_ =	shalt  }
0x60: {  	_ =	shalt  }
0x61: {  	_ =	shalt  }
0x62: {  	_ =	shalt  }
0x63: {  	_ =	shalt  }
0x64: {  	_ =	shalt  }
0x65: {  	_ =	shalt  }
0x66: {  	_ =	shalt  }
0x67: {  	_ =	shalt  }
0x68: {  	_ =	shalt  }
0x69: {  	_ =	shalt  }
0x6a: {  	_ =	shalt  }
0x6b: {  	_ =	shalt  }
0x6c: {  	_ =	shalt  }
0x6d: {  	_ =	shalt  }
0x6e: {  	_ =	shalt  }
0x6f: {  	_ =	shalt  }
0x70: {  	_ =	shalt  }
0x71: {  	_ =	shalt  }
0x72: {  	_ =	shalt  }
0x73: {  	_ =	shalt  }
0x74: {  	_ =	shalt  }
0x75: {  	_ =	shalt  }
0x76: {  	_ =	shalt  }
0x77: {  	_ =	shalt  }
0x78: {  	_ =	shalt  }
0x79: {  	_ =	shalt  }
0x7a: {  	_ =	shalt  }
0x7b: {  	_ =	shalt  }
0x7c: {  	_ =	shalt  }
0x7d: {  	_ =	shalt  }
0x7e: {  	_ =	shalt  }
0x7f: {  	_ =	shalt  }
0x80: {  	_ =	shalt  }
0x81: {  	_ =	shalt  }
0x82: {  	_ =	shalt  }
0x83: {  	_ =	shalt  }
0x84: {  	_ =	shalt  }
0x85: {  	_ =	shalt  }
0x86: {  	_ =	shalt  }
0x87: {  	_ =	shalt  }
.Lfunc_end0:
.L_simem_size_0:
called_computation.1_lowered:
.L_overlay_start_0:
0x88: {  	s2 =	sld [smem:$0x3FD9]  }
0x89: {  	s3 =	sld [smem:$0x3FFE];
	_ =	sdelay $0x1  }
0x8a: {  	s1 =	srdreg.scid  }
0x8b: {  	s0 =	sand.u32 $0x1, s1  }
0x8c: {  	s17 =	sshll.u32 s0, $0xA;
	s2 =	sadd.s32 s3, s2  }
0x8d: {  	s2 =	sadd.s32 s2, s17  }
0x8e: {  	[smem:$0x3FBD] =	sst s2  }
0x8f: {  	_ = 	snop  }
0x90: {  	s2 =	sld [smem:$0x3FC9]  }
0x91: {  	s18 =	sld [smem:$0x3FD0];
	(tm) =	ssettm $0x1  }
0x92: {  	s4 =	sld [smem:$0x3FFB];
	_ =	sdelay $0x3  }
0x93: {  	_ =	strace s4  }
0x94: {  	s4 =	sld [smem:$0x3FFC];
	_ =	sdelay $0x3  }
0x95: {  	_ =	strace s4  }
0x96: {  	s4 =	sld [smem:$0x3FFD];
	_ =	sdelay $0x3  }
0x97: {  	_ =	strace s4  }
0x98: {  	_ =	strace $0x8FFFFFFF  }
0x99: {  	s19 =	sld [smem:$0x3FDB];
	_ =	sdelay $0x1  }
0x9a: {  	s5 =	simm.s32 $_scs_section_size  }
0x9b: {  	s6 =	simm.s32 $_size__tile_overlayer_lowered;
	s7 =	simm.s32 $_tile_overlayer_lowered  }
0x9c: {  	s22 =	simm.s32 $0x1BFF;
	s21 =	sshll.u32 s7, $0x1;
	s4 =	sadd.s32 s5, s19  }
0x9d: {  	s8 =	simm.s32 $0x0;
	s20 =	sshll.u32 s6, $0x1;
	s6 =	sadd.s32 s21, s4  }
0x9e: {  	[timem:s8], [sflag:s22] =	dma.local [hbm:s6], s20  }
0x9f: {  	_ =	swait.ge [sflag:s22], s20  }
0xa0: {  	s5 =	ssub.s32 $0x0, s20;
	[sflag:s22] =	ssyncset.done $0x0  }
0xa1: {  	[sflag:s22] =	ssyncadd.s32 s5;
	_ =	sdelay $0x1  }
0xa2: {  	s23 =	simm.s32 $0x1B8B  }
0xa3: {  	_ =	swait.ge [sflag:s23], $0x1  }
0xa4: {  	[sflag:s23] =	ssyncset.done $0x0  }
0xa5: {  	s25 =	simm.s32 $0x1B8E;
	s24 =	sld [smem:$0x3FFE];
	[sflag:s23] =	ssyncadd.s32 $0xFFFFFFFF  }
0xa6: {  	s26 =	simm.s32 $execute0_lowered;
	[smem:$0x3FD2] =	sst s25  }
0xa7: {  	s6 =	sshll.u32 s26, $0x1;
	_ =	strace $0x80000049;
	[dreg:$0x1] =	wrdreg $0xFFFFFFFF  }
0xa8: {  	s28 =	simm.s32 $_size_execute0_lowered;
	s4 =	sadd.s32 s4, s6;
	[dreg:$0x0] =	wrdreg $0x0  }
0xa9: {  	s6 =	sshll.u32 s28, $0x1;
	[dreg:$0x2] =	wrdreg s4  }
0xaa: {  	[dreg:$0x3] =	wrdreg s6  }
0xab: {  	[dreg:$0x4] =	wrdreg $0xC0  }
0xac: {  	_ =	task [dreg:s8], $0x5FFFF  }
0xad: {  	[dreg:$0x1] =	wrdreg $0xFFFFFFFF  }
0xae: {  	[dreg:$0x0] =	wrdreg $0x60  }
0xaf: {  	[dreg:$0x2] =	wrdreg s2  }
0xb0: {  	[dreg:$0x3] =	wrdreg s18  }
0xb1: {  	[dreg:$0x4] =	wrdreg s24  }
0xb2: {  	[dreg:$0x5] =	wrdreg $0xAA000  }
0xb3: {  	[dreg:$0x6] =	wrdreg $0x9  }
0xb4: {  	_ =	task.clear_ibuf [dreg:s8], $0x7FFFF;
	_ =	strace $0x90000049  }
0xb5: {  	s29 =	simm.s32 $0x9;
	_ =	strace $0x8000004B  }
0xb6: {  	_ =	swait.ge [sflag:s29], $0x1  }
0xb7: {  	[sflag:s29] =	ssyncadd.s32 $0xFFFFFFFF  }
0xb8: {  	_ =	strace $0x9000004B  }
0xb9: {  	_ =	sfence  }
0xba: {  	s30 =	sld [smem:$0x0];
	_ =	sdelay $0x2  }
0xbb: {  	s31 =	sshll.u32 s1, $0xD;
	s1 =	sshrl.u32 s1, $0x2  }
0xbc: {  	s3 =	sand.u32 $0x4000, s31;
	s1 =	sadd.s32 s1, s30  }
0xbd: {  	s0 =	sor.u32 s3, s0;
	s1 =	sshll.u32 s1, $0x11  }
0xbe: {  	s0 =	sor.u32 s1, s0  }
0xbf: {  	s0 =	sadd.s32 $0x8F2B, s0  }
0xc0: {  	[sflag:s0] =	ssyncadd.remote.s32 $0x1  }
0xc1: {  	_ =	sfence.sel $0xFFFF  }
0xc2: {  	[dreg:$0x0] =	wrdreg $0xFFFFFFFF;
	(pc) =	sbr.abs _section_cstart, $3  }
0xc3: {  	[dreg:$0x1] =	wrdreg $0xFFFFFFFF  }
0xc4: {  	_ =	task.clear_ibuf [dreg:s8], $0x2FFFF;
	_ =	strace $0x9FFFFFFF  }
0xc5: {  	(tm) =	ssettm $0x7FFFFFFF  }
tec
execute0_lowered:
.L_overlay_start_1:
0x0: {  	(tag) =	ssettag $0x1  }
0x1: {  	s1 =	rddreg [dreg:$0x0]  }
0x2: {  	s2 =	rddreg [dreg:$0x1]  }
0x3: {  	s0 =	srdreg.scid;
	s7 =	rddreg [dreg:$0x2]  }
0x4: {  	s13 =	stileid.u32;
	s4 =	rddreg [dreg:$0x3]  }
0x5: {  	s6 =	simm.s32 $0x0;
	s28 =	simm.s32 $0x80;
	s29 =	simm.s32 $0x2A00  }
0x6: {  	s30 =	simm.s32 $0x2;
	s31 =	simm.s32 $0x6A00;
	s0 =	sand.u32 $0x1, s0  }
0x7: {  	s3 =	sshll.u32 s13, $0x1;
	s16 =	smul.u32 $0x13C00, s13;
	[smem:$0x7FF] =	sst s6  }
0x8: {  	s17 =	smul.u32 $0x4F000, s13;
	s20 =	sshll.u32 s13, $0x6;
	s13 =	simm.s32 $0x0  }
0x9: {  	s3 =	sor.u32 s0, s3;
	s8 =	smul.u32 $0x13C000, s0;
	_ =	strace $0x8000004A  }
0xa: {  	s0 =	ssub.s32 $0x2, s0;
	s5 =	smul.u32 $0x2800, s3;
	s11 =	sshrl.u32 s16, $0x3  }
0xb: {  	s12 =	sshrl.u32 s0, $0x1;
	s18 =	sshrl.u32 s17, $0x2;
	s11 =	sadd.s32 s11, s7  }
0xc: {  	s3 =	sadd.s32 s16, s8;
	s0 =	ssub.s32 s0, s12;
	s19 =	sadd.s32 $0xE200, s11  }
0xd: {  	s9 =	sshrl.u32 s5, $0x3;
	s0 =	smax.u32 s0, $0x1;
	[dreg:$0x5] =	wrdreg s19  }
0xe: {  	s10 =	sadd.s32 s9, s7;
	s9 =	sadd.s32 s2, s9;
	[dreg:$0x10] =	wrdreg s0  }
0xf: {  	s8 =	sor.u32 $0x1C09, s20;
	s10 =	sadd.s32 $0x4200, s10;
	[dreg:$0x7] =	wrdreg s9  }
0x10: {  	s12 =	simm.s32 $0x4;
	s21 =	sadd.s32 $0x10, s9;
	[dreg:$0x6] =	wrdreg s10  }
0x11: {  	s3 =	sshrl.u32 s3, $0x3;
	s22 =	sadd.s32 $0x20, s9;
	[dreg:$0x8] =	wrdreg s21  }
0x12: {  	s11 =	simm.s32 $0x8;
	s23 =	sadd.s32 $0x30, s9;
	[dreg:$0x9] =	wrdreg s22  }
0x13: {  	s3 =	sadd.s32 s3, s7;
	s24 =	sadd.s32 $0x40, s9;
	[dreg:$0xa] =	wrdreg s23  }
0x14: {  	s7 =	sadd.s32 s18, s4;
	s25 =	sadd.s32 $0x50, s9;
	[dreg:$0xb] =	wrdreg s24  }
0x15: {  	s0 =	simm.s32 $0x7;
	s26 =	sadd.s32 $0x4E0, s9;
	[dreg:$0xc] =	wrdreg s25  }
0x16: {  	s9 =	sadd.s32 $0x4F0, s9;
	s3 =	sadd.s32 $0xABC00, s3;
	[dreg:$0xd] =	wrdreg s26  }
0x17: {  	s20 =	sshrl.u32 s7, $0x3;
	s7 =	simm.s32 $0x3;
	[dreg:$0xe] =	wrdreg s9  }
0x18: {  	[dreg:$0xf] =	wrdreg s3;
	s21 =	simm.s32 $0x9;
	s22 =	simm.s32 $0x2800  }
0x19: {  	s23 =	simm.s32 $0x2880;
	s24 =	simm.s32 $0x2900;
	s25 =	simm.s32 $0x2980  }
0x1a: {  	s26 =	simm.s32 $0x1;
	s3 =	simm.s32 $0x5;
	s9 =	simm.s32 $0x6  }
.LBB2_1:
0x1b: {  	s10 =	rddreg [dreg:$0x5]  }
0x1c: {  	[spmem:s20], [sflag:s8] =	dma.local [hbm:s10], $0x2780  }
0x1d: {  	_ =	swait.ge [sflag:s21], $0x2780  }
0x1e: {  	[sflag:s21] =	ssyncset.done $0x0  }
0x1f: {  	s16 =	rddreg [dreg:$0x6];
	[sflag:s21] =	ssyncadd.s32 $0xFFFFD880  }
0x20: {  	[tilespmem:s6], [sflag:$0x9] =	stream.linear.gather [hbm4b:s16+s6], $0x2800, $0x38;
	[tilespmem:$0x1E600] =	vst v63  }
0x21: {  	_ =	swait.ge [sflag:s21], $0x2800  }
0x22: {  	[sflag:s21] =	ssyncset.done $0x0  }
0x23: {  	[sflag:s21] =	ssyncadd.s32 $0xFFFFD800  }
0x24: {  	[bflag:$0x0] =	sbarrier.arrive $0xFFFF  }
0x25: {  	s17 =	rddreg [dreg:$0x7]  }
0x26: {  	[tilespmem:s22], [sflag:$0x1] =	stream.linear.gather [hbm4b:s17+s6], $0x80, $0x38;
	[tilespmem:$0x1E600] =	vst v63  }
0x27: {  	s18 =	rddreg [dreg:$0x8]  }
0x28: {  	[tilespmem:s23], [sflag:$0x2] =	stream.linear.gather [hbm4b:s18+s6], $0x80, $0x38;
	[tilespmem:$0x1E600] =	vst v63  }
0x29: {  	s19 =	rddreg [dreg:$0x9]  }
0x2a: {  	[tilespmem:s24], [sflag:$0x3] =	stream.linear.gather [hbm4b:s19+s6], $0x80, $0x38;
	[tilespmem:$0x1E600] =	vst v63  }
0x2b: {  	s14 =	rddreg [dreg:$0xa]  }
0x2c: {  	[tilespmem:s25], [sflag:$0x4] =	stream.linear.gather [hbm4b:s14+s6], $0x80, $0x38;
	[tilespmem:$0x1E600] =	vst v63  }
0x2d: {  	_ =	swait.ge [sflag:s26], $0x80  }
0x2e: {  	[sflag:s26] =	ssyncset.done $0x0  }
0x2f: {  	[sflag:s26] =	ssyncadd.s32 $0xFFFFFF80  }
0x30: {  	[tilespmem:s29], [sflag:$0x5] =	stream.indirect.gather [hbm4b:s1+s28], $0x80, s22, s28, $0xb8;
	[tilespmem:$0x1E600] =	vst v63  }
0x31: {  	_ =	swait.ge [sflag:s30], $0x80  }
0x32: {  	[sflag:s30] =	ssyncset.done $0x0  }
0x33: {  	[sflag:s30] =	ssyncadd.s32 $0xFFFFFF80  }
0x34: {  	[tilespmem:s31], [sflag:$0x6] =	stream.indirect.gather [hbm4b:s1+s28], $0x80, s23, s28, $0xb8;
	[tilespmem:$0x1E600] =	vst v63  }
0x35: {  	_ =	swait.ge [sflag:s3], $0x4000  }
0x36: {  	[sflag:s3] =	ssyncset.done $0x0  }
0x37: {  	[sflag:s3] =	ssyncadd.s32 $0xFFFFC000  }
0x38: {  	[spmem:s4] =	stream.indirect.scatter.add.f32 [tilespmem:s29], [sflag:$0x7], $0x80, s6, s28, $0xb8;
	[tilespmem:$0x1E600] =	vst v63  }
0x39: {  	s15 =	rddreg [dreg:$0xb]  }
0x3a: {  	[tilespmem:s22], [sflag:$0x1] =	stream.linear.gather [hbm4b:s15+s6], $0x80, $0x38;
	[tilespmem:$0x1E600] =	vst v63  }
0x3b: {  	_ =	swait.ge [sflag:s0], $0x4000  }
0x3c: {  	[sflag:s0] =	ssyncset.done $0x0  }
0x3d: {  	[sflag:s0] =	ssyncadd.s32 $0xFFFFC000  }
0x3e: {  	_ =	swait.ge [sflag:s7], $0x80  }
0x3f: {  	[sflag:s7] =	ssyncset.done $0x0  }
0x40: {  	[sflag:s7] =	ssyncadd.s32 $0xFFFFFF80  }
0x41: {  	[tilespmem:s29], [sflag:$0x5] =	stream.indirect.gather [hbm4b:s1+s28], $0x80, s24, s28, $0xb8;
	[tilespmem:$0x1E600] =	vst v63  }
0x42: {  	_ =	swait.ge [sflag:s9], $0x4000  }
0x43: {  	[sflag:s9] =	ssyncset.done $0x0  }
0x44: {  	[sflag:s9] =	ssyncadd.s32 $0xFFFFC000  }
0x45: {  	[spmem:s4] =	stream.indirect.scatter.add.f32 [tilespmem:s31], [sflag:$0x8], $0x80, s28, s28, $0xb8;
	[tilespmem:$0x1E600] =	vst v63  }
0x46: {  	s16 =	rddreg [dreg:$0xc]  }
0x47: {  	[tilespmem:s23], [sflag:$0x2] =	stream.linear.gather [hbm4b:s16+s6], $0x80, $0x38;
	[tilespmem:$0x1E600] =	vst v63  }
0x48: {  	_ =	swait.ge [sflag:s11], $0x4000  }
0x49: {  	[sflag:s11] =	ssyncset.done $0x0  }
0x4a: {  	[sflag:s11] =	ssyncadd.s32 $0xFFFFC000  }
0x4b: {  	s14 =	simm.s32 $0x200;
	_ =	swait.ge [sflag:s12], $0x80  }
0x4c: {  	s15 =	sand.u32 $0x3C00, s14;
	[sflag:s12] =	ssyncset.done $0x0  }
0x4d: {  	s14 =	sand.u32 $0x200, s14;
	s15 =	sadd.s32 s5, s15;
	[sflag:s12] =	ssyncadd.s32 $0xFFFFFF80  }
0x4e: {  	[tilespmem:s31], [sflag:$0x6] =	stream.indirect.gather [hbm4b:s1+s28], $0x80, s25, s28, $0xb8;
	[tilespmem:$0x1E600] =	vst v63  }
0x4f: {  	s14 =	sor.u32 s14, s15;
	_ =	swait.ge [sflag:s3], $0x4000  }
0x50: {  	s14 =	sshrl.u32 s14, $0x3;
	[sflag:s3] =	ssyncset.done $0x0  }
0x51: {  	s17 =	simm.s32 $0x100;
	s14 =	sadd.s32 s14, s2;
	[sflag:s3] =	ssyncadd.s32 $0xFFFFC000  }
0x52: {  	[spmem:s4] =	stream.indirect.scatter.add.f32 [tilespmem:s29], [sflag:$0x7], $0x80, s17, s28, $0xb8;
	[tilespmem:$0x1E600] =	vst v63  }
0x53: {  	s18 =	sadd.s32 $0x20, s14  }
0x54: {  	[tilespmem:s24], [sflag:$0x3] =	stream.linear.gather [hbm4b:s18+s6], $0x80, $0x38;
	[tilespmem:$0x1E600] =	vst v63  }
0x55: {  	_ =	swait.ge [sflag:s0], $0x4000  }
0x56: {  	[sflag:s0] =	ssyncset.done $0x0  }
0x57: {  	[sflag:s0] =	ssyncadd.s32 $0xFFFFC000  }
0x58: {  	_ =	swait.ge [sflag:s26], $0x80  }
0x59: {  	[sflag:s26] =	ssyncset.done $0x0  }
0x5a: {  	[sflag:s26] =	ssyncadd.s32 $0xFFFFFF80  }
0x5b: {  	[tilespmem:s29], [sflag:$0x5] =	stream.indirect.gather [hbm4b:s1+s28], $0x80, s22, s28, $0xb8;
	[tilespmem:$0x1E600] =	vst v63  }
0x5c: {  	_ =	swait.ge [sflag:s9], $0x4000  }
0x5d: {  	[sflag:s9] =	ssyncset.done $0x0  }
0x5e: {  	s19 =	simm.s32 $0x180;
	[sflag:s9] =	ssyncadd.s32 $0xFFFFC000  }
0x5f: {  	[spmem:s4] =	stream.indirect.scatter.add.f32 [tilespmem:s31], [sflag:$0x8], $0x80, s19, s28, $0xb8;
	[tilespmem:$0x1E600] =	vst v63  }
0x60: {  	s14 =	sadd.s32 $0x30, s14  }
0x61: {  	[tilespmem:s25], [sflag:$0x4] =	stream.linear.gather [hbm4b:s14+s6], $0x80, $0x38;
	[tilespmem:$0x1E600] =	vst v63  }
0x62: {  	_ =	swait.ge [sflag:s11], $0x4000  }
0x63: {  	[sflag:s11] =	ssyncset.done $0x0  }
0x64: {  	[sflag:s11] =	ssyncadd.s32 $0xFFFFC000  }
0x65: {  	_ =	swait.ge [sflag:s30], $0x80  }
0x66: {  	s10 =	simm.s32 $0x400;
	[sflag:s30] =	ssyncset.done $0x0  }
0x67: {  	s16 =	sand.u32 $0x7C00, s10;
	[sflag:s30] =	ssyncadd.s32 $0xFFFFFF80  }
0x68: {  	[tilespmem:s31], [sflag:$0x6] =	stream.indirect.gather [hbm4b:s1+s28], $0x80, s23, s28, $0xb8;
	[tilespmem:$0x1E600] =	vst v63  }
0x69: {  	s15 =	sadd.s32 s5, s16;
	s14 =	sand.u32 $0x200, s10;
	_ =	swait.ge [sflag:s3], $0x4000  }
0x6a: {  	s14 =	sor.u32 s14, s15;
	[sflag:s3] =	ssyncset.done $0x0  }
0x6b: {  	s17 =	simm.s32 $0x200;
	s14 =	sshrl.u32 s14, $0x3;
	[sflag:s3] =	ssyncadd.s32 $0xFFFFC000  }
0x6c: {  	[spmem:s4] =	stream.indirect.scatter.add.f32 [tilespmem:s29], [sflag:$0x7], $0x80, s17, s28, $0xb8;
	[tilespmem:$0x1E600] =	vst v63  }
0x6d: {  	s14 =	sadd.s32 s2, s14  }
0x6e: {  	[tilespmem:s22], [sflag:$0x1] =	stream.linear.gather [hbm4b:s14+s6], $0x80, $0x38;
	[tilespmem:$0x1E600] =	vst v63  }
0x6f: {  	_ =	swait.ge [sflag:s0], $0x4000  }
0x70: {  	[sflag:s0] =	ssyncset.done $0x0  }
0x71: {  	[sflag:s0] =	ssyncadd.s32 $0xFFFFC000  }
0x72: {  	_ =	swait.ge [sflag:s7], $0x80  }
0x73: {  	s18 =	simm.s32 $0x480;
	[sflag:s7] =	ssyncset.done $0x0  }
0x74: {  	s19 =	sand.u32 $0x7C00, s18;
	[sflag:s7] =	ssyncadd.s32 $0xFFFFFF80  }
0x75: {  	[tilespmem:s29], [sflag:$0x5] =	stream.indirect.gather [hbm4b:s1+s28], $0x80, s24, s28, $0xb8;
	[tilespmem:$0x1E600] =	vst v63  }
0x76: {  	s15 =	sadd.s32 s5, s19;
	s14 =	sand.u32 $0x280, s18;
	_ =	swait.ge [sflag:s9], $0x4000  }
0x77: {  	s14 =	sor.u32 s14, s15;
	[sflag:s9] =	ssyncset.done $0x0  }
0x78: {  	s16 =	simm.s32 $0x280;
	s14 =	sshrl.u32 s14, $0x3;
	[sflag:s9] =	ssyncadd.s32 $0xFFFFC000  }
0x79: {  	[spmem:s4] =	stream.indirect.scatter.add.f32 [tilespmem:s31], [sflag:$0x8], $0x80, s16, s28, $0xb8;
	[tilespmem:$0x1E600] =	vst v63  }
0x7a: {  	s15 =	simm.s32 $0x800;
	s14 =	sadd.s32 s2, s14  }
0x7b: {  	[tilespmem:s23], [sflag:$0x2] =	stream.linear.gather [hbm4b:s14+s6], $0x80, $0x38;
	[tilespmem:$0x1E600] =	vst v63  }
0x7c: {  	s16 =	simm.s32 $0x1000;
	s14 =	simm.s32 $0x680;
	_ =	swait.ge [sflag:s11], $0x4000  }
.LBB2_2:
0x7d: {  	p0 =	sne.s32 s16, $0x8800  }
0x7e: {  	s17 =	sadd.s32 $0xFFFFFD80, s14;
	[sflag:s11] =	ssyncset.done $0x0;
	s18 =	smov.u32 s16  }
0x7f: {  	s16 =	sadd.s32 $0x800, s16;
	s19 =	sand.u32 $0x3C00, s17;
	[sflag:s11] =	ssyncadd.s32 $0xFFFFC000  }
0x80: {  	s17 =	sand.u32 $0x200, s17;
	s19 =	sadd.s32 s5, s19;
	_ =	swait.ge [sflag:s12], $0x80  }
0x81: {  	s17 =	sor.u32 s17, s19;
	[sflag:s12] =	ssyncset.done $0x0  }
0x82: {  	s19 =	sshrl.u32 s17, $0x3;
	[sflag:s12] =	ssyncadd.s32 $0xFFFFFF80  }
0x83: {  	[tilespmem:s31], [sflag:$0x6] =	stream.indirect.gather [hbm4b:s1+s28], $0x80, s25, s28, $0xb8;
	[tilespmem:$0x1E600] =	vst v63  }
0x84: {  	s17 =	sshra.s32 s15, $0x2;
	s19 =	sadd.s32 s19, s2;
	_ =	swait.ge [sflag:s3], $0x4000  }
0x85: {  	s15 =	smov.u32 s18;
	s10 =	sadd.s32 $0x100, s17;
	[sflag:s3] =	ssyncset.done $0x0  }
0x86: {  	[sflag:s3] =	ssyncadd.s32 $0xFFFFC000  }
0x87: {  	[spmem:s4] =	stream.indirect.scatter.add.f32 [tilespmem:s29], [sflag:$0x7], $0x80, s10, s28, $0xb8;
	[tilespmem:$0x1E600] =	vst v63  }
0x88: {  	s10 =	sadd.s32 $0x20, s19  }
0x89: {  	[tilespmem:s24], [sflag:$0x3] =	stream.linear.gather [hbm4b:s10+s6], $0x80, $0x38;
	[tilespmem:$0x1E600] =	vst v63  }
0x8a: {  	_ =	swait.ge [sflag:s0], $0x4000  }
0x8b: {  	[sflag:s0] =	ssyncset.done $0x0  }
0x8c: {  	[sflag:s0] =	ssyncadd.s32 $0xFFFFC000  }
0x8d: {  	_ =	swait.ge [sflag:s26], $0x80  }
0x8e: {  	[sflag:s26] =	ssyncset.done $0x0  }
0x8f: {  	[sflag:s26] =	ssyncadd.s32 $0xFFFFFF80  }
0x90: {  	[tilespmem:s29], [sflag:$0x5] =	stream.indirect.gather [hbm4b:s1+s28], $0x80, s22, s28, $0xb8;
	[tilespmem:$0x1E600] =	vst v63  }
0x91: {  	_ =	swait.ge [sflag:s9], $0x4000  }
0x92: {  	s10 =	sadd.s32 $0x180, s17;
	[sflag:s9] =	ssyncset.done $0x0  }
0x93: {  	[sflag:s9] =	ssyncadd.s32 $0xFFFFC000  }
0x94: {  	[spmem:s4] =	stream.indirect.scatter.add.f32 [tilespmem:s31], [sflag:$0x8], $0x80, s10, s28, $0xb8;
	[tilespmem:$0x1E600] =	vst v63  }
0x95: {  	s10 =	sadd.s32 $0x30, s19  }
0x96: {  	[tilespmem:s25], [sflag:$0x4] =	stream.linear.gather [hbm4b:s10+s6], $0x80, $0x38;
	[tilespmem:$0x1E600] =	vst v63  }
0x97: {  	_ =	swait.ge [sflag:s11], $0x4000  }
0x98: {  	[sflag:s11] =	ssyncset.done $0x0  }
0x99: {  	[sflag:s11] =	ssyncadd.s32 $0xFFFFC000  }
0x9a: {  	_ =	swait.ge [sflag:s30], $0x80  }
0x9b: {  	s10 =	sadd.s32 $0xFFFFFF80, s14;
	[sflag:s30] =	ssyncset.done $0x0  }
0x9c: {  	s18 =	sand.u32 $0x7C00, s10;
	[sflag:s30] =	ssyncadd.s32 $0xFFFFFF80  }
0x9d: {  	[tilespmem:s31], [sflag:$0x6] =	stream.indirect.gather [hbm4b:s1+s28], $0x80, s23, s28, $0xb8;
	[tilespmem:$0x1E600] =	vst v63  }
0x9e: {  	s10 =	sand.u32 $0x200, s10;
	s18 =	sadd.s32 s5, s18;
	_ =	swait.ge [sflag:s3], $0x4000  }
0x9f: {  	s19 =	sadd.s32 $0x200, s17;
	s10 =	sor.u32 s10, s18;
	[sflag:s3] =	ssyncset.done $0x0  }
0xa0: {  	s10 =	sshrl.u32 s10, $0x3;
	[sflag:s3] =	ssyncadd.s32 $0xFFFFC000  }
0xa1: {  	[spmem:s4] =	stream.indirect.scatter.add.f32 [tilespmem:s29], [sflag:$0x7], $0x80, s19, s28, $0xb8;
	[tilespmem:$0x1E600] =	vst v63  }
0xa2: {  	s10 =	sadd.s32 s2, s10  }
0xa3: {  	[tilespmem:s22], [sflag:$0x1] =	stream.linear.gather [hbm4b:s10+s6], $0x80, $0x38;
	[tilespmem:$0x1E600] =	vst v63  }
0xa4: {  	_ =	swait.ge [sflag:s0], $0x4000  }
0xa5: {  	[sflag:s0] =	ssyncset.done $0x0  }
0xa6: {  	[sflag:s0] =	ssyncadd.s32 $0xFFFFC000  }
0xa7: {  	_ =	swait.ge [sflag:s7], $0x80  }
0xa8: {  	[sflag:s7] =	ssyncset.done $0x0  }
0xa9: {  	[sflag:s7] =	ssyncadd.s32 $0xFFFFFF80  }
0xaa: {  	[tilespmem:s29], [sflag:$0x5] =	stream.indirect.gather [hbm4b:s1+s28], $0x80, s24, s28, $0xb8;
	[tilespmem:$0x1E600] =	vst v63  }
0xab: {  	s10 =	sand.u32 $0x7C00, s14;
	_ =	swait.ge [sflag:s9], $0x4000  }
0xac: {  	s18 =	sand.u32 $0x280, s14;
	s10 =	sadd.s32 s5, s10;
	[sflag:s9] =	ssyncset.done $0x0  }
0xad: {  	s17 =	sadd.s32 $0x280, s17;
	s10 =	sor.u32 s18, s10;
	[sflag:s9] =	ssyncadd.s32 $0xFFFFC000  }
0xae: {  	[spmem:s4] =	stream.indirect.scatter.add.f32 [tilespmem:s31], [sflag:$0x8], $0x80, s17, s28, $0xb8;
	[tilespmem:$0x1E600] =	vst v63  }
.Ltmp0:
0xaf: {  	_ = 	snop;
	(pc) =	sbr.rel @p0 .LBB2_2-.Ltmp0, $4  }
0xb0: {  	s10 =	sshrl.u32 s10, $0x3  }
0xb1: {  	s10 =	sadd.s32 s2, s10  }
0xb2: {  	[tilespmem:s23], [sflag:$0x2] =	stream.linear.gather [hbm4b:s10+s6], $0x80, $0x38;
	[tilespmem:$0x1E600] =	vst v63  }
0xb3: {  	s14 =	sadd.s32 $0x200, s14;
	_ =	swait.ge [sflag:s11], $0x4000  }
0xb4: {  	[sflag:s11] =	ssyncset.done $0x0  }
0xb5: {  	[sflag:s11] =	ssyncadd.s32 $0xFFFFC000  }
0xb6: {  	s10 =	sadd.s32 $0xFFFFFD80, s14;
	_ =	swait.ge [sflag:s12], $0x80  }
0xb7: {  	s16 =	sand.u32 $0x3C00, s10;
	[sflag:s12] =	ssyncset.done $0x0  }
0xb8: {  	s10 =	sand.u32 $0x200, s10;
	s16 =	sadd.s32 s5, s16;
	[sflag:s12] =	ssyncadd.s32 $0xFFFFFF80  }
0xb9: {  	[tilespmem:s31], [sflag:$0x6] =	stream.indirect.gather [hbm4b:s1+s28], $0x80, s25, s28, $0xb8;
	[tilespmem:$0x1E600] =	vst v63  }
0xba: {  	s10 =	sor.u32 s10, s16;
	_ =	swait.ge [sflag:s3], $0x4000  }
0xbb: {  	s15 =	sshra.s32 s15, $0x2;
	s10 =	sshrl.u32 s10, $0x3;
	[sflag:s3] =	ssyncset.done $0x0  }
0xbc: {  	s18 =	sadd.s32 $0x100, s15;
	s10 =	sadd.s32 s10, s2;
	[sflag:s3] =	ssyncadd.s32 $0xFFFFC000  }
0xbd: {  	[spmem:s4] =	stream.indirect.scatter.add.f32 [tilespmem:s29], [sflag:$0x7], $0x80, s18, s28, $0xb8;
	[tilespmem:$0x1E600] =	vst v63  }
0xbe: {  	s19 =	sadd.s32 $0x20, s10  }
0xbf: {  	[tilespmem:s24], [sflag:$0x3] =	stream.linear.gather [hbm4b:s19+s6], $0x80, $0x38;
	[tilespmem:$0x1E600] =	vst v63  }
0xc0: {  	_ =	swait.ge [sflag:s0], $0x4000  }
0xc1: {  	[sflag:s0] =	ssyncset.done $0x0  }
0xc2: {  	[sflag:s0] =	ssyncadd.s32 $0xFFFFC000  }
0xc3: {  	_ =	swait.ge [sflag:s26], $0x80  }
0xc4: {  	[sflag:s26] =	ssyncset.done $0x0  }
0xc5: {  	[sflag:s26] =	ssyncadd.s32 $0xFFFFFF80  }
0xc6: {  	[tilespmem:s29], [sflag:$0x5] =	stream.indirect.gather [hbm4b:s1+s28], $0x80, s22, s28, $0xb8;
	[tilespmem:$0x1E600] =	vst v63  }
0xc7: {  	_ =	swait.ge [sflag:s9], $0x4000  }
0xc8: {  	[sflag:s9] =	ssyncset.done $0x0  }
0xc9: {  	s17 =	sadd.s32 $0x180, s15;
	[sflag:s9] =	ssyncadd.s32 $0xFFFFC000  }
0xca: {  	[spmem:s4] =	stream.indirect.scatter.add.f32 [tilespmem:s31], [sflag:$0x8], $0x80, s17, s28, $0xb8;
	[tilespmem:$0x1E600] =	vst v63  }
0xcb: {  	s10 =	sadd.s32 $0x30, s10  }
0xcc: {  	[tilespmem:s25], [sflag:$0x4] =	stream.linear.gather [hbm4b:s10+s6], $0x80, $0x38;
	[tilespmem:$0x1E600] =	vst v63  }
0xcd: {  	_ =	swait.ge [sflag:s11], $0x4000  }
0xce: {  	[sflag:s11] =	ssyncset.done $0x0  }
0xcf: {  	[sflag:s11] =	ssyncadd.s32 $0xFFFFC000  }
0xd0: {  	_ =	swait.ge [sflag:s30], $0x80  }
0xd1: {  	s18 =	sadd.s32 $0xFFFFFF80, s14;
	[sflag:s30] =	ssyncset.done $0x0  }
0xd2: {  	s19 =	sand.u32 $0x7C00, s18;
	[sflag:s30] =	ssyncadd.s32 $0xFFFFFF80  }
0xd3: {  	[tilespmem:s31], [sflag:$0x6] =	stream.indirect.gather [hbm4b:s1+s28], $0x80, s23, s28, $0xb8;
	[tilespmem:$0x1E600] =	vst v63  }
0xd4: {  	s16 =	sadd.s32 s5, s19;
	s10 =	sand.u32 $0x200, s18;
	_ =	swait.ge [sflag:s3], $0x4000  }
0xd5: {  	s10 =	sor.u32 s10, s16;
	[sflag:s3] =	ssyncset.done $0x0  }
0xd6: {  	s17 =	sadd.s32 $0x200, s15;
	s10 =	sshrl.u32 s10, $0x3;
	[sflag:s3] =	ssyncadd.s32 $0xFFFFC000  }
0xd7: {  	[spmem:s4] =	stream.indirect.scatter.add.f32 [tilespmem:s29], [sflag:$0x7], $0x80, s17, s28, $0xb8;
	[tilespmem:$0x1E600] =	vst v63  }
0xd8: {  	s10 =	sadd.s32 s2, s10  }
0xd9: {  	[tilespmem:s22], [sflag:$0x1] =	stream.linear.gather [hbm4b:s10+s6], $0x80, $0x38;
	[tilespmem:$0x1E600] =	vst v63  }
0xda: {  	_ =	swait.ge [sflag:s0], $0x4000  }
0xdb: {  	[sflag:s0] =	ssyncset.done $0x0  }
0xdc: {  	[sflag:s0] =	ssyncadd.s32 $0xFFFFC000  }
0xdd: {  	_ =	swait.ge [sflag:s7], $0x80  }
0xde: {  	[sflag:s7] =	ssyncset.done $0x0  }
0xdf: {  	s18 =	sand.u32 $0x7C00, s14;
	[sflag:s7] =	ssyncadd.s32 $0xFFFFFF80  }
0xe0: {  	[tilespmem:s29], [sflag:$0x5] =	stream.indirect.gather [hbm4b:s1+s28], $0x80, s24, s28, $0xb8;
	[tilespmem:$0x1E600] =	vst v63  }
0xe1: {  	s19 =	sand.u32 $0x280, s14;
	s10 =	sadd.s32 s5, s18;
	_ =	swait.ge [sflag:s9], $0x4000  }
0xe2: {  	s10 =	sor.u32 s19, s10;
	[sflag:s9] =	ssyncset.done $0x0  }
0xe3: {  	s15 =	sadd.s32 $0x280, s15;
	s10 =	sshrl.u32 s10, $0x3;
	[sflag:s9] =	ssyncadd.s32 $0xFFFFC000  }
0xe4: {  	[spmem:s4] =	stream.indirect.scatter.add.f32 [tilespmem:s31], [sflag:$0x8], $0x80, s15, s28, $0xb8;
	[tilespmem:$0x1E600] =	vst v63  }
0xe5: {  	s10 =	sadd.s32 s2, s10  }
0xe6: {  	[tilespmem:s23], [sflag:$0x2] =	stream.linear.gather [hbm4b:s10+s6], $0x80, $0x38;
	[tilespmem:$0x1E600] =	vst v63  }
0xe7: {  	_ =	swait.ge [sflag:s11], $0x4000  }
0xe8: {  	[sflag:s11] =	ssyncset.done $0x0  }
0xe9: {  	[sflag:s11] =	ssyncadd.s32 $0xFFFFC000  }
0xea: {  	_ =	swait.ge [sflag:s12], $0x80  }
0xeb: {  	[sflag:s12] =	ssyncset.done $0x0  }
0xec: {  	[sflag:s12] =	ssyncadd.s32 $0xFFFFFF80  }
0xed: {  	[tilespmem:s31], [sflag:$0x6] =	stream.indirect.gather [hbm4b:s1+s28], $0x80, s25, s28, $0xb8;
	[tilespmem:$0x1E600] =	vst v63  }
0xee: {  	_ =	swait.ge [sflag:s3], $0x4000  }
0xef: {  	[sflag:s3] =	ssyncset.done $0x0  }
0xf0: {  	s16 =	simm.s32 $0x2500;
	[sflag:s3] =	ssyncadd.s32 $0xFFFFC000  }
0xf1: {  	[spmem:s4] =	stream.indirect.scatter.add.f32 [tilespmem:s29], [sflag:$0x7], $0x80, s16, s28, $0xb8;
	[tilespmem:$0x1E600] =	vst v63  }
0xf2: {  	s17 =	rddreg [dreg:$0xd]  }
0xf3: {  	[tilespmem:s24], [sflag:$0x3] =	stream.linear.gather [hbm4b:s17+s6], $0x80, $0x38;
	[tilespmem:$0x1E600] =	vst v63  }
0xf4: {  	_ =	swait.ge [sflag:s0], $0x4000  }
0xf5: {  	[sflag:s0] =	ssyncset.done $0x0  }
0xf6: {  	[sflag:s0] =	ssyncadd.s32 $0xFFFFC000  }
0xf7: {  	_ =	swait.ge [sflag:s26], $0x80  }
0xf8: {  	[sflag:s26] =	ssyncset.done $0x0  }
0xf9: {  	[sflag:s26] =	ssyncadd.s32 $0xFFFFFF80  }
0xfa: {  	[tilespmem:s29], [sflag:$0x5] =	stream.indirect.gather [hbm4b:s1+s28], $0x80, s22, s28, $0xb8;
	[tilespmem:$0x1E600] =	vst v63  }
0xfb: {  	_ =	swait.ge [sflag:s9], $0x4000  }
0xfc: {  	[sflag:s9] =	ssyncset.done $0x0  }
0xfd: {  	s18 =	simm.s32 $0x2580;
	[sflag:s9] =	ssyncadd.s32 $0xFFFFC000  }
0xfe: {  	[spmem:s4] =	stream.indirect.scatter.add.f32 [tilespmem:s31], [sflag:$0x8], $0x80, s18, s28, $0xb8;
	[tilespmem:$0x1E600] =	vst v63  }
0xff: {  	s19 =	rddreg [dreg:$0xe]  }
0x100: {  	[tilespmem:s25], [sflag:$0x4] =	stream.linear.gather [hbm4b:s19+s6], $0x80, $0x38;
	[tilespmem:$0x1E600] =	vst v63  }
0x101: {  	_ =	swait.ge [sflag:s11], $0x4000  }
0x102: {  	[sflag:s11] =	ssyncset.done $0x0  }
0x103: {  	[sflag:s11] =	ssyncadd.s32 $0xFFFFC000  }
0x104: {  	_ =	swait.ge [sflag:s30], $0x80  }
0x105: {  	[sflag:s30] =	ssyncset.done $0x0  }
0x106: {  	[sflag:s30] =	ssyncadd.s32 $0xFFFFFF80  }
0x107: {  	[tilespmem:s31], [sflag:$0x6] =	stream.indirect.gather [hbm4b:s1+s28], $0x80, s23, s28, $0xb8;
	[tilespmem:$0x1E600] =	vst v63  }
0x108: {  	_ =	swait.ge [sflag:s3], $0x4000  }
0x109: {  	[sflag:s3] =	ssyncset.done $0x0  }
0x10a: {  	s14 =	simm.s32 $0x2600;
	[sflag:s3] =	ssyncadd.s32 $0xFFFFC000  }
0x10b: {  	[spmem:s4] =	stream.indirect.scatter.add.f32 [tilespmem:s29], [sflag:$0x7], $0x80, s14, s28, $0xb8;
	[tilespmem:$0x1E600] =	vst v63  }
0x10c: {  	_ =	swait.ge [sflag:s0], $0x4000  }
0x10d: {  	[sflag:s0] =	ssyncset.done $0x0  }
0x10e: {  	[sflag:s0] =	ssyncadd.s32 $0xFFFFC000  }
0x10f: {  	_ =	swait.ge [sflag:s7], $0x80  }
0x110: {  	[sflag:s7] =	ssyncset.done $0x0  }
0x111: {  	[sflag:s7] =	ssyncadd.s32 $0xFFFFFF80  }
0x112: {  	[tilespmem:s29], [sflag:$0x5] =	stream.indirect.gather [hbm4b:s1+s28], $0x80, s24, s28, $0xb8;
	[tilespmem:$0x1E600] =	vst v63  }
0x113: {  	_ =	swait.ge [sflag:s9], $0x4000  }
0x114: {  	[sflag:s9] =	ssyncset.done $0x0  }
0x115: {  	s15 =	simm.s32 $0x2680;
	[sflag:s9] =	ssyncadd.s32 $0xFFFFC000  }
0x116: {  	[spmem:s4] =	stream.indirect.scatter.add.f32 [tilespmem:s31], [sflag:$0x8], $0x80, s15, s28, $0xb8;
	[tilespmem:$0x1E600] =	vst v63  }
0x117: {  	_ =	swait.ge [sflag:s11], $0x4000  }
0x118: {  	[sflag:s11] =	ssyncset.done $0x0  }
0x119: {  	[sflag:s11] =	ssyncadd.s32 $0xFFFFC000  }
0x11a: {  	_ =	swait.ge [sflag:s12], $0x80  }
0x11b: {  	[sflag:s12] =	ssyncset.done $0x0  }
0x11c: {  	[sflag:s12] =	ssyncadd.s32 $0xFFFFFF80  }
0x11d: {  	[tilespmem:s31], [sflag:$0x6] =	stream.indirect.gather [hbm4b:s1+s28], $0x80, s25, s28, $0xb8;
	[tilespmem:$0x1E600] =	vst v63  }
0x11e: {  	_ =	swait.ge [sflag:s3], $0x4000  }
0x11f: {  	[sflag:s3] =	ssyncset.done $0x0  }
0x120: {  	s16 =	simm.s32 $0x2700;
	[sflag:s3] =	ssyncadd.s32 $0xFFFFC000  }
0x121: {  	[spmem:s4] =	stream.indirect.scatter.add.f32 [tilespmem:s29], [sflag:$0x7], $0x80, s16, s28, $0xb8;
	[tilespmem:$0x1E600] =	vst v63  }
0x122: {  	_ =	swait.ge [sflag:s9], $0x4000  }
0x123: {  	[sflag:s9] =	ssyncset.done $0x0  }
0x124: {  	s17 =	simm.s32 $0x2780;
	[sflag:s9] =	ssyncadd.s32 $0xFFFFC000  }
0x125: {  	[spmem:s4] =	stream.indirect.scatter.add.f32 [tilespmem:s31], [sflag:$0x8], $0x80, s17, s28, $0xb8;
	[tilespmem:$0x1E600] =	vst v63  }
0x126: {  	_ =	swait.ge [sflag:s0], $0x4000  }
0x127: {  	[sflag:s0] =	ssyncset.done $0x0  }
0x128: {  	[sflag:s0] =	ssyncadd.s32 $0xFFFFC000  }
0x129: {  	_ =	swait.ge [sflag:s11], $0x4000  }
0x12a: {  	[sflag:s11] =	ssyncset.done $0x0  }
0x12b: {  	[sflag:s11] =	ssyncadd.s32 $0xFFFFC000  }
0x12c: {  	[bflag:$0x0] =	sbarrier.arrive $0xFFFF  }
0x12d: {  	s18 =	rddreg [dreg:$0xf]  }
0x12e: {  	[hbm:s18], [sflag:s8] =	dma.local [spmem:s20], $0x2780  }
0x12f: {  	_ =	swait.ge [sflag:s21], $0x2780  }
0x130: {  	s13 =	sadd.s32 $0x1, s13;
	s19 =	rddreg [dreg:$0x10]  }
0x131: {  	p0 =	sne.s32 s13, s19  }
.Ltmp1:
0x132: {  	_ = 	snop;
	(pc) =	sbr.rel @p0 .LBB2_1-.Ltmp1, $3  }
0x133: {  	_ =	sdelay $0x1  }
0x134: {  	[sflag:s21] =	ssyncset.done $0x0  }
0x135: {  	[sflag:s21] =	ssyncadd.s32 $0xFFFFD880  }
0x136: {  	_ =	sfence.sel $0x180000  }
0x137: {  	[bflag:$0x0] =	sbarrier.arrive $0xFFFF  }
0x138: {  	_ =	strace $0x9000004A  }
0x139: {  	s0 =	stileid.u32;
	[bflag:$0x2] =	sbarrier.arrive $0xFFFF  }
0x13a: {  	p0 =	sne.s32 s0, $0x0;
	s0 =	rddreg [dreg:$0x4]  }
0x13b: {  	s0 =	sadd.s32 @!p0 $0x100000, s0  }
0x13c: {  	[sflag:s0] =	ssyncadd.tile.s32 @!p0 $0x1;
	_ =	shalt  }
.Lfunc_end2:
_tile_overlayer_lowered:
.L_overlay_start_2:
0x13d: {  	(tag) =	ssettag $0x2  }
0x13e: {  	s0 =	rddreg [dreg:$0x0];
	s2 =	stileid.u32  }
0x13f: {  	s1 =	rddreg [dreg:$0x1];
	p0 =	sne.s32 s2, $0x0  }
0x140: {  	s3 =	rddreg [dreg:$0x2];
	[bflag:$0x3] =	sbarrier.arrive $0xFFFF;
	s2 =	simm.s32 @!p0 $0x1C09  }
0x141: {  	[timem:s3], [sflag:s2] =	dma.local @!p0 [hbm:s0], s1  }
0x142: {  	s0 =	simm.s32 @!p0 $0x9  }
0x143: {  	_ =	swait.ge @!p0 [sflag:s0], s1  }
0x144: {  	s1 =	ssub.s32 @!p0 $0x0, s1;
	[sflag:s0] =	ssyncset.done @!p0 $0x0  }
0x145: {  	[sflag:s0] =	ssyncadd.s32 @!p0 s1  }
0x146: {  	[bflag:$0x3] =	sbarrier.arrive $0xFFFF  }
0x147: {  	_ =	shalt  }

// kernel: kernel.15.cloned.1.call-start
scs
__scs_entry_jumppad:
0x0: {  	(pc) =	sbr.rel $0x88, $3  }
0x1: {  	(tag) =	ssettag $0x0;
	lr =	simm.s32 $0x1  }
0x2: {  	[smem:$0x3F96] =	sst lr;
	_ =	strace $0xD0000000  }
0x3: {  	_ = 	snop  }
0x4: {  	_ = 	snop  }
0x5: {  	_ = 	snop  }
0x6: {  	_ = 	snop  }
0x7: {  	_ = 	snop  }
__scs_overlays_trampoline_lowered:
0x8: {  	[smem:$0x3FA5] =	sst s0  }
0x9: {  	[smem:$0x3FA6] =	sst s1  }
0xa: {  	[smem:$0x3FA7] =	sst s2  }
0xb: {  	[smem:$0x3FA8] =	sst s3  }
0xc: {  	[smem:$0x3FA9] =	sst s4  }
0xd: {  	[smem:$0x3FAA] =	sst s5  }
0xe: {  	[smem:$0x3FAB] =	sst s6  }
0xf: {  	[smem:$0x3FAC] =	sst s7  }
0x10: {  	[smem:$0x3FAD] =	sst s8  }
0x11: {  	[smem:$0x3FAE] =	sst s9;
	s0 =	simm.s32 @!p0 $0x0  }
0x12: {  	s1 =	sld [smem:$0x3F94];
	s0 =	simm.s32 @p0 $0x1  }
0x13: {  	[smem:$0x3FAF] =	sst s0;
	s0 =	simm.s32 @!p1 $0x0  }
0x14: {  	s2 =	sld [smem:$0x3F93];
	s0 =	simm.s32 @p1 $0x1  }
0x15: {  	[smem:$0x3FB0] =	sst s0;
	s0 =	simm.s32 @!p2 $0x0  }
0x16: {  	s3 =	sld [smem:$0x3FDB];
	s0 =	simm.s32 @p2 $0x1  }
0x17: {  	s4 =	simm.s32 $0x1BF5;
	[smem:$0x3FB2] =	sst s0  }
0x18: {  	s0 =	sld [smem:$0x3F95];
	_ =	swait.ge [sflag:s4], $0x0  }
0x19: {  	s7 =	sld [smem:$0x3F96]  }
0x1a: {  	s8 =	sadd.s32 $0xFFFFE003, lr  }
0x1b: {  	s9 =	sadd.s32 $0xFFFFFEF7, lr;
	s5 =	simm.s32 $0xFFFFFFFF;
	p2 =	slt.u32 s8, $0xFFFFF086  }
0x1c: {  	p1 =	slt.u32 s9, $0xF7A;
	s5 =	simm.s32 @!p2 $0x0  }
0x1d: {  	s5 =	simm.s32 @p1 $0x1;
	p0 =	seq.s32 s7, s2  }
0x1e: {  	s7 =	smul.u32 @!p0 $0xF7A, s2;
	p2 =	seq.s32 @!p0 s5, $0x0  }
0x1f: {  	s9 =	smul.u32 $0xF7A, s1;
	s8 =	simm.s32 @!p0 $0x1BF5;
	p2 =	por !p2, p0  }
0x20: {  	[sflag:s8] =	ssyncset.s32 @!p0 $0xFFFFF086;
	s6 =	sadd.s32 @!p0 s3, s7;
	s7 =	simm.s32 @!p0 $0x108  }
0x21: {  	s3 =	sadd.s32 s3, s9;
	s6 =	sadd.s32 @!p0 $0x88, s6;
	s7 =	simm.s32 @p2 $0x1082  }
0x22: {  	[simem:s7], [sflag:s8] =	dma.local @!p0 [hbm:s6], $0xF7A  }
0x23: {  	s9 =	sor.u32 $0xD0000000, s2;
	s6 =	simm.s32 $0x108;
	_ =	swait.ge @!p0 [sflag:s8], $0x0  }
0x24: {  	s3 =	sadd.s32 $0x88, s3;
	s6 =	simm.s32 @!p1 $0x1082;
	[sflag:s4] =	ssyncset.s32 $0xFFFFF086  }
0x25: {  	[simem:s6], [sflag:s4] =	dma.local [hbm:s3], $0xF7A  }
0x26: {  	[smem:$0x3F96] =	sst s1;
	(tag) =	ssettag s2;
	_ =	strace s9  }
0x27: {  	s1 =	sld [smem:$0x3FA6]  }
0x28: {  	s2 =	sld [smem:$0x3FA7]  }
0x29: {  	s4 =	sld [smem:$0x3FA9]  }
0x2a: {  	p0 =	seq.s32 s5, $0x0;
	s5 =	sld [smem:$0x3FAA]  }
0x2b: {  	s6 =	sld [smem:$0x3FAB]  }
0x2c: {  	s7 =	sld [smem:$0x3FAC]  }
0x2d: {  	s3 =	simm.s32 $0x108;
	s8 =	sld [smem:$0x3FAD]  }
0x2e: {  	s3 =	simm.s32 @!p0 $0x1082;
	s9 =	sld [smem:$0x3FAE]  }
0x2f: {  	lr =	sadd.s32 s0, s3;
	s0 =	sld [smem:$0x3FA5]  }
0x30: {  	s3 =	sld [smem:$0x3FA8]  }
0x31: {  	[smem:$0x3FB1] =	sst s10  }
0x32: {  	s10 =	sld [smem:$0x3FAF];
	_ =	sdelay $0x3  }
0x33: {  	p0 =	seq.s32 s10, $0x1;
	s10 =	sld [smem:$0x3FB1];
	_ =	sdelay $0x3  }
0x34: {  	[smem:$0x3FB1] =	sst s10  }
0x35: {  	s10 =	sld [smem:$0x3FB0];
	_ =	sdelay $0x3  }
0x36: {  	p1 =	seq.s32 s10, $0x1;
	s10 =	sld [smem:$0x3FB1];
	_ =	sdelay $0x3  }
0x37: {  	[smem:$0x3FB1] =	sst s10  }
0x38: {  	s10 =	sld [smem:$0x3FB2]  }
0x39: {  	_ = 	snop;
	(pc) =	sbr.ind lr, $3  }
0x3a: {  	_ = 	snop  }
0x3b: {  	_ = 	snop  }
0x3c: {  	p2 =	seq.s32 s10, $0x1;
	s10 =	sld [smem:$0x3FB1]  }
0x3d: {  	_ =	shalt  }
0x3e: {  	_ =	shalt  }
0x3f: {  	_ =	shalt  }
0x40: {  	_ =	shalt  }
0x41: {  	_ =	shalt  }
0x42: {  	_ =	shalt  }
0x43: {  	_ =	shalt  }
0x44: {  	_ =	shalt  }
0x45: {  	_ =	shalt  }
0x46: {  	_ =	shalt  }
0x47: {  	_ =	shalt  }
0x48: {  	_ =	shalt  }
0x49: {  	_ =	shalt  }
0x4a: {  	_ =	shalt  }
0x4b: {  	_ =	shalt  }
0x4c: {  	_ =	shalt  }
0x4d: {  	_ =	shalt  }
0x4e: {  	_ =	shalt  }
0x4f: {  	_ =	shalt  }
0x50: {  	_ =	shalt  }
0x51: {  	_ =	shalt  }
0x52: {  	_ =	shalt  }
0x53: {  	_ =	shalt  }
0x54: {  	_ =	shalt  }
0x55: {  	_ =	shalt  }
0x56: {  	_ =	shalt  }
0x57: {  	_ =	shalt  }
0x58: {  	_ =	shalt  }
0x59: {  	_ =	shalt  }
0x5a: {  	_ =	shalt  }
0x5b: {  	_ =	shalt  }
0x5c: {  	_ =	shalt  }
0x5d: {  	_ =	shalt  }
0x5e: {  	_ =	shalt  }
0x5f: {  	_ =	shalt  }
0x60: {  	_ =	shalt  }
0x61: {  	_ =	shalt  }
0x62: {  	_ =	shalt  }
0x63: {  	_ =	shalt  }
0x64: {  	_ =	shalt  }
0x65: {  	_ =	shalt  }
0x66: {  	_ =	shalt  }
0x67: {  	_ =	shalt  }
0x68: {  	_ =	shalt  }
0x69: {  	_ =	shalt  }
0x6a: {  	_ =	shalt  }
0x6b: {  	_ =	shalt  }
0x6c: {  	_ =	shalt  }
0x6d: {  	_ =	shalt  }
0x6e: {  	_ =	shalt  }
0x6f: {  	_ =	shalt  }
0x70: {  	_ =	shalt  }
0x71: {  	_ =	shalt  }
0x72: {  	_ =	shalt  }
0x73: {  	_ =	shalt  }
0x74: {  	_ =	shalt  }
0x75: {  	_ =	shalt  }
0x76: {  	_ =	shalt  }
0x77: {  	_ =	shalt  }
0x78: {  	_ =	shalt  }
0x79: {  	_ =	shalt  }
0x7a: {  	_ =	shalt  }
0x7b: {  	_ =	shalt  }
0x7c: {  	_ =	shalt  }
0x7d: {  	_ =	shalt  }
0x7e: {  	_ =	shalt  }
0x7f: {  	_ =	shalt  }
0x80: {  	_ =	shalt  }
0x81: {  	_ =	shalt  }
0x82: {  	_ =	shalt  }
0x83: {  	_ =	shalt  }
0x84: {  	_ =	shalt  }
0x85: {  	_ =	shalt  }
0x86: {  	_ =	shalt  }
0x87: {  	_ =	shalt  }
.Lfunc_end0:
.L_simem_size_0:
called_computation.2_lowered:
.L_overlay_start_0:
0x88: {  	s2 =	sld [smem:$0x3FD9]  }
0x89: {  	s3 =	sld [smem:$0x3FFE];
	_ =	sdelay $0x1  }
0x8a: {  	s1 =	srdreg.scid  }
0x8b: {  	s0 =	sand.u32 $0x1, s1  }
0x8c: {  	s17 =	sshll.u32 s0, $0xA;
	s2 =	sadd.s32 s3, s2  }
0x8d: {  	s2 =	sadd.s32 s2, s17  }
0x8e: {  	[smem:$0x3FBD] =	sst s2  }
0x8f: {  	_ = 	snop  }
0x90: {  	s2 =	sld [smem:$0x3FD0];
	(tm) =	ssettm $0x1  }
0x91: {  	s18 =	sld [smem:$0x3FFB];
	_ =	sdelay $0x3  }
0x92: {  	_ =	strace s18  }
0x93: {  	s3 =	sld [smem:$0x3FFC];
	_ =	sdelay $0x3  }
0x94: {  	_ =	strace s3  }
0x95: {  	s3 =	sld [smem:$0x3FFD];
	_ =	sdelay $0x3  }
0x96: {  	_ =	strace s3  }
0x97: {  	_ =	strace $0x8FFFFFFF  }
0x98: {  	s19 =	sld [smem:$0x3FDB];
	_ =	sdelay $0x1  }
0x99: {  	s4 =	simm.s32 $_scs_section_size  }
0x9a: {  	s5 =	simm.s32 $_size__tile_overlayer_lowered;
	s6 =	simm.s32 $_tile_overlayer_lowered  }
0x9b: {  	s22 =	simm.s32 $0x1BFF;
	s21 =	sshll.u32 s6, $0x1;
	s3 =	sadd.s32 s4, s19  }
0x9c: {  	s7 =	simm.s32 $0x0;
	s20 =	sshll.u32 s5, $0x1;
	s5 =	sadd.s32 s21, s3  }
0x9d: {  	[timem:s7], [sflag:s22] =	dma.local [hbm:s5], s20  }
0x9e: {  	_ =	swait.ge [sflag:s22], s20  }
0x9f: {  	s4 =	ssub.s32 $0x0, s20;
	[sflag:s22] =	ssyncset.done $0x0  }
0xa0: {  	[sflag:s22] =	ssyncadd.s32 s4;
	_ =	sdelay $0x1  }
0xa1: {  	s23 =	simm.s32 $0x1B8B  }
0xa2: {  	_ =	swait.ge [sflag:s23], $0x1  }
0xa3: {  	[sflag:s23] =	ssyncset.done $0x0  }
0xa4: {  	s25 =	simm.s32 $0x1B8E;
	s24 =	sld [smem:$0x3FFE];
	[sflag:s23] =	ssyncadd.s32 $0xFFFFFFFF  }
0xa5: {  	s26 =	simm.s32 $execute0_lowered;
	[smem:$0x3FD2] =	sst s25  }
0xa6: {  	s5 =	sshll.u32 s26, $0x1;
	_ =	strace $0x8000004C;
	[dreg:$0x1] =	wrdreg $0xFFFFFFFF  }
0xa7: {  	s28 =	simm.s32 $_size_execute0_lowered;
	s3 =	sadd.s32 s3, s5;
	[dreg:$0x0] =	wrdreg $0x0  }
0xa8: {  	s5 =	sshll.u32 s28, $0x1;
	[dreg:$0x2] =	wrdreg s3  }
0xa9: {  	[dreg:$0x3] =	wrdreg s5  }
0xaa: {  	[dreg:$0x4] =	wrdreg $0xC0  }
0xab: {  	_ =	task [dreg:s7], $0x5FFFF  }
0xac: {  	[dreg:$0x1] =	wrdreg $0xFFFFFFFF  }
0xad: {  	[dreg:$0x0] =	wrdreg $0x60  }
0xae: {  	[dreg:$0x2] =	wrdreg s24  }
0xaf: {  	[dreg:$0x3] =	wrdreg s2  }
0xb0: {  	[dreg:$0x4] =	wrdreg $0xAA000  }
0xb1: {  	[dreg:$0x5] =	wrdreg $0x9  }
0xb2: {  	_ =	task.clear_ibuf [dreg:s7], $0x6FFFF;
	_ =	strace $0x9000004C  }
0xb3: {  	s29 =	simm.s32 $0x9;
	_ =	strace $0x8000004E  }
0xb4: {  	_ =	swait.ge [sflag:s29], $0x1  }
0xb5: {  	[sflag:s29] =	ssyncadd.s32 $0xFFFFFFFF  }
0xb6: {  	_ =	strace $0x9000004E  }
0xb7: {  	_ =	sfence  }
0xb8: {  	s30 =	sld [smem:$0x0];
	_ =	sdelay $0x2  }
0xb9: {  	s31 =	sshll.u32 s1, $0xD;
	s1 =	sshrl.u32 s1, $0x2  }
0xba: {  	s3 =	sand.u32 $0x4000, s31;
	s1 =	sadd.s32 s1, s30  }
0xbb: {  	s0 =	sor.u32 s3, s0;
	s1 =	sshll.u32 s1, $0x11  }
0xbc: {  	s0 =	sor.u32 s1, s0  }
0xbd: {  	s0 =	sadd.s32 $0x8F2B, s0  }
0xbe: {  	[sflag:s0] =	ssyncadd.remote.s32 $0x1  }
0xbf: {  	_ =	sfence.sel $0xFFFF  }
0xc0: {  	[dreg:$0x0] =	wrdreg $0xFFFFFFFF;
	(pc) =	sbr.abs _section_cstart, $3  }
0xc1: {  	[dreg:$0x1] =	wrdreg $0xFFFFFFFF  }
0xc2: {  	_ =	task.clear_ibuf [dreg:s7], $0x2FFFF;
	_ =	strace $0x9FFFFFFF  }
0xc3: {  	(tm) =	ssettm $0x7FFFFFFF  }
tec
execute0_lowered:
.L_overlay_start_1:
0x0: {  	(tag) =	ssettag $0x1  }
0x1: {  	s0 =	rddreg [dreg:$0x0]  }
0x2: {  	s1 =	srdreg.scid;
	s2 =	rddreg [dreg:$0x1]  }
0x3: {  	s13 =	stileid.u32;
	s3 =	rddreg [dreg:$0x2];
	s28 =	simm.s32 $0x80  }
0x4: {  	s29 =	simm.s32 $0x2A00;
	s30 =	simm.s32 $0x2;
	s31 =	simm.s32 $0x6A00  }
0x5: {  	s1 =	sand.u32 $0x1, s1;
	s4 =	sshll.u32 s13, $0x1;
	s7 =	smul.u32 $0x13C00, s13  }
0x6: {  	s6 =	sadd.s32 $0x83E00, s0;
	s16 =	smul.u32 $0x4F000, s13;
	s19 =	sshll.u32 s13, $0x6  }
0x7: {  	s5 =	sor.u32 s1, s4;
	s4 =	simm.s32 $0x0;
	s8 =	smul.u32 $0x13C000, s1  }
0x8: {  	s1 =	ssub.s32 $0x2, s1;
	s5 =	smul.u32 $0x2800, s5;
	s11 =	sshrl.u32 s7, $0x3  }
0x9: {  	[smem:$0x7FF] =	sst s4;
	s12 =	sshrl.u32 s1, $0x1;
	s11 =	sadd.s32 s11, s0  }
0xa: {  	_ =	strace $0x8000004D;
	s1 =	ssub.s32 s1, s12;
	s18 =	sadd.s32 $0xE200, s11  }
0xb: {  	s9 =	sshrl.u32 s5, $0x3;
	s26 =	smax.u32 s1, $0x1;
	[dreg:$0x4] =	wrdreg s18  }
0xc: {  	s10 =	sadd.s32 s9, s0;
	s9 =	sadd.s32 s2, s9;
	[dreg:$0xf] =	wrdreg s26  }
0xd: {  	s13 =	simm.s32 $0x0;
	s10 =	sadd.s32 $0x4200, s10;
	[dreg:$0x6] =	wrdreg s9  }
0xe: {  	s17 =	sshrl.u32 s16, $0x2;
	s20 =	sadd.s32 $0x10, s9;
	[dreg:$0x5] =	wrdreg s10  }
0xf: {  	s7 =	sadd.s32 s7, s8;
	s21 =	sadd.s32 $0x20, s9;
	[dreg:$0x7] =	wrdreg s20  }
0x10: {  	s8 =	sor.u32 $0x1C09, s19;
	s22 =	sadd.s32 $0x30, s9;
	[dreg:$0x8] =	wrdreg s21  }
0x11: {  	s12 =	simm.s32 $0x4;
	s23 =	sadd.s32 $0x40, s9;
	[dreg:$0x9] =	wrdreg s22  }
0x12: {  	s7 =	sshrl.u32 s7, $0x3;
	s24 =	sadd.s32 $0x50, s9;
	[dreg:$0xa] =	wrdreg s23  }
0x13: {  	s1 =	simm.s32 $0x5;
	s25 =	sadd.s32 $0x4E0, s9;
	[dreg:$0xb] =	wrdreg s24  }
0x14: {  	s0 =	sadd.s32 s7, s0;
	s9 =	sadd.s32 $0x4F0, s9;
	[dreg:$0xc] =	wrdreg s25  }
0x15: {  	s11 =	simm.s32 $0x8;
	s0 =	sadd.s32 $0xAB000, s0;
	[dreg:$0xd] =	wrdreg s9  }
0x16: {  	s7 =	sadd.s32 s17, s3;
	s26 =	simm.s32 $0x1;
	[dreg:$0xe] =	wrdreg s0  }
0x17: {  	s20 =	sshrl.u32 s7, $0x3;
	s21 =	simm.s32 $0x9;
	s22 =	simm.s32 $0x2800  }
0x18: {  	s23 =	simm.s32 $0x2880;
	s24 =	simm.s32 $0x2900;
	s25 =	simm.s32 $0x2980  }
0x19: {  	s0 =	simm.s32 $0x7;
	s7 =	simm.s32 $0x3;
	s9 =	simm.s32 $0x6  }
.LBB2_1:
0x1a: {  	s10 =	rddreg [dreg:$0x4]  }
0x1b: {  	[spmem:s20], [sflag:s8] =	dma.local [hbm:s10], $0x2780  }
0x1c: {  	_ =	swait.ge [sflag:s21], $0x2780  }
0x1d: {  	[sflag:s21] =	ssyncset.done $0x0  }
0x1e: {  	s16 =	rddreg [dreg:$0x5];
	[sflag:s21] =	ssyncadd.s32 $0xFFFFD880  }
0x1f: {  	[tilespmem:s4], [sflag:$0x9] =	stream.linear.gather [hbm4b:s16+s4], $0x2800, $0x38;
	[tilespmem:$0x1E600] =	vst v63  }
0x20: {  	_ =	swait.ge [sflag:s21], $0x2800  }
0x21: {  	[sflag:s21] =	ssyncset.done $0x0  }
0x22: {  	[sflag:s21] =	ssyncadd.s32 $0xFFFFD800  }
0x23: {  	[bflag:$0x0] =	sbarrier.arrive $0xFFFF  }
0x24: {  	s17 =	rddreg [dreg:$0x6]  }
0x25: {  	[tilespmem:s22], [sflag:$0x1] =	stream.linear.gather [hbm4b:s17+s4], $0x80, $0x38;
	[tilespmem:$0x1E600] =	vst v63  }
0x26: {  	s18 =	rddreg [dreg:$0x7]  }
0x27: {  	[tilespmem:s23], [sflag:$0x2] =	stream.linear.gather [hbm4b:s18+s4], $0x80, $0x38;
	[tilespmem:$0x1E600] =	vst v63  }
0x28: {  	s19 =	rddreg [dreg:$0x8]  }
0x29: {  	[tilespmem:s24], [sflag:$0x3] =	stream.linear.gather [hbm4b:s19+s4], $0x80, $0x38;
	[tilespmem:$0x1E600] =	vst v63  }
0x2a: {  	s14 =	rddreg [dreg:$0x9]  }
0x2b: {  	[tilespmem:s25], [sflag:$0x4] =	stream.linear.gather [hbm4b:s14+s4], $0x80, $0x38;
	[tilespmem:$0x1E600] =	vst v63  }
0x2c: {  	_ =	swait.ge [sflag:s26], $0x80  }
0x2d: {  	[sflag:s26] =	ssyncset.done $0x0  }
0x2e: {  	[sflag:s26] =	ssyncadd.s32 $0xFFFFFF80  }
0x2f: {  	[tilespmem:s29], [sflag:$0x5] =	stream.indirect.gather [hbm4b:s6+s28], $0x80, s22, s28, $0xb8;
	[tilespmem:$0x1E600] =	vst v63  }
0x30: {  	_ =	swait.ge [sflag:s30], $0x80  }
0x31: {  	[sflag:s30] =	ssyncset.done $0x0  }
0x32: {  	[sflag:s30] =	ssyncadd.s32 $0xFFFFFF80  }
0x33: {  	[tilespmem:s31], [sflag:$0x6] =	stream.indirect.gather [hbm4b:s6+s28], $0x80, s23, s28, $0xb8;
	[tilespmem:$0x1E600] =	vst v63  }
0x34: {  	_ =	swait.ge [sflag:s1], $0x4000  }
0x35: {  	[sflag:s1] =	ssyncset.done $0x0  }
0x36: {  	[sflag:s1] =	ssyncadd.s32 $0xFFFFC000  }
0x37: {  	[spmem:s3] =	stream.indirect.scatter.add.f32 [tilespmem:s29], [sflag:$0x7], $0x80, s4, s28, $0xb8;
	[tilespmem:$0x1E600] =	vst v63  }
0x38: {  	s15 =	rddreg [dreg:$0xa]  }
0x39: {  	[tilespmem:s22], [sflag:$0x1] =	stream.linear.gather [hbm4b:s15+s4], $0x80, $0x38;
	[tilespmem:$0x1E600] =	vst v63  }
0x3a: {  	_ =	swait.ge [sflag:s0], $0x4000  }
0x3b: {  	[sflag:s0] =	ssyncset.done $0x0  }
0x3c: {  	[sflag:s0] =	ssyncadd.s32 $0xFFFFC000  }
0x3d: {  	_ =	swait.ge [sflag:s7], $0x80  }
0x3e: {  	[sflag:s7] =	ssyncset.done $0x0  }
0x3f: {  	[sflag:s7] =	ssyncadd.s32 $0xFFFFFF80  }
0x40: {  	[tilespmem:s29], [sflag:$0x5] =	stream.indirect.gather [hbm4b:s6+s28], $0x80, s24, s28, $0xb8;
	[tilespmem:$0x1E600] =	vst v63  }
0x41: {  	_ =	swait.ge [sflag:s9], $0x4000  }
0x42: {  	[sflag:s9] =	ssyncset.done $0x0  }
0x43: {  	[sflag:s9] =	ssyncadd.s32 $0xFFFFC000  }
0x44: {  	[spmem:s3] =	stream.indirect.scatter.add.f32 [tilespmem:s31], [sflag:$0x8], $0x80, s28, s28, $0xb8;
	[tilespmem:$0x1E600] =	vst v63  }
0x45: {  	s16 =	rddreg [dreg:$0xb]  }
0x46: {  	[tilespmem:s23], [sflag:$0x2] =	stream.linear.gather [hbm4b:s16+s4], $0x80, $0x38;
	[tilespmem:$0x1E600] =	vst v63  }
0x47: {  	_ =	swait.ge [sflag:s11], $0x4000  }
0x48: {  	[sflag:s11] =	ssyncset.done $0x0  }
0x49: {  	[sflag:s11] =	ssyncadd.s32 $0xFFFFC000  }
0x4a: {  	s14 =	simm.s32 $0x200;
	_ =	swait.ge [sflag:s12], $0x80  }
0x4b: {  	s15 =	sand.u32 $0x3C00, s14;
	[sflag:s12] =	ssyncset.done $0x0  }
0x4c: {  	s14 =	sand.u32 $0x200, s14;
	s15 =	sadd.s32 s5, s15;
	[sflag:s12] =	ssyncadd.s32 $0xFFFFFF80  }
0x4d: {  	[tilespmem:s31], [sflag:$0x6] =	stream.indirect.gather [hbm4b:s6+s28], $0x80, s25, s28, $0xb8;
	[tilespmem:$0x1E600] =	vst v63  }
0x4e: {  	s14 =	sor.u32 s14, s15;
	_ =	swait.ge [sflag:s1], $0x4000  }
0x4f: {  	s14 =	sshrl.u32 s14, $0x3;
	[sflag:s1] =	ssyncset.done $0x0  }
0x50: {  	s17 =	simm.s32 $0x100;
	s14 =	sadd.s32 s14, s2;
	[sflag:s1] =	ssyncadd.s32 $0xFFFFC000  }
0x51: {  	[spmem:s3] =	stream.indirect.scatter.add.f32 [tilespmem:s29], [sflag:$0x7], $0x80, s17, s28, $0xb8;
	[tilespmem:$0x1E600] =	vst v63  }
0x52: {  	s18 =	sadd.s32 $0x20, s14  }
0x53: {  	[tilespmem:s24], [sflag:$0x3] =	stream.linear.gather [hbm4b:s18+s4], $0x80, $0x38;
	[tilespmem:$0x1E600] =	vst v63  }
0x54: {  	_ =	swait.ge [sflag:s0], $0x4000  }
0x55: {  	[sflag:s0] =	ssyncset.done $0x0  }
0x56: {  	[sflag:s0] =	ssyncadd.s32 $0xFFFFC000  }
0x57: {  	_ =	swait.ge [sflag:s26], $0x80  }
0x58: {  	[sflag:s26] =	ssyncset.done $0x0  }
0x59: {  	[sflag:s26] =	ssyncadd.s32 $0xFFFFFF80  }
0x5a: {  	[tilespmem:s29], [sflag:$0x5] =	stream.indirect.gather [hbm4b:s6+s28], $0x80, s22, s28, $0xb8;
	[tilespmem:$0x1E600] =	vst v63  }
0x5b: {  	_ =	swait.ge [sflag:s9], $0x4000  }
0x5c: {  	[sflag:s9] =	ssyncset.done $0x0  }
0x5d: {  	s19 =	simm.s32 $0x180;
	[sflag:s9] =	ssyncadd.s32 $0xFFFFC000  }
0x5e: {  	[spmem:s3] =	stream.indirect.scatter.add.f32 [tilespmem:s31], [sflag:$0x8], $0x80, s19, s28, $0xb8;
	[tilespmem:$0x1E600] =	vst v63  }
0x5f: {  	s14 =	sadd.s32 $0x30, s14  }
0x60: {  	[tilespmem:s25], [sflag:$0x4] =	stream.linear.gather [hbm4b:s14+s4], $0x80, $0x38;
	[tilespmem:$0x1E600] =	vst v63  }
0x61: {  	_ =	swait.ge [sflag:s11], $0x4000  }
0x62: {  	[sflag:s11] =	ssyncset.done $0x0  }
0x63: {  	[sflag:s11] =	ssyncadd.s32 $0xFFFFC000  }
0x64: {  	_ =	swait.ge [sflag:s30], $0x80  }
0x65: {  	s10 =	simm.s32 $0x400;
	[sflag:s30] =	ssyncset.done $0x0  }
0x66: {  	s16 =	sand.u32 $0x7C00, s10;
	[sflag:s30] =	ssyncadd.s32 $0xFFFFFF80  }
0x67: {  	[tilespmem:s31], [sflag:$0x6] =	stream.indirect.gather [hbm4b:s6+s28], $0x80, s23, s28, $0xb8;
	[tilespmem:$0x1E600] =	vst v63  }
0x68: {  	s15 =	sadd.s32 s5, s16;
	s14 =	sand.u32 $0x200, s10;
	_ =	swait.ge [sflag:s1], $0x4000  }
0x69: {  	s14 =	sor.u32 s14, s15;
	[sflag:s1] =	ssyncset.done $0x0  }
0x6a: {  	s17 =	simm.s32 $0x200;
	s14 =	sshrl.u32 s14, $0x3;
	[sflag:s1] =	ssyncadd.s32 $0xFFFFC000  }
0x6b: {  	[spmem:s3] =	stream.indirect.scatter.add.f32 [tilespmem:s29], [sflag:$0x7], $0x80, s17, s28, $0xb8;
	[tilespmem:$0x1E600] =	vst v63  }
0x6c: {  	s14 =	sadd.s32 s2, s14  }
0x6d: {  	[tilespmem:s22], [sflag:$0x1] =	stream.linear.gather [hbm4b:s14+s4], $0x80, $0x38;
	[tilespmem:$0x1E600] =	vst v63  }
0x6e: {  	_ =	swait.ge [sflag:s0], $0x4000  }
0x6f: {  	[sflag:s0] =	ssyncset.done $0x0  }
0x70: {  	[sflag:s0] =	ssyncadd.s32 $0xFFFFC000  }
0x71: {  	_ =	swait.ge [sflag:s7], $0x80  }
0x72: {  	s18 =	simm.s32 $0x480;
	[sflag:s7] =	ssyncset.done $0x0  }
0x73: {  	s19 =	sand.u32 $0x7C00, s18;
	[sflag:s7] =	ssyncadd.s32 $0xFFFFFF80  }
0x74: {  	[tilespmem:s29], [sflag:$0x5] =	stream.indirect.gather [hbm4b:s6+s28], $0x80, s24, s28, $0xb8;
	[tilespmem:$0x1E600] =	vst v63  }
0x75: {  	s15 =	sadd.s32 s5, s19;
	s14 =	sand.u32 $0x280, s18;
	_ =	swait.ge [sflag:s9], $0x4000  }
0x76: {  	s14 =	sor.u32 s14, s15;
	[sflag:s9] =	ssyncset.done $0x0  }
0x77: {  	s16 =	simm.s32 $0x280;
	s14 =	sshrl.u32 s14, $0x3;
	[sflag:s9] =	ssyncadd.s32 $0xFFFFC000  }
0x78: {  	[spmem:s3] =	stream.indirect.scatter.add.f32 [tilespmem:s31], [sflag:$0x8], $0x80, s16, s28, $0xb8;
	[tilespmem:$0x1E600] =	vst v63  }
0x79: {  	s15 =	simm.s32 $0x800;
	s14 =	sadd.s32 s2, s14  }
0x7a: {  	[tilespmem:s23], [sflag:$0x2] =	stream.linear.gather [hbm4b:s14+s4], $0x80, $0x38;
	[tilespmem:$0x1E600] =	vst v63  }
0x7b: {  	s16 =	simm.s32 $0x1000;
	s14 =	simm.s32 $0x680;
	_ =	swait.ge [sflag:s11], $0x4000  }
.LBB2_2:
0x7c: {  	p0 =	sne.s32 s16, $0x8800  }
0x7d: {  	s17 =	sadd.s32 $0xFFFFFD80, s14;
	[sflag:s11] =	ssyncset.done $0x0;
	s18 =	smov.u32 s16  }
0x7e: {  	s16 =	sadd.s32 $0x800, s16;
	s19 =	sand.u32 $0x3C00, s17;
	[sflag:s11] =	ssyncadd.s32 $0xFFFFC000  }
0x7f: {  	s17 =	sand.u32 $0x200, s17;
	s19 =	sadd.s32 s5, s19;
	_ =	swait.ge [sflag:s12], $0x80  }
0x80: {  	s17 =	sor.u32 s17, s19;
	[sflag:s12] =	ssyncset.done $0x0  }
0x81: {  	s19 =	sshrl.u32 s17, $0x3;
	[sflag:s12] =	ssyncadd.s32 $0xFFFFFF80  }
0x82: {  	[tilespmem:s31], [sflag:$0x6] =	stream.indirect.gather [hbm4b:s6+s28], $0x80, s25, s28, $0xb8;
	[tilespmem:$0x1E600] =	vst v63  }
0x83: {  	s17 =	sshra.s32 s15, $0x2;
	s19 =	sadd.s32 s19, s2;
	_ =	swait.ge [sflag:s1], $0x4000  }
0x84: {  	s15 =	smov.u32 s18;
	s10 =	sadd.s32 $0x100, s17;
	[sflag:s1] =	ssyncset.done $0x0  }
0x85: {  	[sflag:s1] =	ssyncadd.s32 $0xFFFFC000  }
0x86: {  	[spmem:s3] =	stream.indirect.scatter.add.f32 [tilespmem:s29], [sflag:$0x7], $0x80, s10, s28, $0xb8;
	[tilespmem:$0x1E600] =	vst v63  }
0x87: {  	s10 =	sadd.s32 $0x20, s19  }
0x88: {  	[tilespmem:s24], [sflag:$0x3] =	stream.linear.gather [hbm4b:s10+s4], $0x80, $0x38;
	[tilespmem:$0x1E600] =	vst v63  }
0x89: {  	_ =	swait.ge [sflag:s0], $0x4000  }
0x8a: {  	[sflag:s0] =	ssyncset.done $0x0  }
0x8b: {  	[sflag:s0] =	ssyncadd.s32 $0xFFFFC000  }
0x8c: {  	_ =	swait.ge [sflag:s26], $0x80  }
0x8d: {  	[sflag:s26] =	ssyncset.done $0x0  }
0x8e: {  	[sflag:s26] =	ssyncadd.s32 $0xFFFFFF80  }
0x8f: {  	[tilespmem:s29], [sflag:$0x5] =	stream.indirect.gather [hbm4b:s6+s28], $0x80, s22, s28, $0xb8;
	[tilespmem:$0x1E600] =	vst v63  }
0x90: {  	_ =	swait.ge [sflag:s9], $0x4000  }
0x91: {  	s10 =	sadd.s32 $0x180, s17;
	[sflag:s9] =	ssyncset.done $0x0  }
0x92: {  	[sflag:s9] =	ssyncadd.s32 $0xFFFFC000  }
0x93: {  	[spmem:s3] =	stream.indirect.scatter.add.f32 [tilespmem:s31], [sflag:$0x8], $0x80, s10, s28, $0xb8;
	[tilespmem:$0x1E600] =	vst v63  }
0x94: {  	s10 =	sadd.s32 $0x30, s19  }
0x95: {  	[tilespmem:s25], [sflag:$0x4] =	stream.linear.gather [hbm4b:s10+s4], $0x80, $0x38;
	[tilespmem:$0x1E600] =	vst v63  }
0x96: {  	_ =	swait.ge [sflag:s11], $0x4000  }
0x97: {  	[sflag:s11] =	ssyncset.done $0x0  }
0x98: {  	[sflag:s11] =	ssyncadd.s32 $0xFFFFC000  }
0x99: {  	_ =	swait.ge [sflag:s30], $0x80  }
0x9a: {  	s10 =	sadd.s32 $0xFFFFFF80, s14;
	[sflag:s30] =	ssyncset.done $0x0  }
0x9b: {  	s18 =	sand.u32 $0x7C00, s10;
	[sflag:s30] =	ssyncadd.s32 $0xFFFFFF80  }
0x9c: {  	[tilespmem:s31], [sflag:$0x6] =	stream.indirect.gather [hbm4b:s6+s28], $0x80, s23, s28, $0xb8;
	[tilespmem:$0x1E600] =	vst v63  }
0x9d: {  	s10 =	sand.u32 $0x200, s10;
	s18 =	sadd.s32 s5, s18;
	_ =	swait.ge [sflag:s1], $0x4000  }
0x9e: {  	s19 =	sadd.s32 $0x200, s17;
	s10 =	sor.u32 s10, s18;
	[sflag:s1] =	ssyncset.done $0x0  }
0x9f: {  	s10 =	sshrl.u32 s10, $0x3;
	[sflag:s1] =	ssyncadd.s32 $0xFFFFC000  }
0xa0: {  	[spmem:s3] =	stream.indirect.scatter.add.f32 [tilespmem:s29], [sflag:$0x7], $0x80, s19, s28, $0xb8;
	[tilespmem:$0x1E600] =	vst v63  }
0xa1: {  	s10 =	sadd.s32 s2, s10  }
0xa2: {  	[tilespmem:s22], [sflag:$0x1] =	stream.linear.gather [hbm4b:s10+s4], $0x80, $0x38;
	[tilespmem:$0x1E600] =	vst v63  }
0xa3: {  	_ =	swait.ge [sflag:s0], $0x4000  }
0xa4: {  	[sflag:s0] =	ssyncset.done $0x0  }
0xa5: {  	[sflag:s0] =	ssyncadd.s32 $0xFFFFC000  }
0xa6: {  	_ =	swait.ge [sflag:s7], $0x80  }
0xa7: {  	[sflag:s7] =	ssyncset.done $0x0  }
0xa8: {  	[sflag:s7] =	ssyncadd.s32 $0xFFFFFF80  }
0xa9: {  	[tilespmem:s29], [sflag:$0x5] =	stream.indirect.gather [hbm4b:s6+s28], $0x80, s24, s28, $0xb8;
	[tilespmem:$0x1E600] =	vst v63  }
0xaa: {  	s10 =	sand.u32 $0x7C00, s14;
	_ =	swait.ge [sflag:s9], $0x4000  }
0xab: {  	s18 =	sand.u32 $0x280, s14;
	s10 =	sadd.s32 s5, s10;
	[sflag:s9] =	ssyncset.done $0x0  }
0xac: {  	s17 =	sadd.s32 $0x280, s17;
	s10 =	sor.u32 s18, s10;
	[sflag:s9] =	ssyncadd.s32 $0xFFFFC000  }
0xad: {  	[spmem:s3] =	stream.indirect.scatter.add.f32 [tilespmem:s31], [sflag:$0x8], $0x80, s17, s28, $0xb8;
	[tilespmem:$0x1E600] =	vst v63  }
.Ltmp0:
0xae: {  	_ = 	snop;
	(pc) =	sbr.rel @p0 .LBB2_2-.Ltmp0, $4  }
0xaf: {  	s10 =	sshrl.u32 s10, $0x3  }
0xb0: {  	s10 =	sadd.s32 s2, s10  }
0xb1: {  	[tilespmem:s23], [sflag:$0x2] =	stream.linear.gather [hbm4b:s10+s4], $0x80, $0x38;
	[tilespmem:$0x1E600] =	vst v63  }
0xb2: {  	s14 =	sadd.s32 $0x200, s14;
	_ =	swait.ge [sflag:s11], $0x4000  }
0xb3: {  	[sflag:s11] =	ssyncset.done $0x0  }
0xb4: {  	[sflag:s11] =	ssyncadd.s32 $0xFFFFC000  }
0xb5: {  	s10 =	sadd.s32 $0xFFFFFD80, s14;
	_ =	swait.ge [sflag:s12], $0x80  }
0xb6: {  	s16 =	sand.u32 $0x3C00, s10;
	[sflag:s12] =	ssyncset.done $0x0  }
0xb7: {  	s10 =	sand.u32 $0x200, s10;
	s16 =	sadd.s32 s5, s16;
	[sflag:s12] =	ssyncadd.s32 $0xFFFFFF80  }
0xb8: {  	[tilespmem:s31], [sflag:$0x6] =	stream.indirect.gather [hbm4b:s6+s28], $0x80, s25, s28, $0xb8;
	[tilespmem:$0x1E600] =	vst v63  }
0xb9: {  	s10 =	sor.u32 s10, s16;
	_ =	swait.ge [sflag:s1], $0x4000  }
0xba: {  	s15 =	sshra.s32 s15, $0x2;
	s10 =	sshrl.u32 s10, $0x3;
	[sflag:s1] =	ssyncset.done $0x0  }
0xbb: {  	s18 =	sadd.s32 $0x100, s15;
	s10 =	sadd.s32 s10, s2;
	[sflag:s1] =	ssyncadd.s32 $0xFFFFC000  }
0xbc: {  	[spmem:s3] =	stream.indirect.scatter.add.f32 [tilespmem:s29], [sflag:$0x7], $0x80, s18, s28, $0xb8;
	[tilespmem:$0x1E600] =	vst v63  }
0xbd: {  	s19 =	sadd.s32 $0x20, s10  }
0xbe: {  	[tilespmem:s24], [sflag:$0x3] =	stream.linear.gather [hbm4b:s19+s4], $0x80, $0x38;
	[tilespmem:$0x1E600] =	vst v63  }
0xbf: {  	_ =	swait.ge [sflag:s0], $0x4000  }
0xc0: {  	[sflag:s0] =	ssyncset.done $0x0  }
0xc1: {  	[sflag:s0] =	ssyncadd.s32 $0xFFFFC000  }
0xc2: {  	_ =	swait.ge [sflag:s26], $0x80  }
0xc3: {  	[sflag:s26] =	ssyncset.done $0x0  }
0xc4: {  	[sflag:s26] =	ssyncadd.s32 $0xFFFFFF80  }
0xc5: {  	[tilespmem:s29], [sflag:$0x5] =	stream.indirect.gather [hbm4b:s6+s28], $0x80, s22, s28, $0xb8;
	[tilespmem:$0x1E600] =	vst v63  }
0xc6: {  	_ =	swait.ge [sflag:s9], $0x4000  }
0xc7: {  	[sflag:s9] =	ssyncset.done $0x0  }
0xc8: {  	s17 =	sadd.s32 $0x180, s15;
	[sflag:s9] =	ssyncadd.s32 $0xFFFFC000  }
0xc9: {  	[spmem:s3] =	stream.indirect.scatter.add.f32 [tilespmem:s31], [sflag:$0x8], $0x80, s17, s28, $0xb8;
	[tilespmem:$0x1E600] =	vst v63  }
0xca: {  	s10 =	sadd.s32 $0x30, s10  }
0xcb: {  	[tilespmem:s25], [sflag:$0x4] =	stream.linear.gather [hbm4b:s10+s4], $0x80, $0x38;
	[tilespmem:$0x1E600] =	vst v63  }
0xcc: {  	_ =	swait.ge [sflag:s11], $0x4000  }
0xcd: {  	[sflag:s11] =	ssyncset.done $0x0  }
0xce: {  	[sflag:s11] =	ssyncadd.s32 $0xFFFFC000  }
0xcf: {  	_ =	swait.ge [sflag:s30], $0x80  }
0xd0: {  	s18 =	sadd.s32 $0xFFFFFF80, s14;
	[sflag:s30] =	ssyncset.done $0x0  }
0xd1: {  	s19 =	sand.u32 $0x7C00, s18;
	[sflag:s30] =	ssyncadd.s32 $0xFFFFFF80  }
0xd2: {  	[tilespmem:s31], [sflag:$0x6] =	stream.indirect.gather [hbm4b:s6+s28], $0x80, s23, s28, $0xb8;
	[tilespmem:$0x1E600] =	vst v63  }
0xd3: {  	s16 =	sadd.s32 s5, s19;
	s10 =	sand.u32 $0x200, s18;
	_ =	swait.ge [sflag:s1], $0x4000  }
0xd4: {  	s10 =	sor.u32 s10, s16;
	[sflag:s1] =	ssyncset.done $0x0  }
0xd5: {  	s17 =	sadd.s32 $0x200, s15;
	s10 =	sshrl.u32 s10, $0x3;
	[sflag:s1] =	ssyncadd.s32 $0xFFFFC000  }
0xd6: {  	[spmem:s3] =	stream.indirect.scatter.add.f32 [tilespmem:s29], [sflag:$0x7], $0x80, s17, s28, $0xb8;
	[tilespmem:$0x1E600] =	vst v63  }
0xd7: {  	s10 =	sadd.s32 s2, s10  }
0xd8: {  	[tilespmem:s22], [sflag:$0x1] =	stream.linear.gather [hbm4b:s10+s4], $0x80, $0x38;
	[tilespmem:$0x1E600] =	vst v63  }
0xd9: {  	_ =	swait.ge [sflag:s0], $0x4000  }
0xda: {  	[sflag:s0] =	ssyncset.done $0x0  }
0xdb: {  	[sflag:s0] =	ssyncadd.s32 $0xFFFFC000  }
0xdc: {  	_ =	swait.ge [sflag:s7], $0x80  }
0xdd: {  	[sflag:s7] =	ssyncset.done $0x0  }
0xde: {  	s18 =	sand.u32 $0x7C00, s14;
	[sflag:s7] =	ssyncadd.s32 $0xFFFFFF80  }
0xdf: {  	[tilespmem:s29], [sflag:$0x5] =	stream.indirect.gather [hbm4b:s6+s28], $0x80, s24, s28, $0xb8;
	[tilespmem:$0x1E600] =	vst v63  }
0xe0: {  	s19 =	sand.u32 $0x280, s14;
	s10 =	sadd.s32 s5, s18;
	_ =	swait.ge [sflag:s9], $0x4000  }
0xe1: {  	s10 =	sor.u32 s19, s10;
	[sflag:s9] =	ssyncset.done $0x0  }
0xe2: {  	s15 =	sadd.s32 $0x280, s15;
	s10 =	sshrl.u32 s10, $0x3;
	[sflag:s9] =	ssyncadd.s32 $0xFFFFC000  }
0xe3: {  	[spmem:s3] =	stream.indirect.scatter.add.f32 [tilespmem:s31], [sflag:$0x8], $0x80, s15, s28, $0xb8;
	[tilespmem:$0x1E600] =	vst v63  }
0xe4: {  	s10 =	sadd.s32 s2, s10  }
0xe5: {  	[tilespmem:s23], [sflag:$0x2] =	stream.linear.gather [hbm4b:s10+s4], $0x80, $0x38;
	[tilespmem:$0x1E600] =	vst v63  }
0xe6: {  	_ =	swait.ge [sflag:s11], $0x4000  }
0xe7: {  	[sflag:s11] =	ssyncset.done $0x0  }
0xe8: {  	[sflag:s11] =	ssyncadd.s32 $0xFFFFC000  }
0xe9: {  	_ =	swait.ge [sflag:s12], $0x80  }
0xea: {  	[sflag:s12] =	ssyncset.done $0x0  }
0xeb: {  	[sflag:s12] =	ssyncadd.s32 $0xFFFFFF80  }
0xec: {  	[tilespmem:s31], [sflag:$0x6] =	stream.indirect.gather [hbm4b:s6+s28], $0x80, s25, s28, $0xb8;
	[tilespmem:$0x1E600] =	vst v63  }
0xed: {  	_ =	swait.ge [sflag:s1], $0x4000  }
0xee: {  	[sflag:s1] =	ssyncset.done $0x0  }
0xef: {  	s16 =	simm.s32 $0x2500;
	[sflag:s1] =	ssyncadd.s32 $0xFFFFC000  }
0xf0: {  	[spmem:s3] =	stream.indirect.scatter.add.f32 [tilespmem:s29], [sflag:$0x7], $0x80, s16, s28, $0xb8;
	[tilespmem:$0x1E600] =	vst v63  }
0xf1: {  	s17 =	rddreg [dreg:$0xc]  }
0xf2: {  	[tilespmem:s24], [sflag:$0x3] =	stream.linear.gather [hbm4b:s17+s4], $0x80, $0x38;
	[tilespmem:$0x1E600] =	vst v63  }
0xf3: {  	_ =	swait.ge [sflag:s0], $0x4000  }
0xf4: {  	[sflag:s0] =	ssyncset.done $0x0  }
0xf5: {  	[sflag:s0] =	ssyncadd.s32 $0xFFFFC000  }
0xf6: {  	_ =	swait.ge [sflag:s26], $0x80  }
0xf7: {  	[sflag:s26] =	ssyncset.done $0x0  }
0xf8: {  	[sflag:s26] =	ssyncadd.s32 $0xFFFFFF80  }
0xf9: {  	[tilespmem:s29], [sflag:$0x5] =	stream.indirect.gather [hbm4b:s6+s28], $0x80, s22, s28, $0xb8;
	[tilespmem:$0x1E600] =	vst v63  }
0xfa: {  	_ =	swait.ge [sflag:s9], $0x4000  }
0xfb: {  	[sflag:s9] =	ssyncset.done $0x0  }
0xfc: {  	s18 =	simm.s32 $0x2580;
	[sflag:s9] =	ssyncadd.s32 $0xFFFFC000  }
0xfd: {  	[spmem:s3] =	stream.indirect.scatter.add.f32 [tilespmem:s31], [sflag:$0x8], $0x80, s18, s28, $0xb8;
	[tilespmem:$0x1E600] =	vst v63  }
0xfe: {  	s19 =	rddreg [dreg:$0xd]  }
0xff: {  	[tilespmem:s25], [sflag:$0x4] =	stream.linear.gather [hbm4b:s19+s4], $0x80, $0x38;
	[tilespmem:$0x1E600] =	vst v63  }
0x100: {  	_ =	swait.ge [sflag:s11], $0x4000  }
0x101: {  	[sflag:s11] =	ssyncset.done $0x0  }
0x102: {  	[sflag:s11] =	ssyncadd.s32 $0xFFFFC000  }
0x103: {  	_ =	swait.ge [sflag:s30], $0x80  }
0x104: {  	[sflag:s30] =	ssyncset.done $0x0  }
0x105: {  	[sflag:s30] =	ssyncadd.s32 $0xFFFFFF80  }
0x106: {  	[tilespmem:s31], [sflag:$0x6] =	stream.indirect.gather [hbm4b:s6+s28], $0x80, s23, s28, $0xb8;
	[tilespmem:$0x1E600] =	vst v63  }
0x107: {  	_ =	swait.ge [sflag:s1], $0x4000  }
0x108: {  	[sflag:s1] =	ssyncset.done $0x0  }
0x109: {  	s14 =	simm.s32 $0x2600;
	[sflag:s1] =	ssyncadd.s32 $0xFFFFC000  }
0x10a: {  	[spmem:s3] =	stream.indirect.scatter.add.f32 [tilespmem:s29], [sflag:$0x7], $0x80, s14, s28, $0xb8;
	[tilespmem:$0x1E600] =	vst v63  }
0x10b: {  	_ =	swait.ge [sflag:s0], $0x4000  }
0x10c: {  	[sflag:s0] =	ssyncset.done $0x0  }
0x10d: {  	[sflag:s0] =	ssyncadd.s32 $0xFFFFC000  }
0x10e: {  	_ =	swait.ge [sflag:s7], $0x80  }
0x10f: {  	[sflag:s7] =	ssyncset.done $0x0  }
0x110: {  	[sflag:s7] =	ssyncadd.s32 $0xFFFFFF80  }
0x111: {  	[tilespmem:s29], [sflag:$0x5] =	stream.indirect.gather [hbm4b:s6+s28], $0x80, s24, s28, $0xb8;
	[tilespmem:$0x1E600] =	vst v63  }
0x112: {  	_ =	swait.ge [sflag:s9], $0x4000  }
0x113: {  	[sflag:s9] =	ssyncset.done $0x0  }
0x114: {  	s15 =	simm.s32 $0x2680;
	[sflag:s9] =	ssyncadd.s32 $0xFFFFC000  }
0x115: {  	[spmem:s3] =	stream.indirect.scatter.add.f32 [tilespmem:s31], [sflag:$0x8], $0x80, s15, s28, $0xb8;
	[tilespmem:$0x1E600] =	vst v63  }
0x116: {  	_ =	swait.ge [sflag:s11], $0x4000  }
0x117: {  	[sflag:s11] =	ssyncset.done $0x0  }
0x118: {  	[sflag:s11] =	ssyncadd.s32 $0xFFFFC000  }
0x119: {  	_ =	swait.ge [sflag:s12], $0x80  }
0x11a: {  	[sflag:s12] =	ssyncset.done $0x0  }
0x11b: {  	[sflag:s12] =	ssyncadd.s32 $0xFFFFFF80  }
0x11c: {  	[tilespmem:s31], [sflag:$0x6] =	stream.indirect.gather [hbm4b:s6+s28], $0x80, s25, s28, $0xb8;
	[tilespmem:$0x1E600] =	vst v63  }
0x11d: {  	_ =	swait.ge [sflag:s1], $0x4000  }
0x11e: {  	[sflag:s1] =	ssyncset.done $0x0  }
0x11f: {  	s16 =	simm.s32 $0x2700;
	[sflag:s1] =	ssyncadd.s32 $0xFFFFC000  }
0x120: {  	[spmem:s3] =	stream.indirect.scatter.add.f32 [tilespmem:s29], [sflag:$0x7], $0x80, s16, s28, $0xb8;
	[tilespmem:$0x1E600] =	vst v63  }
0x121: {  	_ =	swait.ge [sflag:s9], $0x4000  }
0x122: {  	[sflag:s9] =	ssyncset.done $0x0  }
0x123: {  	s17 =	simm.s32 $0x2780;
	[sflag:s9] =	ssyncadd.s32 $0xFFFFC000  }
0x124: {  	[spmem:s3] =	stream.indirect.scatter.add.f32 [tilespmem:s31], [sflag:$0x8], $0x80, s17, s28, $0xb8;
	[tilespmem:$0x1E600] =	vst v63  }
0x125: {  	_ =	swait.ge [sflag:s0], $0x4000  }
0x126: {  	[sflag:s0] =	ssyncset.done $0x0  }
0x127: {  	[sflag:s0] =	ssyncadd.s32 $0xFFFFC000  }
0x128: {  	_ =	swait.ge [sflag:s11], $0x4000  }
0x129: {  	[sflag:s11] =	ssyncset.done $0x0  }
0x12a: {  	[sflag:s11] =	ssyncadd.s32 $0xFFFFC000  }
0x12b: {  	[bflag:$0x0] =	sbarrier.arrive $0xFFFF  }
0x12c: {  	s18 =	rddreg [dreg:$0xe]  }
0x12d: {  	[hbm:s18], [sflag:s8] =	dma.local [spmem:s20], $0x2780  }
0x12e: {  	_ =	swait.ge [sflag:s21], $0x2780  }
0x12f: {  	s13 =	sadd.s32 $0x1, s13;
	s19 =	rddreg [dreg:$0xf]  }
0x130: {  	p0 =	sne.s32 s13, s19  }
.Ltmp1:
0x131: {  	_ = 	snop;
	(pc) =	sbr.rel @p0 .LBB2_1-.Ltmp1, $3  }
0x132: {  	_ =	sdelay $0x1  }
0x133: {  	[sflag:s21] =	ssyncset.done $0x0  }
0x134: {  	[sflag:s21] =	ssyncadd.s32 $0xFFFFD880  }
0x135: {  	_ =	sfence.sel $0x180000  }
0x136: {  	[bflag:$0x0] =	sbarrier.arrive $0xFFFF  }
0x137: {  	_ =	strace $0x9000004D  }
0x138: {  	s0 =	stileid.u32;
	[bflag:$0x2] =	sbarrier.arrive $0xFFFF  }
0x139: {  	p0 =	sne.s32 s0, $0x0;
	s0 =	rddreg [dreg:$0x3]  }
0x13a: {  	s0 =	sadd.s32 @!p0 $0x100000, s0  }
0x13b: {  	[sflag:s0] =	ssyncadd.tile.s32 @!p0 $0x1;
	_ =	shalt  }
.Lfunc_end2:
_tile_overlayer_lowered:
.L_overlay_start_2:
0x13c: {  	(tag) =	ssettag $0x2  }
0x13d: {  	s0 =	rddreg [dreg:$0x0];
	s2 =	stileid.u32  }
0x13e: {  	s1 =	rddreg [dreg:$0x1];
	p0 =	sne.s32 s2, $0x0  }
0x13f: {  	s3 =	rddreg [dreg:$0x2];
	[bflag:$0x3] =	sbarrier.arrive $0xFFFF;
	s2 =	simm.s32 @!p0 $0x1C09  }
0x140: {  	[timem:s3], [sflag:s2] =	dma.local @!p0 [hbm:s0], s1  }
0x141: {  	s0 =	simm.s32 @!p0 $0x9  }
0x142: {  	_ =	swait.ge @!p0 [sflag:s0], s1  }
0x143: {  	s1 =	ssub.s32 @!p0 $0x0, s1;
	[sflag:s0] =	ssyncset.done @!p0 $0x0  }
0x144: {  	[sflag:s0] =	ssyncadd.s32 @!p0 s1  }
0x145: {  	[bflag:$0x3] =	sbarrier.arrive $0xFFFF  }
0x146: {  	_ =	shalt  }

// kernel: kernel.18.cloned.1.call-start
scs
__scs_entry_jumppad:
0x0: {  	(pc) =	sbr.rel $0x88, $3  }
0x1: {  	(tag) =	ssettag $0x0;
	lr =	simm.s32 $0x1  }
0x2: {  	[smem:$0x3F96] =	sst lr;
	_ =	strace $0xD0000000  }
0x3: {  	_ = 	snop  }
0x4: {  	_ = 	snop  }
0x5: {  	_ = 	snop  }
0x6: {  	_ = 	snop  }
0x7: {  	_ = 	snop  }
__scs_overlays_trampoline_lowered:
0x8: {  	[smem:$0x3FA5] =	sst s0  }
0x9: {  	[smem:$0x3FA6] =	sst s1  }
0xa: {  	[smem:$0x3FA7] =	sst s2  }
0xb: {  	[smem:$0x3FA8] =	sst s3  }
0xc: {  	[smem:$0x3FA9] =	sst s4  }
0xd: {  	[smem:$0x3FAA] =	sst s5  }
0xe: {  	[smem:$0x3FAB] =	sst s6  }
0xf: {  	[smem:$0x3FAC] =	sst s7  }
0x10: {  	[smem:$0x3FAD] =	sst s8  }
0x11: {  	[smem:$0x3FAE] =	sst s9;
	s0 =	simm.s32 @!p0 $0x0  }
0x12: {  	s1 =	sld [smem:$0x3F94];
	s0 =	simm.s32 @p0 $0x1  }
0x13: {  	[smem:$0x3FAF] =	sst s0;
	s0 =	simm.s32 @!p1 $0x0  }
0x14: {  	s2 =	sld [smem:$0x3F93];
	s0 =	simm.s32 @p1 $0x1  }
0x15: {  	[smem:$0x3FB0] =	sst s0;
	s0 =	simm.s32 @!p2 $0x0  }
0x16: {  	s3 =	sld [smem:$0x3FDB];
	s0 =	simm.s32 @p2 $0x1  }
0x17: {  	s4 =	simm.s32 $0x1BF5;
	[smem:$0x3FB2] =	sst s0  }
0x18: {  	s0 =	sld [smem:$0x3F95];
	_ =	swait.ge [sflag:s4], $0x0  }
0x19: {  	s7 =	sld [smem:$0x3F96]  }
0x1a: {  	s8 =	sadd.s32 $0xFFFFE003, lr  }
0x1b: {  	s9 =	sadd.s32 $0xFFFFFEF7, lr;
	s5 =	simm.s32 $0xFFFFFFFF;
	p2 =	slt.u32 s8, $0xFFFFF086  }
0x1c: {  	p1 =	slt.u32 s9, $0xF7A;
	s5 =	simm.s32 @!p2 $0x0  }
0x1d: {  	s5 =	simm.s32 @p1 $0x1;
	p0 =	seq.s32 s7, s2  }
0x1e: {  	s7 =	smul.u32 @!p0 $0xF7A, s2;
	p2 =	seq.s32 @!p0 s5, $0x0  }
0x1f: {  	s9 =	smul.u32 $0xF7A, s1;
	s8 =	simm.s32 @!p0 $0x1BF5;
	p2 =	por !p2, p0  }
0x20: {  	[sflag:s8] =	ssyncset.s32 @!p0 $0xFFFFF086;
	s6 =	sadd.s32 @!p0 s3, s7;
	s7 =	simm.s32 @!p0 $0x108  }
0x21: {  	s3 =	sadd.s32 s3, s9;
	s6 =	sadd.s32 @!p0 $0x88, s6;
	s7 =	simm.s32 @p2 $0x1082  }
0x22: {  	[simem:s7], [sflag:s8] =	dma.local @!p0 [hbm:s6], $0xF7A  }
0x23: {  	s9 =	sor.u32 $0xD0000000, s2;
	s6 =	simm.s32 $0x108;
	_ =	swait.ge @!p0 [sflag:s8], $0x0  }
0x24: {  	s3 =	sadd.s32 $0x88, s3;
	s6 =	simm.s32 @!p1 $0x1082;
	[sflag:s4] =	ssyncset.s32 $0xFFFFF086  }
0x25: {  	[simem:s6], [sflag:s4] =	dma.local [hbm:s3], $0xF7A  }
0x26: {  	[smem:$0x3F96] =	sst s1;
	(tag) =	ssettag s2;
	_ =	strace s9  }
0x27: {  	s1 =	sld [smem:$0x3FA6]  }
0x28: {  	s2 =	sld [smem:$0x3FA7]  }
0x29: {  	s4 =	sld [smem:$0x3FA9]  }
0x2a: {  	p0 =	seq.s32 s5, $0x0;
	s5 =	sld [smem:$0x3FAA]  }
0x2b: {  	s6 =	sld [smem:$0x3FAB]  }
0x2c: {  	s7 =	sld [smem:$0x3FAC]  }
0x2d: {  	s3 =	simm.s32 $0x108;
	s8 =	sld [smem:$0x3FAD]  }
0x2e: {  	s3 =	simm.s32 @!p0 $0x1082;
	s9 =	sld [smem:$0x3FAE]  }
0x2f: {  	lr =	sadd.s32 s0, s3;
	s0 =	sld [smem:$0x3FA5]  }
0x30: {  	s3 =	sld [smem:$0x3FA8]  }
0x31: {  	[smem:$0x3FB1] =	sst s10  }
0x32: {  	s10 =	sld [smem:$0x3FAF];
	_ =	sdelay $0x3  }
0x33: {  	p0 =	seq.s32 s10, $0x1;
	s10 =	sld [smem:$0x3FB1];
	_ =	sdelay $0x3  }
0x34: {  	[smem:$0x3FB1] =	sst s10  }
0x35: {  	s10 =	sld [smem:$0x3FB0];
	_ =	sdelay $0x3  }
0x36: {  	p1 =	seq.s32 s10, $0x1;
	s10 =	sld [smem:$0x3FB1];
	_ =	sdelay $0x3  }
0x37: {  	[smem:$0x3FB1] =	sst s10  }
0x38: {  	s10 =	sld [smem:$0x3FB2]  }
0x39: {  	_ = 	snop;
	(pc) =	sbr.ind lr, $3  }
0x3a: {  	_ = 	snop  }
0x3b: {  	_ = 	snop  }
0x3c: {  	p2 =	seq.s32 s10, $0x1;
	s10 =	sld [smem:$0x3FB1]  }
0x3d: {  	_ =	shalt  }
0x3e: {  	_ =	shalt  }
0x3f: {  	_ =	shalt  }
0x40: {  	_ =	shalt  }
0x41: {  	_ =	shalt  }
0x42: {  	_ =	shalt  }
0x43: {  	_ =	shalt  }
0x44: {  	_ =	shalt  }
0x45: {  	_ =	shalt  }
0x46: {  	_ =	shalt  }
0x47: {  	_ =	shalt  }
0x48: {  	_ =	shalt  }
0x49: {  	_ =	shalt  }
0x4a: {  	_ =	shalt  }
0x4b: {  	_ =	shalt  }
0x4c: {  	_ =	shalt  }
0x4d: {  	_ =	shalt  }
0x4e: {  	_ =	shalt  }
0x4f: {  	_ =	shalt  }
0x50: {  	_ =	shalt  }
0x51: {  	_ =	shalt  }
0x52: {  	_ =	shalt  }
0x53: {  	_ =	shalt  }
0x54: {  	_ =	shalt  }
0x55: {  	_ =	shalt  }
0x56: {  	_ =	shalt  }
0x57: {  	_ =	shalt  }
0x58: {  	_ =	shalt  }
0x59: {  	_ =	shalt  }
0x5a: {  	_ =	shalt  }
0x5b: {  	_ =	shalt  }
0x5c: {  	_ =	shalt  }
0x5d: {  	_ =	shalt  }
0x5e: {  	_ =	shalt  }
0x5f: {  	_ =	shalt  }
0x60: {  	_ =	shalt  }
0x61: {  	_ =	shalt  }
0x62: {  	_ =	shalt  }
0x63: {  	_ =	shalt  }
0x64: {  	_ =	shalt  }
0x65: {  	_ =	shalt  }
0x66: {  	_ =	shalt  }
0x67: {  	_ =	shalt  }
0x68: {  	_ =	shalt  }
0x69: {  	_ =	shalt  }
0x6a: {  	_ =	shalt  }
0x6b: {  	_ =	shalt  }
0x6c: {  	_ =	shalt  }
0x6d: {  	_ =	shalt  }
0x6e: {  	_ =	shalt  }
0x6f: {  	_ =	shalt  }
0x70: {  	_ =	shalt  }
0x71: {  	_ =	shalt  }
0x72: {  	_ =	shalt  }
0x73: {  	_ =	shalt  }
0x74: {  	_ =	shalt  }
0x75: {  	_ =	shalt  }
0x76: {  	_ =	shalt  }
0x77: {  	_ =	shalt  }
0x78: {  	_ =	shalt  }
0x79: {  	_ =	shalt  }
0x7a: {  	_ =	shalt  }
0x7b: {  	_ =	shalt  }
0x7c: {  	_ =	shalt  }
0x7d: {  	_ =	shalt  }
0x7e: {  	_ =	shalt  }
0x7f: {  	_ =	shalt  }
0x80: {  	_ =	shalt  }
0x81: {  	_ =	shalt  }
0x82: {  	_ =	shalt  }
0x83: {  	_ =	shalt  }
0x84: {  	_ =	shalt  }
0x85: {  	_ =	shalt  }
0x86: {  	_ =	shalt  }
0x87: {  	_ =	shalt  }
.Lfunc_end0:
.L_simem_size_0:
called_computation.3_lowered:
.L_overlay_start_0:
0x88: {  	s2 =	sld [smem:$0x3FD9]  }
0x89: {  	s3 =	sld [smem:$0x3FFE];
	_ =	sdelay $0x1  }
0x8a: {  	s1 =	srdreg.scid  }
0x8b: {  	s0 =	sand.u32 $0x1, s1  }
0x8c: {  	s17 =	sshll.u32 s0, $0xA;
	s2 =	sadd.s32 s3, s2  }
0x8d: {  	s2 =	sadd.s32 s2, s17  }
0x8e: {  	[smem:$0x3FBD] =	sst s2  }
0x8f: {  	_ = 	snop  }
0x90: {  	s2 =	sld [smem:$0x3FD0];
	(tm) =	ssettm $0x1  }
0x91: {  	s18 =	sld [smem:$0x3FFB];
	_ =	sdelay $0x3  }
0x92: {  	_ =	strace s18  }
0x93: {  	s3 =	sld [smem:$0x3FFC];
	_ =	sdelay $0x3  }
0x94: {  	_ =	strace s3  }
0x95: {  	s3 =	sld [smem:$0x3FFD];
	_ =	sdelay $0x3  }
0x96: {  	_ =	strace s3  }
0x97: {  	_ =	strace $0x8FFFFFFF  }
0x98: {  	s19 =	sld [smem:$0x3FDB];
	_ =	sdelay $0x1  }
0x99: {  	s4 =	simm.s32 $_scs_section_size  }
0x9a: {  	s5 =	simm.s32 $_size__tile_overlayer_lowered;
	s6 =	simm.s32 $_tile_overlayer_lowered  }
0x9b: {  	s22 =	simm.s32 $0x1BFF;
	s21 =	sshll.u32 s6, $0x1;
	s3 =	sadd.s32 s4, s19  }
0x9c: {  	s7 =	simm.s32 $0x0;
	s20 =	sshll.u32 s5, $0x1;
	s5 =	sadd.s32 s21, s3  }
0x9d: {  	[timem:s7], [sflag:s22] =	dma.local [hbm:s5], s20  }
0x9e: {  	_ =	swait.ge [sflag:s22], s20  }
0x9f: {  	s4 =	ssub.s32 $0x0, s20;
	[sflag:s22] =	ssyncset.done $0x0  }
0xa0: {  	[sflag:s22] =	ssyncadd.s32 s4;
	_ =	sdelay $0x1  }
0xa1: {  	s23 =	simm.s32 $0x1B8B  }
0xa2: {  	_ =	swait.ge [sflag:s23], $0x1  }
0xa3: {  	[sflag:s23] =	ssyncset.done $0x0  }
0xa4: {  	s25 =	simm.s32 $0x1B8E;
	s24 =	sld [smem:$0x3FFE];
	[sflag:s23] =	ssyncadd.s32 $0xFFFFFFFF  }
0xa5: {  	s26 =	simm.s32 $execute0_lowered;
	[smem:$0x3FD2] =	sst s25  }
0xa6: {  	s5 =	sshll.u32 s26, $0x1;
	_ =	strace $0x8000004F;
	[dreg:$0x1] =	wrdreg $0xFFFFFFFF  }
0xa7: {  	s28 =	simm.s32 $_size_execute0_lowered;
	s3 =	sadd.s32 s3, s5;
	[dreg:$0x0] =	wrdreg $0x0  }
0xa8: {  	s5 =	sshll.u32 s28, $0x1;
	[dreg:$0x2] =	wrdreg s3  }
0xa9: {  	[dreg:$0x3] =	wrdreg s5  }
0xaa: {  	[dreg:$0x4] =	wrdreg $0xC0  }
0xab: {  	_ =	task [dreg:s7], $0x5FFFF  }
0xac: {  	[dreg:$0x1] =	wrdreg $0xFFFFFFFF  }
0xad: {  	[dreg:$0x0] =	wrdreg $0x60  }
0xae: {  	[dreg:$0x2] =	wrdreg s24  }
0xaf: {  	[dreg:$0x3] =	wrdreg s2  }
0xb0: {  	[dreg:$0x4] =	wrdreg $0xAA000  }
0xb1: {  	[dreg:$0x5] =	wrdreg $0x9  }
0xb2: {  	_ =	task.clear_ibuf [dreg:s7], $0x6FFFF;
	_ =	strace $0x9000004F  }
0xb3: {  	s29 =	simm.s32 $0x9;
	_ =	strace $0x80000051  }
0xb4: {  	_ =	swait.ge [sflag:s29], $0x1  }
0xb5: {  	[sflag:s29] =	ssyncadd.s32 $0xFFFFFFFF  }
0xb6: {  	_ =	strace $0x90000051  }
0xb7: {  	_ =	sfence  }
0xb8: {  	s30 =	sld [smem:$0x0];
	_ =	sdelay $0x2  }
0xb9: {  	s31 =	sshll.u32 s1, $0xD;
	s1 =	sshrl.u32 s1, $0x2  }
0xba: {  	s3 =	sand.u32 $0x4000, s31;
	s1 =	sadd.s32 s1, s30  }
0xbb: {  	s0 =	sor.u32 s3, s0;
	s1 =	sshll.u32 s1, $0x11  }
0xbc: {  	s0 =	sor.u32 s1, s0  }
0xbd: {  	s0 =	sadd.s32 $0x8F2B, s0  }
0xbe: {  	[sflag:s0] =	ssyncadd.remote.s32 $0x1  }
0xbf: {  	_ =	sfence.sel $0xFFFF  }
0xc0: {  	[dreg:$0x0] =	wrdreg $0xFFFFFFFF;
	(pc) =	sbr.abs _section_cstart, $3  }
0xc1: {  	[dreg:$0x1] =	wrdreg $0xFFFFFFFF  }
0xc2: {  	_ =	task.clear_ibuf [dreg:s7], $0x2FFFF;
	_ =	strace $0x9FFFFFFF  }
0xc3: {  	(tm) =	ssettm $0x7FFFFFFF  }
tec
execute0_lowered:
.L_overlay_start_1:
0x0: {  	(tag) =	ssettag $0x1  }
0x1: {  	s0 =	rddreg [dreg:$0x0]  }
0x2: {  	s1 =	srdreg.scid;
	s2 =	rddreg [dreg:$0x1]  }
0x3: {  	s13 =	stileid.u32;
	s3 =	rddreg [dreg:$0x2];
	s28 =	simm.s32 $0x80  }
0x4: {  	s29 =	simm.s32 $0x2A00;
	s30 =	simm.s32 $0x2;
	s31 =	simm.s32 $0x6A00  }
0x5: {  	s1 =	sand.u32 $0x1, s1;
	s4 =	sshll.u32 s13, $0x1;
	s7 =	smul.u32 $0x13C00, s13  }
0x6: {  	s6 =	sadd.s32 $0x83E00, s0;
	s16 =	smul.u32 $0x4F000, s13;
	s19 =	sshll.u32 s13, $0x6  }
0x7: {  	s5 =	sor.u32 s1, s4;
	s4 =	simm.s32 $0x0;
	s8 =	smul.u32 $0x13C000, s1  }
0x8: {  	s1 =	ssub.s32 $0x2, s1;
	s5 =	smul.u32 $0x2800, s5;
	s11 =	sshrl.u32 s7, $0x3  }
0x9: {  	[smem:$0x7FF] =	sst s4;
	s12 =	sshrl.u32 s1, $0x1;
	s11 =	sadd.s32 s11, s0  }
0xa: {  	_ =	strace $0x80000050;
	s1 =	ssub.s32 s1, s12;
	s18 =	sadd.s32 $0xE200, s11  }
0xb: {  	s9 =	sshrl.u32 s5, $0x3;
	s26 =	smax.u32 s1, $0x1;
	[dreg:$0x4] =	wrdreg s18  }
0xc: {  	s10 =	sadd.s32 s9, s0;
	s9 =	sadd.s32 s2, s9;
	[dreg:$0xf] =	wrdreg s26  }
0xd: {  	s13 =	simm.s32 $0x0;
	s10 =	sadd.s32 $0x4200, s10;
	[dreg:$0x6] =	wrdreg s9  }
0xe: {  	s17 =	sshrl.u32 s16, $0x2;
	s20 =	sadd.s32 $0x10, s9;
	[dreg:$0x5] =	wrdreg s10  }
0xf: {  	s7 =	sadd.s32 s7, s8;
	s21 =	sadd.s32 $0x20, s9;
	[dreg:$0x7] =	wrdreg s20  }
0x10: {  	s8 =	sor.u32 $0x1C09, s19;
	s22 =	sadd.s32 $0x30, s9;
	[dreg:$0x8] =	wrdreg s21  }
0x11: {  	s12 =	simm.s32 $0x4;
	s23 =	sadd.s32 $0x40, s9;
	[dreg:$0x9] =	wrdreg s22  }
0x12: {  	s7 =	sshrl.u32 s7, $0x3;
	s24 =	sadd.s32 $0x50, s9;
	[dreg:$0xa] =	wrdreg s23  }
0x13: {  	s1 =	simm.s32 $0x5;
	s25 =	sadd.s32 $0x4E0, s9;
	[dreg:$0xb] =	wrdreg s24  }
0x14: {  	s0 =	sadd.s32 s7, s0;
	s9 =	sadd.s32 $0x4F0, s9;
	[dreg:$0xc] =	wrdreg s25  }
0x15: {  	s11 =	simm.s32 $0x8;
	s0 =	sadd.s32 $0xAB000, s0;
	[dreg:$0xd] =	wrdreg s9  }
0x16: {  	s7 =	sadd.s32 s17, s3;
	s26 =	simm.s32 $0x1;
	[dreg:$0xe] =	wrdreg s0  }
0x17: {  	s20 =	sshrl.u32 s7, $0x3;
	s21 =	simm.s32 $0x9;
	s22 =	simm.s32 $0x2800  }
0x18: {  	s23 =	simm.s32 $0x2880;
	s24 =	simm.s32 $0x2900;
	s25 =	simm.s32 $0x2980  }
0x19: {  	s0 =	simm.s32 $0x7;
	s7 =	simm.s32 $0x3;
	s9 =	simm.s32 $0x6  }
.LBB2_1:
0x1a: {  	s10 =	rddreg [dreg:$0x4]  }
0x1b: {  	[spmem:s20], [sflag:s8] =	dma.local [hbm:s10], $0x2780  }
0x1c: {  	_ =	swait.ge [sflag:s21], $0x2780  }
0x1d: {  	[sflag:s21] =	ssyncset.done $0x0  }
0x1e: {  	s16 =	rddreg [dreg:$0x5];
	[sflag:s21] =	ssyncadd.s32 $0xFFFFD880  }
0x1f: {  	[tilespmem:s4], [sflag:$0x9] =	stream.linear.gather [hbm4b:s16+s4], $0x2800, $0x38;
	[tilespmem:$0x1E600] =	vst v63  }
0x20: {  	_ =	swait.ge [sflag:s21], $0x2800  }
0x21: {  	[sflag:s21] =	ssyncset.done $0x0  }
0x22: {  	[sflag:s21] =	ssyncadd.s32 $0xFFFFD800  }
0x23: {  	[bflag:$0x0] =	sbarrier.arrive $0xFFFF  }
0x24: {  	s17 =	rddreg [dreg:$0x6]  }
0x25: {  	[tilespmem:s22], [sflag:$0x1] =	stream.linear.gather [hbm4b:s17+s4], $0x80, $0x38;
	[tilespmem:$0x1E600] =	vst v63  }
0x26: {  	s18 =	rddreg [dreg:$0x7]  }
0x27: {  	[tilespmem:s23], [sflag:$0x2] =	stream.linear.gather [hbm4b:s18+s4], $0x80, $0x38;
	[tilespmem:$0x1E600] =	vst v63  }
0x28: {  	s19 =	rddreg [dreg:$0x8]  }
0x29: {  	[tilespmem:s24], [sflag:$0x3] =	stream.linear.gather [hbm4b:s19+s4], $0x80, $0x38;
	[tilespmem:$0x1E600] =	vst v63  }
0x2a: {  	s14 =	rddreg [dreg:$0x9]  }
0x2b: {  	[tilespmem:s25], [sflag:$0x4] =	stream.linear.gather [hbm4b:s14+s4], $0x80, $0x38;
	[tilespmem:$0x1E600] =	vst v63  }
0x2c: {  	_ =	swait.ge [sflag:s26], $0x80  }
0x2d: {  	[sflag:s26] =	ssyncset.done $0x0  }
0x2e: {  	[sflag:s26] =	ssyncadd.s32 $0xFFFFFF80  }
0x2f: {  	[tilespmem:s29], [sflag:$0x5] =	stream.indirect.gather [hbm4b:s6+s28], $0x80, s22, s28, $0xb8;
	[tilespmem:$0x1E600] =	vst v63  }
0x30: {  	_ =	swait.ge [sflag:s30], $0x80  }
0x31: {  	[sflag:s30] =	ssyncset.done $0x0  }
0x32: {  	[sflag:s30] =	ssyncadd.s32 $0xFFFFFF80  }
0x33: {  	[tilespmem:s31], [sflag:$0x6] =	stream.indirect.gather [hbm4b:s6+s28], $0x80, s23, s28, $0xb8;
	[tilespmem:$0x1E600] =	vst v63  }
0x34: {  	_ =	swait.ge [sflag:s1], $0x4000  }
0x35: {  	[sflag:s1] =	ssyncset.done $0x0  }
0x36: {  	[sflag:s1] =	ssyncadd.s32 $0xFFFFC000  }
0x37: {  	[spmem:s3] =	stream.indirect.scatter.add.f32 [tilespmem:s29], [sflag:$0x7], $0x80, s4, s28, $0xb8;
	[tilespmem:$0x1E600] =	vst v63  }
0x38: {  	s15 =	rddreg [dreg:$0xa]  }
0x39: {  	[tilespmem:s22], [sflag:$0x1] =	stream.linear.gather [hbm4b:s15+s4], $0x80, $0x38;
	[tilespmem:$0x1E600] =	vst v63  }
0x3a: {  	_ =	swait.ge [sflag:s0], $0x4000  }
0x3b: {  	[sflag:s0] =	ssyncset.done $0x0  }
0x3c: {  	[sflag:s0] =	ssyncadd.s32 $0xFFFFC000  }
0x3d: {  	_ =	swait.ge [sflag:s7], $0x80  }
0x3e: {  	[sflag:s7] =	ssyncset.done $0x0  }
0x3f: {  	[sflag:s7] =	ssyncadd.s32 $0xFFFFFF80  }
0x40: {  	[tilespmem:s29], [sflag:$0x5] =	stream.indirect.gather [hbm4b:s6+s28], $0x80, s24, s28, $0xb8;
	[tilespmem:$0x1E600] =	vst v63  }
0x41: {  	_ =	swait.ge [sflag:s9], $0x4000  }
0x42: {  	[sflag:s9] =	ssyncset.done $0x0  }
0x43: {  	[sflag:s9] =	ssyncadd.s32 $0xFFFFC000  }
0x44: {  	[spmem:s3] =	stream.indirect.scatter.add.f32 [tilespmem:s31], [sflag:$0x8], $0x80, s28, s28, $0xb8;
	[tilespmem:$0x1E600] =	vst v63  }
0x45: {  	s16 =	rddreg [dreg:$0xb]  }
0x46: {  	[tilespmem:s23], [sflag:$0x2] =	stream.linear.gather [hbm4b:s16+s4], $0x80, $0x38;
	[tilespmem:$0x1E600] =	vst v63  }
0x47: {  	_ =	swait.ge [sflag:s11], $0x4000  }
0x48: {  	[sflag:s11] =	ssyncset.done $0x0  }
0x49: {  	[sflag:s11] =	ssyncadd.s32 $0xFFFFC000  }
0x4a: {  	s14 =	simm.s32 $0x200;
	_ =	swait.ge [sflag:s12], $0x80  }
0x4b: {  	s15 =	sand.u32 $0x3C00, s14;
	[sflag:s12] =	ssyncset.done $0x0  }
0x4c: {  	s14 =	sand.u32 $0x200, s14;
	s15 =	sadd.s32 s5, s15;
	[sflag:s12] =	ssyncadd.s32 $0xFFFFFF80  }
0x4d: {  	[tilespmem:s31], [sflag:$0x6] =	stream.indirect.gather [hbm4b:s6+s28], $0x80, s25, s28, $0xb8;
	[tilespmem:$0x1E600] =	vst v63  }
0x4e: {  	s14 =	sor.u32 s14, s15;
	_ =	swait.ge [sflag:s1], $0x4000  }
0x4f: {  	s14 =	sshrl.u32 s14, $0x3;
	[sflag:s1] =	ssyncset.done $0x0  }
0x50: {  	s17 =	simm.s32 $0x100;
	s14 =	sadd.s32 s14, s2;
	[sflag:s1] =	ssyncadd.s32 $0xFFFFC000  }
0x51: {  	[spmem:s3] =	stream.indirect.scatter.add.f32 [tilespmem:s29], [sflag:$0x7], $0x80, s17, s28, $0xb8;
	[tilespmem:$0x1E600] =	vst v63  }
0x52: {  	s18 =	sadd.s32 $0x20, s14  }
0x53: {  	[tilespmem:s24], [sflag:$0x3] =	stream.linear.gather [hbm4b:s18+s4], $0x80, $0x38;
	[tilespmem:$0x1E600] =	vst v63  }
0x54: {  	_ =	swait.ge [sflag:s0], $0x4000  }
0x55: {  	[sflag:s0] =	ssyncset.done $0x0  }
0x56: {  	[sflag:s0] =	ssyncadd.s32 $0xFFFFC000  }
0x57: {  	_ =	swait.ge [sflag:s26], $0x80  }
0x58: {  	[sflag:s26] =	ssyncset.done $0x0  }
0x59: {  	[sflag:s26] =	ssyncadd.s32 $0xFFFFFF80  }
0x5a: {  	[tilespmem:s29], [sflag:$0x5] =	stream.indirect.gather [hbm4b:s6+s28], $0x80, s22, s28, $0xb8;
	[tilespmem:$0x1E600] =	vst v63  }
0x5b: {  	_ =	swait.ge [sflag:s9], $0x4000  }
0x5c: {  	[sflag:s9] =	ssyncset.done $0x0  }
0x5d: {  	s19 =	simm.s32 $0x180;
	[sflag:s9] =	ssyncadd.s32 $0xFFFFC000  }
0x5e: {  	[spmem:s3] =	stream.indirect.scatter.add.f32 [tilespmem:s31], [sflag:$0x8], $0x80, s19, s28, $0xb8;
	[tilespmem:$0x1E600] =	vst v63  }
0x5f: {  	s14 =	sadd.s32 $0x30, s14  }
0x60: {  	[tilespmem:s25], [sflag:$0x4] =	stream.linear.gather [hbm4b:s14+s4], $0x80, $0x38;
	[tilespmem:$0x1E600] =	vst v63  }
0x61: {  	_ =	swait.ge [sflag:s11], $0x4000  }
0x62: {  	[sflag:s11] =	ssyncset.done $0x0  }
0x63: {  	[sflag:s11] =	ssyncadd.s32 $0xFFFFC000  }
0x64: {  	_ =	swait.ge [sflag:s30], $0x80  }
0x65: {  	s10 =	simm.s32 $0x400;
	[sflag:s30] =	ssyncset.done $0x0  }
0x66: {  	s16 =	sand.u32 $0x7C00, s10;
	[sflag:s30] =	ssyncadd.s32 $0xFFFFFF80  }
0x67: {  	[tilespmem:s31], [sflag:$0x6] =	stream.indirect.gather [hbm4b:s6+s28], $0x80, s23, s28, $0xb8;
	[tilespmem:$0x1E600] =	vst v63  }
0x68: {  	s15 =	sadd.s32 s5, s16;
	s14 =	sand.u32 $0x200, s10;
	_ =	swait.ge [sflag:s1], $0x4000  }
0x69: {  	s14 =	sor.u32 s14, s15;
	[sflag:s1] =	ssyncset.done $0x0  }
0x6a: {  	s17 =	simm.s32 $0x200;
	s14 =	sshrl.u32 s14, $0x3;
	[sflag:s1] =	ssyncadd.s32 $0xFFFFC000  }
0x6b: {  	[spmem:s3] =	stream.indirect.scatter.add.f32 [tilespmem:s29], [sflag:$0x7], $0x80, s17, s28, $0xb8;
	[tilespmem:$0x1E600] =	vst v63  }
0x6c: {  	s14 =	sadd.s32 s2, s14  }
0x6d: {  	[tilespmem:s22], [sflag:$0x1] =	stream.linear.gather [hbm4b:s14+s4], $0x80, $0x38;
	[tilespmem:$0x1E600] =	vst v63  }
0x6e: {  	_ =	swait.ge [sflag:s0], $0x4000  }
0x6f: {  	[sflag:s0] =	ssyncset.done $0x0  }
0x70: {  	[sflag:s0] =	ssyncadd.s32 $0xFFFFC000  }
0x71: {  	_ =	swait.ge [sflag:s7], $0x80  }
0x72: {  	s18 =	simm.s32 $0x480;
	[sflag:s7] =	ssyncset.done $0x0  }
0x73: {  	s19 =	sand.u32 $0x7C00, s18;
	[sflag:s7] =	ssyncadd.s32 $0xFFFFFF80  }
0x74: {  	[tilespmem:s29], [sflag:$0x5] =	stream.indirect.gather [hbm4b:s6+s28], $0x80, s24, s28, $0xb8;
	[tilespmem:$0x1E600] =	vst v63  }
0x75: {  	s15 =	sadd.s32 s5, s19;
	s14 =	sand.u32 $0x280, s18;
	_ =	swait.ge [sflag:s9], $0x4000  }
0x76: {  	s14 =	sor.u32 s14, s15;
	[sflag:s9] =	ssyncset.done $0x0  }
0x77: {  	s16 =	simm.s32 $0x280;
	s14 =	sshrl.u32 s14, $0x3;
	[sflag:s9] =	ssyncadd.s32 $0xFFFFC000  }
0x78: {  	[spmem:s3] =	stream.indirect.scatter.add.f32 [tilespmem:s31], [sflag:$0x8], $0x80, s16, s28, $0xb8;
	[tilespmem:$0x1E600] =	vst v63  }
0x79: {  	s15 =	simm.s32 $0x800;
	s14 =	sadd.s32 s2, s14  }
0x7a: {  	[tilespmem:s23], [sflag:$0x2] =	stream.linear.gather [hbm4b:s14+s4], $0x80, $0x38;
	[tilespmem:$0x1E600] =	vst v63  }
0x7b: {  	s16 =	simm.s32 $0x1000;
	s14 =	simm.s32 $0x680;
	_ =	swait.ge [sflag:s11], $0x4000  }
.LBB2_2:
0x7c: {  	p0 =	sne.s32 s16, $0x8800  }
0x7d: {  	s17 =	sadd.s32 $0xFFFFFD80, s14;
	[sflag:s11] =	ssyncset.done $0x0;
	s18 =	smov.u32 s16  }
0x7e: {  	s16 =	sadd.s32 $0x800, s16;
	s19 =	sand.u32 $0x3C00, s17;
	[sflag:s11] =	ssyncadd.s32 $0xFFFFC000  }
0x7f: {  	s17 =	sand.u32 $0x200, s17;
	s19 =	sadd.s32 s5, s19;
	_ =	swait.ge [sflag:s12], $0x80  }
0x80: {  	s17 =	sor.u32 s17, s19;
	[sflag:s12] =	ssyncset.done $0x0  }
0x81: {  	s19 =	sshrl.u32 s17, $0x3;
	[sflag:s12] =	ssyncadd.s32 $0xFFFFFF80  }
0x82: {  	[tilespmem:s31], [sflag:$0x6] =	stream.indirect.gather [hbm4b:s6+s28], $0x80, s25, s28, $0xb8;
	[tilespmem:$0x1E600] =	vst v63  }
0x83: {  	s17 =	sshra.s32 s15, $0x2;
	s19 =	sadd.s32 s19, s2;
	_ =	swait.ge [sflag:s1], $0x4000  }
0x84: {  	s15 =	smov.u32 s18;
	s10 =	sadd.s32 $0x100, s17;
	[sflag:s1] =	ssyncset.done $0x0  }
0x85: {  	[sflag:s1] =	ssyncadd.s32 $0xFFFFC000  }
0x86: {  	[spmem:s3] =	stream.indirect.scatter.add.f32 [tilespmem:s29], [sflag:$0x7], $0x80, s10, s28, $0xb8;
	[tilespmem:$0x1E600] =	vst v63  }
0x87: {  	s10 =	sadd.s32 $0x20, s19  }
0x88: {  	[tilespmem:s24], [sflag:$0x3] =	stream.linear.gather [hbm4b:s10+s4], $0x80, $0x38;
	[tilespmem:$0x1E600] =	vst v63  }
0x89: {  	_ =	swait.ge [sflag:s0], $0x4000  }
0x8a: {  	[sflag:s0] =	ssyncset.done $0x0  }
0x8b: {  	[sflag:s0] =	ssyncadd.s32 $0xFFFFC000  }
0x8c: {  	_ =	swait.ge [sflag:s26], $0x80  }
0x8d: {  	[sflag:s26] =	ssyncset.done $0x0  }
0x8e: {  	[sflag:s26] =	ssyncadd.s32 $0xFFFFFF80  }
0x8f: {  	[tilespmem:s29], [sflag:$0x5] =	stream.indirect.gather [hbm4b:s6+s28], $0x80, s22, s28, $0xb8;
	[tilespmem:$0x1E600] =	vst v63  }
0x90: {  	_ =	swait.ge [sflag:s9], $0x4000  }
0x91: {  	s10 =	sadd.s32 $0x180, s17;
	[sflag:s9] =	ssyncset.done $0x0  }
0x92: {  	[sflag:s9] =	ssyncadd.s32 $0xFFFFC000  }
0x93: {  	[spmem:s3] =	stream.indirect.scatter.add.f32 [tilespmem:s31], [sflag:$0x8], $0x80, s10, s28, $0xb8;
	[tilespmem:$0x1E600] =	vst v63  }
0x94: {  	s10 =	sadd.s32 $0x30, s19  }
0x95: {  	[tilespmem:s25], [sflag:$0x4] =	stream.linear.gather [hbm4b:s10+s4], $0x80, $0x38;
	[tilespmem:$0x1E600] =	vst v63  }
0x96: {  	_ =	swait.ge [sflag:s11], $0x4000  }
0x97: {  	[sflag:s11] =	ssyncset.done $0x0  }
0x98: {  	[sflag:s11] =	ssyncadd.s32 $0xFFFFC000  }
0x99: {  	_ =	swait.ge [sflag:s30], $0x80  }
0x9a: {  	s10 =	sadd.s32 $0xFFFFFF80, s14;
	[sflag:s30] =	ssyncset.done $0x0  }
0x9b: {  	s18 =	sand.u32 $0x7C00, s10;
	[sflag:s30] =	ssyncadd.s32 $0xFFFFFF80  }
0x9c: {  	[tilespmem:s31], [sflag:$0x6] =	stream.indirect.gather [hbm4b:s6+s28], $0x80, s23, s28, $0xb8;
	[tilespmem:$0x1E600] =	vst v63  }
0x9d: {  	s10 =	sand.u32 $0x200, s10;
	s18 =	sadd.s32 s5, s18;
	_ =	swait.ge [sflag:s1], $0x4000  }
0x9e: {  	s19 =	sadd.s32 $0x200, s17;
	s10 =	sor.u32 s10, s18;
	[sflag:s1] =	ssyncset.done $0x0  }
0x9f: {  	s10 =	sshrl.u32 s10, $0x3;
	[sflag:s1] =	ssyncadd.s32 $0xFFFFC000  }
0xa0: {  	[spmem:s3] =	stream.indirect.scatter.add.f32 [tilespmem:s29], [sflag:$0x7], $0x80, s19, s28, $0xb8;
	[tilespmem:$0x1E600] =	vst v63  }
0xa1: {  	s10 =	sadd.s32 s2, s10  }
0xa2: {  	[tilespmem:s22], [sflag:$0x1] =	stream.linear.gather [hbm4b:s10+s4], $0x80, $0x38;
	[tilespmem:$0x1E600] =	vst v63  }
0xa3: {  	_ =	swait.ge [sflag:s0], $0x4000  }
0xa4: {  	[sflag:s0] =	ssyncset.done $0x0  }
0xa5: {  	[sflag:s0] =	ssyncadd.s32 $0xFFFFC000  }
0xa6: {  	_ =	swait.ge [sflag:s7], $0x80  }
0xa7: {  	[sflag:s7] =	ssyncset.done $0x0  }
0xa8: {  	[sflag:s7] =	ssyncadd.s32 $0xFFFFFF80  }
0xa9: {  	[tilespmem:s29], [sflag:$0x5] =	stream.indirect.gather [hbm4b:s6+s28], $0x80, s24, s28, $0xb8;
	[tilespmem:$0x1E600] =	vst v63  }
0xaa: {  	s10 =	sand.u32 $0x7C00, s14;
	_ =	swait.ge [sflag:s9], $0x4000  }
0xab: {  	s18 =	sand.u32 $0x280, s14;
	s10 =	sadd.s32 s5, s10;
	[sflag:s9] =	ssyncset.done $0x0  }
0xac: {  	s17 =	sadd.s32 $0x280, s17;
	s10 =	sor.u32 s18, s10;
	[sflag:s9] =	ssyncadd.s32 $0xFFFFC000  }
0xad: {  	[spmem:s3] =	stream.indirect.scatter.add.f32 [tilespmem:s31], [sflag:$0x8], $0x80, s17, s28, $0xb8;
	[tilespmem:$0x1E600] =	vst v63  }
.Ltmp0:
0xae: {  	_ = 	snop;
	(pc) =	sbr.rel @p0 .LBB2_2-.Ltmp0, $4  }
0xaf: {  	s10 =	sshrl.u32 s10, $0x3  }
0xb0: {  	s10 =	sadd.s32 s2, s10  }
0xb1: {  	[tilespmem:s23], [sflag:$0x2] =	stream.linear.gather [hbm4b:s10+s4], $0x80, $0x38;
	[tilespmem:$0x1E600] =	vst v63  }
0xb2: {  	s14 =	sadd.s32 $0x200, s14;
	_ =	swait.ge [sflag:s11], $0x4000  }
0xb3: {  	[sflag:s11] =	ssyncset.done $0x0  }
0xb4: {  	[sflag:s11] =	ssyncadd.s32 $0xFFFFC000  }
0xb5: {  	s10 =	sadd.s32 $0xFFFFFD80, s14;
	_ =	swait.ge [sflag:s12], $0x80  }
0xb6: {  	s16 =	sand.u32 $0x3C00, s10;
	[sflag:s12] =	ssyncset.done $0x0  }
0xb7: {  	s10 =	sand.u32 $0x200, s10;
	s16 =	sadd.s32 s5, s16;
	[sflag:s12] =	ssyncadd.s32 $0xFFFFFF80  }
0xb8: {  	[tilespmem:s31], [sflag:$0x6] =	stream.indirect.gather [hbm4b:s6+s28], $0x80, s25, s28, $0xb8;
	[tilespmem:$0x1E600] =	vst v63  }
0xb9: {  	s10 =	sor.u32 s10, s16;
	_ =	swait.ge [sflag:s1], $0x4000  }
0xba: {  	s15 =	sshra.s32 s15, $0x2;
	s10 =	sshrl.u32 s10, $0x3;
	[sflag:s1] =	ssyncset.done $0x0  }
0xbb: {  	s18 =	sadd.s32 $0x100, s15;
	s10 =	sadd.s32 s10, s2;
	[sflag:s1] =	ssyncadd.s32 $0xFFFFC000  }
0xbc: {  	[spmem:s3] =	stream.indirect.scatter.add.f32 [tilespmem:s29], [sflag:$0x7], $0x80, s18, s28, $0xb8;
	[tilespmem:$0x1E600] =	vst v63  }
0xbd: {  	s19 =	sadd.s32 $0x20, s10  }
0xbe: {  	[tilespmem:s24], [sflag:$0x3] =	stream.linear.gather [hbm4b:s19+s4], $0x80, $0x38;
	[tilespmem:$0x1E600] =	vst v63  }
0xbf: {  	_ =	swait.ge [sflag:s0], $0x4000  }
0xc0: {  	[sflag:s0] =	ssyncset.done $0x0  }
0xc1: {  	[sflag:s0] =	ssyncadd.s32 $0xFFFFC000  }
0xc2: {  	_ =	swait.ge [sflag:s26], $0x80  }
0xc3: {  	[sflag:s26] =	ssyncset.done $0x0  }
0xc4: {  	[sflag:s26] =	ssyncadd.s32 $0xFFFFFF80  }
0xc5: {  	[tilespmem:s29], [sflag:$0x5] =	stream.indirect.gather [hbm4b:s6+s28], $0x80, s22, s28, $0xb8;
	[tilespmem:$0x1E600] =	vst v63  }
0xc6: {  	_ =	swait.ge [sflag:s9], $0x4000  }
0xc7: {  	[sflag:s9] =	ssyncset.done $0x0  }
0xc8: {  	s17 =	sadd.s32 $0x180, s15;
	[sflag:s9] =	ssyncadd.s32 $0xFFFFC000  }
0xc9: {  	[spmem:s3] =	stream.indirect.scatter.add.f32 [tilespmem:s31], [sflag:$0x8], $0x80, s17, s28, $0xb8;
	[tilespmem:$0x1E600] =	vst v63  }
0xca: {  	s10 =	sadd.s32 $0x30, s10  }
0xcb: {  	[tilespmem:s25], [sflag:$0x4] =	stream.linear.gather [hbm4b:s10+s4], $0x80, $0x38;
	[tilespmem:$0x1E600] =	vst v63  }
0xcc: {  	_ =	swait.ge [sflag:s11], $0x4000  }
0xcd: {  	[sflag:s11] =	ssyncset.done $0x0  }
0xce: {  	[sflag:s11] =	ssyncadd.s32 $0xFFFFC000  }
0xcf: {  	_ =	swait.ge [sflag:s30], $0x80  }
0xd0: {  	s18 =	sadd.s32 $0xFFFFFF80, s14;
	[sflag:s30] =	ssyncset.done $0x0  }
0xd1: {  	s19 =	sand.u32 $0x7C00, s18;
	[sflag:s30] =	ssyncadd.s32 $0xFFFFFF80  }
0xd2: {  	[tilespmem:s31], [sflag:$0x6] =	stream.indirect.gather [hbm4b:s6+s28], $0x80, s23, s28, $0xb8;
	[tilespmem:$0x1E600] =	vst v63  }
0xd3: {  	s16 =	sadd.s32 s5, s19;
	s10 =	sand.u32 $0x200, s18;
	_ =	swait.ge [sflag:s1], $0x4000  }
0xd4: {  	s10 =	sor.u32 s10, s16;
	[sflag:s1] =	ssyncset.done $0x0  }
0xd5: {  	s17 =	sadd.s32 $0x200, s15;
	s10 =	sshrl.u32 s10, $0x3;
	[sflag:s1] =	ssyncadd.s32 $0xFFFFC000  }
0xd6: {  	[spmem:s3] =	stream.indirect.scatter.add.f32 [tilespmem:s29], [sflag:$0x7], $0x80, s17, s28, $0xb8;
	[tilespmem:$0x1E600] =	vst v63  }
0xd7: {  	s10 =	sadd.s32 s2, s10  }
0xd8: {  	[tilespmem:s22], [sflag:$0x1] =	stream.linear.gather [hbm4b:s10+s4], $0x80, $0x38;
	[tilespmem:$0x1E600] =	vst v63  }
0xd9: {  	_ =	swait.ge [sflag:s0], $0x4000  }
0xda: {  	[sflag:s0] =	ssyncset.done $0x0  }
0xdb: {  	[sflag:s0] =	ssyncadd.s32 $0xFFFFC000  }
0xdc: {  	_ =	swait.ge [sflag:s7], $0x80  }
0xdd: {  	[sflag:s7] =	ssyncset.done $0x0  }
0xde: {  	s18 =	sand.u32 $0x7C00, s14;
	[sflag:s7] =	ssyncadd.s32 $0xFFFFFF80  }
0xdf: {  	[tilespmem:s29], [sflag:$0x5] =	stream.indirect.gather [hbm4b:s6+s28], $0x80, s24, s28, $0xb8;
	[tilespmem:$0x1E600] =	vst v63  }
0xe0: {  	s19 =	sand.u32 $0x280, s14;
	s10 =	sadd.s32 s5, s18;
	_ =	swait.ge [sflag:s9], $0x4000  }
0xe1: {  	s10 =	sor.u32 s19, s10;
	[sflag:s9] =	ssyncset.done $0x0  }
0xe2: {  	s15 =	sadd.s32 $0x280, s15;
	s10 =	sshrl.u32 s10, $0x3;
	[sflag:s9] =	ssyncadd.s32 $0xFFFFC000  }
0xe3: {  	[spmem:s3] =	stream.indirect.scatter.add.f32 [tilespmem:s31], [sflag:$0x8], $0x80, s15, s28, $0xb8;
	[tilespmem:$0x1E600] =	vst v63  }
0xe4: {  	s10 =	sadd.s32 s2, s10  }
0xe5: {  	[tilespmem:s23], [sflag:$0x2] =	stream.linear.gather [hbm4b:s10+s4], $0x80, $0x38;
	[tilespmem:$0x1E600] =	vst v63  }
0xe6: {  	_ =	swait.ge [sflag:s11], $0x4000  }
0xe7: {  	[sflag:s11] =	ssyncset.done $0x0  }
0xe8: {  	[sflag:s11] =	ssyncadd.s32 $0xFFFFC000  }
0xe9: {  	_ =	swait.ge [sflag:s12], $0x80  }
0xea: {  	[sflag:s12] =	ssyncset.done $0x0  }
0xeb: {  	[sflag:s12] =	ssyncadd.s32 $0xFFFFFF80  }
0xec: {  	[tilespmem:s31], [sflag:$0x6] =	stream.indirect.gather [hbm4b:s6+s28], $0x80, s25, s28, $0xb8;
	[tilespmem:$0x1E600] =	vst v63  }
0xed: {  	_ =	swait.ge [sflag:s1], $0x4000  }
0xee: {  	[sflag:s1] =	ssyncset.done $0x0  }
0xef: {  	s16 =	simm.s32 $0x2500;
	[sflag:s1] =	ssyncadd.s32 $0xFFFFC000  }
0xf0: {  	[spmem:s3] =	stream.indirect.scatter.add.f32 [tilespmem:s29], [sflag:$0x7], $0x80, s16, s28, $0xb8;
	[tilespmem:$0x1E600] =	vst v63  }
0xf1: {  	s17 =	rddreg [dreg:$0xc]  }
0xf2: {  	[tilespmem:s24], [sflag:$0x3] =	stream.linear.gather [hbm4b:s17+s4], $0x80, $0x38;
	[tilespmem:$0x1E600] =	vst v63  }
0xf3: {  	_ =	swait.ge [sflag:s0], $0x4000  }
0xf4: {  	[sflag:s0] =	ssyncset.done $0x0  }
0xf5: {  	[sflag:s0] =	ssyncadd.s32 $0xFFFFC000  }
0xf6: {  	_ =	swait.ge [sflag:s26], $0x80  }
0xf7: {  	[sflag:s26] =	ssyncset.done $0x0  }
0xf8: {  	[sflag:s26] =	ssyncadd.s32 $0xFFFFFF80  }
0xf9: {  	[tilespmem:s29], [sflag:$0x5] =	stream.indirect.gather [hbm4b:s6+s28], $0x80, s22, s28, $0xb8;
	[tilespmem:$0x1E600] =	vst v63  }
0xfa: {  	_ =	swait.ge [sflag:s9], $0x4000  }
0xfb: {  	[sflag:s9] =	ssyncset.done $0x0  }
0xfc: {  	s18 =	simm.s32 $0x2580;
	[sflag:s9] =	ssyncadd.s32 $0xFFFFC000  }
0xfd: {  	[spmem:s3] =	stream.indirect.scatter.add.f32 [tilespmem:s31], [sflag:$0x8], $0x80, s18, s28, $0xb8;
	[tilespmem:$0x1E600] =	vst v63  }
0xfe: {  	s19 =	rddreg [dreg:$0xd]  }
0xff: {  	[tilespmem:s25], [sflag:$0x4] =	stream.linear.gather [hbm4b:s19+s4], $0x80, $0x38;
	[tilespmem:$0x1E600] =	vst v63  }
0x100: {  	_ =	swait.ge [sflag:s11], $0x4000  }
0x101: {  	[sflag:s11] =	ssyncset.done $0x0  }
0x102: {  	[sflag:s11] =	ssyncadd.s32 $0xFFFFC000  }
0x103: {  	_ =	swait.ge [sflag:s30], $0x80  }
0x104: {  	[sflag:s30] =	ssyncset.done $0x0  }
0x105: {  	[sflag:s30] =	ssyncadd.s32 $0xFFFFFF80  }
0x106: {  	[tilespmem:s31], [sflag:$0x6] =	stream.indirect.gather [hbm4b:s6+s28], $0x80, s23, s28, $0xb8;
	[tilespmem:$0x1E600] =	vst v63  }
0x107: {  	_ =	swait.ge [sflag:s1], $0x4000  }
0x108: {  	[sflag:s1] =	ssyncset.done $0x0  }
0x109: {  	s14 =	simm.s32 $0x2600;
	[sflag:s1] =	ssyncadd.s32 $0xFFFFC000  }
0x10a: {  	[spmem:s3] =	stream.indirect.scatter.add.f32 [tilespmem:s29], [sflag:$0x7], $0x80, s14, s28, $0xb8;
	[tilespmem:$0x1E600] =	vst v63  }
0x10b: {  	_ =	swait.ge [sflag:s0], $0x4000  }
0x10c: {  	[sflag:s0] =	ssyncset.done $0x0  }
0x10d: {  	[sflag:s0] =	ssyncadd.s32 $0xFFFFC000  }
0x10e: {  	_ =	swait.ge [sflag:s7], $0x80  }
0x10f: {  	[sflag:s7] =	ssyncset.done $0x0  }
0x110: {  	[sflag:s7] =	ssyncadd.s32 $0xFFFFFF80  }
0x111: {  	[tilespmem:s29], [sflag:$0x5] =	stream.indirect.gather [hbm4b:s6+s28], $0x80, s24, s28, $0xb8;
	[tilespmem:$0x1E600] =	vst v63  }
0x112: {  	_ =	swait.ge [sflag:s9], $0x4000  }
0x113: {  	[sflag:s9] =	ssyncset.done $0x0  }
0x114: {  	s15 =	simm.s32 $0x2680;
	[sflag:s9] =	ssyncadd.s32 $0xFFFFC000  }
0x115: {  	[spmem:s3] =	stream.indirect.scatter.add.f32 [tilespmem:s31], [sflag:$0x8], $0x80, s15, s28, $0xb8;
	[tilespmem:$0x1E600] =	vst v63  }
0x116: {  	_ =	swait.ge [sflag:s11], $0x4000  }
0x117: {  	[sflag:s11] =	ssyncset.done $0x0  }
0x118: {  	[sflag:s11] =	ssyncadd.s32 $0xFFFFC000  }
0x119: {  	_ =	swait.ge [sflag:s12], $0x80  }
0x11a: {  	[sflag:s12] =	ssyncset.done $0x0  }
0x11b: {  	[sflag:s12] =	ssyncadd.s32 $0xFFFFFF80  }
0x11c: {  	[tilespmem:s31], [sflag:$0x6] =	stream.indirect.gather [hbm4b:s6+s28], $0x80, s25, s28, $0xb8;
	[tilespmem:$0x1E600] =	vst v63  }
0x11d: {  	_ =	swait.ge [sflag:s1], $0x4000  }
0x11e: {  	[sflag:s1] =	ssyncset.done $0x0  }
0x11f: {  	s16 =	simm.s32 $0x2700;
	[sflag:s1] =	ssyncadd.s32 $0xFFFFC000  }
0x120: {  	[spmem:s3] =	stream.indirect.scatter.add.f32 [tilespmem:s29], [sflag:$0x7], $0x80, s16, s28, $0xb8;
	[tilespmem:$0x1E600] =	vst v63  }
0x121: {  	_ =	swait.ge [sflag:s9], $0x4000  }
0x122: {  	[sflag:s9] =	ssyncset.done $0x0  }
0x123: {  	s17 =	simm.s32 $0x2780;
	[sflag:s9] =	ssyncadd.s32 $0xFFFFC000  }
0x124: {  	[spmem:s3] =	stream.indirect.scatter.add.f32 [tilespmem:s31], [sflag:$0x8], $0x80, s17, s28, $0xb8;
	[tilespmem:$0x1E600] =	vst v63  }
0x125: {  	_ =	swait.ge [sflag:s0], $0x4000  }
0x126: {  	[sflag:s0] =	ssyncset.done $0x0  }
0x127: {  	[sflag:s0] =	ssyncadd.s32 $0xFFFFC000  }
0x128: {  	_ =	swait.ge [sflag:s11], $0x4000  }
0x129: {  	[sflag:s11] =	ssyncset.done $0x0  }
0x12a: {  	[sflag:s11] =	ssyncadd.s32 $0xFFFFC000  }
0x12b: {  	[bflag:$0x0] =	sbarrier.arrive $0xFFFF  }
0x12c: {  	s18 =	rddreg [dreg:$0xe]  }
0x12d: {  	[hbm:s18], [sflag:s8] =	dma.local [spmem:s20], $0x2780  }
0x12e: {  	_ =	swait.ge [sflag:s21], $0x2780  }
0x12f: {  	s13 =	sadd.s32 $0x1, s13;
	s19 =	rddreg [dreg:$0xf]  }
0x130: {  	p0 =	sne.s32 s13, s19  }
.Ltmp1:
0x131: {  	_ = 	snop;
	(pc) =	sbr.rel @p0 .LBB2_1-.Ltmp1, $3  }
0x132: {  	_ =	sdelay $0x1  }
0x133: {  	[sflag:s21] =	ssyncset.done $0x0  }
0x134: {  	[sflag:s21] =	ssyncadd.s32 $0xFFFFD880  }
0x135: {  	_ =	sfence.sel $0x180000  }
0x136: {  	[bflag:$0x0] =	sbarrier.arrive $0xFFFF  }
0x137: {  	_ =	strace $0x90000050  }
0x138: {  	s0 =	stileid.u32;
	[bflag:$0x2] =	sbarrier.arrive $0xFFFF  }
0x139: {  	p0 =	sne.s32 s0, $0x0;
	s0 =	rddreg [dreg:$0x3]  }
0x13a: {  	s0 =	sadd.s32 @!p0 $0x100000, s0  }
0x13b: {  	[sflag:s0] =	ssyncadd.tile.s32 @!p0 $0x1;
	_ =	shalt  }
.Lfunc_end2:
_tile_overlayer_lowered:
.L_overlay_start_2:
0x13c: {  	(tag) =	ssettag $0x2  }
0x13d: {  	s0 =	rddreg [dreg:$0x0];
	s2 =	stileid.u32  }
0x13e: {  	s1 =	rddreg [dreg:$0x1];
	p0 =	sne.s32 s2, $0x0  }
0x13f: {  	s3 =	rddreg [dreg:$0x2];
	[bflag:$0x3] =	sbarrier.arrive $0xFFFF;
	s2 =	simm.s32 @!p0 $0x1C09  }
0x140: {  	[timem:s3], [sflag:s2] =	dma.local @!p0 [hbm:s0], s1  }
0x141: {  	s0 =	simm.s32 @!p0 $0x9  }
0x142: {  	_ =	swait.ge @!p0 [sflag:s0], s1  }
0x143: {  	s1 =	ssub.s32 @!p0 $0x0, s1;
	[sflag:s0] =	ssyncset.done @!p0 $0x0  }
0x144: {  	[sflag:s0] =	ssyncadd.s32 @!p0 s1  }
0x145: {  	[bflag:$0x3] =	sbarrier.arrive $0xFFFF  }
0x146: {  	_ =	shalt  }

// kernel: kernel.9.cloned.1.call-start
scs
__scs_entry_jumppad:
0x0: {  	(pc) =	sbr.rel $0x88, $3  }
0x1: {  	(tag) =	ssettag $0x0;
	lr =	simm.s32 $0x1  }
0x2: {  	[smem:$0x3F96] =	sst lr;
	_ =	strace $0xD0000000  }
0x3: {  	_ = 	snop  }
0x4: {  	_ = 	snop  }
0x5: {  	_ = 	snop  }
0x6: {  	_ = 	snop  }
0x7: {  	_ = 	snop  }
__scs_overlays_trampoline_lowered:
0x8: {  	[smem:$0x3FA5] =	sst s0  }
0x9: {  	[smem:$0x3FA6] =	sst s1  }
0xa: {  	[smem:$0x3FA7] =	sst s2  }
0xb: {  	[smem:$0x3FA8] =	sst s3  }
0xc: {  	[smem:$0x3FA9] =	sst s4  }
0xd: {  	[smem:$0x3FAA] =	sst s5  }
0xe: {  	[smem:$0x3FAB] =	sst s6  }
0xf: {  	[smem:$0x3FAC] =	sst s7  }
0x10: {  	[smem:$0x3FAD] =	sst s8  }
0x11: {  	[smem:$0x3FAE] =	sst s9;
	s0 =	simm.s32 @!p0 $0x0  }
0x12: {  	s1 =	sld [smem:$0x3F94];
	s0 =	simm.s32 @p0 $0x1  }
0x13: {  	[smem:$0x3FAF] =	sst s0;
	s0 =	simm.s32 @!p1 $0x0  }
0x14: {  	s2 =	sld [smem:$0x3F93];
	s0 =	simm.s32 @p1 $0x1  }
0x15: {  	[smem:$0x3FB0] =	sst s0;
	s0 =	simm.s32 @!p2 $0x0  }
0x16: {  	s3 =	sld [smem:$0x3FDB];
	s0 =	simm.s32 @p2 $0x1  }
0x17: {  	s4 =	simm.s32 $0x1BF5;
	[smem:$0x3FB2] =	sst s0  }
0x18: {  	s0 =	sld [smem:$0x3F95];
	_ =	swait.ge [sflag:s4], $0x0  }
0x19: {  	s7 =	sld [smem:$0x3F96]  }
0x1a: {  	s8 =	sadd.s32 $0xFFFFE003, lr  }
0x1b: {  	s9 =	sadd.s32 $0xFFFFFEF7, lr;
	s5 =	simm.s32 $0xFFFFFFFF;
	p2 =	slt.u32 s8, $0xFFFFF086  }
0x1c: {  	p1 =	slt.u32 s9, $0xF7A;
	s5 =	simm.s32 @!p2 $0x0  }
0x1d: {  	s5 =	simm.s32 @p1 $0x1;
	p0 =	seq.s32 s7, s2  }
0x1e: {  	s7 =	smul.u32 @!p0 $0xF7A, s2;
	p2 =	seq.s32 @!p0 s5, $0x0  }
0x1f: {  	s9 =	smul.u32 $0xF7A, s1;
	s8 =	simm.s32 @!p0 $0x1BF5;
	p2 =	por !p2, p0  }
0x20: {  	[sflag:s8] =	ssyncset.s32 @!p0 $0xFFFFF086;
	s6 =	sadd.s32 @!p0 s3, s7;
	s7 =	simm.s32 @!p0 $0x108  }
0x21: {  	s3 =	sadd.s32 s3, s9;
	s6 =	sadd.s32 @!p0 $0x88, s6;
	s7 =	simm.s32 @p2 $0x1082  }
0x22: {  	[simem:s7], [sflag:s8] =	dma.local @!p0 [hbm:s6], $0xF7A  }
0x23: {  	s9 =	sor.u32 $0xD0000000, s2;
	s6 =	simm.s32 $0x108;
	_ =	swait.ge @!p0 [sflag:s8], $0x0  }
0x24: {  	s3 =	sadd.s32 $0x88, s3;
	s6 =	simm.s32 @!p1 $0x1082;
	[sflag:s4] =	ssyncset.s32 $0xFFFFF086  }
0x25: {  	[simem:s6], [sflag:s4] =	dma.local [hbm:s3], $0xF7A  }
0x26: {  	[smem:$0x3F96] =	sst s1;
	(tag) =	ssettag s2;
	_ =	strace s9  }
0x27: {  	s1 =	sld [smem:$0x3FA6]  }
0x28: {  	s2 =	sld [smem:$0x3FA7]  }
0x29: {  	s4 =	sld [smem:$0x3FA9]  }
0x2a: {  	p0 =	seq.s32 s5, $0x0;
	s5 =	sld [smem:$0x3FAA]  }
0x2b: {  	s6 =	sld [smem:$0x3FAB]  }
0x2c: {  	s7 =	sld [smem:$0x3FAC]  }
0x2d: {  	s3 =	simm.s32 $0x108;
	s8 =	sld [smem:$0x3FAD]  }
0x2e: {  	s3 =	simm.s32 @!p0 $0x1082;
	s9 =	sld [smem:$0x3FAE]  }
0x2f: {  	lr =	sadd.s32 s0, s3;
	s0 =	sld [smem:$0x3FA5]  }
0x30: {  	s3 =	sld [smem:$0x3FA8]  }
0x31: {  	[smem:$0x3FB1] =	sst s10  }
0x32: {  	s10 =	sld [smem:$0x3FAF];
	_ =	sdelay $0x3  }
0x33: {  	p0 =	seq.s32 s10, $0x1;
	s10 =	sld [smem:$0x3FB1];
	_ =	sdelay $0x3  }
0x34: {  	[smem:$0x3FB1] =	sst s10  }
0x35: {  	s10 =	sld [smem:$0x3FB0];
	_ =	sdelay $0x3  }
0x36: {  	p1 =	seq.s32 s10, $0x1;
	s10 =	sld [smem:$0x3FB1];
	_ =	sdelay $0x3  }
0x37: {  	[smem:$0x3FB1] =	sst s10  }
0x38: {  	s10 =	sld [smem:$0x3FB2]  }
0x39: {  	_ = 	snop;
	(pc) =	sbr.ind lr, $3  }
0x3a: {  	_ = 	snop  }
0x3b: {  	_ = 	snop  }
0x3c: {  	p2 =	seq.s32 s10, $0x1;
	s10 =	sld [smem:$0x3FB1]  }
0x3d: {  	_ =	shalt  }
0x3e: {  	_ =	shalt  }
0x3f: {  	_ =	shalt  }
0x40: {  	_ =	shalt  }
0x41: {  	_ =	shalt  }
0x42: {  	_ =	shalt  }
0x43: {  	_ =	shalt  }
0x44: {  	_ =	shalt  }
0x45: {  	_ =	shalt  }
0x46: {  	_ =	shalt  }
0x47: {  	_ =	shalt  }
0x48: {  	_ =	shalt  }
0x49: {  	_ =	shalt  }
0x4a: {  	_ =	shalt  }
0x4b: {  	_ =	shalt  }
0x4c: {  	_ =	shalt  }
0x4d: {  	_ =	shalt  }
0x4e: {  	_ =	shalt  }
0x4f: {  	_ =	shalt  }
0x50: {  	_ =	shalt  }
0x51: {  	_ =	shalt  }
0x52: {  	_ =	shalt  }
0x53: {  	_ =	shalt  }
0x54: {  	_ =	shalt  }
0x55: {  	_ =	shalt  }
0x56: {  	_ =	shalt  }
0x57: {  	_ =	shalt  }
0x58: {  	_ =	shalt  }
0x59: {  	_ =	shalt  }
0x5a: {  	_ =	shalt  }
0x5b: {  	_ =	shalt  }
0x5c: {  	_ =	shalt  }
0x5d: {  	_ =	shalt  }
0x5e: {  	_ =	shalt  }
0x5f: {  	_ =	shalt  }
0x60: {  	_ =	shalt  }
0x61: {  	_ =	shalt  }
0x62: {  	_ =	shalt  }
0x63: {  	_ =	shalt  }
0x64: {  	_ =	shalt  }
0x65: {  	_ =	shalt  }
0x66: {  	_ =	shalt  }
0x67: {  	_ =	shalt  }
0x68: {  	_ =	shalt  }
0x69: {  	_ =	shalt  }
0x6a: {  	_ =	shalt  }
0x6b: {  	_ =	shalt  }
0x6c: {  	_ =	shalt  }
0x6d: {  	_ =	shalt  }
0x6e: {  	_ =	shalt  }
0x6f: {  	_ =	shalt  }
0x70: {  	_ =	shalt  }
0x71: {  	_ =	shalt  }
0x72: {  	_ =	shalt  }
0x73: {  	_ =	shalt  }
0x74: {  	_ =	shalt  }
0x75: {  	_ =	shalt  }
0x76: {  	_ =	shalt  }
0x77: {  	_ =	shalt  }
0x78: {  	_ =	shalt  }
0x79: {  	_ =	shalt  }
0x7a: {  	_ =	shalt  }
0x7b: {  	_ =	shalt  }
0x7c: {  	_ =	shalt  }
0x7d: {  	_ =	shalt  }
0x7e: {  	_ =	shalt  }
0x7f: {  	_ =	shalt  }
0x80: {  	_ =	shalt  }
0x81: {  	_ =	shalt  }
0x82: {  	_ =	shalt  }
0x83: {  	_ =	shalt  }
0x84: {  	_ =	shalt  }
0x85: {  	_ =	shalt  }
0x86: {  	_ =	shalt  }
0x87: {  	_ =	shalt  }
.Lfunc_end0:
.L_simem_size_0:
called_computation_lowered:
.L_overlay_start_0:
0x88: {  	s2 =	sld [smem:$0x3FD9]  }
0x89: {  	s3 =	sld [smem:$0x3FFE];
	_ =	sdelay $0x1  }
0x8a: {  	s1 =	srdreg.scid  }
0x8b: {  	s0 =	sand.u32 $0x1, s1  }
0x8c: {  	s17 =	sshll.u32 s0, $0xA;
	s2 =	sadd.s32 s3, s2  }
0x8d: {  	s2 =	sadd.s32 s2, s17  }
0x8e: {  	[smem:$0x3FBD] =	sst s2  }
0x8f: {  	_ = 	snop  }
0x90: {  	s2 =	sld [smem:$0x3FD0];
	(tm) =	ssettm $0x1  }
0x91: {  	s18 =	sld [smem:$0x3FFB];
	_ =	sdelay $0x3  }
0x92: {  	_ =	strace s18  }
0x93: {  	s3 =	sld [smem:$0x3FFC];
	_ =	sdelay $0x3  }
0x94: {  	_ =	strace s3  }
0x95: {  	s3 =	sld [smem:$0x3FFD];
	_ =	sdelay $0x3  }
0x96: {  	_ =	strace s3  }
0x97: {  	_ =	strace $0x8FFFFFFF  }
0x98: {  	s19 =	sld [smem:$0x3FDB];
	_ =	sdelay $0x1  }
0x99: {  	s4 =	simm.s32 $_scs_section_size  }
0x9a: {  	s5 =	simm.s32 $_size__tile_overlayer_lowered;
	s6 =	simm.s32 $_tile_overlayer_lowered  }
0x9b: {  	s22 =	simm.s32 $0x1BFF;
	s21 =	sshll.u32 s6, $0x1;
	s3 =	sadd.s32 s4, s19  }
0x9c: {  	s7 =	simm.s32 $0x0;
	s20 =	sshll.u32 s5, $0x1;
	s5 =	sadd.s32 s21, s3  }
0x9d: {  	[timem:s7], [sflag:s22] =	dma.local [hbm:s5], s20  }
0x9e: {  	_ =	swait.ge [sflag:s22], s20  }
0x9f: {  	s4 =	ssub.s32 $0x0, s20;
	[sflag:s22] =	ssyncset.done $0x0  }
0xa0: {  	[sflag:s22] =	ssyncadd.s32 s4;
	_ =	sdelay $0x1  }
0xa1: {  	s23 =	simm.s32 $0x1B8B  }
0xa2: {  	_ =	swait.ge [sflag:s23], $0x1  }
0xa3: {  	[sflag:s23] =	ssyncset.done $0x0  }
0xa4: {  	s25 =	simm.s32 $0x1B8E;
	s24 =	sld [smem:$0x3FFE];
	[sflag:s23] =	ssyncadd.s32 $0xFFFFFFFF  }
0xa5: {  	s26 =	simm.s32 $execute0_lowered;
	[smem:$0x3FD2] =	sst s25  }
0xa6: {  	s5 =	sshll.u32 s26, $0x1;
	_ =	strace $0x80000046;
	[dreg:$0x1] =	wrdreg $0xFFFFFFFF  }
0xa7: {  	s28 =	simm.s32 $_size_execute0_lowered;
	s3 =	sadd.s32 s3, s5;
	[dreg:$0x0] =	wrdreg $0x0  }
0xa8: {  	s5 =	sshll.u32 s28, $0x1;
	[dreg:$0x2] =	wrdreg s3  }
0xa9: {  	[dreg:$0x3] =	wrdreg s5  }
0xaa: {  	[dreg:$0x4] =	wrdreg $0xC0  }
0xab: {  	_ =	task [dreg:s7], $0x5FFFF  }
0xac: {  	[dreg:$0x1] =	wrdreg $0xFFFFFFFF  }
0xad: {  	[dreg:$0x0] =	wrdreg $0x60  }
0xae: {  	[dreg:$0x2] =	wrdreg s24  }
0xaf: {  	[dreg:$0x3] =	wrdreg s2  }
0xb0: {  	[dreg:$0x4] =	wrdreg $0xAA000  }
0xb1: {  	[dreg:$0x5] =	wrdreg $0x9  }
0xb2: {  	_ =	task.clear_ibuf [dreg:s7], $0x6FFFF;
	_ =	strace $0x90000046  }
0xb3: {  	s29 =	simm.s32 $0x9;
	_ =	strace $0x80000048  }
0xb4: {  	_ =	swait.ge [sflag:s29], $0x1  }
0xb5: {  	[sflag:s29] =	ssyncadd.s32 $0xFFFFFFFF  }
0xb6: {  	_ =	strace $0x90000048  }
0xb7: {  	_ =	sfence  }
0xb8: {  	s30 =	sld [smem:$0x0];
	_ =	sdelay $0x2  }
0xb9: {  	s31 =	sshll.u32 s1, $0xD;
	s1 =	sshrl.u32 s1, $0x2  }
0xba: {  	s3 =	sand.u32 $0x4000, s31;
	s1 =	sadd.s32 s1, s30  }
0xbb: {  	s0 =	sor.u32 s3, s0;
	s1 =	sshll.u32 s1, $0x11  }
0xbc: {  	s0 =	sor.u32 s1, s0  }
0xbd: {  	s0 =	sadd.s32 $0x8F2B, s0  }
0xbe: {  	[sflag:s0] =	ssyncadd.remote.s32 $0x1  }
0xbf: {  	_ =	sfence.sel $0xFFFF  }
0xc0: {  	[dreg:$0x0] =	wrdreg $0xFFFFFFFF;
	(pc) =	sbr.abs _section_cstart, $3  }
0xc1: {  	[dreg:$0x1] =	wrdreg $0xFFFFFFFF  }
0xc2: {  	_ =	task.clear_ibuf [dreg:s7], $0x2FFFF;
	_ =	strace $0x9FFFFFFF  }
0xc3: {  	(tm) =	ssettm $0x7FFFFFFF  }
tec
execute0_lowered:
.L_overlay_start_1:
0x0: {  	(tag) =	ssettag $0x1  }
0x1: {  	s0 =	rddreg [dreg:$0x0]  }
0x2: {  	s1 =	srdreg.scid;
	s2 =	rddreg [dreg:$0x1]  }
0x3: {  	s13 =	stileid.u32;
	s3 =	rddreg [dreg:$0x2];
	s28 =	simm.s32 $0x80  }
0x4: {  	s29 =	simm.s32 $0x2A00;
	s30 =	simm.s32 $0x2;
	s31 =	simm.s32 $0x6A00  }
0x5: {  	s1 =	sand.u32 $0x1, s1;
	s4 =	sshll.u32 s13, $0x1;
	s7 =	smul.u32 $0x13C00, s13  }
0x6: {  	s6 =	sadd.s32 $0x35A00, s0;
	s16 =	smul.u32 $0x4F000, s13;
	s19 =	sshll.u32 s13, $0x6  }
0x7: {  	s5 =	sor.u32 s1, s4;
	s4 =	simm.s32 $0x0;
	s8 =	smul.u32 $0x13C000, s1  }
0x8: {  	s1 =	ssub.s32 $0x2, s1;
	s5 =	smul.u32 $0x2800, s5;
	s11 =	sshrl.u32 s7, $0x3  }
0x9: {  	[smem:$0x7FF] =	sst s4;
	s12 =	sshrl.u32 s1, $0x1;
	s11 =	sadd.s32 s11, s0  }
0xa: {  	_ =	strace $0x80000047;
	s1 =	ssub.s32 s1, s12;
	s18 =	sadd.s32 $0xE200, s11  }
0xb: {  	s9 =	sshrl.u32 s5, $0x3;
	s26 =	smax.u32 s1, $0x1;
	[dreg:$0x4] =	wrdreg s18  }
0xc: {  	s10 =	sadd.s32 s9, s0;
	s9 =	sadd.s32 s2, s9;
	[dreg:$0xf] =	wrdreg s26  }
0xd: {  	s13 =	simm.s32 $0x0;
	s10 =	sadd.s32 $0x4200, s10;
	[dreg:$0x6] =	wrdreg s9  }
0xe: {  	s17 =	sshrl.u32 s16, $0x2;
	s20 =	sadd.s32 $0x10, s9;
	[dreg:$0x5] =	wrdreg s10  }
0xf: {  	s7 =	sadd.s32 s7, s8;
	s21 =	sadd.s32 $0x20, s9;
	[dreg:$0x7] =	wrdreg s20  }
0x10: {  	s8 =	sor.u32 $0x1C09, s19;
	s22 =	sadd.s32 $0x30, s9;
	[dreg:$0x8] =	wrdreg s21  }
0x11: {  	s12 =	simm.s32 $0x4;
	s23 =	sadd.s32 $0x40, s9;
	[dreg:$0x9] =	wrdreg s22  }
0x12: {  	s7 =	sshrl.u32 s7, $0x3;
	s24 =	sadd.s32 $0x50, s9;
	[dreg:$0xa] =	wrdreg s23  }
0x13: {  	s1 =	simm.s32 $0x5;
	s25 =	sadd.s32 $0x4E0, s9;
	[dreg:$0xb] =	wrdreg s24  }
0x14: {  	s0 =	sadd.s32 s7, s0;
	s9 =	sadd.s32 $0x4F0, s9;
	[dreg:$0xc] =	wrdreg s25  }
0x15: {  	s11 =	simm.s32 $0x8;
	s0 =	sadd.s32 $0x5CC00, s0;
	[dreg:$0xd] =	wrdreg s9  }
0x16: {  	s7 =	sadd.s32 s17, s3;
	s26 =	simm.s32 $0x1;
	[dreg:$0xe] =	wrdreg s0  }
0x17: {  	s20 =	sshrl.u32 s7, $0x3;
	s21 =	simm.s32 $0x9;
	s22 =	simm.s32 $0x2800  }
0x18: {  	s23 =	simm.s32 $0x2880;
	s24 =	simm.s32 $0x2900;
	s25 =	simm.s32 $0x2980  }
0x19: {  	s0 =	simm.s32 $0x7;
	s7 =	simm.s32 $0x3;
	s9 =	simm.s32 $0x6  }
.LBB2_1:
0x1a: {  	s10 =	rddreg [dreg:$0x4]  }
0x1b: {  	[spmem:s20], [sflag:s8] =	dma.local [hbm:s10], $0x2780  }
0x1c: {  	_ =	swait.ge [sflag:s21], $0x2780  }
0x1d: {  	[sflag:s21] =	ssyncset.done $0x0  }
0x1e: {  	s16 =	rddreg [dreg:$0x5];
	[sflag:s21] =	ssyncadd.s32 $0xFFFFD880  }
0x1f: {  	[tilespmem:s4], [sflag:$0x9] =	stream.linear.gather [hbm4b:s16+s4], $0x2800, $0x38;
	[tilespmem:$0x1E600] =	vst v63  }
0x20: {  	_ =	swait.ge [sflag:s21], $0x2800  }
0x21: {  	[sflag:s21] =	ssyncset.done $0x0  }
0x22: {  	[sflag:s21] =	ssyncadd.s32 $0xFFFFD800  }
0x23: {  	[bflag:$0x0] =	sbarrier.arrive $0xFFFF  }
0x24: {  	s17 =	rddreg [dreg:$0x6]  }
0x25: {  	[tilespmem:s22], [sflag:$0x1] =	stream.linear.gather [hbm4b:s17+s4], $0x80, $0x38;
	[tilespmem:$0x1E600] =	vst v63  }
0x26: {  	s18 =	rddreg [dreg:$0x7]  }
0x27: {  	[tilespmem:s23], [sflag:$0x2] =	stream.linear.gather [hbm4b:s18+s4], $0x80, $0x38;
	[tilespmem:$0x1E600] =	vst v63  }
0x28: {  	s19 =	rddreg [dreg:$0x8]  }
0x29: {  	[tilespmem:s24], [sflag:$0x3] =	stream.linear.gather [hbm4b:s19+s4], $0x80, $0x38;
	[tilespmem:$0x1E600] =	vst v63  }
0x2a: {  	s14 =	rddreg [dreg:$0x9]  }
0x2b: {  	[tilespmem:s25], [sflag:$0x4] =	stream.linear.gather [hbm4b:s14+s4], $0x80, $0x38;
	[tilespmem:$0x1E600] =	vst v63  }
0x2c: {  	_ =	swait.ge [sflag:s26], $0x80  }
0x2d: {  	[sflag:s26] =	ssyncset.done $0x0  }
0x2e: {  	[sflag:s26] =	ssyncadd.s32 $0xFFFFFF80  }
0x2f: {  	[tilespmem:s29], [sflag:$0x5] =	stream.indirect.gather [hbm4b:s6+s28], $0x80, s22, s28, $0xb8;
	[tilespmem:$0x1E600] =	vst v63  }
0x30: {  	_ =	swait.ge [sflag:s30], $0x80  }
0x31: {  	[sflag:s30] =	ssyncset.done $0x0  }
0x32: {  	[sflag:s30] =	ssyncadd.s32 $0xFFFFFF80  }
0x33: {  	[tilespmem:s31], [sflag:$0x6] =	stream.indirect.gather [hbm4b:s6+s28], $0x80, s23, s28, $0xb8;
	[tilespmem:$0x1E600] =	vst v63  }
0x34: {  	_ =	swait.ge [sflag:s1], $0x4000  }
0x35: {  	[sflag:s1] =	ssyncset.done $0x0  }
0x36: {  	[sflag:s1] =	ssyncadd.s32 $0xFFFFC000  }
0x37: {  	[spmem:s3] =	stream.indirect.scatter.add.f32 [tilespmem:s29], [sflag:$0x7], $0x80, s4, s28, $0xb8;
	[tilespmem:$0x1E600] =	vst v63  }
0x38: {  	s15 =	rddreg [dreg:$0xa]  }
0x39: {  	[tilespmem:s22], [sflag:$0x1] =	stream.linear.gather [hbm4b:s15+s4], $0x80, $0x38;
	[tilespmem:$0x1E600] =	vst v63  }
0x3a: {  	_ =	swait.ge [sflag:s0], $0x4000  }
0x3b: {  	[sflag:s0] =	ssyncset.done $0x0  }
0x3c: {  	[sflag:s0] =	ssyncadd.s32 $0xFFFFC000  }
0x3d: {  	_ =	swait.ge [sflag:s7], $0x80  }
0x3e: {  	[sflag:s7] =	ssyncset.done $0x0  }
0x3f: {  	[sflag:s7] =	ssyncadd.s32 $0xFFFFFF80  }
0x40: {  	[tilespmem:s29], [sflag:$0x5] =	stream.indirect.gather [hbm4b:s6+s28], $0x80, s24, s28, $0xb8;
	[tilespmem:$0x1E600] =	vst v63  }
0x41: {  	_ =	swait.ge [sflag:s9], $0x4000  }
0x42: {  	[sflag:s9] =	ssyncset.done $0x0  }
0x43: {  	[sflag:s9] =	ssyncadd.s32 $0xFFFFC000  }
0x44: {  	[spmem:s3] =	stream.indirect.scatter.add.f32 [tilespmem:s31], [sflag:$0x8], $0x80, s28, s28, $0xb8;
	[tilespmem:$0x1E600] =	vst v63  }
0x45: {  	s16 =	rddreg [dreg:$0xb]  }
0x46: {  	[tilespmem:s23], [sflag:$0x2] =	stream.linear.gather [hbm4b:s16+s4], $0x80, $0x38;
	[tilespmem:$0x1E600] =	vst v63  }
0x47: {  	_ =	swait.ge [sflag:s11], $0x4000  }
0x48: {  	[sflag:s11] =	ssyncset.done $0x0  }
0x49: {  	[sflag:s11] =	ssyncadd.s32 $0xFFFFC000  }
0x4a: {  	s14 =	simm.s32 $0x200;
	_ =	swait.ge [sflag:s12], $0x80  }
0x4b: {  	s15 =	sand.u32 $0x3C00, s14;
	[sflag:s12] =	ssyncset.done $0x0  }
0x4c: {  	s14 =	sand.u32 $0x200, s14;
	s15 =	sadd.s32 s5, s15;
	[sflag:s12] =	ssyncadd.s32 $0xFFFFFF80  }
0x4d: {  	[tilespmem:s31], [sflag:$0x6] =	stream.indirect.gather [hbm4b:s6+s28], $0x80, s25, s28, $0xb8;
	[tilespmem:$0x1E600] =	vst v63  }
0x4e: {  	s14 =	sor.u32 s14, s15;
	_ =	swait.ge [sflag:s1], $0x4000  }
0x4f: {  	s14 =	sshrl.u32 s14, $0x3;
	[sflag:s1] =	ssyncset.done $0x0  }
0x50: {  	s17 =	simm.s32 $0x100;
	s14 =	sadd.s32 s14, s2;
	[sflag:s1] =	ssyncadd.s32 $0xFFFFC000  }
0x51: {  	[spmem:s3] =	stream.indirect.scatter.add.f32 [tilespmem:s29], [sflag:$0x7], $0x80, s17, s28, $0xb8;
	[tilespmem:$0x1E600] =	vst v63  }
0x52: {  	s18 =	sadd.s32 $0x20, s14  }
0x53: {  	[tilespmem:s24], [sflag:$0x3] =	stream.linear.gather [hbm4b:s18+s4], $0x80, $0x38;
	[tilespmem:$0x1E600] =	vst v63  }
0x54: {  	_ =	swait.ge [sflag:s0], $0x4000  }
0x55: {  	[sflag:s0] =	ssyncset.done $0x0  }
0x56: {  	[sflag:s0] =	ssyncadd.s32 $0xFFFFC000  }
0x57: {  	_ =	swait.ge [sflag:s26], $0x80  }
0x58: {  	[sflag:s26] =	ssyncset.done $0x0  }
0x59: {  	[sflag:s26] =	ssyncadd.s32 $0xFFFFFF80  }
0x5a: {  	[tilespmem:s29], [sflag:$0x5] =	stream.indirect.gather [hbm4b:s6+s28], $0x80, s22, s28, $0xb8;
	[tilespmem:$0x1E600] =	vst v63  }
0x5b: {  	_ =	swait.ge [sflag:s9], $0x4000  }
0x5c: {  	[sflag:s9] =	ssyncset.done $0x0  }
0x5d: {  	s19 =	simm.s32 $0x180;
	[sflag:s9] =	ssyncadd.s32 $0xFFFFC000  }
0x5e: {  	[spmem:s3] =	stream.indirect.scatter.add.f32 [tilespmem:s31], [sflag:$0x8], $0x80, s19, s28, $0xb8;
	[tilespmem:$0x1E600] =	vst v63  }
0x5f: {  	s14 =	sadd.s32 $0x30, s14  }
0x60: {  	[tilespmem:s25], [sflag:$0x4] =	stream.linear.gather [hbm4b:s14+s4], $0x80, $0x38;
	[tilespmem:$0x1E600] =	vst v63  }
0x61: {  	_ =	swait.ge [sflag:s11], $0x4000  }
0x62: {  	[sflag:s11] =	ssyncset.done $0x0  }
0x63: {  	[sflag:s11] =	ssyncadd.s32 $0xFFFFC000  }
0x64: {  	_ =	swait.ge [sflag:s30], $0x80  }
0x65: {  	s10 =	simm.s32 $0x400;
	[sflag:s30] =	ssyncset.done $0x0  }
0x66: {  	s16 =	sand.u32 $0x7C00, s10;
	[sflag:s30] =	ssyncadd.s32 $0xFFFFFF80  }
0x67: {  	[tilespmem:s31], [sflag:$0x6] =	stream.indirect.gather [hbm4b:s6+s28], $0x80, s23, s28, $0xb8;
	[tilespmem:$0x1E600] =	vst v63  }
0x68: {  	s15 =	sadd.s32 s5, s16;
	s14 =	sand.u32 $0x200, s10;
	_ =	swait.ge [sflag:s1], $0x4000  }
0x69: {  	s14 =	sor.u32 s14, s15;
	[sflag:s1] =	ssyncset.done $0x0  }
0x6a: {  	s17 =	simm.s32 $0x200;
	s14 =	sshrl.u32 s14, $0x3;
	[sflag:s1] =	ssyncadd.s32 $0xFFFFC000  }
0x6b: {  	[spmem:s3] =	stream.indirect.scatter.add.f32 [tilespmem:s29], [sflag:$0x7], $0x80, s17, s28, $0xb8;
	[tilespmem:$0x1E600] =	vst v63  }
0x6c: {  	s14 =	sadd.s32 s2, s14  }
0x6d: {  	[tilespmem:s22], [sflag:$0x1] =	stream.linear.gather [hbm4b:s14+s4], $0x80, $0x38;
	[tilespmem:$0x1E600] =	vst v63  }
0x6e: {  	_ =	swait.ge [sflag:s0], $0x4000  }
0x6f: {  	[sflag:s0] =	ssyncset.done $0x0  }
0x70: {  	[sflag:s0] =	ssyncadd.s32 $0xFFFFC000  }
0x71: {  	_ =	swait.ge [sflag:s7], $0x80  }
0x72: {  	s18 =	simm.s32 $0x480;
	[sflag:s7] =	ssyncset.done $0x0  }
0x73: {  	s19 =	sand.u32 $0x7C00, s18;
	[sflag:s7] =	ssyncadd.s32 $0xFFFFFF80  }
0x74: {  	[tilespmem:s29], [sflag:$0x5] =	stream.indirect.gather [hbm4b:s6+s28], $0x80, s24, s28, $0xb8;
	[tilespmem:$0x1E600] =	vst v63  }
0x75: {  	s15 =	sadd.s32 s5, s19;
	s14 =	sand.u32 $0x280, s18;
	_ =	swait.ge [sflag:s9], $0x4000  }
0x76: {  	s14 =	sor.u32 s14, s15;
	[sflag:s9] =	ssyncset.done $0x0  }
0x77: {  	s16 =	simm.s32 $0x280;
	s14 =	sshrl.u32 s14, $0x3;
	[sflag:s9] =	ssyncadd.s32 $0xFFFFC000  }
0x78: {  	[spmem:s3] =	stream.indirect.scatter.add.f32 [tilespmem:s31], [sflag:$0x8], $0x80, s16, s28, $0xb8;
	[tilespmem:$0x1E600] =	vst v63  }
0x79: {  	s15 =	simm.s32 $0x800;
	s14 =	sadd.s32 s2, s14  }
0x7a: {  	[tilespmem:s23], [sflag:$0x2] =	stream.linear.gather [hbm4b:s14+s4], $0x80, $0x38;
	[tilespmem:$0x1E600] =	vst v63  }
0x7b: {  	s16 =	simm.s32 $0x1000;
	s14 =	simm.s32 $0x680;
	_ =	swait.ge [sflag:s11], $0x4000  }
.LBB2_2:
0x7c: {  	p0 =	sne.s32 s16, $0x8800  }
0x7d: {  	s17 =	sadd.s32 $0xFFFFFD80, s14;
	[sflag:s11] =	ssyncset.done $0x0;
	s18 =	smov.u32 s16  }
0x7e: {  	s16 =	sadd.s32 $0x800, s16;
	s19 =	sand.u32 $0x3C00, s17;
	[sflag:s11] =	ssyncadd.s32 $0xFFFFC000  }
0x7f: {  	s17 =	sand.u32 $0x200, s17;
	s19 =	sadd.s32 s5, s19;
	_ =	swait.ge [sflag:s12], $0x80  }
0x80: {  	s17 =	sor.u32 s17, s19;
	[sflag:s12] =	ssyncset.done $0x0  }
0x81: {  	s19 =	sshrl.u32 s17, $0x3;
	[sflag:s12] =	ssyncadd.s32 $0xFFFFFF80  }
0x82: {  	[tilespmem:s31], [sflag:$0x6] =	stream.indirect.gather [hbm4b:s6+s28], $0x80, s25, s28, $0xb8;
	[tilespmem:$0x1E600] =	vst v63  }
0x83: {  	s17 =	sshra.s32 s15, $0x2;
	s19 =	sadd.s32 s19, s2;
	_ =	swait.ge [sflag:s1], $0x4000  }
0x84: {  	s15 =	smov.u32 s18;
	s10 =	sadd.s32 $0x100, s17;
	[sflag:s1] =	ssyncset.done $0x0  }
0x85: {  	[sflag:s1] =	ssyncadd.s32 $0xFFFFC000  }
0x86: {  	[spmem:s3] =	stream.indirect.scatter.add.f32 [tilespmem:s29], [sflag:$0x7], $0x80, s10, s28, $0xb8;
	[tilespmem:$0x1E600] =	vst v63  }
0x87: {  	s10 =	sadd.s32 $0x20, s19  }
0x88: {  	[tilespmem:s24], [sflag:$0x3] =	stream.linear.gather [hbm4b:s10+s4], $0x80, $0x38;
	[tilespmem:$0x1E600] =	vst v63  }
0x89: {  	_ =	swait.ge [sflag:s0], $0x4000  }
0x8a: {  	[sflag:s0] =	ssyncset.done $0x0  }
0x8b: {  	[sflag:s0] =	ssyncadd.s32 $0xFFFFC000  }
0x8c: {  	_ =	swait.ge [sflag:s26], $0x80  }
0x8d: {  	[sflag:s26] =	ssyncset.done $0x0  }
0x8e: {  	[sflag:s26] =	ssyncadd.s32 $0xFFFFFF80  }
0x8f: {  	[tilespmem:s29], [sflag:$0x5] =	stream.indirect.gather [hbm4b:s6+s28], $0x80, s22, s28, $0xb8;
	[tilespmem:$0x1E600] =	vst v63  }
0x90: {  	_ =	swait.ge [sflag:s9], $0x4000  }
0x91: {  	s10 =	sadd.s32 $0x180, s17;
	[sflag:s9] =	ssyncset.done $0x0  }
0x92: {  	[sflag:s9] =	ssyncadd.s32 $0xFFFFC000  }
0x93: {  	[spmem:s3] =	stream.indirect.scatter.add.f32 [tilespmem:s31], [sflag:$0x8], $0x80, s10, s28, $0xb8;
	[tilespmem:$0x1E600] =	vst v63  }
0x94: {  	s10 =	sadd.s32 $0x30, s19  }
0x95: {  	[tilespmem:s25], [sflag:$0x4] =	stream.linear.gather [hbm4b:s10+s4], $0x80, $0x38;
	[tilespmem:$0x1E600] =	vst v63  }
0x96: {  	_ =	swait.ge [sflag:s11], $0x4000  }
0x97: {  	[sflag:s11] =	ssyncset.done $0x0  }
0x98: {  	[sflag:s11] =	ssyncadd.s32 $0xFFFFC000  }
0x99: {  	_ =	swait.ge [sflag:s30], $0x80  }
0x9a: {  	s10 =	sadd.s32 $0xFFFFFF80, s14;
	[sflag:s30] =	ssyncset.done $0x0  }
0x9b: {  	s18 =	sand.u32 $0x7C00, s10;
	[sflag:s30] =	ssyncadd.s32 $0xFFFFFF80  }
0x9c: {  	[tilespmem:s31], [sflag:$0x6] =	stream.indirect.gather [hbm4b:s6+s28], $0x80, s23, s28, $0xb8;
	[tilespmem:$0x1E600] =	vst v63  }
0x9d: {  	s10 =	sand.u32 $0x200, s10;
	s18 =	sadd.s32 s5, s18;
	_ =	swait.ge [sflag:s1], $0x4000  }
0x9e: {  	s19 =	sadd.s32 $0x200, s17;
	s10 =	sor.u32 s10, s18;
	[sflag:s1] =	ssyncset.done $0x0  }
0x9f: {  	s10 =	sshrl.u32 s10, $0x3;
	[sflag:s1] =	ssyncadd.s32 $0xFFFFC000  }
0xa0: {  	[spmem:s3] =	stream.indirect.scatter.add.f32 [tilespmem:s29], [sflag:$0x7], $0x80, s19, s28, $0xb8;
	[tilespmem:$0x1E600] =	vst v63  }
0xa1: {  	s10 =	sadd.s32 s2, s10  }
0xa2: {  	[tilespmem:s22], [sflag:$0x1] =	stream.linear.gather [hbm4b:s10+s4], $0x80, $0x38;
	[tilespmem:$0x1E600] =	vst v63  }
0xa3: {  	_ =	swait.ge [sflag:s0], $0x4000  }
0xa4: {  	[sflag:s0] =	ssyncset.done $0x0  }
0xa5: {  	[sflag:s0] =	ssyncadd.s32 $0xFFFFC000  }
0xa6: {  	_ =	swait.ge [sflag:s7], $0x80  }
0xa7: {  	[sflag:s7] =	ssyncset.done $0x0  }
0xa8: {  	[sflag:s7] =	ssyncadd.s32 $0xFFFFFF80  }
0xa9: {  	[tilespmem:s29], [sflag:$0x5] =	stream.indirect.gather [hbm4b:s6+s28], $0x80, s24, s28, $0xb8;
	[tilespmem:$0x1E600] =	vst v63  }
0xaa: {  	s10 =	sand.u32 $0x7C00, s14;
	_ =	swait.ge [sflag:s9], $0x4000  }
0xab: {  	s18 =	sand.u32 $0x280, s14;
	s10 =	sadd.s32 s5, s10;
	[sflag:s9] =	ssyncset.done $0x0  }
0xac: {  	s17 =	sadd.s32 $0x280, s17;
	s10 =	sor.u32 s18, s10;
	[sflag:s9] =	ssyncadd.s32 $0xFFFFC000  }
0xad: {  	[spmem:s3] =	stream.indirect.scatter.add.f32 [tilespmem:s31], [sflag:$0x8], $0x80, s17, s28, $0xb8;
	[tilespmem:$0x1E600] =	vst v63  }
.Ltmp0:
0xae: {  	_ = 	snop;
	(pc) =	sbr.rel @p0 .LBB2_2-.Ltmp0, $4  }
0xaf: {  	s10 =	sshrl.u32 s10, $0x3  }
0xb0: {  	s10 =	sadd.s32 s2, s10  }
0xb1: {  	[tilespmem:s23], [sflag:$0x2] =	stream.linear.gather [hbm4b:s10+s4], $0x80, $0x38;
	[tilespmem:$0x1E600] =	vst v63  }
0xb2: {  	s14 =	sadd.s32 $0x200, s14;
	_ =	swait.ge [sflag:s11], $0x4000  }
0xb3: {  	[sflag:s11] =	ssyncset.done $0x0  }
0xb4: {  	[sflag:s11] =	ssyncadd.s32 $0xFFFFC000  }
0xb5: {  	s10 =	sadd.s32 $0xFFFFFD80, s14;
	_ =	swait.ge [sflag:s12], $0x80  }
0xb6: {  	s16 =	sand.u32 $0x3C00, s10;
	[sflag:s12] =	ssyncset.done $0x0  }
0xb7: {  	s10 =	sand.u32 $0x200, s10;
	s16 =	sadd.s32 s5, s16;
	[sflag:s12] =	ssyncadd.s32 $0xFFFFFF80  }
0xb8: {  	[tilespmem:s31], [sflag:$0x6] =	stream.indirect.gather [hbm4b:s6+s28], $0x80, s25, s28, $0xb8;
	[tilespmem:$0x1E600] =	vst v63  }
0xb9: {  	s10 =	sor.u32 s10, s16;
	_ =	swait.ge [sflag:s1], $0x4000  }
0xba: {  	s15 =	sshra.s32 s15, $0x2;
	s10 =	sshrl.u32 s10, $0x3;
	[sflag:s1] =	ssyncset.done $0x0  }
0xbb: {  	s18 =	sadd.s32 $0x100, s15;
	s10 =	sadd.s32 s10, s2;
	[sflag:s1] =	ssyncadd.s32 $0xFFFFC000  }
0xbc: {  	[spmem:s3] =	stream.indirect.scatter.add.f32 [tilespmem:s29], [sflag:$0x7], $0x80, s18, s28, $0xb8;
	[tilespmem:$0x1E600] =	vst v63  }
0xbd: {  	s19 =	sadd.s32 $0x20, s10  }
0xbe: {  	[tilespmem:s24], [sflag:$0x3] =	stream.linear.gather [hbm4b:s19+s4], $0x80, $0x38;
	[tilespmem:$0x1E600] =	vst v63  }
0xbf: {  	_ =	swait.ge [sflag:s0], $0x4000  }
0xc0: {  	[sflag:s0] =	ssyncset.done $0x0  }
0xc1: {  	[sflag:s0] =	ssyncadd.s32 $0xFFFFC000  }
0xc2: {  	_ =	swait.ge [sflag:s26], $0x80  }
0xc3: {  	[sflag:s26] =	ssyncset.done $0x0  }
0xc4: {  	[sflag:s26] =	ssyncadd.s32 $0xFFFFFF80  }
0xc5: {  	[tilespmem:s29], [sflag:$0x5] =	stream.indirect.gather [hbm4b:s6+s28], $0x80, s22, s28, $0xb8;
	[tilespmem:$0x1E600] =	vst v63  }
0xc6: {  	_ =	swait.ge [sflag:s9], $0x4000  }
0xc7: {  	[sflag:s9] =	ssyncset.done $0x0  }
0xc8: {  	s17 =	sadd.s32 $0x180, s15;
	[sflag:s9] =	ssyncadd.s32 $0xFFFFC000  }
0xc9: {  	[spmem:s3] =	stream.indirect.scatter.add.f32 [tilespmem:s31], [sflag:$0x8], $0x80, s17, s28, $0xb8;
	[tilespmem:$0x1E600] =	vst v63  }
0xca: {  	s10 =	sadd.s32 $0x30, s10  }
0xcb: {  	[tilespmem:s25], [sflag:$0x4] =	stream.linear.gather [hbm4b:s10+s4], $0x80, $0x38;
	[tilespmem:$0x1E600] =	vst v63  }
0xcc: {  	_ =	swait.ge [sflag:s11], $0x4000  }
0xcd: {  	[sflag:s11] =	ssyncset.done $0x0  }
0xce: {  	[sflag:s11] =	ssyncadd.s32 $0xFFFFC000  }
0xcf: {  	_ =	swait.ge [sflag:s30], $0x80  }
0xd0: {  	s18 =	sadd.s32 $0xFFFFFF80, s14;
	[sflag:s30] =	ssyncset.done $0x0  }
0xd1: {  	s19 =	sand.u32 $0x7C00, s18;
	[sflag:s30] =	ssyncadd.s32 $0xFFFFFF80  }
0xd2: {  	[tilespmem:s31], [sflag:$0x6] =	stream.indirect.gather [hbm4b:s6+s28], $0x80, s23, s28, $0xb8;
	[tilespmem:$0x1E600] =	vst v63  }
0xd3: {  	s16 =	sadd.s32 s5, s19;
	s10 =	sand.u32 $0x200, s18;
	_ =	swait.ge [sflag:s1], $0x4000  }
0xd4: {  	s10 =	sor.u32 s10, s16;
	[sflag:s1] =	ssyncset.done $0x0  }
0xd5: {  	s17 =	sadd.s32 $0x200, s15;
	s10 =	sshrl.u32 s10, $0x3;
	[sflag:s1] =	ssyncadd.s32 $0xFFFFC000  }
0xd6: {  	[spmem:s3] =	stream.indirect.scatter.add.f32 [tilespmem:s29], [sflag:$0x7], $0x80, s17, s28, $0xb8;
	[tilespmem:$0x1E600] =	vst v63  }
0xd7: {  	s10 =	sadd.s32 s2, s10  }
0xd8: {  	[tilespmem:s22], [sflag:$0x1] =	stream.linear.gather [hbm4b:s10+s4], $0x80, $0x38;
	[tilespmem:$0x1E600] =	vst v63  }
0xd9: {  	_ =	swait.ge [sflag:s0], $0x4000  }
0xda: {  	[sflag:s0] =	ssyncset.done $0x0  }
0xdb: {  	[sflag:s0] =	ssyncadd.s32 $0xFFFFC000  }
0xdc: {  	_ =	swait.ge [sflag:s7], $0x80  }
0xdd: {  	[sflag:s7] =	ssyncset.done $0x0  }
0xde: {  	s18 =	sand.u32 $0x7C00, s14;
	[sflag:s7] =	ssyncadd.s32 $0xFFFFFF80  }
0xdf: {  	[tilespmem:s29], [sflag:$0x5] =	stream.indirect.gather [hbm4b:s6+s28], $0x80, s24, s28, $0xb8;
	[tilespmem:$0x1E600] =	vst v63  }
0xe0: {  	s19 =	sand.u32 $0x280, s14;
	s10 =	sadd.s32 s5, s18;
	_ =	swait.ge [sflag:s9], $0x4000  }
0xe1: {  	s10 =	sor.u32 s19, s10;
	[sflag:s9] =	ssyncset.done $0x0  }
0xe2: {  	s15 =	sadd.s32 $0x280, s15;
	s10 =	sshrl.u32 s10, $0x3;
	[sflag:s9] =	ssyncadd.s32 $0xFFFFC000  }
0xe3: {  	[spmem:s3] =	stream.indirect.scatter.add.f32 [tilespmem:s31], [sflag:$0x8], $0x80, s15, s28, $0xb8;
	[tilespmem:$0x1E600] =	vst v63  }
0xe4: {  	s10 =	sadd.s32 s2, s10  }
0xe5: {  	[tilespmem:s23], [sflag:$0x2] =	stream.linear.gather [hbm4b:s10+s4], $0x80, $0x38;
	[tilespmem:$0x1E600] =	vst v63  }
0xe6: {  	_ =	swait.ge [sflag:s11], $0x4000  }
0xe7: {  	[sflag:s11] =	ssyncset.done $0x0  }
0xe8: {  	[sflag:s11] =	ssyncadd.s32 $0xFFFFC000  }
0xe9: {  	_ =	swait.ge [sflag:s12], $0x80  }
0xea: {  	[sflag:s12] =	ssyncset.done $0x0  }
0xeb: {  	[sflag:s12] =	ssyncadd.s32 $0xFFFFFF80  }
0xec: {  	[tilespmem:s31], [sflag:$0x6] =	stream.indirect.gather [hbm4b:s6+s28], $0x80, s25, s28, $0xb8;
	[tilespmem:$0x1E600] =	vst v63  }
0xed: {  	_ =	swait.ge [sflag:s1], $0x4000  }
0xee: {  	[sflag:s1] =	ssyncset.done $0x0  }
0xef: {  	s16 =	simm.s32 $0x2500;
	[sflag:s1] =	ssyncadd.s32 $0xFFFFC000  }
0xf0: {  	[spmem:s3] =	stream.indirect.scatter.add.f32 [tilespmem:s29], [sflag:$0x7], $0x80, s16, s28, $0xb8;
	[tilespmem:$0x1E600] =	vst v63  }
0xf1: {  	s17 =	rddreg [dreg:$0xc]  }
0xf2: {  	[tilespmem:s24], [sflag:$0x3] =	stream.linear.gather [hbm4b:s17+s4], $0x80, $0x38;
	[tilespmem:$0x1E600] =	vst v63  }
0xf3: {  	_ =	swait.ge [sflag:s0], $0x4000  }
0xf4: {  	[sflag:s0] =	ssyncset.done $0x0  }
0xf5: {  	[sflag:s0] =	ssyncadd.s32 $0xFFFFC000  }
0xf6: {  	_ =	swait.ge [sflag:s26], $0x80  }
0xf7: {  	[sflag:s26] =	ssyncset.done $0x0  }
0xf8: {  	[sflag:s26] =	ssyncadd.s32 $0xFFFFFF80  }
0xf9: {  	[tilespmem:s29], [sflag:$0x5] =	stream.indirect.gather [hbm4b:s6+s28], $0x80, s22, s28, $0xb8;
	[tilespmem:$0x1E600] =	vst v63  }
0xfa: {  	_ =	swait.ge [sflag:s9], $0x4000  }
0xfb: {  	[sflag:s9] =	ssyncset.done $0x0  }
0xfc: {  	s18 =	simm.s32 $0x2580;
	[sflag:s9] =	ssyncadd.s32 $0xFFFFC000  }
0xfd: {  	[spmem:s3] =	stream.indirect.scatter.add.f32 [tilespmem:s31], [sflag:$0x8], $0x80, s18, s28, $0xb8;
	[tilespmem:$0x1E600] =	vst v63  }
0xfe: {  	s19 =	rddreg [dreg:$0xd]  }
0xff: {  	[tilespmem:s25], [sflag:$0x4] =	stream.linear.gather [hbm4b:s19+s4], $0x80, $0x38;
	[tilespmem:$0x1E600] =	vst v63  }
0x100: {  	_ =	swait.ge [sflag:s11], $0x4000  }
0x101: {  	[sflag:s11] =	ssyncset.done $0x0  }
0x102: {  	[sflag:s11] =	ssyncadd.s32 $0xFFFFC000  }
0x103: {  	_ =	swait.ge [sflag:s30], $0x80  }
0x104: {  	[sflag:s30] =	ssyncset.done $0x0  }
0x105: {  	[sflag:s30] =	ssyncadd.s32 $0xFFFFFF80  }
0x106: {  	[tilespmem:s31], [sflag:$0x6] =	stream.indirect.gather [hbm4b:s6+s28], $0x80, s23, s28, $0xb8;
	[tilespmem:$0x1E600] =	vst v63  }
0x107: {  	_ =	swait.ge [sflag:s1], $0x4000  }
0x108: {  	[sflag:s1] =	ssyncset.done $0x0  }
0x109: {  	s14 =	simm.s32 $0x2600;
	[sflag:s1] =	ssyncadd.s32 $0xFFFFC000  }
0x10a: {  	[spmem:s3] =	stream.indirect.scatter.add.f32 [tilespmem:s29], [sflag:$0x7], $0x80, s14, s28, $0xb8;
	[tilespmem:$0x1E600] =	vst v63  }
0x10b: {  	_ =	swait.ge [sflag:s0], $0x4000  }
0x10c: {  	[sflag:s0] =	ssyncset.done $0x0  }
0x10d: {  	[sflag:s0] =	ssyncadd.s32 $0xFFFFC000  }
0x10e: {  	_ =	swait.ge [sflag:s7], $0x80  }
0x10f: {  	[sflag:s7] =	ssyncset.done $0x0  }
0x110: {  	[sflag:s7] =	ssyncadd.s32 $0xFFFFFF80  }
0x111: {  	[tilespmem:s29], [sflag:$0x5] =	stream.indirect.gather [hbm4b:s6+s28], $0x80, s24, s28, $0xb8;
	[tilespmem:$0x1E600] =	vst v63  }
0x112: {  	_ =	swait.ge [sflag:s9], $0x4000  }
0x113: {  	[sflag:s9] =	ssyncset.done $0x0  }
0x114: {  	s15 =	simm.s32 $0x2680;
	[sflag:s9] =	ssyncadd.s32 $0xFFFFC000  }
0x115: {  	[spmem:s3] =	stream.indirect.scatter.add.f32 [tilespmem:s31], [sflag:$0x8], $0x80, s15, s28, $0xb8;
	[tilespmem:$0x1E600] =	vst v63  }
0x116: {  	_ =	swait.ge [sflag:s11], $0x4000  }
0x117: {  	[sflag:s11] =	ssyncset.done $0x0  }
0x118: {  	[sflag:s11] =	ssyncadd.s32 $0xFFFFC000  }
0x119: {  	_ =	swait.ge [sflag:s12], $0x80  }
0x11a: {  	[sflag:s12] =	ssyncset.done $0x0  }
0x11b: {  	[sflag:s12] =	ssyncadd.s32 $0xFFFFFF80  }
0x11c: {  	[tilespmem:s31], [sflag:$0x6] =	stream.indirect.gather [hbm4b:s6+s28], $0x80, s25, s28, $0xb8;
	[tilespmem:$0x1E600] =	vst v63  }
0x11d: {  	_ =	swait.ge [sflag:s1], $0x4000  }
0x11e: {  	[sflag:s1] =	ssyncset.done $0x0  }
0x11f: {  	s16 =	simm.s32 $0x2700;
	[sflag:s1] =	ssyncadd.s32 $0xFFFFC000  }
0x120: {  	[spmem:s3] =	stream.indirect.scatter.add.f32 [tilespmem:s29], [sflag:$0x7], $0x80, s16, s28, $0xb8;
	[tilespmem:$0x1E600] =	vst v63  }
0x121: {  	_ =	swait.ge [sflag:s9], $0x4000  }
0x122: {  	[sflag:s9] =	ssyncset.done $0x0  }
0x123: {  	s17 =	simm.s32 $0x2780;
	[sflag:s9] =	ssyncadd.s32 $0xFFFFC000  }
0x124: {  	[spmem:s3] =	stream.indirect.scatter.add.f32 [tilespmem:s31], [sflag:$0x8], $0x80, s17, s28, $0xb8;
	[tilespmem:$0x1E600] =	vst v63  }
0x125: {  	_ =	swait.ge [sflag:s0], $0x4000  }
0x126: {  	[sflag:s0] =	ssyncset.done $0x0  }
0x127: {  	[sflag:s0] =	ssyncadd.s32 $0xFFFFC000  }
0x128: {  	_ =	swait.ge [sflag:s11], $0x4000  }
0x129: {  	[sflag:s11] =	ssyncset.done $0x0  }
0x12a: {  	[sflag:s11] =	ssyncadd.s32 $0xFFFFC000  }
0x12b: {  	[bflag:$0x0] =	sbarrier.arrive $0xFFFF  }
0x12c: {  	s18 =	rddreg [dreg:$0xe]  }
0x12d: {  	[hbm:s18], [sflag:s8] =	dma.local [spmem:s20], $0x2780  }
0x12e: {  	_ =	swait.ge [sflag:s21], $0x2780  }
0x12f: {  	s13 =	sadd.s32 $0x1, s13;
	s19 =	rddreg [dreg:$0xf]  }
0x130: {  	p0 =	sne.s32 s13, s19  }
.Ltmp1:
0x131: {  	_ = 	snop;
	(pc) =	sbr.rel @p0 .LBB2_1-.Ltmp1, $3  }
0x132: {  	_ =	sdelay $0x1  }
0x133: {  	[sflag:s21] =	ssyncset.done $0x0  }
0x134: {  	[sflag:s21] =	ssyncadd.s32 $0xFFFFD880  }
0x135: {  	_ =	sfence.sel $0x180000  }
0x136: {  	[bflag:$0x0] =	sbarrier.arrive $0xFFFF  }
0x137: {  	_ =	strace $0x90000047  }
0x138: {  	s0 =	stileid.u32;
	[bflag:$0x2] =	sbarrier.arrive $0xFFFF  }
0x139: {  	p0 =	sne.s32 s0, $0x0;
	s0 =	rddreg [dreg:$0x3]  }
0x13a: {  	s0 =	sadd.s32 @!p0 $0x100000, s0  }
0x13b: {  	[sflag:s0] =	ssyncadd.tile.s32 @!p0 $0x1;
	_ =	shalt  }
.Lfunc_end2:
_tile_overlayer_lowered:
.L_overlay_start_2:
0x13c: {  	(tag) =	ssettag $0x2  }
0x13d: {  	s0 =	rddreg [dreg:$0x0];
	s2 =	stileid.u32  }
0x13e: {  	s1 =	rddreg [dreg:$0x1];
	p0 =	sne.s32 s2, $0x0  }
0x13f: {  	s3 =	rddreg [dreg:$0x2];
	[bflag:$0x3] =	sbarrier.arrive $0xFFFF;
	s2 =	simm.s32 @!p0 $0x1C09  }
0x140: {  	[timem:s3], [sflag:s2] =	dma.local @!p0 [hbm:s0], s1  }
0x141: {  	s0 =	simm.s32 @!p0 $0x9  }
0x142: {  	_ =	swait.ge @!p0 [sflag:s0], s1  }
0x143: {  	s1 =	ssub.s32 @!p0 $0x0, s1;
	[sflag:s0] =	ssyncset.done @!p0 $0x0  }
0x144: {  	[sflag:s0] =	ssyncadd.s32 @!p0 s1  }
0x145: {  	[bflag:$0x3] =	sbarrier.arrive $0xFFFF  }
0x146: {  	_ =	shalt  }

</sc_bundles>
